<compile_context>
chip_gen: v7x
topology: tpu7x:2x2x1
jax: 0.10.2.dev20260603
libtpu: 0.0.44.dev20260713+nightly
codegen_flags: <defaults>
</compile_context>

<pallas_src>
import functools

import jax
import jax.numpy as jnp
from jax import lax
from jax.experimental import pallas as pl
from jax.experimental.pallas import tpu as pltpu
from jax.experimental.pallas import tpu_sc as plsc

NC = 2
NS = 16
NW = NC * NS
L = 16

K = 40
ZR = 128
NB = 3

_MESH = plsc.VectorSubcoreMesh(core_axis_name="c", subcore_axis_name="s")


def _deg_kernel_body(npad, cols_hbm, out_hbm, cidx, hist, accs, tmps,
                     stage):
    c = lax.axis_index("c")
    s = lax.axis_index("s")
    w = c * NS + s
    zeros16 = jnp.zeros((L,), jnp.float32)
    ones16 = jnp.ones((L,), jnp.float32)

    def zb(i, carry):
        hist[pl.ds(i * L, L)] = zeros16
        return carry

    lax.fori_loop(0, 3 * npad // L, zb, None)

    ew = cols_hbm.shape[-1]
    for k in range(3):
        pltpu.sync_copy(cols_hbm.at[k, w, 0], cidx)

        def ebody(j, carry, k=k):
            idx16 = cidx[pl.ds(j * L, L)] + (k * npad)
            plsc.addupdate_scatter(hist, [idx16], ones16)
            return carry

        lax.fori_loop(0, ew // L, ebody, None)

    pltpu.sync_copy(hist, stage.at[s])
    plsc.subcore_barrier()

    sl = 3 * npad // NS

    def zb2(i, carry):
        accs[pl.ds(i * L, L)] = zeros16
        return carry

    lax.fori_loop(0, sl // L, zb2, None)
    for j2 in range(NS):
        pltpu.sync_copy(stage.at[j2, pl.ds(s * sl, sl)], tmps)

        def ab(i, carry):
            accs[pl.ds(i * L, L)] = accs[pl.ds(i * L, L)] + tmps[pl.ds(i * L, L)]
            return carry

        lax.fori_loop(0, sl // L, ab, None)
    pltpu.sync_copy(accs, out_hbm.at[c, pl.ds(s * sl, sl)])


def _scatter_kernel_body(np_r, d, nblk_o, rows_hbm, cols_hbm, zeros_hbm,
                         g1, g2, g3, out_hbm, ridx, cidx, rbuf, isem, gsem,
                         ssem, acc):
    c = lax.axis_index("c")
    s = lax.axis_index("s")
    w = c * NS + s
    rows_t = np_r // NS
    nz = rows_t // ZR
    glist = [g1, g2, g3]
    def fire_idx(k, w, blk, slot):
        pltpu.async_copy(rows_hbm.at[k, w, blk], ridx.at[slot], isem)
        pltpu.async_copy(cols_hbm.at[k, w, blk], cidx.at[slot], isem)

    def wait_idx():
        pltpu.make_async_copy(rows_hbm.at[0, 0, 0], ridx.at[0], isem).wait()
        pltpu.make_async_copy(cols_hbm.at[0, 0, 0], cidx.at[0], isem).wait()

    def fire_g(gk, grp, slot):
        for b in range(NB):
            pltpu.async_copy(gk.at[ridx.at[slot, b]], rbuf.at[grp, b], gsem)

    def wait_g(gk):
        for b in range(NB):
            pltpu.make_async_copy(gk.at[ridx.at[0, 0]], rbuf.at[0, b],
                                  gsem).wait()

    def fire_s(grp, slot):
        for b in range(NB):
            pltpu.async_copy(rbuf.at[grp, b], acc.at[cidx.at[slot, b]],
                             ssem, add=True)

    def wait_s():
        for b in range(NB):
            pltpu.make_async_copy(rbuf.at[0, b], acc.at[cidx.at[0, b]],
                                  ssem).wait()

    for k in range(3):
        pltpu.sync_copy(zeros_hbm, acc.at[pl.ds(s * rows_t, rows_t)])
        plsc.subcore_barrier()
        gk = glist[k]
        fire_idx(k, w, 0, 0)
        fire_idx(k, w, 1, 1)
        wait_idx()
        fire_g(gk, 0, 0)
        fire_idx(k, w, jnp.minimum(2, nblk_o - 1), 2)
        wait_idx()
        fire_g(gk, 1, 1)
        wait_g(gk)
        fire_s(0, 0)

        def body(j0, carry, gk=gk, k=k, w=w):
            cur = lax.rem(j0, 2)
            pg = 1 - cur
            fire_idx(k, w, jnp.minimum(j0 + 2, nblk_o - 1),
                     lax.rem(j0 + 2, 3))
            wait_idx()
            wait_s()
            fire_g(gk, pg, lax.rem(j0 + 1, 3))
            wait_g(gk)
            fire_s(cur, lax.rem(j0, 3))
            return carry

        lax.fori_loop(1, nblk_o, body, None)
        wait_g(gk)
        wait_s()
        wait_idx()
        plsc.subcore_barrier()
        for z in range(nz):
            rsl = pl.ds(s * rows_t + z * ZR, ZR)
            pltpu.sync_copy(acc.at[rsl], out_hbm.at[k, c, rsl])
        plsc.subcore_barrier()


def _mm_body(x_ref, w_ref, dp_ref, g1_ref, g2_ref, g3_ref):
    xb = x_ref[...]
    grefs = [g1_ref, g2_ref, g3_ref]
    for k in range(3):
        deg = dp_ref[:, 0, k] + dp_ref[:, 1, k] + 1.0
        dis = lax.rsqrt(deg)[:, None]
        h = jnp.dot(xb, w_ref[k], preferred_element_type=jnp.float32)
        grefs[k][...] = h * dis


def _comb_body(p_ref, g1_ref, g2_ref, g3_ref, dp_ref, b_ref, o_ref):
    rb, d = o_ref.shape
    acc = jnp.broadcast_to(b_ref[0] + b_ref[1] + b_ref[2], (rb, d))
    grefs = [g1_ref, g2_ref, g3_ref]
    for k in range(3):
        dis = lax.rsqrt(dp_ref[:, 0, k] + dp_ref[:, 1, k] + 1.0)[:, None]
        acc = acc + dis * (p_ref[k, 0] + p_ref[k, 1] + grefs[k][...])
    o_ref[...] = acc


def kernel(x, edge_index, W1, b1, W2, b2, W3, b3):
    d0, d1, n, d = x.shape
    e = edge_index.shape[-1]
    npad = ((n + 255) // 256) * 256
    ew = e // NW
    assert ew * NW == e and ew % L == 0
    assert npad % (NS * ZR) == 0 and d % L == 0
    nblk_o = -(-ew // (NB * K))
    ewp = nblk_o * NB * K

    x2d = x.reshape(n, d)
    ei32 = edge_index.astype(jnp.int32).reshape(3, 2, NW, ew)
    rows_idx = jnp.concatenate(
        [ei32[:, 0], jnp.zeros((3, NW, ewp - ew), jnp.int32)], axis=2
    ).reshape(3, NW, nblk_o, NB, K)
    cols_idx = jnp.concatenate(
        [ei32[:, 1], jnp.full((3, NW, ewp - ew), n, jnp.int32)], axis=2
    ).reshape(3, NW, nblk_o, NB, K)
    cols_flat = ei32[:, 1].reshape(3, NW, 1, ew)
    zeros_rows = jnp.zeros((npad // NS, d), jnp.float32)
    wstack = jnp.stack([W1, W2, W3])
    bstack = jnp.stack([b1, b2, b3])

    deg_body = functools.partial(_deg_kernel_body, npad)
    deg_part = pl.kernel(
        deg_body,
        out_type=jax.ShapeDtypeStruct((NC, 3 * npad), jnp.float32),
        mesh=_MESH,
        scratch_types=[
            pltpu.VMEM((ew,), jnp.int32),
            pltpu.VMEM((3 * npad,), jnp.float32),
            pltpu.VMEM((3 * npad // NS,), jnp.float32),
            pltpu.VMEM((3 * npad // NS,), jnp.float32),
            pltpu.VMEM_SHARED((NS, 3 * npad), jnp.float32),
        ],
        compiler_params=pltpu.CompilerParams(needs_layout_passes=False),
        name="gcn_deg_sc",
    )(cols_flat)
    deg_t = jnp.transpose(deg_part.reshape(NC, 3, npad), (2, 0, 1))

    nblk = 10
    rb = n // nblk
    g1, g2, g3 = pl.pallas_call(
        _mm_body,
        grid=(nblk,),
        in_specs=[
            pl.BlockSpec((rb, d), lambda b: (b, 0)),
            pl.BlockSpec((3, d, d), lambda b: (0, 0, 0)),
            pl.BlockSpec((rb, NC, 3), lambda b: (b, 0, 0)),
        ],
        out_specs=[pl.BlockSpec((rb, d), lambda b: (b, 0))] * 3,
        out_shape=[jax.ShapeDtypeStruct((n, d), jnp.float32)] * 3,
        name="gcn_mm_tc",
    )(x2d, wstack, deg_t)

    sc_body = functools.partial(_scatter_kernel_body, npad, d, nblk_o)
    parts = pl.kernel(
        sc_body,
        out_type=jax.ShapeDtypeStruct((3, NC, npad, d), jnp.float32),
        mesh=_MESH,
        scratch_types=[
            pltpu.VMEM((3, NB, K), jnp.int32),
            pltpu.VMEM((3, NB, K), jnp.int32),
            pltpu.VMEM((2, NB, K, d), jnp.float32),
            pltpu.SemaphoreType.DMA,
            pltpu.SemaphoreType.DMA,
            pltpu.SemaphoreType.DMA,
            pltpu.VMEM_SHARED((npad, d), jnp.float32),
        ],
        compiler_params=pltpu.CompilerParams(needs_layout_passes=False),
        name="gcn_scatter_sc",
    )(rows_idx, cols_idx, zeros_rows, g1, g2, g3)

    out2d = pl.pallas_call(
        _comb_body,
        grid=(nblk,),
        in_specs=[
            pl.BlockSpec((3, NC, rb, d), lambda b: (0, 0, b, 0)),
            pl.BlockSpec((rb, d), lambda b: (b, 0)),
            pl.BlockSpec((rb, d), lambda b: (b, 0)),
            pl.BlockSpec((rb, d), lambda b: (b, 0)),
            pl.BlockSpec((rb, NC, 3), lambda b: (b, 0, 0)),
            pl.BlockSpec((3, d), lambda b: (0, 0)),
        ],
        out_specs=pl.BlockSpec((rb, d), lambda b: (b, 0)),
        out_shape=jax.ShapeDtypeStruct((n, d), jnp.float32),
        name="gcn_combine_tc",
    )(parts, g1, g2, g3, deg_t, bstack)

    return out2d.reshape(d0, d1, n, d)

# --- scband reference (transcript-rebuilt; emitter-appended) ---
"""Pipeline reference for scband-net-nodes-23398981828940 (READ-ONLY COPY).

The authoritative reference and input builder live on the scoring server;
editing this copy changes nothing except your own understanding.
"""

import jax, jax.numpy as jnp
import numpy as np

N_NODES = 10000
E_EDGES = 320000
D_IN = 128
D_OUT = 128


def setup_inputs(seed: int = 0) -> dict:
    key = jax.random.key(seed)
    k_x, k_e, k_w1, k_w2, k_w3 = jax.random.split(key, 5)
    x = jax.random.normal(k_x, (1, 1, N_NODES, D_IN), dtype=jnp.float32)
    edge_index = jax.random.randint(k_e, (3, 2, E_EDGES), 0, N_NODES, dtype=jnp.int64)
    # xavier_normal with relu gain, per the torch init
    gain = float(np.sqrt(2.0))
    std = gain * float(np.sqrt(2.0 / (D_IN + D_OUT)))
    W1 = jax.random.normal(k_w1, (D_IN, D_OUT), dtype=jnp.float32) * std
    W2 = jax.random.normal(k_w2, (D_IN, D_OUT), dtype=jnp.float32) * std
    W3 = jax.random.normal(k_w3, (D_IN, D_OUT), dtype=jnp.float32) * std
    b1 = jnp.zeros((D_OUT,), dtype=jnp.float32)
    b2 = jnp.zeros((D_OUT,), dtype=jnp.float32)
    b3 = jnp.zeros((D_OUT,), dtype=jnp.float32)
    return {"x": x, "edge_index": edge_index, "W1": W1, "b1": b1,
            "W2": W2, "b2": b2, "W3": W3, "b3": b3}


def _gcn_conv(x2d, ei, W, b, n):
    # Faithful GCNConv: linear -> add self loops -> sym-normalize -> scatter-add -> bias
    h = x2d @ W
    self_loop = jnp.arange(n, dtype=ei.dtype)
    row = jnp.concatenate([ei[0], self_loop])
    col = jnp.concatenate([ei[1], self_loop])
    deg = jnp.zeros((n,), dtype=h.dtype).at[col].add(1.0)
    deg_inv_sqrt = jnp.where(deg > 0, jax.lax.rsqrt(jnp.maximum(deg, 1e-12)), 0.0)
    norm = deg_inv_sqrt[row] * deg_inv_sqrt[col]
    msg = h[row] * norm[:, None]
    out = jnp.zeros_like(h).at[col].add(msg)
    return out + b


def reference(x, edge_index, W1, b1, W2, b2, W3, b3):
    # node_dim=2: x has shape [d0, d1, N, C] with d0=d1=1 here
    d0, d1, n, c = x.shape
    x2d = x.reshape(n, c)
    s1 = _gcn_conv(x2d, edge_index[0], W1, b1, n)
    s2 = _gcn_conv(x2d, edge_index[1], W2, b2, n)
    s3 = _gcn_conv(x2d, edge_index[2], W3, b3, n)
    x_sum = jnp.stack([s1, s2, s3], axis=0).sum(axis=0)
    return x_sum.reshape(d0, d1, n, -1)

if __name__ == "__main__":
    import jax
    _d = setup_inputs()
    print(jax.jit(kernel)(*tuple(_d.values())))

</pallas_src>

<mosaic_0001>
#map = affine_map<(d0, d1) -> (0, 0, 0, 0)>
#map1 = affine_map<(d0, d1) -> (0, 0)>
module attributes {stable_mosaic.version = 14 : i64} {
  func.func @gcn_deg_sc(%arg0: i32, %arg1: i32, %arg2: memref<3x32x1x10000xi32, #tpu.memory_space<hbm>>, %arg3: memref<2x30720xf32, #tpu.memory_space<hbm>>, %arg4: memref<10000xi32, #tpu.memory_space<vmem>>, %arg5: memref<30720xf32, #tpu.memory_space<vmem>>, %arg6: memref<1920xf32, #tpu.memory_space<vmem>>, %arg7: memref<1920xf32, #tpu.memory_space<vmem>>, %arg8: memref<16x30720xf32, #tpu.memory_space<vmem_shared>>) attributes {dimension_semantics = [#tpu.dimension_semantics<core_parallel>, #tpu.dimension_semantics<subcore_parallel>], iteration_bounds = array<i64: 2, 16>, scalar_prefetch = 0 : i64, scratch_operands = 5 : i64, tpu.core_type = #tpu.core_type<sc_vector_subcore>, window_params = [{transform_indices = #map}, {transform_indices = #map1}]} {
    %mul3A = arith.constant 16 : i32
    %mul3A_0 = arith.muli %arg0, %mul3A : i32
    %add3A = arith.addi %mul3A_0, %arg1 : i32
    %broadcast_in_dim3A = arith.constant 0.000000e+00 : f32
    %broadcast_in_dim3A_1 = vector.broadcast %broadcast_in_dim3A : f32 to vector<16xf32>
    %broadcast_in_dim3A_2 = arith.constant 1.000000e+00 : f32
    %broadcast_in_dim3A_3 = vector.broadcast %broadcast_in_dim3A_2 : f32 to vector<16xf32>
    %scan3A = arith.constant 0 : i32
    %scan3A_4 = arith.constant 1920 : i32
    %scan3A_5 = arith.addi %scan3A, %scan3A_4 : i32
    %scan3A_6 = arith.constant 1 : i32
    scf.for %scan3A_163 = %scan3A to %scan3A_5 step %scan3A_6  : i32 {
      %mul3A_164 = arith.constant 16 : i32
      %mul3A_165 = arith.muli %scan3A_163, %mul3A_164 : i32
      %swap3A = arith.index_cast %mul3A_165 : i32 to index
      %swap3A_166 = tpu.vector_load %arg5[%swap3A] {strides = array<i32>} : memref<30720xf32, #tpu.memory_space<vmem>>, vector<16xf32>,
      tpu.vector_store %arg5[%swap3A], %broadcast_in_dim3A_1 {strides = array<i32>} : memref<30720xf32, #tpu.memory_space<vmem>>, vector<16xf32>,
    }
    %scan3A_7 = arith.constant 1920 : i32
    %run_scoped3A = arith.constant 0 : i32
    %run_scoped3A_8 = arith.constant 0 : i32
    "tpu.region"() ({
      %run_scoped3A_163 = tpu.sem_alloc : memref<!tpu.dma_semaphore, #tpu.memory_space<semaphore_mem>>
      %dma_start3A = arith.constant 0 : i32
      %dma_start3A_164 = tpu.memref_slice %arg2[%run_scoped3A, %add3A, %run_scoped3A_8, %dma_start3A] : memref<3x32x1x10000xi32, #tpu.memory_space<hbm>> -> memref<1x1x1x10000xi32, #tpu.memory_space<hbm>>
      %dma_start3A_165 = tpu.memref_squeeze %dma_start3A_164 : memref<1x1x1x10000xi32, #tpu.memory_space<hbm>> -> memref<10000xi32, #tpu.memory_space<hbm>>
      %dma_start3A_166 = arith.constant 0 : i32
      %dma_start3A_167 = tpu.memref_slice %arg2[%run_scoped3A, %add3A, %run_scoped3A_8, %dma_start3A_166] : memref<3x32x1x10000xi32, #tpu.memory_space<hbm>> -> memref<1x1x1x10000xi32, #tpu.memory_space<hbm>>
      %dma_start3A_168 = tpu.memref_squeeze %dma_start3A_167 : memref<1x1x1x10000xi32, #tpu.memory_space<hbm>> -> memref<10000xi32, #tpu.memory_space<hbm>>
      tpu.enqueue_dma source(%dma_start3A_168 : memref<10000xi32, #tpu.memory_space<hbm>>) target(%arg4 : memref<10000xi32, #tpu.memory_space<vmem>>) target_semaphore(%run_scoped3A_163 : memref<!tpu.dma_semaphore, #tpu.memory_space<semaphore_mem>>)
      %dma_wait3A = arith.constant 0 : i32
      %dma_wait3A_169 = tpu.memref_slice %arg2[%run_scoped3A, %add3A, %run_scoped3A_8, %dma_wait3A] : memref<3x32x1x10000xi32, #tpu.memory_space<hbm>> -> memref<1x1x1x10000xi32, #tpu.memory_space<hbm>>
      %dma_wait3A_170 = tpu.memref_squeeze %dma_wait3A_169 : memref<1x1x1x10000xi32, #tpu.memory_space<hbm>> -> memref<10000xi32, #tpu.memory_space<hbm>>
      %dma_wait3A_171 = arith.constant 0 : i32
      %dma_wait3A_172 = tpu.memref_slice %arg2[%run_scoped3A, %add3A, %run_scoped3A_8, %dma_wait3A_171] : memref<3x32x1x10000xi32, #tpu.memory_space<hbm>> -> memref<1x1x1x10000xi32, #tpu.memory_space<hbm>>
      %dma_wait3A_173 = tpu.memref_squeeze %dma_wait3A_172 : memref<1x1x1x10000xi32, #tpu.memory_space<hbm>> -> memref<10000xi32, #tpu.memory_space<hbm>>
      tpu.wait_dma2 semaphore(%run_scoped3A_163 : memref<!tpu.dma_semaphore, #tpu.memory_space<semaphore_mem>>) src(%dma_wait3A_173 : memref<10000xi32, #tpu.memory_space<hbm>>) dst(%arg4 : memref<10000xi32, #tpu.memory_space<vmem>>)
      tpu.yield
    }) : () -> ()
    %scan3A_9 = arith.constant 0 : i32
    %scan3A_10 = arith.constant 625 : i32
    %scan3A_11 = arith.addi %scan3A_9, %scan3A_10 : i32
    %scan3A_12 = arith.constant 1 : i32
    scf.for %scan3A_163 = %scan3A_9 to %scan3A_11 step %scan3A_12  : i32 {
      %mul3A_164 = arith.constant 16 : i32
      %mul3A_165 = arith.muli %scan3A_163, %mul3A_164 : i32
      %get3A = arith.index_cast %mul3A_165 : i32 to index
      %get3A_166 = tpu.vector_load %arg4[%get3A] {strides = array<i32>} : memref<10000xi32, #tpu.memory_space<vmem>>, vector<16xi32>,
      %add3A_167 = arith.constant 0 : i32
      %add3A_168 = vector.broadcast %add3A_167 : i32 to vector<16xi32>
      %add3A_169 = arith.addi %get3A_166, %add3A_168 : vector<16xi32>
      tpu.vector_store_idx %arg5[%add3A_169], %broadcast_in_dim3A_3 {add = true} : memref<30720xf32, #tpu.memory_space<vmem>>[vector<16xi32>], vector<16xf32>,
    }
    %scan3A_13 = arith.constant 625 : i32
    %run_scoped3A_14 = arith.constant 1 : i32
    %run_scoped3A_15 = arith.constant 0 : i32
    "tpu.region"() ({
      %run_scoped3A_163 = tpu.sem_alloc : memref<!tpu.dma_semaphore, #tpu.memory_space<semaphore_mem>>
      %dma_start3A = arith.constant 0 : i32
      %dma_start3A_164 = tpu.memref_slice %arg2[%run_scoped3A_14, %add3A, %run_scoped3A_15, %dma_start3A] : memref<3x32x1x10000xi32, #tpu.memory_space<hbm>> -> memref<1x1x1x10000xi32, #tpu.memory_space<hbm>>
      %dma_start3A_165 = tpu.memref_squeeze %dma_start3A_164 : memref<1x1x1x10000xi32, #tpu.memory_space<hbm>> -> memref<10000xi32, #tpu.memory_space<hbm>>
      %dma_start3A_166 = arith.constant 0 : i32
      %dma_start3A_167 = tpu.memref_slice %arg2[%run_scoped3A_14, %add3A, %run_scoped3A_15, %dma_start3A_166] : memref<3x32x1x10000xi32, #tpu.memory_space<hbm>> -> memref<1x1x1x10000xi32, #tpu.memory_space<hbm>>
      %dma_start3A_168 = tpu.memref_squeeze %dma_start3A_167 : memref<1x1x1x10000xi32, #tpu.memory_space<hbm>> -> memref<10000xi32, #tpu.memory_space<hbm>>
      tpu.enqueue_dma source(%dma_start3A_168 : memref<10000xi32, #tpu.memory_space<hbm>>) target(%arg4 : memref<10000xi32, #tpu.memory_space<vmem>>) target_semaphore(%run_scoped3A_163 : memref<!tpu.dma_semaphore, #tpu.memory_space<semaphore_mem>>)
      %dma_wait3A = arith.constant 0 : i32
      %dma_wait3A_169 = tpu.memref_slice %arg2[%run_scoped3A_14, %add3A, %run_scoped3A_15, %dma_wait3A] : memref<3x32x1x10000xi32, #tpu.memory_space<hbm>> -> memref<1x1x1x10000xi32, #tpu.memory_space<hbm>>
      %dma_wait3A_170 = tpu.memref_squeeze %dma_wait3A_169 : memref<1x1x1x10000xi32, #tpu.memory_space<hbm>> -> memref<10000xi32, #tpu.memory_space<hbm>>
      %dma_wait3A_171 = arith.constant 0 : i32
      %dma_wait3A_172 = tpu.memref_slice %arg2[%run_scoped3A_14, %add3A, %run_scoped3A_15, %dma_wait3A_171] : memref<3x32x1x10000xi32, #tpu.memory_space<hbm>> -> memref<1x1x1x10000xi32, #tpu.memory_space<hbm>>
      %dma_wait3A_173 = tpu.memref_squeeze %dma_wait3A_172 : memref<1x1x1x10000xi32, #tpu.memory_space<hbm>> -> memref<10000xi32, #tpu.memory_space<hbm>>
      tpu.wait_dma2 semaphore(%run_scoped3A_163 : memref<!tpu.dma_semaphore, #tpu.memory_space<semaphore_mem>>) src(%dma_wait3A_173 : memref<10000xi32, #tpu.memory_space<hbm>>) dst(%arg4 : memref<10000xi32, #tpu.memory_space<vmem>>)
      tpu.yield
    }) : () -> ()
    %scan3A_16 = arith.constant 0 : i32
    %scan3A_17 = arith.constant 625 : i32
    %scan3A_18 = arith.addi %scan3A_16, %scan3A_17 : i32
    %scan3A_19 = arith.constant 1 : i32
    scf.for %scan3A_163 = %scan3A_16 to %scan3A_18 step %scan3A_19  : i32 {
      %mul3A_164 = arith.constant 16 : i32
      %mul3A_165 = arith.muli %scan3A_163, %mul3A_164 : i32
      %get3A = arith.index_cast %mul3A_165 : i32 to index
      %get3A_166 = tpu.vector_load %arg4[%get3A] {strides = array<i32>} : memref<10000xi32, #tpu.memory_space<vmem>>, vector<16xi32>,
      %add3A_167 = arith.constant 10240 : i32
      %add3A_168 = vector.broadcast %add3A_167 : i32 to vector<16xi32>
      %add3A_169 = arith.addi %get3A_166, %add3A_168 : vector<16xi32>
      tpu.vector_store_idx %arg5[%add3A_169], %broadcast_in_dim3A_3 {add = true} : memref<30720xf32, #tpu.memory_space<vmem>>[vector<16xi32>], vector<16xf32>,
    }
    %scan3A_20 = arith.constant 625 : i32
    %run_scoped3A_21 = arith.constant 2 : i32
    %run_scoped3A_22 = arith.constant 0 : i32
    "tpu.region"() ({
      %run_scoped3A_163 = tpu.sem_alloc : memref<!tpu.dma_semaphore, #tpu.memory_space<semaphore_mem>>
      %dma_start3A = arith.constant 0 : i32
      %dma_start3A_164 = tpu.memref_slice %arg2[%run_scoped3A_21, %add3A, %run_scoped3A_22, %dma_start3A] : memref<3x32x1x10000xi32, #tpu.memory_space<hbm>> -> memref<1x1x1x10000xi32, #tpu.memory_space<hbm>>
      %dma_start3A_165 = tpu.memref_squeeze %dma_start3A_164 : memref<1x1x1x10000xi32, #tpu.memory_space<hbm>> -> memref<10000xi32, #tpu.memory_space<hbm>>
      %dma_start3A_166 = arith.constant 0 : i32
      %dma_start3A_167 = tpu.memref_slice %arg2[%run_scoped3A_21, %add3A, %run_scoped3A_22, %dma_start3A_166] : memref<3x32x1x10000xi32, #tpu.memory_space<hbm>> -> memref<1x1x1x10000xi32, #tpu.memory_space<hbm>>
      %dma_start3A_168 = tpu.memref_squeeze %dma_start3A_167 : memref<1x1x1x10000xi32, #tpu.memory_space<hbm>> -> memref<10000xi32, #tpu.memory_space<hbm>>
      tpu.enqueue_dma source(%dma_start3A_168 : memref<10000xi32, #tpu.memory_space<hbm>>) target(%arg4 : memref<10000xi32, #tpu.memory_space<vmem>>) target_semaphore(%run_scoped3A_163 : memref<!tpu.dma_semaphore, #tpu.memory_space<semaphore_mem>>)
      %dma_wait3A = arith.constant 0 : i32
      %dma_wait3A_169 = tpu.memref_slice %arg2[%run_scoped3A_21, %add3A, %run_scoped3A_22, %dma_wait3A] : memref<3x32x1x10000xi32, #tpu.memory_space<hbm>> -> memref<1x1x1x10000xi32, #tpu.memory_space<hbm>>
      %dma_wait3A_170 = tpu.memref_squeeze %dma_wait3A_169 : memref<1x1x1x10000xi32, #tpu.memory_space<hbm>> -> memref<10000xi32, #tpu.memory_space<hbm>>
      %dma_wait3A_171 = arith.constant 0 : i32
      %dma_wait3A_172 = tpu.memref_slice %arg2[%run_scoped3A_21, %add3A, %run_scoped3A_22, %dma_wait3A_171] : memref<3x32x1x10000xi32, #tpu.memory_space<hbm>> -> memref<1x1x1x10000xi32, #tpu.memory_space<hbm>>
      %dma_wait3A_173 = tpu.memref_squeeze %dma_wait3A_172 : memref<1x1x1x10000xi32, #tpu.memory_space<hbm>> -> memref<10000xi32, #tpu.memory_space<hbm>>
      tpu.wait_dma2 semaphore(%run_scoped3A_163 : memref<!tpu.dma_semaphore, #tpu.memory_space<semaphore_mem>>) src(%dma_wait3A_173 : memref<10000xi32, #tpu.memory_space<hbm>>) dst(%arg4 : memref<10000xi32, #tpu.memory_space<vmem>>)
      tpu.yield
    }) : () -> ()
    %scan3A_23 = arith.constant 0 : i32
    %scan3A_24 = arith.constant 625 : i32
    %scan3A_25 = arith.addi %scan3A_23, %scan3A_24 : i32
    %scan3A_26 = arith.constant 1 : i32
    scf.for %scan3A_163 = %scan3A_23 to %scan3A_25 step %scan3A_26  : i32 {
      %mul3A_164 = arith.constant 16 : i32
      %mul3A_165 = arith.muli %scan3A_163, %mul3A_164 : i32
      %get3A = arith.index_cast %mul3A_165 : i32 to index
      %get3A_166 = tpu.vector_load %arg4[%get3A] {strides = array<i32>} : memref<10000xi32, #tpu.memory_space<vmem>>, vector<16xi32>,
      %add3A_167 = arith.constant 20480 : i32
      %add3A_168 = vector.broadcast %add3A_167 : i32 to vector<16xi32>
      %add3A_169 = arith.addi %get3A_166, %add3A_168 : vector<16xi32>
      tpu.vector_store_idx %arg5[%add3A_169], %broadcast_in_dim3A_3 {add = true} : memref<30720xf32, #tpu.memory_space<vmem>>[vector<16xi32>], vector<16xf32>,
    }
    %scan3A_27 = arith.constant 625 : i32
    "tpu.region"() ({
      %run_scoped3A_163 = tpu.sem_alloc : memref<!tpu.dma_semaphore, #tpu.memory_space<semaphore_mem>>
      %dma_start3A = arith.constant 0 : i32
      %dma_start3A_164 = tpu.memref_slice %arg8[%arg1, %dma_start3A] : memref<16x30720xf32, #tpu.memory_space<vmem_shared>> -> memref<1x30720xf32, #tpu.memory_space<vmem_shared>>
      %dma_start3A_165 = tpu.memref_squeeze %dma_start3A_164 : memref<1x30720xf32, #tpu.memory_space<vmem_shared>> -> memref<30720xf32, #tpu.memory_space<vmem_shared>>
      %dma_start3A_166 = arith.constant 0 : i32
      %dma_start3A_167 = tpu.memref_slice %arg8[%arg1, %dma_start3A_166] : memref<16x30720xf32, #tpu.memory_space<vmem_shared>> -> memref<1x30720xf32, #tpu.memory_space<vmem_shared>>
      %dma_start3A_168 = tpu.memref_squeeze %dma_start3A_167 : memref<1x30720xf32, #tpu.memory_space<vmem_shared>> -> memref<30720xf32, #tpu.memory_space<vmem_shared>>
      tpu.enqueue_dma source(%arg5 : memref<30720xf32, #tpu.memory_space<vmem>>) target(%dma_start3A_168 : memref<30720xf32, #tpu.memory_space<vmem_shared>>) target_semaphore(%run_scoped3A_163 : memref<!tpu.dma_semaphore, #tpu.memory_space<semaphore_mem>>)
      %dma_wait3A = arith.constant 0 : i32
      %dma_wait3A_169 = tpu.memref_slice %arg8[%arg1, %dma_wait3A] : memref<16x30720xf32, #tpu.memory_space<vmem_shared>> -> memref<1x30720xf32, #tpu.memory_space<vmem_shared>>
      %dma_wait3A_170 = tpu.memref_squeeze %dma_wait3A_169 : memref<1x30720xf32, #tpu.memory_space<vmem_shared>> -> memref<30720xf32, #tpu.memory_space<vmem_shared>>
      %dma_wait3A_171 = arith.constant 0 : i32
      %dma_wait3A_172 = tpu.memref_slice %arg8[%arg1, %dma_wait3A_171] : memref<16x30720xf32, #tpu.memory_space<vmem_shared>> -> memref<1x30720xf32, #tpu.memory_space<vmem_shared>>
      %dma_wait3A_173 = tpu.memref_squeeze %dma_wait3A_172 : memref<1x30720xf32, #tpu.memory_space<vmem_shared>> -> memref<30720xf32, #tpu.memory_space<vmem_shared>>
      tpu.wait_dma2 semaphore(%run_scoped3A_163 : memref<!tpu.dma_semaphore, #tpu.memory_space<semaphore_mem>>) src(%arg5 : memref<30720xf32, #tpu.memory_space<vmem>>) dst(%dma_wait3A_173 : memref<30720xf32, #tpu.memory_space<vmem_shared>>)
      tpu.yield
    }) : () -> ()
    %barrier3A = arith.constant 0 : index
    tpu.barrier barrier_id(%barrier3A)
    %scan3A_28 = arith.constant 0 : i32
    %scan3A_29 = arith.constant 120 : i32
    %scan3A_30 = arith.addi %scan3A_28, %scan3A_29 : i32
    %scan3A_31 = arith.constant 1 : i32
    scf.for %scan3A_163 = %scan3A_28 to %scan3A_30 step %scan3A_31  : i32 {
      %mul3A_164 = arith.constant 16 : i32
      %mul3A_165 = arith.muli %scan3A_163, %mul3A_164 : i32
      %swap3A = arith.index_cast %mul3A_165 : i32 to index
      %swap3A_166 = tpu.vector_load %arg6[%swap3A] {strides = array<i32>} : memref<1920xf32, #tpu.memory_space<vmem>>, vector<16xf32>,
      tpu.vector_store %arg6[%swap3A], %broadcast_in_dim3A_1 {strides = array<i32>} : memref<1920xf32, #tpu.memory_space<vmem>>, vector<16xf32>,
    }
    %scan3A_32 = arith.constant 120 : i32
    %mul3A_33 = arith.constant 1920 : i32
    %mul3A_34 = arith.muli %arg1, %mul3A_33 : i32
    %run_scoped3A_35 = arith.constant 0 : i32
    "tpu.region"() ({
      %run_scoped3A_163 = tpu.sem_alloc : memref<!tpu.dma_semaphore, #tpu.memory_space<semaphore_mem>>
      %dma_start3A = tpu.memref_slice %arg8[%run_scoped3A_35, %mul3A_34] : memref<16x30720xf32, #tpu.memory_space<vmem_shared>> -> memref<1x1920xf32, #tpu.memory_space<vmem_shared>>
      %dma_start3A_164 = tpu.memref_squeeze %dma_start3A : memref<1x1920xf32, #tpu.memory_space<vmem_shared>> -> memref<1920xf32, #tpu.memory_space<vmem_shared>>
      %dma_start3A_165 = tpu.memref_slice %arg8[%run_scoped3A_35, %mul3A_34] : memref<16x30720xf32, #tpu.memory_space<vmem_shared>> -> memref<1x1920xf32, #tpu.memory_space<vmem_shared>>
      %dma_start3A_166 = tpu.memref_squeeze %dma_start3A_165 : memref<1x1920xf32, #tpu.memory_space<vmem_shared>> -> memref<1920xf32, #tpu.memory_space<vmem_shared>>
      tpu.enqueue_dma source(%dma_start3A_166 : memref<1920xf32, #tpu.memory_space<vmem_shared>>) target(%arg7 : memref<1920xf32, #tpu.memory_space<vmem>>) target_semaphore(%run_scoped3A_163 : memref<!tpu.dma_semaphore, #tpu.memory_space<semaphore_mem>>)
      %dma_wait3A = tpu.memref_slice %arg8[%run_scoped3A_35, %mul3A_34] : memref<16x30720xf32, #tpu.memory_space<vmem_shared>> -> memref<1x1920xf32, #tpu.memory_space<vmem_shared>>
      %dma_wait3A_167 = tpu.memref_squeeze %dma_wait3A : memref<1x1920xf32, #tpu.memory_space<vmem_shared>> -> memref<1920xf32, #tpu.memory_space<vmem_shared>>
      %dma_wait3A_168 = tpu.memref_slice %arg8[%run_scoped3A_35, %mul3A_34] : memref<16x30720xf32, #tpu.memory_space<vmem_shared>> -> memref<1x1920xf32, #tpu.memory_space<vmem_shared>>
      %dma_wait3A_169 = tpu.memref_squeeze %dma_wait3A_168 : memref<1x1920xf32, #tpu.memory_space<vmem_shared>> -> memref<1920xf32, #tpu.memory_space<vmem_shared>>
      tpu.wait_dma2 semaphore(%run_scoped3A_163 : memref<!tpu.dma_semaphore, #tpu.memory_space<semaphore_mem>>) src(%dma_wait3A_169 : memref<1920xf32, #tpu.memory_space<vmem_shared>>) dst(%arg7 : memref<1920xf32, #tpu.memory_space<vmem>>)
      tpu.yield
    }) : () -> ()
    %scan3A_36 = arith.constant 0 : i32
    %scan3A_37 = arith.constant 120 : i32
    %scan3A_38 = arith.addi %scan3A_36, %scan3A_37 : i32
    %scan3A_39 = arith.constant 1 : i32
    scf.for %scan3A_163 = %scan3A_36 to %scan3A_38 step %scan3A_39  : i32 {
      %mul3A_164 = arith.constant 16 : i32
      %mul3A_165 = arith.muli %scan3A_163, %mul3A_164 : i32
      %get3A = arith.index_cast %mul3A_165 : i32 to index
      %get3A_166 = tpu.vector_load %arg6[%get3A] {strides = array<i32>} : memref<1920xf32, #tpu.memory_space<vmem>>, vector<16xf32>,
      %mul3A_167 = arith.constant 16 : i32
      %mul3A_168 = arith.muli %scan3A_163, %mul3A_167 : i32
      %get3A_169 = arith.index_cast %mul3A_168 : i32 to index
      %get3A_170 = tpu.vector_load %arg7[%get3A_169] {strides = array<i32>} : memref<1920xf32, #tpu.memory_space<vmem>>, vector<16xf32>,
      %add3A_171 = arith.addf %get3A_166, %get3A_170 : vector<16xf32>
      %mul3A_172 = arith.constant 16 : i32
      %mul3A_173 = arith.muli %scan3A_163, %mul3A_172 : i32
      %swap3A = arith.index_cast %mul3A_173 : i32 to index
      %swap3A_174 = tpu.vector_load %arg6[%swap3A] {strides = array<i32>} : memref<1920xf32, #tpu.memory_space<vmem>>, vector<16xf32>,
      tpu.vector_store %arg6[%swap3A], %add3A_171 {strides = array<i32>} : memref<1920xf32, #tpu.memory_space<vmem>>, vector<16xf32>,
    }
    %scan3A_40 = arith.constant 120 : i32
    %mul3A_41 = arith.constant 1920 : i32
    %mul3A_42 = arith.muli %arg1, %mul3A_41 : i32
    %run_scoped3A_43 = arith.constant 1 : i32
    "tpu.region"() ({
      %run_scoped3A_163 = tpu.sem_alloc : memref<!tpu.dma_semaphore, #tpu.memory_space<semaphore_mem>>
      %dma_start3A = tpu.memref_slice %arg8[%run_scoped3A_43, %mul3A_42] : memref<16x30720xf32, #tpu.memory_space<vmem_shared>> -> memref<1x1920xf32, #tpu.memory_space<vmem_shared>>
      %dma_start3A_164 = tpu.memref_squeeze %dma_start3A : memref<1x1920xf32, #tpu.memory_space<vmem_shared>> -> memref<1920xf32, #tpu.memory_space<vmem_shared>>
      %dma_start3A_165 = tpu.memref_slice %arg8[%run_scoped3A_43, %mul3A_42] : memref<16x30720xf32, #tpu.memory_space<vmem_shared>> -> memref<1x1920xf32, #tpu.memory_space<vmem_shared>>
      %dma_start3A_166 = tpu.memref_squeeze %dma_start3A_165 : memref<1x1920xf32, #tpu.memory_space<vmem_shared>> -> memref<1920xf32, #tpu.memory_space<vmem_shared>>
      tpu.enqueue_dma source(%dma_start3A_166 : memref<1920xf32, #tpu.memory_space<vmem_shared>>) target(%arg7 : memref<1920xf32, #tpu.memory_space<vmem>>) target_semaphore(%run_scoped3A_163 : memref<!tpu.dma_semaphore, #tpu.memory_space<semaphore_mem>>)
      %dma_wait3A = tpu.memref_slice %arg8[%run_scoped3A_43, %mul3A_42] : memref<16x30720xf32, #tpu.memory_space<vmem_shared>> -> memref<1x1920xf32, #tpu.memory_space<vmem_shared>>
      %dma_wait3A_167 = tpu.memref_squeeze %dma_wait3A : memref<1x1920xf32, #tpu.memory_space<vmem_shared>> -> memref<1920xf32, #tpu.memory_space<vmem_shared>>
      %dma_wait3A_168 = tpu.memref_slice %arg8[%run_scoped3A_43, %mul3A_42] : memref<16x30720xf32, #tpu.memory_space<vmem_shared>> -> memref<1x1920xf32, #tpu.memory_space<vmem_shared>>
      %dma_wait3A_169 = tpu.memref_squeeze %dma_wait3A_168 : memref<1x1920xf32, #tpu.memory_space<vmem_shared>> -> memref<1920xf32, #tpu.memory_space<vmem_shared>>
      tpu.wait_dma2 semaphore(%run_scoped3A_163 : memref<!tpu.dma_semaphore, #tpu.memory_space<semaphore_mem>>) src(%dma_wait3A_169 : memref<1920xf32, #tpu.memory_space<vmem_shared>>) dst(%arg7 : memref<1920xf32, #tpu.memory_space<vmem>>)
      tpu.yield
    }) : () -> ()
    %scan3A_44 = arith.constant 0 : i32
    %scan3A_45 = arith.constant 120 : i32
    %scan3A_46 = arith.addi %scan3A_44, %scan3A_45 : i32
    %scan3A_47 = arith.constant 1 : i32
    scf.for %scan3A_163 = %scan3A_44 to %scan3A_46 step %scan3A_47  : i32 {
      %mul3A_164 = arith.constant 16 : i32
      %mul3A_165 = arith.muli %scan3A_163, %mul3A_164 : i32
      %get3A = arith.index_cast %mul3A_165 : i32 to index
      %get3A_166 = tpu.vector_load %arg6[%get3A] {strides = array<i32>} : memref<1920xf32, #tpu.memory_space<vmem>>, vector<16xf32>,
      %mul3A_167 = arith.constant 16 : i32
      %mul3A_168 = arith.muli %scan3A_163, %mul3A_167 : i32
      %get3A_169 = arith.index_cast %mul3A_168 : i32 to index
      %get3A_170 = tpu.vector_load %arg7[%get3A_169] {strides = array<i32>} : memref<1920xf32, #tpu.memory_space<vmem>>, vector<16xf32>,
      %add3A_171 = arith.addf %get3A_166, %get3A_170 : vector<16xf32>
      %mul3A_172 = arith.constant 16 : i32
      %mul3A_173 = arith.muli %scan3A_163, %mul3A_172 : i32
      %swap3A = arith.index_cast %mul3A_173 : i32 to index
      %swap3A_174 = tpu.vector_load %arg6[%swap3A] {strides = array<i32>} : memref<1920xf32, #tpu.memory_space<vmem>>, vector<16xf32>,
      tpu.vector_store %arg6[%swap3A], %add3A_171 {strides = array<i32>} : memref<1920xf32, #tpu.memory_space<vmem>>, vector<16xf32>,
    }
    %scan3A_48 = arith.constant 120 : i32
    %mul3A_49 = arith.constant 1920 : i32
    %mul3A_50 = arith.muli %arg1, %mul3A_49 : i32
    %run_scoped3A_51 = arith.constant 2 : i32
    "tpu.region"() ({
      %run_scoped3A_163 = tpu.sem_alloc : memref<!tpu.dma_semaphore, #tpu.memory_space<semaphore_mem>>
      %dma_start3A = tpu.memref_slice %arg8[%run_scoped3A_51, %mul3A_50] : memref<16x30720xf32, #tpu.memory_space<vmem_shared>> -> memref<1x1920xf32, #tpu.memory_space<vmem_shared>>
      %dma_start3A_164 = tpu.memref_squeeze %dma_start3A : memref<1x1920xf32, #tpu.memory_space<vmem_shared>> -> memref<1920xf32, #tpu.memory_space<vmem_shared>>
      %dma_start3A_165 = tpu.memref_slice %arg8[%run_scoped3A_51, %mul3A_50] : memref<16x30720xf32, #tpu.memory_space<vmem_shared>> -> memref<1x1920xf32, #tpu.memory_space<vmem_shared>>
      %dma_start3A_166 = tpu.memref_squeeze %dma_start3A_165 : memref<1x1920xf32, #tpu.memory_space<vmem_shared>> -> memref<1920xf32, #tpu.memory_space<vmem_shared>>
      tpu.enqueue_dma source(%dma_start3A_166 : memref<1920xf32, #tpu.memory_space<vmem_shared>>) target(%arg7 : memref<1920xf32, #tpu.memory_space<vmem>>) target_semaphore(%run_scoped3A_163 : memref<!tpu.dma_semaphore, #tpu.memory_space<semaphore_mem>>)
      %dma_wait3A = tpu.memref_slice %arg8[%run_scoped3A_51, %mul3A_50] : memref<16x30720xf32, #tpu.memory_space<vmem_shared>> -> memref<1x1920xf32, #tpu.memory_space<vmem_shared>>
      %dma_wait3A_167 = tpu.memref_squeeze %dma_wait3A : memref<1x1920xf32, #tpu.memory_space<vmem_shared>> -> memref<1920xf32, #tpu.memory_space<vmem_shared>>
      %dma_wait3A_168 = tpu.memref_slice %arg8[%run_scoped3A_51, %mul3A_50] : memref<16x30720xf32, #tpu.memory_space<vmem_shared>> -> memref<1x1920xf32, #tpu.memory_space<vmem_shared>>
      %dma_wait3A_169 = tpu.memref_squeeze %dma_wait3A_168 : memref<1x1920xf32, #tpu.memory_space<vmem_shared>> -> memref<1920xf32, #tpu.memory_space<vmem_shared>>
      tpu.wait_dma2 semaphore(%run_scoped3A_163 : memref<!tpu.dma_semaphore, #tpu.memory_space<semaphore_mem>>) src(%dma_wait3A_169 : memref<1920xf32, #tpu.memory_space<vmem_shared>>) dst(%arg7 : memref<1920xf32, #tpu.memory_space<vmem>>)
      tpu.yield
    }) : () -> ()
    %scan3A_52 = arith.constant 0 : i32
    %scan3A_53 = arith.constant 120 : i32
    %scan3A_54 = arith.addi %scan3A_52, %scan3A_53 : i32
    %scan3A_55 = arith.constant 1 : i32
    scf.for %scan3A_163 = %scan3A_52 to %scan3A_54 step %scan3A_55  : i32 {
      %mul3A_164 = arith.constant 16 : i32
      %mul3A_165 = arith.muli %scan3A_163, %mul3A_164 : i32
      %get3A = arith.index_cast %mul3A_165 : i32 to index
      %get3A_166 = tpu.vector_load %arg6[%get3A] {strides = array<i32>} : memref<1920xf32, #tpu.memory_space<vmem>>, vector<16xf32>,
      %mul3A_167 = arith.constant 16 : i32
      %mul3A_168 = arith.muli %scan3A_163, %mul3A_167 : i32
      %get3A_169 = arith.index_cast %mul3A_168 : i32 to index
      %get3A_170 = tpu.vector_load %arg7[%get3A_169] {strides = array<i32>} : memref<1920xf32, #tpu.memory_space<vmem>>, vector<16xf32>,
      %add3A_171 = arith.addf %get3A_166, %get3A_170 : vector<16xf32>
      %mul3A_172 = arith.constant 16 : i32
      %mul3A_173 = arith.muli %scan3A_163, %mul3A_172 : i32
      %swap3A = arith.index_cast %mul3A_173 : i32 to index
      %swap3A_174 = tpu.vector_load %arg6[%swap3A] {strides = array<i32>} : memref<1920xf32, #tpu.memory_space<vmem>>, vector<16xf32>,
      tpu.vector_store %arg6[%swap3A], %add3A_171 {strides = array<i32>} : memref<1920xf32, #tpu.memory_space<vmem>>, vector<16xf32>,
    }
    %scan3A_56 = arith.constant 120 : i32
    %mul3A_57 = arith.constant 1920 : i32
    %mul3A_58 = arith.muli %arg1, %mul3A_57 : i32
    %run_scoped3A_59 = arith.constant 3 : i32
    "tpu.region"() ({
      %run_scoped3A_163 = tpu.sem_alloc : memref<!tpu.dma_semaphore, #tpu.memory_space<semaphore_mem>>
      %dma_start3A = tpu.memref_slice %arg8[%run_scoped3A_59, %mul3A_58] : memref<16x30720xf32, #tpu.memory_space<vmem_shared>> -> memref<1x1920xf32, #tpu.memory_space<vmem_shared>>
      %dma_start3A_164 = tpu.memref_squeeze %dma_start3A : memref<1x1920xf32, #tpu.memory_space<vmem_shared>> -> memref<1920xf32, #tpu.memory_space<vmem_shared>>
      %dma_start3A_165 = tpu.memref_slice %arg8[%run_scoped3A_59, %mul3A_58] : memref<16x30720xf32, #tpu.memory_space<vmem_shared>> -> memref<1x1920xf32, #tpu.memory_space<vmem_shared>>
      %dma_start3A_166 = tpu.memref_squeeze %dma_start3A_165 : memref<1x1920xf32, #tpu.memory_space<vmem_shared>> -> memref<1920xf32, #tpu.memory_space<vmem_shared>>
      tpu.enqueue_dma source(%dma_start3A_166 : memref<1920xf32, #tpu.memory_space<vmem_shared>>) target(%arg7 : memref<1920xf32, #tpu.memory_space<vmem>>) target_semaphore(%run_scoped3A_163 : memref<!tpu.dma_semaphore, #tpu.memory_space<semaphore_mem>>)
      %dma_wait3A = tpu.memref_slice %arg8[%run_scoped3A_59, %mul3A_58] : memref<16x30720xf32, #tpu.memory_space<vmem_shared>> -> memref<1x1920xf32, #tpu.memory_space<vmem_shared>>
      %dma_wait3A_167 = tpu.memref_squeeze %dma_wait3A : memref<1x1920xf32, #tpu.memory_space<vmem_shared>> -> memref<1920xf32, #tpu.memory_space<vmem_shared>>
      %dma_wait3A_168 = tpu.memref_slice %arg8[%run_scoped3A_59, %mul3A_58] : memref<16x30720xf32, #tpu.memory_space<vmem_shared>> -> memref<1x1920xf32, #tpu.memory_space<vmem_shared>>
      %dma_wait3A_169 = tpu.memref_squeeze %dma_wait3A_168 : memref<1x1920xf32, #tpu.memory_space<vmem_shared>> -> memref<1920xf32, #tpu.memory_space<vmem_shared>>
      tpu.wait_dma2 semaphore(%run_scoped3A_163 : memref<!tpu.dma_semaphore, #tpu.memory_space<semaphore_mem>>) src(%dma_wait3A_169 : memref<1920xf32, #tpu.memory_space<vmem_shared>>) dst(%arg7 : memref<1920xf32, #tpu.memory_space<vmem>>)
      tpu.yield
    }) : () -> ()
    %scan3A_60 = arith.constant 0 : i32
    %scan3A_61 = arith.constant 120 : i32
    %scan3A_62 = arith.addi %scan3A_60, %scan3A_61 : i32
    %scan3A_63 = arith.constant 1 : i32
    scf.for %scan3A_163 = %scan3A_60 to %scan3A_62 step %scan3A_63  : i32 {
      %mul3A_164 = arith.constant 16 : i32
      %mul3A_165 = arith.muli %scan3A_163, %mul3A_164 : i32
      %get3A = arith.index_cast %mul3A_165 : i32 to index
      %get3A_166 = tpu.vector_load %arg6[%get3A] {strides = array<i32>} : memref<1920xf32, #tpu.memory_space<vmem>>, vector<16xf32>,
      %mul3A_167 = arith.constant 16 : i32
      %mul3A_168 = arith.muli %scan3A_163, %mul3A_167 : i32
      %get3A_169 = arith.index_cast %mul3A_168 : i32 to index
      %get3A_170 = tpu.vector_load %arg7[%get3A_169] {strides = array<i32>} : memref<1920xf32, #tpu.memory_space<vmem>>, vector<16xf32>,
      %add3A_171 = arith.addf %get3A_166, %get3A_170 : vector<16xf32>
      %mul3A_172 = arith.constant 16 : i32
      %mul3A_173 = arith.muli %scan3A_163, %mul3A_172 : i32
      %swap3A = arith.index_cast %mul3A_173 : i32 to index
      %swap3A_174 = tpu.vector_load %arg6[%swap3A] {strides = array<i32>} : memref<1920xf32, #tpu.memory_space<vmem>>, vector<16xf32>,
      tpu.vector_store %arg6[%swap3A], %add3A_171 {strides = array<i32>} : memref<1920xf32, #tpu.memory_space<vmem>>, vector<16xf32>,
    }
    %scan3A_64 = arith.constant 120 : i32
    %mul3A_65 = arith.constant 1920 : i32
    %mul3A_66 = arith.muli %arg1, %mul3A_65 : i32
    %run_scoped3A_67 = arith.constant 4 : i32
    "tpu.region"() ({
      %run_scoped3A_163 = tpu.sem_alloc : memref<!tpu.dma_semaphore, #tpu.memory_space<semaphore_mem>>
      %dma_start3A = tpu.memref_slice %arg8[%run_scoped3A_67, %mul3A_66] : memref<16x30720xf32, #tpu.memory_space<vmem_shared>> -> memref<1x1920xf32, #tpu.memory_space<vmem_shared>>
      %dma_start3A_164 = tpu.memref_squeeze %dma_start3A : memref<1x1920xf32, #tpu.memory_space<vmem_shared>> -> memref<1920xf32, #tpu.memory_space<vmem_shared>>
      %dma_start3A_165 = tpu.memref_slice %arg8[%run_scoped3A_67, %mul3A_66] : memref<16x30720xf32, #tpu.memory_space<vmem_shared>> -> memref<1x1920xf32, #tpu.memory_space<vmem_shared>>
      %dma_start3A_166 = tpu.memref_squeeze %dma_start3A_165 : memref<1x1920xf32, #tpu.memory_space<vmem_shared>> -> memref<1920xf32, #tpu.memory_space<vmem_shared>>
      tpu.enqueue_dma source(%dma_start3A_166 : memref<1920xf32, #tpu.memory_space<vmem_shared>>) target(%arg7 : memref<1920xf32, #tpu.memory_space<vmem>>) target_semaphore(%run_scoped3A_163 : memref<!tpu.dma_semaphore, #tpu.memory_space<semaphore_mem>>)
      %dma_wait3A = tpu.memref_slice %arg8[%run_scoped3A_67, %mul3A_66] : memref<16x30720xf32, #tpu.memory_space<vmem_shared>> -> memref<1x1920xf32, #tpu.memory_space<vmem_shared>>
      %dma_wait3A_167 = tpu.memref_squeeze %dma_wait3A : memref<1x1920xf32, #tpu.memory_space<vmem_shared>> -> memref<1920xf32, #tpu.memory_space<vmem_shared>>
      %dma_wait3A_168 = tpu.memref_slice %arg8[%run_scoped3A_67, %mul3A_66] : memref<16x30720xf32, #tpu.memory_space<vmem_shared>> -> memref<1x1920xf32, #tpu.memory_space<vmem_shared>>
      %dma_wait3A_169 = tpu.memref_squeeze %dma_wait3A_168 : memref<1x1920xf32, #tpu.memory_space<vmem_shared>> -> memref<1920xf32, #tpu.memory_space<vmem_shared>>
      tpu.wait_dma2 semaphore(%run_scoped3A_163 : memref<!tpu.dma_semaphore, #tpu.memory_space<semaphore_mem>>) src(%dma_wait3A_169 : memref<1920xf32, #tpu.memory_space<vmem_shared>>) dst(%arg7 : memref<1920xf32, #tpu.memory_space<vmem>>)
      tpu.yield
    }) : () -> ()
    %scan3A_68 = arith.constant 0 : i32
    %scan3A_69 = arith.constant 120 : i32
    %scan3A_70 = arith.addi %scan3A_68, %scan3A_69 : i32
    %scan3A_71 = arith.constant 1 : i32
    scf.for %scan3A_163 = %scan3A_68 to %scan3A_70 step %scan3A_71  : i32 {
      %mul3A_164 = arith.constant 16 : i32
      %mul3A_165 = arith.muli %scan3A_163, %mul3A_164 : i32
      %get3A = arith.index_cast %mul3A_165 : i32 to index
      %get3A_166 = tpu.vector_load %arg6[%get3A] {strides = array<i32>} : memref<1920xf32, #tpu.memory_space<vmem>>, vector<16xf32>,
      %mul3A_167 = arith.constant 16 : i32
      %mul3A_168 = arith.muli %scan3A_163, %mul3A_167 : i32
      %get3A_169 = arith.index_cast %mul3A_168 : i32 to index
      %get3A_170 = tpu.vector_load %arg7[%get3A_169] {strides = array<i32>} : memref<1920xf32, #tpu.memory_space<vmem>>, vector<16xf32>,
      %add3A_171 = arith.addf %get3A_166, %get3A_170 : vector<16xf32>
      %mul3A_172 = arith.constant 16 : i32
      %mul3A_173 = arith.muli %scan3A_163, %mul3A_172 : i32
      %swap3A = arith.index_cast %mul3A_173 : i32 to index
      %swap3A_174 = tpu.vector_load %arg6[%swap3A] {strides = array<i32>} : memref<1920xf32, #tpu.memory_space<vmem>>, vector<16xf32>,
      tpu.vector_store %arg6[%swap3A], %add3A_171 {strides = array<i32>} : memref<1920xf32, #tpu.memory_space<vmem>>, vector<16xf32>,
    }
    %scan3A_72 = arith.constant 120 : i32
    %mul3A_73 = arith.constant 1920 : i32
    %mul3A_74 = arith.muli %arg1, %mul3A_73 : i32
    %run_scoped3A_75 = arith.constant 5 : i32
    "tpu.region"() ({
      %run_scoped3A_163 = tpu.sem_alloc : memref<!tpu.dma_semaphore, #tpu.memory_space<semaphore_mem>>
      %dma_start3A = tpu.memref_slice %arg8[%run_scoped3A_75, %mul3A_74] : memref<16x30720xf32, #tpu.memory_space<vmem_shared>> -> memref<1x1920xf32, #tpu.memory_space<vmem_shared>>
      %dma_start3A_164 = tpu.memref_squeeze %dma_start3A : memref<1x1920xf32, #tpu.memory_space<vmem_shared>> -> memref<1920xf32, #tpu.memory_space<vmem_shared>>
      %dma_start3A_165 = tpu.memref_slice %arg8[%run_scoped3A_75, %mul3A_74] : memref<16x30720xf32, #tpu.memory_space<vmem_shared>> -> memref<1x1920xf32, #tpu.memory_space<vmem_shared>>
      %dma_start3A_166 = tpu.memref_squeeze %dma_start3A_165 : memref<1x1920xf32, #tpu.memory_space<vmem_shared>> -> memref<1920xf32, #tpu.memory_space<vmem_shared>>
      tpu.enqueue_dma source(%dma_start3A_166 : memref<1920xf32, #tpu.memory_space<vmem_shared>>) target(%arg7 : memref<1920xf32, #tpu.memory_space<vmem>>) target_semaphore(%run_scoped3A_163 : memref<!tpu.dma_semaphore, #tpu.memory_space<semaphore_mem>>)
      %dma_wait3A = tpu.memref_slice %arg8[%run_scoped3A_75, %mul3A_74] : memref<16x30720xf32, #tpu.memory_space<vmem_shared>> -> memref<1x1920xf32, #tpu.memory_space<vmem_shared>>
      %dma_wait3A_167 = tpu.memref_squeeze %dma_wait3A : memref<1x1920xf32, #tpu.memory_space<vmem_shared>> -> memref<1920xf32, #tpu.memory_space<vmem_shared>>
      %dma_wait3A_168 = tpu.memref_slice %arg8[%run_scoped3A_75, %mul3A_74] : memref<16x30720xf32, #tpu.memory_space<vmem_shared>> -> memref<1x1920xf32, #tpu.memory_space<vmem_shared>>
      %dma_wait3A_169 = tpu.memref_squeeze %dma_wait3A_168 : memref<1x1920xf32, #tpu.memory_space<vmem_shared>> -> memref<1920xf32, #tpu.memory_space<vmem_shared>>
      tpu.wait_dma2 semaphore(%run_scoped3A_163 : memref<!tpu.dma_semaphore, #tpu.memory_space<semaphore_mem>>) src(%dma_wait3A_169 : memref<1920xf32, #tpu.memory_space<vmem_shared>>) dst(%arg7 : memref<1920xf32, #tpu.memory_space<vmem>>)
      tpu.yield
    }) : () -> ()
    %scan3A_76 = arith.constant 0 : i32
    %scan3A_77 = arith.constant 120 : i32
    %scan3A_78 = arith.addi %scan3A_76, %scan3A_77 : i32
    %scan3A_79 = arith.constant 1 : i32
    scf.for %scan3A_163 = %scan3A_76 to %scan3A_78 step %scan3A_79  : i32 {
      %mul3A_164 = arith.constant 16 : i32
      %mul3A_165 = arith.muli %scan3A_163, %mul3A_164 : i32
      %get3A = arith.index_cast %mul3A_165 : i32 to index
      %get3A_166 = tpu.vector_load %arg6[%get3A] {strides = array<i32>} : memref<1920xf32, #tpu.memory_space<vmem>>, vector<16xf32>,
      %mul3A_167 = arith.constant 16 : i32
      %mul3A_168 = arith.muli %scan3A_163, %mul3A_167 : i32
      %get3A_169 = arith.index_cast %mul3A_168 : i32 to index
      %get3A_170 = tpu.vector_load %arg7[%get3A_169] {strides = array<i32>} : memref<1920xf32, #tpu.memory_space<vmem>>, vector<16xf32>,
      %add3A_171 = arith.addf %get3A_166, %get3A_170 : vector<16xf32>
      %mul3A_172 = arith.constant 16 : i32
      %mul3A_173 = arith.muli %scan3A_163, %mul3A_172 : i32
      %swap3A = arith.index_cast %mul3A_173 : i32 to index
      %swap3A_174 = tpu.vector_load %arg6[%swap3A] {strides = array<i32>} : memref<1920xf32, #tpu.memory_space<vmem>>, vector<16xf32>,
      tpu.vector_store %arg6[%swap3A], %add3A_171 {strides = array<i32>} : memref<1920xf32, #tpu.memory_space<vmem>>, vector<16xf32>,
    }
    %scan3A_80 = arith.constant 120 : i32
    %mul3A_81 = arith.constant 1920 : i32
    %mul3A_82 = arith.muli %arg1, %mul3A_81 : i32
    %run_scoped3A_83 = arith.constant 6 : i32
    "tpu.region"() ({
      %run_scoped3A_163 = tpu.sem_alloc : memref<!tpu.dma_semaphore, #tpu.memory_space<semaphore_mem>>
      %dma_start3A = tpu.memref_slice %arg8[%run_scoped3A_83, %mul3A_82] : memref<16x30720xf32, #tpu.memory_space<vmem_shared>> -> memref<1x1920xf32, #tpu.memory_space<vmem_shared>>
      %dma_start3A_164 = tpu.memref_squeeze %dma_start3A : memref<1x1920xf32, #tpu.memory_space<vmem_shared>> -> memref<1920xf32, #tpu.memory_space<vmem_shared>>
      %dma_start3A_165 = tpu.memref_slice %arg8[%run_scoped3A_83, %mul3A_82] : memref<16x30720xf32, #tpu.memory_space<vmem_shared>> -> memref<1x1920xf32, #tpu.memory_space<vmem_shared>>
      %dma_start3A_166 = tpu.memref_squeeze %dma_start3A_165 : memref<1x1920xf32, #tpu.memory_space<vmem_shared>> -> memref<1920xf32, #tpu.memory_space<vmem_shared>>
      tpu.enqueue_dma source(%dma_start3A_166 : memref<1920xf32, #tpu.memory_space<vmem_shared>>) target(%arg7 : memref<1920xf32, #tpu.memory_space<vmem>>) target_semaphore(%run_scoped3A_163 : memref<!tpu.dma_semaphore, #tpu.memory_space<semaphore_mem>>)
      %dma_wait3A = tpu.memref_slice %arg8[%run_scoped3A_83, %mul3A_82] : memref<16x30720xf32, #tpu.memory_space<vmem_shared>> -> memref<1x1920xf32, #tpu.memory_space<vmem_shared>>
      %dma_wait3A_167 = tpu.memref_squeeze %dma_wait3A : memref<1x1920xf32, #tpu.memory_space<vmem_shared>> -> memref<1920xf32, #tpu.memory_space<vmem_shared>>
      %dma_wait3A_168 = tpu.memref_slice %arg8[%run_scoped3A_83, %mul3A_82] : memref<16x30720xf32, #tpu.memory_space<vmem_shared>> -> memref<1x1920xf32, #tpu.memory_space<vmem_shared>>
      %dma_wait3A_169 = tpu.memref_squeeze %dma_wait3A_168 : memref<1x1920xf32, #tpu.memory_space<vmem_shared>> -> memref<1920xf32, #tpu.memory_space<vmem_shared>>
      tpu.wait_dma2 semaphore(%run_scoped3A_163 : memref<!tpu.dma_semaphore, #tpu.memory_space<semaphore_mem>>) src(%dma_wait3A_169 : memref<1920xf32, #tpu.memory_space<vmem_shared>>) dst(%arg7 : memref<1920xf32, #tpu.memory_space<vmem>>)
      tpu.yield
    }) : () -> ()
    %scan3A_84 = arith.constant 0 : i32
    %scan3A_85 = arith.constant 120 : i32
    %scan3A_86 = arith.addi %scan3A_84, %scan3A_85 : i32
    %scan3A_87 = arith.constant 1 : i32
    scf.for %scan3A_163 = %scan3A_84 to %scan3A_86 step %scan3A_87  : i32 {
      %mul3A_164 = arith.constant 16 : i32
      %mul3A_165 = arith.muli %scan3A_163, %mul3A_164 : i32
      %get3A = arith.index_cast %mul3A_165 : i32 to index
      %get3A_166 = tpu.vector_load %arg6[%get3A] {strides = array<i32>} : memref<1920xf32, #tpu.memory_space<vmem>>, vector<16xf32>,
      %mul3A_167 = arith.constant 16 : i32
      %mul3A_168 = arith.muli %scan3A_163, %mul3A_167 : i32
      %get3A_169 = arith.index_cast %mul3A_168 : i32 to index
      %get3A_170 = tpu.vector_load %arg7[%get3A_169] {strides = array<i32>} : memref<1920xf32, #tpu.memory_space<vmem>>, vector<16xf32>,
      %add3A_171 = arith.addf %get3A_166, %get3A_170 : vector<16xf32>
      %mul3A_172 = arith.constant 16 : i32
      %mul3A_173 = arith.muli %scan3A_163, %mul3A_172 : i32
      %swap3A = arith.index_cast %mul3A_173 : i32 to index
      %swap3A_174 = tpu.vector_load %arg6[%swap3A] {strides = array<i32>} : memref<1920xf32, #tpu.memory_space<vmem>>, vector<16xf32>,
      tpu.vector_store %arg6[%swap3A], %add3A_171 {strides = array<i32>} : memref<1920xf32, #tpu.memory_space<vmem>>, vector<16xf32>,
    }
    %scan3A_88 = arith.constant 120 : i32
    %mul3A_89 = arith.constant 1920 : i32
    %mul3A_90 = arith.muli %arg1, %mul3A_89 : i32
    %run_scoped3A_91 = arith.constant 7 : i32
    "tpu.region"() ({
      %run_scoped3A_163 = tpu.sem_alloc : memref<!tpu.dma_semaphore, #tpu.memory_space<semaphore_mem>>
      %dma_start3A = tpu.memref_slice %arg8[%run_scoped3A_91, %mul3A_90] : memref<16x30720xf32, #tpu.memory_space<vmem_shared>> -> memref<1x1920xf32, #tpu.memory_space<vmem_shared>>
      %dma_start3A_164 = tpu.memref_squeeze %dma_start3A : memref<1x1920xf32, #tpu.memory_space<vmem_shared>> -> memref<1920xf32, #tpu.memory_space<vmem_shared>>
      %dma_start3A_165 = tpu.memref_slice %arg8[%run_scoped3A_91, %mul3A_90] : memref<16x30720xf32, #tpu.memory_space<vmem_shared>> -> memref<1x1920xf32, #tpu.memory_space<vmem_shared>>
      %dma_start3A_166 = tpu.memref_squeeze %dma_start3A_165 : memref<1x1920xf32, #tpu.memory_space<vmem_shared>> -> memref<1920xf32, #tpu.memory_space<vmem_shared>>
      tpu.enqueue_dma source(%dma_start3A_166 : memref<1920xf32, #tpu.memory_space<vmem_shared>>) target(%arg7 : memref<1920xf32, #tpu.memory_space<vmem>>) target_semaphore(%run_scoped3A_163 : memref<!tpu.dma_semaphore, #tpu.memory_space<semaphore_mem>>)
      %dma_wait3A = tpu.memref_slice %arg8[%run_scoped3A_91, %mul3A_90] : memref<16x30720xf32, #tpu.memory_space<vmem_shared>> -> memref<1x1920xf32, #tpu.memory_space<vmem_shared>>
      %dma_wait3A_167 = tpu.memref_squeeze %dma_wait3A : memref<1x1920xf32, #tpu.memory_space<vmem_shared>> -> memref<1920xf32, #tpu.memory_space<vmem_shared>>
      %dma_wait3A_168 = tpu.memref_slice %arg8[%run_scoped3A_91, %mul3A_90] : memref<16x30720xf32, #tpu.memory_space<vmem_shared>> -> memref<1x1920xf32, #tpu.memory_space<vmem_shared>>
      %dma_wait3A_169 = tpu.memref_squeeze %dma_wait3A_168 : memref<1x1920xf32, #tpu.memory_space<vmem_shared>> -> memref<1920xf32, #tpu.memory_space<vmem_shared>>
      tpu.wait_dma2 semaphore(%run_scoped3A_163 : memref<!tpu.dma_semaphore, #tpu.memory_space<semaphore_mem>>) src(%dma_wait3A_169 : memref<1920xf32, #tpu.memory_space<vmem_shared>>) dst(%arg7 : memref<1920xf32, #tpu.memory_space<vmem>>)
      tpu.yield
    }) : () -> ()
    %scan3A_92 = arith.constant 0 : i32
    %scan3A_93 = arith.constant 120 : i32
    %scan3A_94 = arith.addi %scan3A_92, %scan3A_93 : i32
    %scan3A_95 = arith.constant 1 : i32
    scf.for %scan3A_163 = %scan3A_92 to %scan3A_94 step %scan3A_95  : i32 {
      %mul3A_164 = arith.constant 16 : i32
      %mul3A_165 = arith.muli %scan3A_163, %mul3A_164 : i32
      %get3A = arith.index_cast %mul3A_165 : i32 to index
      %get3A_166 = tpu.vector_load %arg6[%get3A] {strides = array<i32>} : memref<1920xf32, #tpu.memory_space<vmem>>, vector<16xf32>,
      %mul3A_167 = arith.constant 16 : i32
      %mul3A_168 = arith.muli %scan3A_163, %mul3A_167 : i32
      %get3A_169 = arith.index_cast %mul3A_168 : i32 to index
      %get3A_170 = tpu.vector_load %arg7[%get3A_169] {strides = array<i32>} : memref<1920xf32, #tpu.memory_space<vmem>>, vector<16xf32>,
      %add3A_171 = arith.addf %get3A_166, %get3A_170 : vector<16xf32>
      %mul3A_172 = arith.constant 16 : i32
      %mul3A_173 = arith.muli %scan3A_163, %mul3A_172 : i32
      %swap3A = arith.index_cast %mul3A_173 : i32 to index
      %swap3A_174 = tpu.vector_load %arg6[%swap3A] {strides = array<i32>} : memref<1920xf32, #tpu.memory_space<vmem>>, vector<16xf32>,
      tpu.vector_store %arg6[%swap3A], %add3A_171 {strides = array<i32>} : memref<1920xf32, #tpu.memory_space<vmem>>, vector<16xf32>,
    }
    %scan3A_96 = arith.constant 120 : i32
    %mul3A_97 = arith.constant 1920 : i32
    %mul3A_98 = arith.muli %arg1, %mul3A_97 : i32
    %run_scoped3A_99 = arith.constant 8 : i32
    "tpu.region"() ({
      %run_scoped3A_163 = tpu.sem_alloc : memref<!tpu.dma_semaphore, #tpu.memory_space<semaphore_mem>>
      %dma_start3A = tpu.memref_slice %arg8[%run_scoped3A_99, %mul3A_98] : memref<16x30720xf32, #tpu.memory_space<vmem_shared>> -> memref<1x1920xf32, #tpu.memory_space<vmem_shared>>
      %dma_start3A_164 = tpu.memref_squeeze %dma_start3A : memref<1x1920xf32, #tpu.memory_space<vmem_shared>> -> memref<1920xf32, #tpu.memory_space<vmem_shared>>
      %dma_start3A_165 = tpu.memref_slice %arg8[%run_scoped3A_99, %mul3A_98] : memref<16x30720xf32, #tpu.memory_space<vmem_shared>> -> memref<1x1920xf32, #tpu.memory_space<vmem_shared>>
      %dma_start3A_166 = tpu.memref_squeeze %dma_start3A_165 : memref<1x1920xf32, #tpu.memory_space<vmem_shared>> -> memref<1920xf32, #tpu.memory_space<vmem_shared>>
      tpu.enqueue_dma source(%dma_start3A_166 : memref<1920xf32, #tpu.memory_space<vmem_shared>>) target(%arg7 : memref<1920xf32, #tpu.memory_space<vmem>>) target_semaphore(%run_scoped3A_163 : memref<!tpu.dma_semaphore, #tpu.memory_space<semaphore_mem>>)
      %dma_wait3A = tpu.memref_slice %arg8[%run_scoped3A_99, %mul3A_98] : memref<16x30720xf32, #tpu.memory_space<vmem_shared>> -> memref<1x1920xf32, #tpu.memory_space<vmem_shared>>
      %dma_wait3A_167 = tpu.memref_squeeze %dma_wait3A : memref<1x1920xf32, #tpu.memory_space<vmem_shared>> -> memref<1920xf32, #tpu.memory_space<vmem_shared>>
      %dma_wait3A_168 = tpu.memref_slice %arg8[%run_scoped3A_99, %mul3A_98] : memref<16x30720xf32, #tpu.memory_space<vmem_shared>> -> memref<1x1920xf32, #tpu.memory_space<vmem_shared>>
      %dma_wait3A_169 = tpu.memref_squeeze %dma_wait3A_168 : memref<1x1920xf32, #tpu.memory_space<vmem_shared>> -> memref<1920xf32, #tpu.memory_space<vmem_shared>>
      tpu.wait_dma2 semaphore(%run_scoped3A_163 : memref<!tpu.dma_semaphore, #tpu.memory_space<semaphore_mem>>) src(%dma_wait3A_169 : memref<1920xf32, #tpu.memory_space<vmem_shared>>) dst(%arg7 : memref<1920xf32, #tpu.memory_space<vmem>>)
      tpu.yield
    }) : () -> ()
    %scan3A_100 = arith.constant 0 : i32
    %scan3A_101 = arith.constant 120 : i32
    %scan3A_102 = arith.addi %scan3A_100, %scan3A_101 : i32
    %scan3A_103 = arith.constant 1 : i32
    scf.for %scan3A_163 = %scan3A_100 to %scan3A_102 step %scan3A_103  : i32 {
      %mul3A_164 = arith.constant 16 : i32
      %mul3A_165 = arith.muli %scan3A_163, %mul3A_164 : i32
      %get3A = arith.index_cast %mul3A_165 : i32 to index
      %get3A_166 = tpu.vector_load %arg6[%get3A] {strides = array<i32>} : memref<1920xf32, #tpu.memory_space<vmem>>, vector<16xf32>,
      %mul3A_167 = arith.constant 16 : i32
      %mul3A_168 = arith.muli %scan3A_163, %mul3A_167 : i32
      %get3A_169 = arith.index_cast %mul3A_168 : i32 to index
      %get3A_170 = tpu.vector_load %arg7[%get3A_169] {strides = array<i32>} : memref<1920xf32, #tpu.memory_space<vmem>>, vector<16xf32>,
      %add3A_171 = arith.addf %get3A_166, %get3A_170 : vector<16xf32>
      %mul3A_172 = arith.constant 16 : i32
      %mul3A_173 = arith.muli %scan3A_163, %mul3A_172 : i32
      %swap3A = arith.index_cast %mul3A_173 : i32 to index
      %swap3A_174 = tpu.vector_load %arg6[%swap3A] {strides = array<i32>} : memref<1920xf32, #tpu.memory_space<vmem>>, vector<16xf32>,
      tpu.vector_store %arg6[%swap3A], %add3A_171 {strides = array<i32>} : memref<1920xf32, #tpu.memory_space<vmem>>, vector<16xf32>,
    }
    %scan3A_104 = arith.constant 120 : i32
    %mul3A_105 = arith.constant 1920 : i32
    %mul3A_106 = arith.muli %arg1, %mul3A_105 : i32
    %run_scoped3A_107 = arith.constant 9 : i32
    "tpu.region"() ({
      %run_scoped3A_163 = tpu.sem_alloc : memref<!tpu.dma_semaphore, #tpu.memory_space<semaphore_mem>>
      %dma_start3A = tpu.memref_slice %arg8[%run_scoped3A_107, %mul3A_106] : memref<16x30720xf32, #tpu.memory_space<vmem_shared>> -> memref<1x1920xf32, #tpu.memory_space<vmem_shared>>
      %dma_start3A_164 = tpu.memref_squeeze %dma_start3A : memref<1x1920xf32, #tpu.memory_space<vmem_shared>> -> memref<1920xf32, #tpu.memory_space<vmem_shared>>
      %dma_start3A_165 = tpu.memref_slice %arg8[%run_scoped3A_107, %mul3A_106] : memref<16x30720xf32, #tpu.memory_space<vmem_shared>> -> memref<1x1920xf32, #tpu.memory_space<vmem_shared>>
      %dma_start3A_166 = tpu.memref_squeeze %dma_start3A_165 : memref<1x1920xf32, #tpu.memory_space<vmem_shared>> -> memref<1920xf32, #tpu.memory_space<vmem_shared>>
      tpu.enqueue_dma source(%dma_start3A_166 : memref<1920xf32, #tpu.memory_space<vmem_shared>>) target(%arg7 : memref<1920xf32, #tpu.memory_space<vmem>>) target_semaphore(%run_scoped3A_163 : memref<!tpu.dma_semaphore, #tpu.memory_space<semaphore_mem>>)
      %dma_wait3A = tpu.memref_slice %arg8[%run_scoped3A_107, %mul3A_106] : memref<16x30720xf32, #tpu.memory_space<vmem_shared>> -> memref<1x1920xf32, #tpu.memory_space<vmem_shared>>
      %dma_wait3A_167 = tpu.memref_squeeze %dma_wait3A : memref<1x1920xf32, #tpu.memory_space<vmem_shared>> -> memref<1920xf32, #tpu.memory_space<vmem_shared>>
      %dma_wait3A_168 = tpu.memref_slice %arg8[%run_scoped3A_107, %mul3A_106] : memref<16x30720xf32, #tpu.memory_space<vmem_shared>> -> memref<1x1920xf32, #tpu.memory_space<vmem_shared>>
      %dma_wait3A_169 = tpu.memref_squeeze %dma_wait3A_168 : memref<1x1920xf32, #tpu.memory_space<vmem_shared>> -> memref<1920xf32, #tpu.memory_space<vmem_shared>>
      tpu.wait_dma2 semaphore(%run_scoped3A_163 : memref<!tpu.dma_semaphore, #tpu.memory_space<semaphore_mem>>) src(%dma_wait3A_169 : memref<1920xf32, #tpu.memory_space<vmem_shared>>) dst(%arg7 : memref<1920xf32, #tpu.memory_space<vmem>>)
      tpu.yield
    }) : () -> ()
    %scan3A_108 = arith.constant 0 : i32
    %scan3A_109 = arith.constant 120 : i32
    %scan3A_110 = arith.addi %scan3A_108, %scan3A_109 : i32
    %scan3A_111 = arith.constant 1 : i32
    scf.for %scan3A_163 = %scan3A_108 to %scan3A_110 step %scan3A_111  : i32 {
      %mul3A_164 = arith.constant 16 : i32
      %mul3A_165 = arith.muli %scan3A_163, %mul3A_164 : i32
      %get3A = arith.index_cast %mul3A_165 : i32 to index
      %get3A_166 = tpu.vector_load %arg6[%get3A] {strides = array<i32>} : memref<1920xf32, #tpu.memory_space<vmem>>, vector<16xf32>,
      %mul3A_167 = arith.constant 16 : i32
      %mul3A_168 = arith.muli %scan3A_163, %mul3A_167 : i32
      %get3A_169 = arith.index_cast %mul3A_168 : i32 to index
      %get3A_170 = tpu.vector_load %arg7[%get3A_169] {strides = array<i32>} : memref<1920xf32, #tpu.memory_space<vmem>>, vector<16xf32>,
      %add3A_171 = arith.addf %get3A_166, %get3A_170 : vector<16xf32>
      %mul3A_172 = arith.constant 16 : i32
      %mul3A_173 = arith.muli %scan3A_163, %mul3A_172 : i32
      %swap3A = arith.index_cast %mul3A_173 : i32 to index
      %swap3A_174 = tpu.vector_load %arg6[%swap3A] {strides = array<i32>} : memref<1920xf32, #tpu.memory_space<vmem>>, vector<16xf32>,
      tpu.vector_store %arg6[%swap3A], %add3A_171 {strides = array<i32>} : memref<1920xf32, #tpu.memory_space<vmem>>, vector<16xf32>,
    }
    %scan3A_112 = arith.constant 120 : i32
    %mul3A_113 = arith.constant 1920 : i32
    %mul3A_114 = arith.muli %arg1, %mul3A_113 : i32
    %run_scoped3A_115 = arith.constant 10 : i32
    "tpu.region"() ({
      %run_scoped3A_163 = tpu.sem_alloc : memref<!tpu.dma_semaphore, #tpu.memory_space<semaphore_mem>>
      %dma_start3A = tpu.memref_slice %arg8[%run_scoped3A_115, %mul3A_114] : memref<16x30720xf32, #tpu.memory_space<vmem_shared>> -> memref<1x1920xf32, #tpu.memory_space<vmem_shared>>
      %dma_start3A_164 = tpu.memref_squeeze %dma_start3A : memref<1x1920xf32, #tpu.memory_space<vmem_shared>> -> memref<1920xf32, #tpu.memory_space<vmem_shared>>
      %dma_start3A_165 = tpu.memref_slice %arg8[%run_scoped3A_115, %mul3A_114] : memref<16x30720xf32, #tpu.memory_space<vmem_shared>> -> memref<1x1920xf32, #tpu.memory_space<vmem_shared>>
      %dma_start3A_166 = tpu.memref_squeeze %dma_start3A_165 : memref<1x1920xf32, #tpu.memory_space<vmem_shared>> -> memref<1920xf32, #tpu.memory_space<vmem_shared>>
      tpu.enqueue_dma source(%dma_start3A_166 : memref<1920xf32, #tpu.memory_space<vmem_shared>>) target(%arg7 : memref<1920xf32, #tpu.memory_space<vmem>>) target_semaphore(%run_scoped3A_163 : memref<!tpu.dma_semaphore, #tpu.memory_space<semaphore_mem>>)
      %dma_wait3A = tpu.memref_slice %arg8[%run_scoped3A_115, %mul3A_114] : memref<16x30720xf32, #tpu.memory_space<vmem_shared>> -> memref<1x1920xf32, #tpu.memory_space<vmem_shared>>
      %dma_wait3A_167 = tpu.memref_squeeze %dma_wait3A : memref<1x1920xf32, #tpu.memory_space<vmem_shared>> -> memref<1920xf32, #tpu.memory_space<vmem_shared>>
      %dma_wait3A_168 = tpu.memref_slice %arg8[%run_scoped3A_115, %mul3A_114] : memref<16x30720xf32, #tpu.memory_space<vmem_shared>> -> memref<1x1920xf32, #tpu.memory_space<vmem_shared>>
      %dma_wait3A_169 = tpu.memref_squeeze %dma_wait3A_168 : memref<1x1920xf32, #tpu.memory_space<vmem_shared>> -> memref<1920xf32, #tpu.memory_space<vmem_shared>>
      tpu.wait_dma2 semaphore(%run_scoped3A_163 : memref<!tpu.dma_semaphore, #tpu.memory_space<semaphore_mem>>) src(%dma_wait3A_169 : memref<1920xf32, #tpu.memory_space<vmem_shared>>) dst(%arg7 : memref<1920xf32, #tpu.memory_space<vmem>>)
      tpu.yield
    }) : () -> ()
    %scan3A_116 = arith.constant 0 : i32
    %scan3A_117 = arith.constant 120 : i32
    %scan3A_118 = arith.addi %scan3A_116, %scan3A_117 : i32
    %scan3A_119 = arith.constant 1 : i32
    scf.for %scan3A_163 = %scan3A_116 to %scan3A_118 step %scan3A_119  : i32 {
      %mul3A_164 = arith.constant 16 : i32
      %mul3A_165 = arith.muli %scan3A_163, %mul3A_164 : i32
      %get3A = arith.index_cast %mul3A_165 : i32 to index
      %get3A_166 = tpu.vector_load %arg6[%get3A] {strides = array<i32>} : memref<1920xf32, #tpu.memory_space<vmem>>, vector<16xf32>,
      %mul3A_167 = arith.constant 16 : i32
      %mul3A_168 = arith.muli %scan3A_163, %mul3A_167 : i32
      %get3A_169 = arith.index_cast %mul3A_168 : i32 to index
      %get3A_170 = tpu.vector_load %arg7[%get3A_169] {strides = array<i32>} : memref<1920xf32, #tpu.memory_space<vmem>>, vector<16xf32>,
      %add3A_171 = arith.addf %get3A_166, %get3A_170 : vector<16xf32>
      %mul3A_172 = arith.constant 16 : i32
      %mul3A_173 = arith.muli %scan3A_163, %mul3A_172 : i32
      %swap3A = arith.index_cast %mul3A_173 : i32 to index
      %swap3A_174 = tpu.vector_load %arg6[%swap3A] {strides = array<i32>} : memref<1920xf32, #tpu.memory_space<vmem>>, vector<16xf32>,
      tpu.vector_store %arg6[%swap3A], %add3A_171 {strides = array<i32>} : memref<1920xf32, #tpu.memory_space<vmem>>, vector<16xf32>,
    }
    %scan3A_120 = arith.constant 120 : i32
    %mul3A_121 = arith.constant 1920 : i32
    %mul3A_122 = arith.muli %arg1, %mul3A_121 : i32
    %run_scoped3A_123 = arith.constant 11 : i32
    "tpu.region"() ({
      %run_scoped3A_163 = tpu.sem_alloc : memref<!tpu.dma_semaphore, #tpu.memory_space<semaphore_mem>>
      %dma_start3A = tpu.memref_slice %arg8[%run_scoped3A_123, %mul3A_122] : memref<16x30720xf32, #tpu.memory_space<vmem_shared>> -> memref<1x1920xf32, #tpu.memory_space<vmem_shared>>
      %dma_start3A_164 = tpu.memref_squeeze %dma_start3A : memref<1x1920xf32, #tpu.memory_space<vmem_shared>> -> memref<1920xf32, #tpu.memory_space<vmem_shared>>
      %dma_start3A_165 = tpu.memref_slice %arg8[%run_scoped3A_123, %mul3A_122] : memref<16x30720xf32, #tpu.memory_space<vmem_shared>> -> memref<1x1920xf32, #tpu.memory_space<vmem_shared>>
      %dma_start3A_166 = tpu.memref_squeeze %dma_start3A_165 : memref<1x1920xf32, #tpu.memory_space<vmem_shared>> -> memref<1920xf32, #tpu.memory_space<vmem_shared>>
      tpu.enqueue_dma source(%dma_start3A_166 : memref<1920xf32, #tpu.memory_space<vmem_shared>>) target(%arg7 : memref<1920xf32, #tpu.memory_space<vmem>>) target_semaphore(%run_scoped3A_163 : memref<!tpu.dma_semaphore, #tpu.memory_space<semaphore_mem>>)
      %dma_wait3A = tpu.memref_slice %arg8[%run_scoped3A_123, %mul3A_122] : memref<16x30720xf32, #tpu.memory_space<vmem_shared>> -> memref<1x1920xf32, #tpu.memory_space<vmem_shared>>
      %dma_wait3A_167 = tpu.memref_squeeze %dma_wait3A : memref<1x1920xf32, #tpu.memory_space<vmem_shared>> -> memref<1920xf32, #tpu.memory_space<vmem_shared>>
      %dma_wait3A_168 = tpu.memref_slice %arg8[%run_scoped3A_123, %mul3A_122] : memref<16x30720xf32, #tpu.memory_space<vmem_shared>> -> memref<1x1920xf32, #tpu.memory_space<vmem_shared>>
      %dma_wait3A_169 = tpu.memref_squeeze %dma_wait3A_168 : memref<1x1920xf32, #tpu.memory_space<vmem_shared>> -> memref<1920xf32, #tpu.memory_space<vmem_shared>>
      tpu.wait_dma2 semaphore(%run_scoped3A_163 : memref<!tpu.dma_semaphore, #tpu.memory_space<semaphore_mem>>) src(%dma_wait3A_169 : memref<1920xf32, #tpu.memory_space<vmem_shared>>) dst(%arg7 : memref<1920xf32, #tpu.memory_space<vmem>>)
      tpu.yield
    }) : () -> ()
    %scan3A_124 = arith.constant 0 : i32
    %scan3A_125 = arith.constant 120 : i32
    %scan3A_126 = arith.addi %scan3A_124, %scan3A_125 : i32
    %scan3A_127 = arith.constant 1 : i32
    scf.for %scan3A_163 = %scan3A_124 to %scan3A_126 step %scan3A_127  : i32 {
      %mul3A_164 = arith.constant 16 : i32
      %mul3A_165 = arith.muli %scan3A_163, %mul3A_164 : i32
      %get3A = arith.index_cast %mul3A_165 : i32 to index
      %get3A_166 = tpu.vector_load %arg6[%get3A] {strides = array<i32>} : memref<1920xf32, #tpu.memory_space<vmem>>, vector<16xf32>,
      %mul3A_167 = arith.constant 16 : i32
      %mul3A_168 = arith.muli %scan3A_163, %mul3A_167 : i32
      %get3A_169 = arith.index_cast %mul3A_168 : i32 to index
      %get3A_170 = tpu.vector_load %arg7[%get3A_169] {strides = array<i32>} : memref<1920xf32, #tpu.memory_space<vmem>>, vector<16xf32>,
      %add3A_171 = arith.addf %get3A_166, %get3A_170 : vector<16xf32>
      %mul3A_172 = arith.constant 16 : i32
      %mul3A_173 = arith.muli %scan3A_163, %mul3A_172 : i32
      %swap3A = arith.index_cast %mul3A_173 : i32 to index
      %swap3A_174 = tpu.vector_load %arg6[%swap3A] {strides = array<i32>} : memref<1920xf32, #tpu.memory_space<vmem>>, vector<16xf32>,
      tpu.vector_store %arg6[%swap3A], %add3A_171 {strides = array<i32>} : memref<1920xf32, #tpu.memory_space<vmem>>, vector<16xf32>,
    }
    %scan3A_128 = arith.constant 120 : i32
    %mul3A_129 = arith.constant 1920 : i32
    %mul3A_130 = arith.muli %arg1, %mul3A_129 : i32
    %run_scoped3A_131 = arith.constant 12 : i32
    "tpu.region"() ({
      %run_scoped3A_163 = tpu.sem_alloc : memref<!tpu.dma_semaphore, #tpu.memory_space<semaphore_mem>>
      %dma_start3A = tpu.memref_slice %arg8[%run_scoped3A_131, %mul3A_130] : memref<16x30720xf32, #tpu.memory_space<vmem_shared>> -> memref<1x1920xf32, #tpu.memory_space<vmem_shared>>
      %dma_start3A_164 = tpu.memref_squeeze %dma_start3A : memref<1x1920xf32, #tpu.memory_space<vmem_shared>> -> memref<1920xf32, #tpu.memory_space<vmem_shared>>
      %dma_start3A_165 = tpu.memref_slice %arg8[%run_scoped3A_131, %mul3A_130] : memref<16x30720xf32, #tpu.memory_space<vmem_shared>> -> memref<1x1920xf32, #tpu.memory_space<vmem_shared>>
      %dma_start3A_166 = tpu.memref_squeeze %dma_start3A_165 : memref<1x1920xf32, #tpu.memory_space<vmem_shared>> -> memref<1920xf32, #tpu.memory_space<vmem_shared>>
      tpu.enqueue_dma source(%dma_start3A_166 : memref<1920xf32, #tpu.memory_space<vmem_shared>>) target(%arg7 : memref<1920xf32, #tpu.memory_space<vmem>>) target_semaphore(%run_scoped3A_163 : memref<!tpu.dma_semaphore, #tpu.memory_space<semaphore_mem>>)
      %dma_wait3A = tpu.memref_slice %arg8[%run_scoped3A_131, %mul3A_130] : memref<16x30720xf32, #tpu.memory_space<vmem_shared>> -> memref<1x1920xf32, #tpu.memory_space<vmem_shared>>
      %dma_wait3A_167 = tpu.memref_squeeze %dma_wait3A : memref<1x1920xf32, #tpu.memory_space<vmem_shared>> -> memref<1920xf32, #tpu.memory_space<vmem_shared>>
      %dma_wait3A_168 = tpu.memref_slice %arg8[%run_scoped3A_131, %mul3A_130] : memref<16x30720xf32, #tpu.memory_space<vmem_shared>> -> memref<1x1920xf32, #tpu.memory_space<vmem_shared>>
      %dma_wait3A_169 = tpu.memref_squeeze %dma_wait3A_168 : memref<1x1920xf32, #tpu.memory_space<vmem_shared>> -> memref<1920xf32, #tpu.memory_space<vmem_shared>>
      tpu.wait_dma2 semaphore(%run_scoped3A_163 : memref<!tpu.dma_semaphore, #tpu.memory_space<semaphore_mem>>) src(%dma_wait3A_169 : memref<1920xf32, #tpu.memory_space<vmem_shared>>) dst(%arg7 : memref<1920xf32, #tpu.memory_space<vmem>>)
      tpu.yield
    }) : () -> ()
    %scan3A_132 = arith.constant 0 : i32
    %scan3A_133 = arith.constant 120 : i32
    %scan3A_134 = arith.addi %scan3A_132, %scan3A_133 : i32
    %scan3A_135 = arith.constant 1 : i32
    scf.for %scan3A_163 = %scan3A_132 to %scan3A_134 step %scan3A_135  : i32 {
      %mul3A_164 = arith.constant 16 : i32
      %mul3A_165 = arith.muli %scan3A_163, %mul3A_164 : i32
      %get3A = arith.index_cast %mul3A_165 : i32 to index
      %get3A_166 = tpu.vector_load %arg6[%get3A] {strides = array<i32>} : memref<1920xf32, #tpu.memory_space<vmem>>, vector<16xf32>,
      %mul3A_167 = arith.constant 16 : i32
      %mul3A_168 = arith.muli %scan3A_163, %mul3A_167 : i32
      %get3A_169 = arith.index_cast %mul3A_168 : i32 to index
      %get3A_170 = tpu.vector_load %arg7[%get3A_169] {strides = array<i32>} : memref<1920xf32, #tpu.memory_space<vmem>>, vector<16xf32>,
      %add3A_171 = arith.addf %get3A_166, %get3A_170 : vector<16xf32>
      %mul3A_172 = arith.constant 16 : i32
      %mul3A_173 = arith.muli %scan3A_163, %mul3A_172 : i32
      %swap3A = arith.index_cast %mul3A_173 : i32 to index
      %swap3A_174 = tpu.vector_load %arg6[%swap3A] {strides = array<i32>} : memref<1920xf32, #tpu.memory_space<vmem>>, vector<16xf32>,
      tpu.vector_store %arg6[%swap3A], %add3A_171 {strides = array<i32>} : memref<1920xf32, #tpu.memory_space<vmem>>, vector<16xf32>,
    }
    %scan3A_136 = arith.constant 120 : i32
    %mul3A_137 = arith.constant 1920 : i32
    %mul3A_138 = arith.muli %arg1, %mul3A_137 : i32
    %run_scoped3A_139 = arith.constant 13 : i32
    "tpu.region"() ({
      %run_scoped3A_163 = tpu.sem_alloc : memref<!tpu.dma_semaphore, #tpu.memory_space<semaphore_mem>>
      %dma_start3A = tpu.memref_slice %arg8[%run_scoped3A_139, %mul3A_138] : memref<16x30720xf32, #tpu.memory_space<vmem_shared>> -> memref<1x1920xf32, #tpu.memory_space<vmem_shared>>
      %dma_start3A_164 = tpu.memref_squeeze %dma_start3A : memref<1x1920xf32, #tpu.memory_space<vmem_shared>> -> memref<1920xf32, #tpu.memory_space<vmem_shared>>
      %dma_start3A_165 = tpu.memref_slice %arg8[%run_scoped3A_139, %mul3A_138] : memref<16x30720xf32, #tpu.memory_space<vmem_shared>> -> memref<1x1920xf32, #tpu.memory_space<vmem_shared>>
      %dma_start3A_166 = tpu.memref_squeeze %dma_start3A_165 : memref<1x1920xf32, #tpu.memory_space<vmem_shared>> -> memref<1920xf32, #tpu.memory_space<vmem_shared>>
      tpu.enqueue_dma source(%dma_start3A_166 : memref<1920xf32, #tpu.memory_space<vmem_shared>>) target(%arg7 : memref<1920xf32, #tpu.memory_space<vmem>>) target_semaphore(%run_scoped3A_163 : memref<!tpu.dma_semaphore, #tpu.memory_space<semaphore_mem>>)
      %dma_wait3A = tpu.memref_slice %arg8[%run_scoped3A_139, %mul3A_138] : memref<16x30720xf32, #tpu.memory_space<vmem_shared>> -> memref<1x1920xf32, #tpu.memory_space<vmem_shared>>
      %dma_wait3A_167 = tpu.memref_squeeze %dma_wait3A : memref<1x1920xf32, #tpu.memory_space<vmem_shared>> -> memref<1920xf32, #tpu.memory_space<vmem_shared>>
      %dma_wait3A_168 = tpu.memref_slice %arg8[%run_scoped3A_139, %mul3A_138] : memref<16x30720xf32, #tpu.memory_space<vmem_shared>> -> memref<1x1920xf32, #tpu.memory_space<vmem_shared>>
      %dma_wait3A_169 = tpu.memref_squeeze %dma_wait3A_168 : memref<1x1920xf32, #tpu.memory_space<vmem_shared>> -> memref<1920xf32, #tpu.memory_space<vmem_shared>>
      tpu.wait_dma2 semaphore(%run_scoped3A_163 : memref<!tpu.dma_semaphore, #tpu.memory_space<semaphore_mem>>) src(%dma_wait3A_169 : memref<1920xf32, #tpu.memory_space<vmem_shared>>) dst(%arg7 : memref<1920xf32, #tpu.memory_space<vmem>>)
      tpu.yield
    }) : () -> ()
    %scan3A_140 = arith.constant 0 : i32
    %scan3A_141 = arith.constant 120 : i32
    %scan3A_142 = arith.addi %scan3A_140, %scan3A_141 : i32
    %scan3A_143 = arith.constant 1 : i32
    scf.for %scan3A_163 = %scan3A_140 to %scan3A_142 step %scan3A_143  : i32 {
      %mul3A_164 = arith.constant 16 : i32
      %mul3A_165 = arith.muli %scan3A_163, %mul3A_164 : i32
      %get3A = arith.index_cast %mul3A_165 : i32 to index
      %get3A_166 = tpu.vector_load %arg6[%get3A] {strides = array<i32>} : memref<1920xf32, #tpu.memory_space<vmem>>, vector<16xf32>,
      %mul3A_167 = arith.constant 16 : i32
      %mul3A_168 = arith.muli %scan3A_163, %mul3A_167 : i32
      %get3A_169 = arith.index_cast %mul3A_168 : i32 to index
      %get3A_170 = tpu.vector_load %arg7[%get3A_169] {strides = array<i32>} : memref<1920xf32, #tpu.memory_space<vmem>>, vector<16xf32>,
      %add3A_171 = arith.addf %get3A_166, %get3A_170 : vector<16xf32>
      %mul3A_172 = arith.constant 16 : i32
      %mul3A_173 = arith.muli %scan3A_163, %mul3A_172 : i32
      %swap3A = arith.index_cast %mul3A_173 : i32 to index
      %swap3A_174 = tpu.vector_load %arg6[%swap3A] {strides = array<i32>} : memref<1920xf32, #tpu.memory_space<vmem>>, vector<16xf32>,
      tpu.vector_store %arg6[%swap3A], %add3A_171 {strides = array<i32>} : memref<1920xf32, #tpu.memory_space<vmem>>, vector<16xf32>,
    }
    %scan3A_144 = arith.constant 120 : i32
    %mul3A_145 = arith.constant 1920 : i32
    %mul3A_146 = arith.muli %arg1, %mul3A_145 : i32
    %run_scoped3A_147 = arith.constant 14 : i32
    "tpu.region"() ({
      %run_scoped3A_163 = tpu.sem_alloc : memref<!tpu.dma_semaphore, #tpu.memory_space<semaphore_mem>>
      %dma_start3A = tpu.memref_slice %arg8[%run_scoped3A_147, %mul3A_146] : memref<16x30720xf32, #tpu.memory_space<vmem_shared>> -> memref<1x1920xf32, #tpu.memory_space<vmem_shared>>
      %dma_start3A_164 = tpu.memref_squeeze %dma_start3A : memref<1x1920xf32, #tpu.memory_space<vmem_shared>> -> memref<1920xf32, #tpu.memory_space<vmem_shared>>
      %dma_start3A_165 = tpu.memref_slice %arg8[%run_scoped3A_147, %mul3A_146] : memref<16x30720xf32, #tpu.memory_space<vmem_shared>> -> memref<1x1920xf32, #tpu.memory_space<vmem_shared>>
      %dma_start3A_166 = tpu.memref_squeeze %dma_start3A_165 : memref<1x1920xf32, #tpu.memory_space<vmem_shared>> -> memref<1920xf32, #tpu.memory_space<vmem_shared>>
      tpu.enqueue_dma source(%dma_start3A_166 : memref<1920xf32, #tpu.memory_space<vmem_shared>>) target(%arg7 : memref<1920xf32, #tpu.memory_space<vmem>>) target_semaphore(%run_scoped3A_163 : memref<!tpu.dma_semaphore, #tpu.memory_space<semaphore_mem>>)
      %dma_wait3A = tpu.memref_slice %arg8[%run_scoped3A_147, %mul3A_146] : memref<16x30720xf32, #tpu.memory_space<vmem_shared>> -> memref<1x1920xf32, #tpu.memory_space<vmem_shared>>
      %dma_wait3A_167 = tpu.memref_squeeze %dma_wait3A : memref<1x1920xf32, #tpu.memory_space<vmem_shared>> -> memref<1920xf32, #tpu.memory_space<vmem_shared>>
      %dma_wait3A_168 = tpu.memref_slice %arg8[%run_scoped3A_147, %mul3A_146] : memref<16x30720xf32, #tpu.memory_space<vmem_shared>> -> memref<1x1920xf32, #tpu.memory_space<vmem_shared>>
      %dma_wait3A_169 = tpu.memref_squeeze %dma_wait3A_168 : memref<1x1920xf32, #tpu.memory_space<vmem_shared>> -> memref<1920xf32, #tpu.memory_space<vmem_shared>>
      tpu.wait_dma2 semaphore(%run_scoped3A_163 : memref<!tpu.dma_semaphore, #tpu.memory_space<semaphore_mem>>) src(%dma_wait3A_169 : memref<1920xf32, #tpu.memory_space<vmem_shared>>) dst(%arg7 : memref<1920xf32, #tpu.memory_space<vmem>>)
      tpu.yield
    }) : () -> ()
    %scan3A_148 = arith.constant 0 : i32
    %scan3A_149 = arith.constant 120 : i32
    %scan3A_150 = arith.addi %scan3A_148, %scan3A_149 : i32
    %scan3A_151 = arith.constant 1 : i32
    scf.for %scan3A_163 = %scan3A_148 to %scan3A_150 step %scan3A_151  : i32 {
      %mul3A_164 = arith.constant 16 : i32
      %mul3A_165 = arith.muli %scan3A_163, %mul3A_164 : i32
      %get3A = arith.index_cast %mul3A_165 : i32 to index
      %get3A_166 = tpu.vector_load %arg6[%get3A] {strides = array<i32>} : memref<1920xf32, #tpu.memory_space<vmem>>, vector<16xf32>,
      %mul3A_167 = arith.constant 16 : i32
      %mul3A_168 = arith.muli %scan3A_163, %mul3A_167 : i32
      %get3A_169 = arith.index_cast %mul3A_168 : i32 to index
      %get3A_170 = tpu.vector_load %arg7[%get3A_169] {strides = array<i32>} : memref<1920xf32, #tpu.memory_space<vmem>>, vector<16xf32>,
      %add3A_171 = arith.addf %get3A_166, %get3A_170 : vector<16xf32>
      %mul3A_172 = arith.constant 16 : i32
      %mul3A_173 = arith.muli %scan3A_163, %mul3A_172 : i32
      %swap3A = arith.index_cast %mul3A_173 : i32 to index
      %swap3A_174 = tpu.vector_load %arg6[%swap3A] {strides = array<i32>} : memref<1920xf32, #tpu.memory_space<vmem>>, vector<16xf32>,
      tpu.vector_store %arg6[%swap3A], %add3A_171 {strides = array<i32>} : memref<1920xf32, #tpu.memory_space<vmem>>, vector<16xf32>,
    }
    %scan3A_152 = arith.constant 120 : i32
    %mul3A_153 = arith.constant 1920 : i32
    %mul3A_154 = arith.muli %arg1, %mul3A_153 : i32
    %run_scoped3A_155 = arith.constant 15 : i32
    "tpu.region"() ({
      %run_scoped3A_163 = tpu.sem_alloc : memref<!tpu.dma_semaphore, #tpu.memory_space<semaphore_mem>>
      %dma_start3A = tpu.memref_slice %arg8[%run_scoped3A_155, %mul3A_154] : memref<16x30720xf32, #tpu.memory_space<vmem_shared>> -> memref<1x1920xf32, #tpu.memory_space<vmem_shared>>
      %dma_start3A_164 = tpu.memref_squeeze %dma_start3A : memref<1x1920xf32, #tpu.memory_space<vmem_shared>> -> memref<1920xf32, #tpu.memory_space<vmem_shared>>
      %dma_start3A_165 = tpu.memref_slice %arg8[%run_scoped3A_155, %mul3A_154] : memref<16x30720xf32, #tpu.memory_space<vmem_shared>> -> memref<1x1920xf32, #tpu.memory_space<vmem_shared>>
      %dma_start3A_166 = tpu.memref_squeeze %dma_start3A_165 : memref<1x1920xf32, #tpu.memory_space<vmem_shared>> -> memref<1920xf32, #tpu.memory_space<vmem_shared>>
      tpu.enqueue_dma source(%dma_start3A_166 : memref<1920xf32, #tpu.memory_space<vmem_shared>>) target(%arg7 : memref<1920xf32, #tpu.memory_space<vmem>>) target_semaphore(%run_scoped3A_163 : memref<!tpu.dma_semaphore, #tpu.memory_space<semaphore_mem>>)
      %dma_wait3A = tpu.memref_slice %arg8[%run_scoped3A_155, %mul3A_154] : memref<16x30720xf32, #tpu.memory_space<vmem_shared>> -> memref<1x1920xf32, #tpu.memory_space<vmem_shared>>
      %dma_wait3A_167 = tpu.memref_squeeze %dma_wait3A : memref<1x1920xf32, #tpu.memory_space<vmem_shared>> -> memref<1920xf32, #tpu.memory_space<vmem_shared>>
      %dma_wait3A_168 = tpu.memref_slice %arg8[%run_scoped3A_155, %mul3A_154] : memref<16x30720xf32, #tpu.memory_space<vmem_shared>> -> memref<1x1920xf32, #tpu.memory_space<vmem_shared>>
      %dma_wait3A_169 = tpu.memref_squeeze %dma_wait3A_168 : memref<1x1920xf32, #tpu.memory_space<vmem_shared>> -> memref<1920xf32, #tpu.memory_space<vmem_shared>>
      tpu.wait_dma2 semaphore(%run_scoped3A_163 : memref<!tpu.dma_semaphore, #tpu.memory_space<semaphore_mem>>) src(%dma_wait3A_169 : memref<1920xf32, #tpu.memory_space<vmem_shared>>) dst(%arg7 : memref<1920xf32, #tpu.memory_space<vmem>>)
      tpu.yield
    }) : () -> ()
    %scan3A_156 = arith.constant 0 : i32
    %scan3A_157 = arith.constant 120 : i32
    %scan3A_158 = arith.addi %scan3A_156, %scan3A_157 : i32
    %scan3A_159 = arith.constant 1 : i32
    scf.for %scan3A_163 = %scan3A_156 to %scan3A_158 step %scan3A_159  : i32 {
      %mul3A_164 = arith.constant 16 : i32
      %mul3A_165 = arith.muli %scan3A_163, %mul3A_164 : i32
      %get3A = arith.index_cast %mul3A_165 : i32 to index
      %get3A_166 = tpu.vector_load %arg6[%get3A] {strides = array<i32>} : memref<1920xf32, #tpu.memory_space<vmem>>, vector<16xf32>,
      %mul3A_167 = arith.constant 16 : i32
      %mul3A_168 = arith.muli %scan3A_163, %mul3A_167 : i32
      %get3A_169 = arith.index_cast %mul3A_168 : i32 to index
      %get3A_170 = tpu.vector_load %arg7[%get3A_169] {strides = array<i32>} : memref<1920xf32, #tpu.memory_space<vmem>>, vector<16xf32>,
      %add3A_171 = arith.addf %get3A_166, %get3A_170 : vector<16xf32>
      %mul3A_172 = arith.constant 16 : i32
      %mul3A_173 = arith.muli %scan3A_163, %mul3A_172 : i32
      %swap3A = arith.index_cast %mul3A_173 : i32 to index
      %swap3A_174 = tpu.vector_load %arg6[%swap3A] {strides = array<i32>} : memref<1920xf32, #tpu.memory_space<vmem>>, vector<16xf32>,
      tpu.vector_store %arg6[%swap3A], %add3A_171 {strides = array<i32>} : memref<1920xf32, #tpu.memory_space<vmem>>, vector<16xf32>,
    }
    %scan3A_160 = arith.constant 120 : i32
    %mul3A_161 = arith.constant 1920 : i32
    %mul3A_162 = arith.muli %arg1, %mul3A_161 : i32
    "tpu.region"() ({
      %run_scoped3A_163 = tpu.sem_alloc : memref<!tpu.dma_semaphore, #tpu.memory_space<semaphore_mem>>
      %dma_start3A = tpu.memref_slice %arg3[%arg0, %mul3A_162] : memref<2x30720xf32, #tpu.memory_space<hbm>> -> memref<1x1920xf32, #tpu.memory_space<hbm>>
      %dma_start3A_164 = tpu.memref_squeeze %dma_start3A : memref<1x1920xf32, #tpu.memory_space<hbm>> -> memref<1920xf32, #tpu.memory_space<hbm>>
      %dma_start3A_165 = tpu.memref_slice %arg3[%arg0, %mul3A_162] : memref<2x30720xf32, #tpu.memory_space<hbm>> -> memref<1x1920xf32, #tpu.memory_space<hbm>>
      %dma_start3A_166 = tpu.memref_squeeze %dma_start3A_165 : memref<1x1920xf32, #tpu.memory_space<hbm>> -> memref<1920xf32, #tpu.memory_space<hbm>>
      tpu.enqueue_dma source(%arg6 : memref<1920xf32, #tpu.memory_space<vmem>>) target(%dma_start3A_166 : memref<1920xf32, #tpu.memory_space<hbm>>) target_semaphore(%run_scoped3A_163 : memref<!tpu.dma_semaphore, #tpu.memory_space<semaphore_mem>>)
      %dma_wait3A = tpu.memref_slice %arg3[%arg0, %mul3A_162] : memref<2x30720xf32, #tpu.memory_space<hbm>> -> memref<1x1920xf32, #tpu.memory_space<hbm>>
      %dma_wait3A_167 = tpu.memref_squeeze %dma_wait3A : memref<1x1920xf32, #tpu.memory_space<hbm>> -> memref<1920xf32, #tpu.memory_space<hbm>>
      %dma_wait3A_168 = tpu.memref_slice %arg3[%arg0, %mul3A_162] : memref<2x30720xf32, #tpu.memory_space<hbm>> -> memref<1x1920xf32, #tpu.memory_space<hbm>>
      %dma_wait3A_169 = tpu.memref_squeeze %dma_wait3A_168 : memref<1x1920xf32, #tpu.memory_space<hbm>> -> memref<1920xf32, #tpu.memory_space<hbm>>
      tpu.wait_dma2 semaphore(%run_scoped3A_163 : memref<!tpu.dma_semaphore, #tpu.memory_space<semaphore_mem>>) src(%arg6 : memref<1920xf32, #tpu.memory_space<vmem>>) dst(%dma_wait3A_169 : memref<1920xf32, #tpu.memory_space<hbm>>)
      tpu.yield
    }) : () -> ()
    return
  }
}

#map = affine_map<(d0, d1) -> (0, 0, 0, 0, 0)>
#map1 = affine_map<(d0, d1) -> (0, 0)>
#map2 = affine_map<(d0, d1) -> (0, 0, 0, 0)>
module attributes {stable_mosaic.version = 14 : i64} {
  func.func @gcn_scatter_sc(%arg0: i32, %arg1: i32, %arg2: memref<3x32x84x3x40xi32, #tpu.memory_space<hbm>>, %arg3: memref<3x32x84x3x40xi32, #tpu.memory_space<hbm>>, %arg4: memref<640x128xf32, #tpu.memory_space<hbm>>, %arg5: memref<10000x128xf32, #tpu.memory_space<hbm>>, %arg6: memref<10000x128xf32, #tpu.memory_space<hbm>>, %arg7: memref<10000x128xf32, #tpu.memory_space<hbm>>, %arg8: memref<3x2x10240x128xf32, #tpu.memory_space<hbm>>, %arg9: memref<3x3x40xi32, #tpu.memory_space<vmem>>, %arg10: memref<3x3x40xi32, #tpu.memory_space<vmem>>, %arg11: memref<2x3x40x128xf32, #tpu.memory_space<vmem>>, %arg12: memref<!tpu.dma_semaphore, #tpu.memory_space<semaphore_mem>>, %arg13: memref<!tpu.dma_semaphore, #tpu.memory_space<semaphore_mem>>, %arg14: memref<!tpu.dma_semaphore, #tpu.memory_space<semaphore_mem>>, %arg15: memref<10240x128xf32, #tpu.memory_space<vmem_shared>>) attributes {dimension_semantics = [#tpu.dimension_semantics<core_parallel>, #tpu.dimension_semantics<subcore_parallel>], iteration_bounds = array<i64: 2, 16>, scalar_prefetch = 0 : i64, scratch_operands = 7 : i64, tpu.core_type = #tpu.core_type<sc_vector_subcore>, window_params = [{transform_indices = #map}, {transform_indices = #map}, {transform_indices = #map1}, {transform_indices = #map1}, {transform_indices = #map1}, {transform_indices = #map1}, {transform_indices = #map2}]} {
    %mul3A = arith.constant 16 : i32
    %mul3A_0 = arith.muli %arg0, %mul3A : i32
    %add3A = arith.addi %mul3A_0, %arg1 : i32
    %mul3A_1 = arith.constant 640 : i32
    %mul3A_2 = arith.muli %arg1, %mul3A_1 : i32
    "tpu.region"() ({
      %run_scoped3A_1561 = tpu.sem_alloc : memref<!tpu.dma_semaphore, #tpu.memory_space<semaphore_mem>>
      %dma_start3A_1562 = arith.constant 0 : i32
      %dma_start3A_1563 = tpu.memref_slice %arg15[%mul3A_2, %dma_start3A_1562] : memref<10240x128xf32, #tpu.memory_space<vmem_shared>> -> memref<640x128xf32, #tpu.memory_space<vmem_shared>>
      tpu.enqueue_dma source(%arg4 : memref<640x128xf32, #tpu.memory_space<hbm>>) target(%dma_start3A_1563 : memref<640x128xf32, #tpu.memory_space<vmem_shared>>) target_semaphore(%run_scoped3A_1561 : memref<!tpu.dma_semaphore, #tpu.memory_space<semaphore_mem>>)
      %dma_wait3A_1564 = arith.constant 0 : i32
      %dma_wait3A_1565 = tpu.memref_slice %arg15[%mul3A_2, %dma_wait3A_1564] : memref<10240x128xf32, #tpu.memory_space<vmem_shared>> -> memref<640x128xf32, #tpu.memory_space<vmem_shared>>
      tpu.wait_dma2 semaphore(%run_scoped3A_1561 : memref<!tpu.dma_semaphore, #tpu.memory_space<semaphore_mem>>) src(%arg4 : memref<640x128xf32, #tpu.memory_space<hbm>>) dst(%dma_wait3A_1565 : memref<640x128xf32, #tpu.memory_space<vmem_shared>>)
      tpu.yield
    }) : () -> ()
    %barrier3A = arith.constant 0 : index
    tpu.barrier barrier_id(%barrier3A)
    %dma_start3A = arith.constant 0 : i32
    %dma_start3A_3 = arith.constant 0 : i32
    %dma_start3A_4 = arith.constant 0 : i32
    %dma_start3A_5 = arith.constant 0 : i32
    %dma_start3A_6 = arith.constant 0 : i32
    %dma_start3A_7 = tpu.memref_slice %arg9[%dma_start3A_4, %dma_start3A_5, %dma_start3A_6] : memref<3x3x40xi32, #tpu.memory_space<vmem>> -> memref<1x3x40xi32, #tpu.memory_space<vmem>>
    %dma_start3A_8 = tpu.memref_squeeze %dma_start3A_7 : memref<1x3x40xi32, #tpu.memory_space<vmem>> -> memref<3x40xi32, #tpu.memory_space<vmem>>
    %dma_start3A_9 = arith.constant 0 : i32
    %dma_start3A_10 = arith.constant 0 : i32
    %dma_start3A_11 = tpu.memref_slice %arg2[%dma_start3A, %add3A, %dma_start3A_3, %dma_start3A_9, %dma_start3A_10] : memref<3x32x84x3x40xi32, #tpu.memory_space<hbm>> -> memref<1x1x1x3x40xi32, #tpu.memory_space<hbm>>
    %dma_start3A_12 = tpu.memref_squeeze %dma_start3A_11 : memref<1x1x1x3x40xi32, #tpu.memory_space<hbm>> -> memref<3x40xi32, #tpu.memory_space<hbm>>
    %dma_start3A_13 = arith.constant 0 : i32
    %dma_start3A_14 = arith.constant 0 : i32
    %dma_start3A_15 = tpu.memref_slice %arg9[%dma_start3A_4, %dma_start3A_13, %dma_start3A_14] : memref<3x3x40xi32, #tpu.memory_space<vmem>> -> memref<1x3x40xi32, #tpu.memory_space<vmem>>
    %dma_start3A_16 = tpu.memref_squeeze %dma_start3A_15 : memref<1x3x40xi32, #tpu.memory_space<vmem>> -> memref<3x40xi32, #tpu.memory_space<vmem>>
    %dma_start3A_17 = arith.constant 0 : i32
    %dma_start3A_18 = arith.constant 0 : i32
    %dma_start3A_19 = tpu.memref_slice %arg2[%dma_start3A, %add3A, %dma_start3A_3, %dma_start3A_17, %dma_start3A_18] : memref<3x32x84x3x40xi32, #tpu.memory_space<hbm>> -> memref<1x1x1x3x40xi32, #tpu.memory_space<hbm>>
    %dma_start3A_20 = tpu.memref_squeeze %dma_start3A_19 : memref<1x1x1x3x40xi32, #tpu.memory_space<hbm>> -> memref<3x40xi32, #tpu.memory_space<hbm>>
    tpu.enqueue_dma source(%dma_start3A_20 : memref<3x40xi32, #tpu.memory_space<hbm>>) target(%dma_start3A_16 : memref<3x40xi32, #tpu.memory_space<vmem>>) target_semaphore(%arg12 : memref<!tpu.dma_semaphore, #tpu.memory_space<semaphore_mem>>)
    %dma_start3A_21 = arith.constant 0 : i32
    %dma_start3A_22 = arith.constant 0 : i32
    %dma_start3A_23 = arith.constant 0 : i32
    %dma_start3A_24 = arith.constant 0 : i32
    %dma_start3A_25 = arith.constant 0 : i32
    %dma_start3A_26 = tpu.memref_slice %arg10[%dma_start3A_23, %dma_start3A_24, %dma_start3A_25] : memref<3x3x40xi32, #tpu.memory_space<vmem>> -> memref<1x3x40xi32, #tpu.memory_space<vmem>>
    %dma_start3A_27 = tpu.memref_squeeze %dma_start3A_26 : memref<1x3x40xi32, #tpu.memory_space<vmem>> -> memref<3x40xi32, #tpu.memory_space<vmem>>
    %dma_start3A_28 = arith.constant 0 : i32
    %dma_start3A_29 = arith.constant 0 : i32
    %dma_start3A_30 = tpu.memref_slice %arg3[%dma_start3A_21, %add3A, %dma_start3A_22, %dma_start3A_28, %dma_start3A_29] : memref<3x32x84x3x40xi32, #tpu.memory_space<hbm>> -> memref<1x1x1x3x40xi32, #tpu.memory_space<hbm>>
    %dma_start3A_31 = tpu.memref_squeeze %dma_start3A_30 : memref<1x1x1x3x40xi32, #tpu.memory_space<hbm>> -> memref<3x40xi32, #tpu.memory_space<hbm>>
    %dma_start3A_32 = arith.constant 0 : i32
    %dma_start3A_33 = arith.constant 0 : i32
    %dma_start3A_34 = tpu.memref_slice %arg10[%dma_start3A_23, %dma_start3A_32, %dma_start3A_33] : memref<3x3x40xi32, #tpu.memory_space<vmem>> -> memref<1x3x40xi32, #tpu.memory_space<vmem>>
    %dma_start3A_35 = tpu.memref_squeeze %dma_start3A_34 : memref<1x3x40xi32, #tpu.memory_space<vmem>> -> memref<3x40xi32, #tpu.memory_space<vmem>>
    %dma_start3A_36 = arith.constant 0 : i32
    %dma_start3A_37 = arith.constant 0 : i32
    %dma_start3A_38 = tpu.memref_slice %arg3[%dma_start3A_21, %add3A, %dma_start3A_22, %dma_start3A_36, %dma_start3A_37] : memref<3x32x84x3x40xi32, #tpu.memory_space<hbm>> -> memref<1x1x1x3x40xi32, #tpu.memory_space<hbm>>
    %dma_start3A_39 = tpu.memref_squeeze %dma_start3A_38 : memref<1x1x1x3x40xi32, #tpu.memory_space<hbm>> -> memref<3x40xi32, #tpu.memory_space<hbm>>
    tpu.enqueue_dma source(%dma_start3A_39 : memref<3x40xi32, #tpu.memory_space<hbm>>) target(%dma_start3A_35 : memref<3x40xi32, #tpu.memory_space<vmem>>) target_semaphore(%arg12 : memref<!tpu.dma_semaphore, #tpu.memory_space<semaphore_mem>>)
    %dma_start3A_40 = arith.constant 0 : i32
    %dma_start3A_41 = arith.constant 1 : i32
    %dma_start3A_42 = arith.constant 1 : i32
    %dma_start3A_43 = arith.constant 0 : i32
    %dma_start3A_44 = arith.constant 0 : i32
    %dma_start3A_45 = tpu.memref_slice %arg9[%dma_start3A_42, %dma_start3A_43, %dma_start3A_44] : memref<3x3x40xi32, #tpu.memory_space<vmem>> -> memref<1x3x40xi32, #tpu.memory_space<vmem>>
    %dma_start3A_46 = tpu.memref_squeeze %dma_start3A_45 : memref<1x3x40xi32, #tpu.memory_space<vmem>> -> memref<3x40xi32, #tpu.memory_space<vmem>>
    %dma_start3A_47 = arith.constant 0 : i32
    %dma_start3A_48 = arith.constant 0 : i32
    %dma_start3A_49 = tpu.memref_slice %arg2[%dma_start3A_40, %add3A, %dma_start3A_41, %dma_start3A_47, %dma_start3A_48] : memref<3x32x84x3x40xi32, #tpu.memory_space<hbm>> -> memref<1x1x1x3x40xi32, #tpu.memory_space<hbm>>
    %dma_start3A_50 = tpu.memref_squeeze %dma_start3A_49 : memref<1x1x1x3x40xi32, #tpu.memory_space<hbm>> -> memref<3x40xi32, #tpu.memory_space<hbm>>
    %dma_start3A_51 = arith.constant 0 : i32
    %dma_start3A_52 = arith.constant 0 : i32
    %dma_start3A_53 = tpu.memref_slice %arg9[%dma_start3A_42, %dma_start3A_51, %dma_start3A_52] : memref<3x3x40xi32, #tpu.memory_space<vmem>> -> memref<1x3x40xi32, #tpu.memory_space<vmem>>
    %dma_start3A_54 = tpu.memref_squeeze %dma_start3A_53 : memref<1x3x40xi32, #tpu.memory_space<vmem>> -> memref<3x40xi32, #tpu.memory_space<vmem>>
    %dma_start3A_55 = arith.constant 0 : i32
    %dma_start3A_56 = arith.constant 0 : i32
    %dma_start3A_57 = tpu.memref_slice %arg2[%dma_start3A_40, %add3A, %dma_start3A_41, %dma_start3A_55, %dma_start3A_56] : memref<3x32x84x3x40xi32, #tpu.memory_space<hbm>> -> memref<1x1x1x3x40xi32, #tpu.memory_space<hbm>>
    %dma_start3A_58 = tpu.memref_squeeze %dma_start3A_57 : memref<1x1x1x3x40xi32, #tpu.memory_space<hbm>> -> memref<3x40xi32, #tpu.memory_space<hbm>>
    tpu.enqueue_dma source(%dma_start3A_58 : memref<3x40xi32, #tpu.memory_space<hbm>>) target(%dma_start3A_54 : memref<3x40xi32, #tpu.memory_space<vmem>>) target_semaphore(%arg12 : memref<!tpu.dma_semaphore, #tpu.memory_space<semaphore_mem>>)
    %dma_start3A_59 = arith.constant 0 : i32
    %dma_start3A_60 = arith.constant 1 : i32
    %dma_start3A_61 = arith.constant 1 : i32
    %dma_start3A_62 = arith.constant 0 : i32
    %dma_start3A_63 = arith.constant 0 : i32
    %dma_start3A_64 = tpu.memref_slice %arg10[%dma_start3A_61, %dma_start3A_62, %dma_start3A_63] : memref<3x3x40xi32, #tpu.memory_space<vmem>> -> memref<1x3x40xi32, #tpu.memory_space<vmem>>
    %dma_start3A_65 = tpu.memref_squeeze %dma_start3A_64 : memref<1x3x40xi32, #tpu.memory_space<vmem>> -> memref<3x40xi32, #tpu.memory_space<vmem>>
    %dma_start3A_66 = arith.constant 0 : i32
    %dma_start3A_67 = arith.constant 0 : i32
    %dma_start3A_68 = tpu.memref_slice %arg3[%dma_start3A_59, %add3A, %dma_start3A_60, %dma_start3A_66, %dma_start3A_67] : memref<3x32x84x3x40xi32, #tpu.memory_space<hbm>> -> memref<1x1x1x3x40xi32, #tpu.memory_space<hbm>>
    %dma_start3A_69 = tpu.memref_squeeze %dma_start3A_68 : memref<1x1x1x3x40xi32, #tpu.memory_space<hbm>> -> memref<3x40xi32, #tpu.memory_space<hbm>>
    %dma_start3A_70 = arith.constant 0 : i32
    %dma_start3A_71 = arith.constant 0 : i32
    %dma_start3A_72 = tpu.memref_slice %arg10[%dma_start3A_61, %dma_start3A_70, %dma_start3A_71] : memref<3x3x40xi32, #tpu.memory_space<vmem>> -> memref<1x3x40xi32, #tpu.memory_space<vmem>>
    %dma_start3A_73 = tpu.memref_squeeze %dma_start3A_72 : memref<1x3x40xi32, #tpu.memory_space<vmem>> -> memref<3x40xi32, #tpu.memory_space<vmem>>
    %dma_start3A_74 = arith.constant 0 : i32
    %dma_start3A_75 = arith.constant 0 : i32
    %dma_start3A_76 = tpu.memref_slice %arg3[%dma_start3A_59, %add3A, %dma_start3A_60, %dma_start3A_74, %dma_start3A_75] : memref<3x32x84x3x40xi32, #tpu.memory_space<hbm>> -> memref<1x1x1x3x40xi32, #tpu.memory_space<hbm>>
    %dma_start3A_77 = tpu.memref_squeeze %dma_start3A_76 : memref<1x1x1x3x40xi32, #tpu.memory_space<hbm>> -> memref<3x40xi32, #tpu.memory_space<hbm>>
    tpu.enqueue_dma source(%dma_start3A_77 : memref<3x40xi32, #tpu.memory_space<hbm>>) target(%dma_start3A_73 : memref<3x40xi32, #tpu.memory_space<vmem>>) target_semaphore(%arg12 : memref<!tpu.dma_semaphore, #tpu.memory_space<semaphore_mem>>)
    %dma_wait3A = arith.constant 0 : i32
    %dma_wait3A_78 = arith.constant 0 : i32
    %dma_wait3A_79 = arith.constant 0 : i32
    %dma_wait3A_80 = arith.constant 0 : i32
    %dma_wait3A_81 = arith.constant 0 : i32
    %dma_wait3A_82 = arith.constant 0 : i32
    %dma_wait3A_83 = tpu.memref_slice %arg9[%dma_wait3A_80, %dma_wait3A_81, %dma_wait3A_82] : memref<3x3x40xi32, #tpu.memory_space<vmem>> -> memref<1x3x40xi32, #tpu.memory_space<vmem>>
    %dma_wait3A_84 = tpu.memref_squeeze %dma_wait3A_83 : memref<1x3x40xi32, #tpu.memory_space<vmem>> -> memref<3x40xi32, #tpu.memory_space<vmem>>
    %dma_wait3A_85 = arith.constant 0 : i32
    %dma_wait3A_86 = arith.constant 0 : i32
    %dma_wait3A_87 = tpu.memref_slice %arg2[%dma_wait3A, %dma_wait3A_78, %dma_wait3A_79, %dma_wait3A_85, %dma_wait3A_86] : memref<3x32x84x3x40xi32, #tpu.memory_space<hbm>> -> memref<1x1x1x3x40xi32, #tpu.memory_space<hbm>>
    %dma_wait3A_88 = tpu.memref_squeeze %dma_wait3A_87 : memref<1x1x1x3x40xi32, #tpu.memory_space<hbm>> -> memref<3x40xi32, #tpu.memory_space<hbm>>
    %dma_wait3A_89 = arith.constant 0 : i32
    %dma_wait3A_90 = arith.constant 0 : i32
    %dma_wait3A_91 = tpu.memref_slice %arg9[%dma_wait3A_80, %dma_wait3A_89, %dma_wait3A_90] : memref<3x3x40xi32, #tpu.memory_space<vmem>> -> memref<1x3x40xi32, #tpu.memory_space<vmem>>
    %dma_wait3A_92 = tpu.memref_squeeze %dma_wait3A_91 : memref<1x3x40xi32, #tpu.memory_space<vmem>> -> memref<3x40xi32, #tpu.memory_space<vmem>>
    %dma_wait3A_93 = arith.constant 0 : i32
    %dma_wait3A_94 = arith.constant 0 : i32
    %dma_wait3A_95 = tpu.memref_slice %arg2[%dma_wait3A, %dma_wait3A_78, %dma_wait3A_79, %dma_wait3A_93, %dma_wait3A_94] : memref<3x32x84x3x40xi32, #tpu.memory_space<hbm>> -> memref<1x1x1x3x40xi32, #tpu.memory_space<hbm>>
    %dma_wait3A_96 = tpu.memref_squeeze %dma_wait3A_95 : memref<1x1x1x3x40xi32, #tpu.memory_space<hbm>> -> memref<3x40xi32, #tpu.memory_space<hbm>>
    tpu.wait_dma2 semaphore(%arg12 : memref<!tpu.dma_semaphore, #tpu.memory_space<semaphore_mem>>) src(%dma_wait3A_96 : memref<3x40xi32, #tpu.memory_space<hbm>>) dst(%dma_wait3A_92 : memref<3x40xi32, #tpu.memory_space<vmem>>)
    %dma_wait3A_97 = arith.constant 0 : i32
    %dma_wait3A_98 = arith.constant 0 : i32
    %dma_wait3A_99 = arith.constant 0 : i32
    %dma_wait3A_100 = arith.constant 0 : i32
    %dma_wait3A_101 = arith.constant 0 : i32
    %dma_wait3A_102 = arith.constant 0 : i32
    %dma_wait3A_103 = tpu.memref_slice %arg10[%dma_wait3A_100, %dma_wait3A_101, %dma_wait3A_102] : memref<3x3x40xi32, #tpu.memory_space<vmem>> -> memref<1x3x40xi32, #tpu.memory_space<vmem>>
    %dma_wait3A_104 = tpu.memref_squeeze %dma_wait3A_103 : memref<1x3x40xi32, #tpu.memory_space<vmem>> -> memref<3x40xi32, #tpu.memory_space<vmem>>
    %dma_wait3A_105 = arith.constant 0 : i32
    %dma_wait3A_106 = arith.constant 0 : i32
    %dma_wait3A_107 = tpu.memref_slice %arg3[%dma_wait3A_97, %dma_wait3A_98, %dma_wait3A_99, %dma_wait3A_105, %dma_wait3A_106] : memref<3x32x84x3x40xi32, #tpu.memory_space<hbm>> -> memref<1x1x1x3x40xi32, #tpu.memory_space<hbm>>
    %dma_wait3A_108 = tpu.memref_squeeze %dma_wait3A_107 : memref<1x1x1x3x40xi32, #tpu.memory_space<hbm>> -> memref<3x40xi32, #tpu.memory_space<hbm>>
    %dma_wait3A_109 = arith.constant 0 : i32
    %dma_wait3A_110 = arith.constant 0 : i32
    %dma_wait3A_111 = tpu.memref_slice %arg10[%dma_wait3A_100, %dma_wait3A_109, %dma_wait3A_110] : memref<3x3x40xi32, #tpu.memory_space<vmem>> -> memref<1x3x40xi32, #tpu.memory_space<vmem>>
    %dma_wait3A_112 = tpu.memref_squeeze %dma_wait3A_111 : memref<1x3x40xi32, #tpu.memory_space<vmem>> -> memref<3x40xi32, #tpu.memory_space<vmem>>
    %dma_wait3A_113 = arith.constant 0 : i32
    %dma_wait3A_114 = arith.constant 0 : i32
    %dma_wait3A_115 = tpu.memref_slice %arg3[%dma_wait3A_97, %dma_wait3A_98, %dma_wait3A_99, %dma_wait3A_113, %dma_wait3A_114] : memref<3x32x84x3x40xi32, #tpu.memory_space<hbm>> -> memref<1x1x1x3x40xi32, #tpu.memory_space<hbm>>
    %dma_wait3A_116 = tpu.memref_squeeze %dma_wait3A_115 : memref<1x1x1x3x40xi32, #tpu.memory_space<hbm>> -> memref<3x40xi32, #tpu.memory_space<hbm>>
    tpu.wait_dma2 semaphore(%arg12 : memref<!tpu.dma_semaphore, #tpu.memory_space<semaphore_mem>>) src(%dma_wait3A_116 : memref<3x40xi32, #tpu.memory_space<hbm>>) dst(%dma_wait3A_112 : memref<3x40xi32, #tpu.memory_space<vmem>>)
    %dma_start3A_117 = arith.constant 0 : i32
    %dma_start3A_118 = arith.constant 0 : i32
    %dma_start3A_119 = arith.constant 0 : i32
    %dma_start3A_120 = arith.constant 0 : i32
    %dma_start3A_121 = arith.constant 0 : i32
    %dma_start3A_122 = arith.constant 0 : i32
    %dma_start3A_123 = tpu.memref_slice %arg11[%dma_start3A_119, %dma_start3A_120, %dma_start3A_121, %dma_start3A_122] : memref<2x3x40x128xf32, #tpu.memory_space<vmem>> -> memref<1x1x40x128xf32, #tpu.memory_space<vmem>>
    %dma_start3A_124 = tpu.memref_squeeze %dma_start3A_123 : memref<1x1x40x128xf32, #tpu.memory_space<vmem>> -> memref<40x128xf32, #tpu.memory_space<vmem>>
    %dma_start3A_125 = arith.constant 0 : i32
    %dma_start3A_126 = tpu.memref_slice %arg9[%dma_start3A_117, %dma_start3A_118, %dma_start3A_125] : memref<3x3x40xi32, #tpu.memory_space<vmem>> -> memref<1x1x40xi32, #tpu.memory_space<vmem>>
    %dma_start3A_127 = tpu.memref_squeeze %dma_start3A_126 : memref<1x1x40xi32, #tpu.memory_space<vmem>> -> memref<40xi32, #tpu.memory_space<vmem>>
    %dma_start3A_128 = arith.constant 0 : i32
    %dma_start3A_129 = arith.constant 0 : i32
    %dma_start3A_130 = tpu.memref_slice %arg5[%dma_start3A_128, %dma_start3A_129] : memref<10000x128xf32, #tpu.memory_space<hbm>> -> memref<10000x128xf32, #tpu.memory_space<hbm>>
    tpu.enqueue_indirect_dma source(%dma_start3A_130 : memref<10000x128xf32, #tpu.memory_space<hbm>>) target(%dma_start3A_124 : memref<40x128xf32, #tpu.memory_space<vmem>>) offsets(%dma_start3A_127 : memref<40xi32, #tpu.memory_space<vmem>>) semaphore(%arg13 : memref<!tpu.dma_semaphore, #tpu.memory_space<semaphore_mem>>)
    %dma_start3A_131 = arith.constant 0 : i32
    %dma_start3A_132 = arith.constant 1 : i32
    %dma_start3A_133 = arith.constant 0 : i32
    %dma_start3A_134 = arith.constant 1 : i32
    %dma_start3A_135 = arith.constant 0 : i32
    %dma_start3A_136 = arith.constant 0 : i32
    %dma_start3A_137 = tpu.memref_slice %arg11[%dma_start3A_133, %dma_start3A_134, %dma_start3A_135, %dma_start3A_136] : memref<2x3x40x128xf32, #tpu.memory_space<vmem>> -> memref<1x1x40x128xf32, #tpu.memory_space<vmem>>
    %dma_start3A_138 = tpu.memref_squeeze %dma_start3A_137 : memref<1x1x40x128xf32, #tpu.memory_space<vmem>> -> memref<40x128xf32, #tpu.memory_space<vmem>>
    %dma_start3A_139 = arith.constant 0 : i32
    %dma_start3A_140 = tpu.memref_slice %arg9[%dma_start3A_131, %dma_start3A_132, %dma_start3A_139] : memref<3x3x40xi32, #tpu.memory_space<vmem>> -> memref<1x1x40xi32, #tpu.memory_space<vmem>>
    %dma_start3A_141 = tpu.memref_squeeze %dma_start3A_140 : memref<1x1x40xi32, #tpu.memory_space<vmem>> -> memref<40xi32, #tpu.memory_space<vmem>>
    %dma_start3A_142 = arith.constant 0 : i32
    %dma_start3A_143 = arith.constant 0 : i32
    %dma_start3A_144 = tpu.memref_slice %arg5[%dma_start3A_142, %dma_start3A_143] : memref<10000x128xf32, #tpu.memory_space<hbm>> -> memref<10000x128xf32, #tpu.memory_space<hbm>>
    tpu.enqueue_indirect_dma source(%dma_start3A_144 : memref<10000x128xf32, #tpu.memory_space<hbm>>) target(%dma_start3A_138 : memref<40x128xf32, #tpu.memory_space<vmem>>) offsets(%dma_start3A_141 : memref<40xi32, #tpu.memory_space<vmem>>) semaphore(%arg13 : memref<!tpu.dma_semaphore, #tpu.memory_space<semaphore_mem>>)
    %dma_start3A_145 = arith.constant 0 : i32
    %dma_start3A_146 = arith.constant 2 : i32
    %dma_start3A_147 = arith.constant 0 : i32
    %dma_start3A_148 = arith.constant 2 : i32
    %dma_start3A_149 = arith.constant 0 : i32
    %dma_start3A_150 = arith.constant 0 : i32
    %dma_start3A_151 = tpu.memref_slice %arg11[%dma_start3A_147, %dma_start3A_148, %dma_start3A_149, %dma_start3A_150] : memref<2x3x40x128xf32, #tpu.memory_space<vmem>> -> memref<1x1x40x128xf32, #tpu.memory_space<vmem>>
    %dma_start3A_152 = tpu.memref_squeeze %dma_start3A_151 : memref<1x1x40x128xf32, #tpu.memory_space<vmem>> -> memref<40x128xf32, #tpu.memory_space<vmem>>
    %dma_start3A_153 = arith.constant 0 : i32
    %dma_start3A_154 = tpu.memref_slice %arg9[%dma_start3A_145, %dma_start3A_146, %dma_start3A_153] : memref<3x3x40xi32, #tpu.memory_space<vmem>> -> memref<1x1x40xi32, #tpu.memory_space<vmem>>
    %dma_start3A_155 = tpu.memref_squeeze %dma_start3A_154 : memref<1x1x40xi32, #tpu.memory_space<vmem>> -> memref<40xi32, #tpu.memory_space<vmem>>
    %dma_start3A_156 = arith.constant 0 : i32
    %dma_start3A_157 = arith.constant 0 : i32
    %dma_start3A_158 = tpu.memref_slice %arg5[%dma_start3A_156, %dma_start3A_157] : memref<10000x128xf32, #tpu.memory_space<hbm>> -> memref<10000x128xf32, #tpu.memory_space<hbm>>
    tpu.enqueue_indirect_dma source(%dma_start3A_158 : memref<10000x128xf32, #tpu.memory_space<hbm>>) target(%dma_start3A_152 : memref<40x128xf32, #tpu.memory_space<vmem>>) offsets(%dma_start3A_155 : memref<40xi32, #tpu.memory_space<vmem>>) semaphore(%arg13 : memref<!tpu.dma_semaphore, #tpu.memory_space<semaphore_mem>>)
    %min3A = arith.constant 2 : i32
    %min3A_159 = arith.constant 83 : i32
    %min3A_160 = arith.minsi %min3A, %min3A_159 : i32
    %dma_start3A_161 = arith.constant 0 : i32
    %dma_start3A_162 = arith.constant 2 : i32
    %dma_start3A_163 = arith.constant 0 : i32
    %dma_start3A_164 = arith.constant 0 : i32
    %dma_start3A_165 = tpu.memref_slice %arg9[%dma_start3A_162, %dma_start3A_163, %dma_start3A_164] : memref<3x3x40xi32, #tpu.memory_space<vmem>> -> memref<1x3x40xi32, #tpu.memory_space<vmem>>
    %dma_start3A_166 = tpu.memref_squeeze %dma_start3A_165 : memref<1x3x40xi32, #tpu.memory_space<vmem>> -> memref<3x40xi32, #tpu.memory_space<vmem>>
    %dma_start3A_167 = arith.constant 0 : i32
    %dma_start3A_168 = arith.constant 0 : i32
    %dma_start3A_169 = tpu.memref_slice %arg2[%dma_start3A_161, %add3A, %min3A_160, %dma_start3A_167, %dma_start3A_168] : memref<3x32x84x3x40xi32, #tpu.memory_space<hbm>> -> memref<1x1x1x3x40xi32, #tpu.memory_space<hbm>>
    %dma_start3A_170 = tpu.memref_squeeze %dma_start3A_169 : memref<1x1x1x3x40xi32, #tpu.memory_space<hbm>> -> memref<3x40xi32, #tpu.memory_space<hbm>>
    %dma_start3A_171 = arith.constant 0 : i32
    %dma_start3A_172 = arith.constant 0 : i32
    %dma_start3A_173 = tpu.memref_slice %arg9[%dma_start3A_162, %dma_start3A_171, %dma_start3A_172] : memref<3x3x40xi32, #tpu.memory_space<vmem>> -> memref<1x3x40xi32, #tpu.memory_space<vmem>>
    %dma_start3A_174 = tpu.memref_squeeze %dma_start3A_173 : memref<1x3x40xi32, #tpu.memory_space<vmem>> -> memref<3x40xi32, #tpu.memory_space<vmem>>
    %dma_start3A_175 = arith.constant 0 : i32
    %dma_start3A_176 = arith.constant 0 : i32
    %dma_start3A_177 = tpu.memref_slice %arg2[%dma_start3A_161, %add3A, %min3A_160, %dma_start3A_175, %dma_start3A_176] : memref<3x32x84x3x40xi32, #tpu.memory_space<hbm>> -> memref<1x1x1x3x40xi32, #tpu.memory_space<hbm>>
    %dma_start3A_178 = tpu.memref_squeeze %dma_start3A_177 : memref<1x1x1x3x40xi32, #tpu.memory_space<hbm>> -> memref<3x40xi32, #tpu.memory_space<hbm>>
    tpu.enqueue_dma source(%dma_start3A_178 : memref<3x40xi32, #tpu.memory_space<hbm>>) target(%dma_start3A_174 : memref<3x40xi32, #tpu.memory_space<vmem>>) target_semaphore(%arg12 : memref<!tpu.dma_semaphore, #tpu.memory_space<semaphore_mem>>)
    %dma_start3A_179 = arith.constant 0 : i32
    %dma_start3A_180 = arith.constant 2 : i32
    %dma_start3A_181 = arith.constant 0 : i32
    %dma_start3A_182 = arith.constant 0 : i32
    %dma_start3A_183 = tpu.memref_slice %arg10[%dma_start3A_180, %dma_start3A_181, %dma_start3A_182] : memref<3x3x40xi32, #tpu.memory_space<vmem>> -> memref<1x3x40xi32, #tpu.memory_space<vmem>>
    %dma_start3A_184 = tpu.memref_squeeze %dma_start3A_183 : memref<1x3x40xi32, #tpu.memory_space<vmem>> -> memref<3x40xi32, #tpu.memory_space<vmem>>
    %dma_start3A_185 = arith.constant 0 : i32
    %dma_start3A_186 = arith.constant 0 : i32
    %dma_start3A_187 = tpu.memref_slice %arg3[%dma_start3A_179, %add3A, %min3A_160, %dma_start3A_185, %dma_start3A_186] : memref<3x32x84x3x40xi32, #tpu.memory_space<hbm>> -> memref<1x1x1x3x40xi32, #tpu.memory_space<hbm>>
    %dma_start3A_188 = tpu.memref_squeeze %dma_start3A_187 : memref<1x1x1x3x40xi32, #tpu.memory_space<hbm>> -> memref<3x40xi32, #tpu.memory_space<hbm>>
    %dma_start3A_189 = arith.constant 0 : i32
    %dma_start3A_190 = arith.constant 0 : i32
    %dma_start3A_191 = tpu.memref_slice %arg10[%dma_start3A_180, %dma_start3A_189, %dma_start3A_190] : memref<3x3x40xi32, #tpu.memory_space<vmem>> -> memref<1x3x40xi32, #tpu.memory_space<vmem>>
    %dma_start3A_192 = tpu.memref_squeeze %dma_start3A_191 : memref<1x3x40xi32, #tpu.memory_space<vmem>> -> memref<3x40xi32, #tpu.memory_space<vmem>>
    %dma_start3A_193 = arith.constant 0 : i32
    %dma_start3A_194 = arith.constant 0 : i32
    %dma_start3A_195 = tpu.memref_slice %arg3[%dma_start3A_179, %add3A, %min3A_160, %dma_start3A_193, %dma_start3A_194] : memref<3x32x84x3x40xi32, #tpu.memory_space<hbm>> -> memref<1x1x1x3x40xi32, #tpu.memory_space<hbm>>
    %dma_start3A_196 = tpu.memref_squeeze %dma_start3A_195 : memref<1x1x1x3x40xi32, #tpu.memory_space<hbm>> -> memref<3x40xi32, #tpu.memory_space<hbm>>
    tpu.enqueue_dma source(%dma_start3A_196 : memref<3x40xi32, #tpu.memory_space<hbm>>) target(%dma_start3A_192 : memref<3x40xi32, #tpu.memory_space<vmem>>) target_semaphore(%arg12 : memref<!tpu.dma_semaphore, #tpu.memory_space<semaphore_mem>>)
    %dma_wait3A_197 = arith.constant 0 : i32
    %dma_wait3A_198 = arith.constant 0 : i32
    %dma_wait3A_199 = arith.constant 0 : i32
    %dma_wait3A_200 = arith.constant 0 : i32
    %dma_wait3A_201 = arith.constant 0 : i32
    %dma_wait3A_202 = arith.constant 0 : i32
    %dma_wait3A_203 = tpu.memref_slice %arg9[%dma_wait3A_200, %dma_wait3A_201, %dma_wait3A_202] : memref<3x3x40xi32, #tpu.memory_space<vmem>> -> memref<1x3x40xi32, #tpu.memory_space<vmem>>
    %dma_wait3A_204 = tpu.memref_squeeze %dma_wait3A_203 : memref<1x3x40xi32, #tpu.memory_space<vmem>> -> memref<3x40xi32, #tpu.memory_space<vmem>>
    %dma_wait3A_205 = arith.constant 0 : i32
    %dma_wait3A_206 = arith.constant 0 : i32
    %dma_wait3A_207 = tpu.memref_slice %arg2[%dma_wait3A_197, %dma_wait3A_198, %dma_wait3A_199, %dma_wait3A_205, %dma_wait3A_206] : memref<3x32x84x3x40xi32, #tpu.memory_space<hbm>> -> memref<1x1x1x3x40xi32, #tpu.memory_space<hbm>>
    %dma_wait3A_208 = tpu.memref_squeeze %dma_wait3A_207 : memref<1x1x1x3x40xi32, #tpu.memory_space<hbm>> -> memref<3x40xi32, #tpu.memory_space<hbm>>
    %dma_wait3A_209 = arith.constant 0 : i32
    %dma_wait3A_210 = arith.constant 0 : i32
    %dma_wait3A_211 = tpu.memref_slice %arg9[%dma_wait3A_200, %dma_wait3A_209, %dma_wait3A_210] : memref<3x3x40xi32, #tpu.memory_space<vmem>> -> memref<1x3x40xi32, #tpu.memory_space<vmem>>
    %dma_wait3A_212 = tpu.memref_squeeze %dma_wait3A_211 : memref<1x3x40xi32, #tpu.memory_space<vmem>> -> memref<3x40xi32, #tpu.memory_space<vmem>>
    %dma_wait3A_213 = arith.constant 0 : i32
    %dma_wait3A_214 = arith.constant 0 : i32
    %dma_wait3A_215 = tpu.memref_slice %arg2[%dma_wait3A_197, %dma_wait3A_198, %dma_wait3A_199, %dma_wait3A_213, %dma_wait3A_214] : memref<3x32x84x3x40xi32, #tpu.memory_space<hbm>> -> memref<1x1x1x3x40xi32, #tpu.memory_space<hbm>>
    %dma_wait3A_216 = tpu.memref_squeeze %dma_wait3A_215 : memref<1x1x1x3x40xi32, #tpu.memory_space<hbm>> -> memref<3x40xi32, #tpu.memory_space<hbm>>
    tpu.wait_dma2 semaphore(%arg12 : memref<!tpu.dma_semaphore, #tpu.memory_space<semaphore_mem>>) src(%dma_wait3A_216 : memref<3x40xi32, #tpu.memory_space<hbm>>) dst(%dma_wait3A_212 : memref<3x40xi32, #tpu.memory_space<vmem>>)
    %dma_wait3A_217 = arith.constant 0 : i32
    %dma_wait3A_218 = arith.constant 0 : i32
    %dma_wait3A_219 = arith.constant 0 : i32
    %dma_wait3A_220 = arith.constant 0 : i32
    %dma_wait3A_221 = arith.constant 0 : i32
    %dma_wait3A_222 = arith.constant 0 : i32
    %dma_wait3A_223 = tpu.memref_slice %arg10[%dma_wait3A_220, %dma_wait3A_221, %dma_wait3A_222] : memref<3x3x40xi32, #tpu.memory_space<vmem>> -> memref<1x3x40xi32, #tpu.memory_space<vmem>>
    %dma_wait3A_224 = tpu.memref_squeeze %dma_wait3A_223 : memref<1x3x40xi32, #tpu.memory_space<vmem>> -> memref<3x40xi32, #tpu.memory_space<vmem>>
    %dma_wait3A_225 = arith.constant 0 : i32
    %dma_wait3A_226 = arith.constant 0 : i32
    %dma_wait3A_227 = tpu.memref_slice %arg3[%dma_wait3A_217, %dma_wait3A_218, %dma_wait3A_219, %dma_wait3A_225, %dma_wait3A_226] : memref<3x32x84x3x40xi32, #tpu.memory_space<hbm>> -> memref<1x1x1x3x40xi32, #tpu.memory_space<hbm>>
    %dma_wait3A_228 = tpu.memref_squeeze %dma_wait3A_227 : memref<1x1x1x3x40xi32, #tpu.memory_space<hbm>> -> memref<3x40xi32, #tpu.memory_space<hbm>>
    %dma_wait3A_229 = arith.constant 0 : i32
    %dma_wait3A_230 = arith.constant 0 : i32
    %dma_wait3A_231 = tpu.memref_slice %arg10[%dma_wait3A_220, %dma_wait3A_229, %dma_wait3A_230] : memref<3x3x40xi32, #tpu.memory_space<vmem>> -> memref<1x3x40xi32, #tpu.memory_space<vmem>>
    %dma_wait3A_232 = tpu.memref_squeeze %dma_wait3A_231 : memref<1x3x40xi32, #tpu.memory_space<vmem>> -> memref<3x40xi32, #tpu.memory_space<vmem>>
    %dma_wait3A_233 = arith.constant 0 : i32
    %dma_wait3A_234 = arith.constant 0 : i32
    %dma_wait3A_235 = tpu.memref_slice %arg3[%dma_wait3A_217, %dma_wait3A_218, %dma_wait3A_219, %dma_wait3A_233, %dma_wait3A_234] : memref<3x32x84x3x40xi32, #tpu.memory_space<hbm>> -> memref<1x1x1x3x40xi32, #tpu.memory_space<hbm>>
    %dma_wait3A_236 = tpu.memref_squeeze %dma_wait3A_235 : memref<1x1x1x3x40xi32, #tpu.memory_space<hbm>> -> memref<3x40xi32, #tpu.memory_space<hbm>>
    tpu.wait_dma2 semaphore(%arg12 : memref<!tpu.dma_semaphore, #tpu.memory_space<semaphore_mem>>) src(%dma_wait3A_236 : memref<3x40xi32, #tpu.memory_space<hbm>>) dst(%dma_wait3A_232 : memref<3x40xi32, #tpu.memory_space<vmem>>)
    %dma_start3A_237 = arith.constant 1 : i32
    %dma_start3A_238 = arith.constant 0 : i32
    %dma_start3A_239 = arith.constant 1 : i32
    %dma_start3A_240 = arith.constant 0 : i32
    %dma_start3A_241 = arith.constant 0 : i32
    %dma_start3A_242 = arith.constant 0 : i32
    %dma_start3A_243 = tpu.memref_slice %arg11[%dma_start3A_239, %dma_start3A_240, %dma_start3A_241, %dma_start3A_242] : memref<2x3x40x128xf32, #tpu.memory_space<vmem>> -> memref<1x1x40x128xf32, #tpu.memory_space<vmem>>
    %dma_start3A_244 = tpu.memref_squeeze %dma_start3A_243 : memref<1x1x40x128xf32, #tpu.memory_space<vmem>> -> memref<40x128xf32, #tpu.memory_space<vmem>>
    %dma_start3A_245 = arith.constant 0 : i32
    %dma_start3A_246 = tpu.memref_slice %arg9[%dma_start3A_237, %dma_start3A_238, %dma_start3A_245] : memref<3x3x40xi32, #tpu.memory_space<vmem>> -> memref<1x1x40xi32, #tpu.memory_space<vmem>>
    %dma_start3A_247 = tpu.memref_squeeze %dma_start3A_246 : memref<1x1x40xi32, #tpu.memory_space<vmem>> -> memref<40xi32, #tpu.memory_space<vmem>>
    %dma_start3A_248 = arith.constant 0 : i32
    %dma_start3A_249 = arith.constant 0 : i32
    %dma_start3A_250 = tpu.memref_slice %arg5[%dma_start3A_248, %dma_start3A_249] : memref<10000x128xf32, #tpu.memory_space<hbm>> -> memref<10000x128xf32, #tpu.memory_space<hbm>>
    tpu.enqueue_indirect_dma source(%dma_start3A_250 : memref<10000x128xf32, #tpu.memory_space<hbm>>) target(%dma_start3A_244 : memref<40x128xf32, #tpu.memory_space<vmem>>) offsets(%dma_start3A_247 : memref<40xi32, #tpu.memory_space<vmem>>) semaphore(%arg13 : memref<!tpu.dma_semaphore, #tpu.memory_space<semaphore_mem>>)
    %dma_start3A_251 = arith.constant 1 : i32
    %dma_start3A_252 = arith.constant 1 : i32
    %dma_start3A_253 = arith.constant 1 : i32
    %dma_start3A_254 = arith.constant 1 : i32
    %dma_start3A_255 = arith.constant 0 : i32
    %dma_start3A_256 = arith.constant 0 : i32
    %dma_start3A_257 = tpu.memref_slice %arg11[%dma_start3A_253, %dma_start3A_254, %dma_start3A_255, %dma_start3A_256] : memref<2x3x40x128xf32, #tpu.memory_space<vmem>> -> memref<1x1x40x128xf32, #tpu.memory_space<vmem>>
    %dma_start3A_258 = tpu.memref_squeeze %dma_start3A_257 : memref<1x1x40x128xf32, #tpu.memory_space<vmem>> -> memref<40x128xf32, #tpu.memory_space<vmem>>
    %dma_start3A_259 = arith.constant 0 : i32
    %dma_start3A_260 = tpu.memref_slice %arg9[%dma_start3A_251, %dma_start3A_252, %dma_start3A_259] : memref<3x3x40xi32, #tpu.memory_space<vmem>> -> memref<1x1x40xi32, #tpu.memory_space<vmem>>
    %dma_start3A_261 = tpu.memref_squeeze %dma_start3A_260 : memref<1x1x40xi32, #tpu.memory_space<vmem>> -> memref<40xi32, #tpu.memory_space<vmem>>
    %dma_start3A_262 = arith.constant 0 : i32
    %dma_start3A_263 = arith.constant 0 : i32
    %dma_start3A_264 = tpu.memref_slice %arg5[%dma_start3A_262, %dma_start3A_263] : memref<10000x128xf32, #tpu.memory_space<hbm>> -> memref<10000x128xf32, #tpu.memory_space<hbm>>
    tpu.enqueue_indirect_dma source(%dma_start3A_264 : memref<10000x128xf32, #tpu.memory_space<hbm>>) target(%dma_start3A_258 : memref<40x128xf32, #tpu.memory_space<vmem>>) offsets(%dma_start3A_261 : memref<40xi32, #tpu.memory_space<vmem>>) semaphore(%arg13 : memref<!tpu.dma_semaphore, #tpu.memory_space<semaphore_mem>>)
    %dma_start3A_265 = arith.constant 1 : i32
    %dma_start3A_266 = arith.constant 2 : i32
    %dma_start3A_267 = arith.constant 1 : i32
    %dma_start3A_268 = arith.constant 2 : i32
    %dma_start3A_269 = arith.constant 0 : i32
    %dma_start3A_270 = arith.constant 0 : i32
    %dma_start3A_271 = tpu.memref_slice %arg11[%dma_start3A_267, %dma_start3A_268, %dma_start3A_269, %dma_start3A_270] : memref<2x3x40x128xf32, #tpu.memory_space<vmem>> -> memref<1x1x40x128xf32, #tpu.memory_space<vmem>>
    %dma_start3A_272 = tpu.memref_squeeze %dma_start3A_271 : memref<1x1x40x128xf32, #tpu.memory_space<vmem>> -> memref<40x128xf32, #tpu.memory_space<vmem>>
    %dma_start3A_273 = arith.constant 0 : i32
    %dma_start3A_274 = tpu.memref_slice %arg9[%dma_start3A_265, %dma_start3A_266, %dma_start3A_273] : memref<3x3x40xi32, #tpu.memory_space<vmem>> -> memref<1x1x40xi32, #tpu.memory_space<vmem>>
    %dma_start3A_275 = tpu.memref_squeeze %dma_start3A_274 : memref<1x1x40xi32, #tpu.memory_space<vmem>> -> memref<40xi32, #tpu.memory_space<vmem>>
    %dma_start3A_276 = arith.constant 0 : i32
    %dma_start3A_277 = arith.constant 0 : i32
    %dma_start3A_278 = tpu.memref_slice %arg5[%dma_start3A_276, %dma_start3A_277] : memref<10000x128xf32, #tpu.memory_space<hbm>> -> memref<10000x128xf32, #tpu.memory_space<hbm>>
    tpu.enqueue_indirect_dma source(%dma_start3A_278 : memref<10000x128xf32, #tpu.memory_space<hbm>>) target(%dma_start3A_272 : memref<40x128xf32, #tpu.memory_space<vmem>>) offsets(%dma_start3A_275 : memref<40xi32, #tpu.memory_space<vmem>>) semaphore(%arg13 : memref<!tpu.dma_semaphore, #tpu.memory_space<semaphore_mem>>)
    %dma_wait3A_279 = arith.constant 0 : i32
    %dma_wait3A_280 = arith.constant 0 : i32
    %dma_wait3A_281 = arith.constant 0 : i32
    %dma_wait3A_282 = arith.constant 0 : i32
    %dma_wait3A_283 = arith.constant 0 : i32
    %dma_wait3A_284 = arith.constant 0 : i32
    %dma_wait3A_285 = tpu.memref_slice %arg11[%dma_wait3A_281, %dma_wait3A_282, %dma_wait3A_283, %dma_wait3A_284] : memref<2x3x40x128xf32, #tpu.memory_space<vmem>> -> memref<1x1x40x128xf32, #tpu.memory_space<vmem>>
    %dma_wait3A_286 = tpu.memref_squeeze %dma_wait3A_285 : memref<1x1x40x128xf32, #tpu.memory_space<vmem>> -> memref<40x128xf32, #tpu.memory_space<vmem>>
    %dma_wait3A_287 = arith.constant 0 : i32
    %dma_wait3A_288 = tpu.memref_slice %arg9[%dma_wait3A_279, %dma_wait3A_280, %dma_wait3A_287] : memref<3x3x40xi32, #tpu.memory_space<vmem>> -> memref<1x1x40xi32, #tpu.memory_space<vmem>>
    %dma_wait3A_289 = tpu.memref_squeeze %dma_wait3A_288 : memref<1x1x40xi32, #tpu.memory_space<vmem>> -> memref<40xi32, #tpu.memory_space<vmem>>
    %dma_wait3A_290 = arith.constant 0 : i32
    %dma_wait3A_291 = arith.constant 0 : i32
    %dma_wait3A_292 = tpu.memref_slice %arg5[%dma_wait3A_290, %dma_wait3A_291] : memref<10000x128xf32, #tpu.memory_space<hbm>> -> memref<10000x128xf32, #tpu.memory_space<hbm>>
    tpu.wait_indirect_dma semaphore(%arg13 : memref<!tpu.dma_semaphore, #tpu.memory_space<semaphore_mem>>) src(%dma_wait3A_292 : memref<10000x128xf32, #tpu.memory_space<hbm>>) dst(%dma_wait3A_286 : memref<40x128xf32, #tpu.memory_space<vmem>>)
    %dma_wait3A_293 = arith.constant 0 : i32
    %dma_wait3A_294 = arith.constant 0 : i32
    %dma_wait3A_295 = arith.constant 0 : i32
    %dma_wait3A_296 = arith.constant 1 : i32
    %dma_wait3A_297 = arith.constant 0 : i32
    %dma_wait3A_298 = arith.constant 0 : i32
    %dma_wait3A_299 = tpu.memref_slice %arg11[%dma_wait3A_295, %dma_wait3A_296, %dma_wait3A_297, %dma_wait3A_298] : memref<2x3x40x128xf32, #tpu.memory_space<vmem>> -> memref<1x1x40x128xf32, #tpu.memory_space<vmem>>
    %dma_wait3A_300 = tpu.memref_squeeze %dma_wait3A_299 : memref<1x1x40x128xf32, #tpu.memory_space<vmem>> -> memref<40x128xf32, #tpu.memory_space<vmem>>
    %dma_wait3A_301 = arith.constant 0 : i32
    %dma_wait3A_302 = tpu.memref_slice %arg9[%dma_wait3A_293, %dma_wait3A_294, %dma_wait3A_301] : memref<3x3x40xi32, #tpu.memory_space<vmem>> -> memref<1x1x40xi32, #tpu.memory_space<vmem>>
    %dma_wait3A_303 = tpu.memref_squeeze %dma_wait3A_302 : memref<1x1x40xi32, #tpu.memory_space<vmem>> -> memref<40xi32, #tpu.memory_space<vmem>>
    %dma_wait3A_304 = arith.constant 0 : i32
    %dma_wait3A_305 = arith.constant 0 : i32
    %dma_wait3A_306 = tpu.memref_slice %arg5[%dma_wait3A_304, %dma_wait3A_305] : memref<10000x128xf32, #tpu.memory_space<hbm>> -> memref<10000x128xf32, #tpu.memory_space<hbm>>
    tpu.wait_indirect_dma semaphore(%arg13 : memref<!tpu.dma_semaphore, #tpu.memory_space<semaphore_mem>>) src(%dma_wait3A_306 : memref<10000x128xf32, #tpu.memory_space<hbm>>) dst(%dma_wait3A_300 : memref<40x128xf32, #tpu.memory_space<vmem>>)
    %dma_wait3A_307 = arith.constant 0 : i32
    %dma_wait3A_308 = arith.constant 0 : i32
    %dma_wait3A_309 = arith.constant 0 : i32
    %dma_wait3A_310 = arith.constant 2 : i32
    %dma_wait3A_311 = arith.constant 0 : i32
    %dma_wait3A_312 = arith.constant 0 : i32
    %dma_wait3A_313 = tpu.memref_slice %arg11[%dma_wait3A_309, %dma_wait3A_310, %dma_wait3A_311, %dma_wait3A_312] : memref<2x3x40x128xf32, #tpu.memory_space<vmem>> -> memref<1x1x40x128xf32, #tpu.memory_space<vmem>>
    %dma_wait3A_314 = tpu.memref_squeeze %dma_wait3A_313 : memref<1x1x40x128xf32, #tpu.memory_space<vmem>> -> memref<40x128xf32, #tpu.memory_space<vmem>>
    %dma_wait3A_315 = arith.constant 0 : i32
    %dma_wait3A_316 = tpu.memref_slice %arg9[%dma_wait3A_307, %dma_wait3A_308, %dma_wait3A_315] : memref<3x3x40xi32, #tpu.memory_space<vmem>> -> memref<1x1x40xi32, #tpu.memory_space<vmem>>
    %dma_wait3A_317 = tpu.memref_squeeze %dma_wait3A_316 : memref<1x1x40xi32, #tpu.memory_space<vmem>> -> memref<40xi32, #tpu.memory_space<vmem>>
    %dma_wait3A_318 = arith.constant 0 : i32
    %dma_wait3A_319 = arith.constant 0 : i32
    %dma_wait3A_320 = tpu.memref_slice %arg5[%dma_wait3A_318, %dma_wait3A_319] : memref<10000x128xf32, #tpu.memory_space<hbm>> -> memref<10000x128xf32, #tpu.memory_space<hbm>>
    tpu.wait_indirect_dma semaphore(%arg13 : memref<!tpu.dma_semaphore, #tpu.memory_space<semaphore_mem>>) src(%dma_wait3A_320 : memref<10000x128xf32, #tpu.memory_space<hbm>>) dst(%dma_wait3A_314 : memref<40x128xf32, #tpu.memory_space<vmem>>)
    %dma_start3A_321 = arith.constant 0 : i32
    %dma_start3A_322 = arith.constant 0 : i32
    %dma_start3A_323 = arith.constant 0 : i32
    %dma_start3A_324 = arith.constant 0 : i32
    %dma_start3A_325 = arith.constant 0 : i32
    %dma_start3A_326 = arith.constant 0 : i32
    %dma_start3A_327 = tpu.memref_slice %arg11[%dma_start3A_321, %dma_start3A_322, %dma_start3A_325, %dma_start3A_326] : memref<2x3x40x128xf32, #tpu.memory_space<vmem>> -> memref<1x1x40x128xf32, #tpu.memory_space<vmem>>
    %dma_start3A_328 = tpu.memref_squeeze %dma_start3A_327 : memref<1x1x40x128xf32, #tpu.memory_space<vmem>> -> memref<40x128xf32, #tpu.memory_space<vmem>>
    %dma_start3A_329 = arith.constant 0 : i32
    %dma_start3A_330 = tpu.memref_slice %arg10[%dma_start3A_323, %dma_start3A_324, %dma_start3A_329] : memref<3x3x40xi32, #tpu.memory_space<vmem>> -> memref<1x1x40xi32, #tpu.memory_space<vmem>>
    %dma_start3A_331 = tpu.memref_squeeze %dma_start3A_330 : memref<1x1x40xi32, #tpu.memory_space<vmem>> -> memref<40xi32, #tpu.memory_space<vmem>>
    %dma_start3A_332 = arith.constant 0 : i32
    %dma_start3A_333 = arith.constant 0 : i32
    %dma_start3A_334 = tpu.memref_slice %arg15[%dma_start3A_332, %dma_start3A_333] : memref<10240x128xf32, #tpu.memory_space<vmem_shared>> -> memref<10240x128xf32, #tpu.memory_space<vmem_shared>>
    tpu.enqueue_indirect_dma source(%dma_start3A_328 : memref<40x128xf32, #tpu.memory_space<vmem>>) target(%dma_start3A_334 : memref<10240x128xf32, #tpu.memory_space<vmem_shared>>) offsets(%dma_start3A_331 : memref<40xi32, #tpu.memory_space<vmem>>) semaphore(%arg14 : memref<!tpu.dma_semaphore, #tpu.memory_space<semaphore_mem>>) {add = true}
    %dma_start3A_335 = arith.constant 0 : i32
    %dma_start3A_336 = arith.constant 1 : i32
    %dma_start3A_337 = arith.constant 0 : i32
    %dma_start3A_338 = arith.constant 1 : i32
    %dma_start3A_339 = arith.constant 0 : i32
    %dma_start3A_340 = arith.constant 0 : i32
    %dma_start3A_341 = tpu.memref_slice %arg11[%dma_start3A_335, %dma_start3A_336, %dma_start3A_339, %dma_start3A_340] : memref<2x3x40x128xf32, #tpu.memory_space<vmem>> -> memref<1x1x40x128xf32, #tpu.memory_space<vmem>>
    %dma_start3A_342 = tpu.memref_squeeze %dma_start3A_341 : memref<1x1x40x128xf32, #tpu.memory_space<vmem>> -> memref<40x128xf32, #tpu.memory_space<vmem>>
    %dma_start3A_343 = arith.constant 0 : i32
    %dma_start3A_344 = tpu.memref_slice %arg10[%dma_start3A_337, %dma_start3A_338, %dma_start3A_343] : memref<3x3x40xi32, #tpu.memory_space<vmem>> -> memref<1x1x40xi32, #tpu.memory_space<vmem>>
    %dma_start3A_345 = tpu.memref_squeeze %dma_start3A_344 : memref<1x1x40xi32, #tpu.memory_space<vmem>> -> memref<40xi32, #tpu.memory_space<vmem>>
    %dma_start3A_346 = arith.constant 0 : i32
    %dma_start3A_347 = arith.constant 0 : i32
    %dma_start3A_348 = tpu.memref_slice %arg15[%dma_start3A_346, %dma_start3A_347] : memref<10240x128xf32, #tpu.memory_space<vmem_shared>> -> memref<10240x128xf32, #tpu.memory_space<vmem_shared>>
    tpu.enqueue_indirect_dma source(%dma_start3A_342 : memref<40x128xf32, #tpu.memory_space<vmem>>) target(%dma_start3A_348 : memref<10240x128xf32, #tpu.memory_space<vmem_shared>>) offsets(%dma_start3A_345 : memref<40xi32, #tpu.memory_space<vmem>>) semaphore(%arg14 : memref<!tpu.dma_semaphore, #tpu.memory_space<semaphore_mem>>) {add = true}
    %dma_start3A_349 = arith.constant 0 : i32
    %dma_start3A_350 = arith.constant 2 : i32
    %dma_start3A_351 = arith.constant 0 : i32
    %dma_start3A_352 = arith.constant 2 : i32
    %dma_start3A_353 = arith.constant 0 : i32
    %dma_start3A_354 = arith.constant 0 : i32
    %dma_start3A_355 = tpu.memref_slice %arg11[%dma_start3A_349, %dma_start3A_350, %dma_start3A_353, %dma_start3A_354] : memref<2x3x40x128xf32, #tpu.memory_space<vmem>> -> memref<1x1x40x128xf32, #tpu.memory_space<vmem>>
    %dma_start3A_356 = tpu.memref_squeeze %dma_start3A_355 : memref<1x1x40x128xf32, #tpu.memory_space<vmem>> -> memref<40x128xf32, #tpu.memory_space<vmem>>
    %dma_start3A_357 = arith.constant 0 : i32
    %dma_start3A_358 = tpu.memref_slice %arg10[%dma_start3A_351, %dma_start3A_352, %dma_start3A_357] : memref<3x3x40xi32, #tpu.memory_space<vmem>> -> memref<1x1x40xi32, #tpu.memory_space<vmem>>
    %dma_start3A_359 = tpu.memref_squeeze %dma_start3A_358 : memref<1x1x40xi32, #tpu.memory_space<vmem>> -> memref<40xi32, #tpu.memory_space<vmem>>
    %dma_start3A_360 = arith.constant 0 : i32
    %dma_start3A_361 = arith.constant 0 : i32
    %dma_start3A_362 = tpu.memref_slice %arg15[%dma_start3A_360, %dma_start3A_361] : memref<10240x128xf32, #tpu.memory_space<vmem_shared>> -> memref<10240x128xf32, #tpu.memory_space<vmem_shared>>
    tpu.enqueue_indirect_dma source(%dma_start3A_356 : memref<40x128xf32, #tpu.memory_space<vmem>>) target(%dma_start3A_362 : memref<10240x128xf32, #tpu.memory_space<vmem_shared>>) offsets(%dma_start3A_359 : memref<40xi32, #tpu.memory_space<vmem>>) semaphore(%arg14 : memref<!tpu.dma_semaphore, #tpu.memory_space<semaphore_mem>>) {add = true}
    %scan3A = arith.constant 1 : i32
    %scan3A_363 = arith.constant 83 : i32
    %scan3A_364 = arith.addi %scan3A, %scan3A_363 : i32
    %scan3A_365 = arith.constant 1 : i32
    scf.for %scan3A_1561 = %scan3A to %scan3A_364 step %scan3A_365  : i32 {
      %rem3A = arith.constant 2 : i32
      %rem3A_1562 = arith.remsi %scan3A_1561, %rem3A : i32
      %sub3A = arith.constant 1 : i32
      %sub3A_1563 = arith.subi %sub3A, %rem3A_1562 : i32
      %add3A_1564 = arith.constant 2 : i32
      %add3A_1565 = arith.addi %scan3A_1561, %add3A_1564 : i32
      %min3A_1566 = arith.constant 83 : i32
      %min3A_1567 = arith.minsi %add3A_1565, %min3A_1566 : i32
      %add3A_1568 = arith.constant 2 : i32
      %add3A_1569 = arith.addi %scan3A_1561, %add3A_1568 : i32
      %rem3A_1570 = arith.constant 3 : i32
      %rem3A_1571 = arith.remsi %add3A_1569, %rem3A_1570 : i32
      %dma_start3A_1572 = arith.constant 0 : i32
      %dma_start3A_1573 = arith.constant 0 : i32
      %dma_start3A_1574 = arith.constant 0 : i32
      %dma_start3A_1575 = tpu.memref_slice %arg9[%rem3A_1571, %dma_start3A_1573, %dma_start3A_1574] : memref<3x3x40xi32, #tpu.memory_space<vmem>> -> memref<1x3x40xi32, #tpu.memory_space<vmem>>
      %dma_start3A_1576 = tpu.memref_squeeze %dma_start3A_1575 : memref<1x3x40xi32, #tpu.memory_space<vmem>> -> memref<3x40xi32, #tpu.memory_space<vmem>>
      %dma_start3A_1577 = arith.constant 0 : i32
      %dma_start3A_1578 = arith.constant 0 : i32
      %dma_start3A_1579 = tpu.memref_slice %arg2[%dma_start3A_1572, %add3A, %min3A_1567, %dma_start3A_1577, %dma_start3A_1578] : memref<3x32x84x3x40xi32, #tpu.memory_space<hbm>> -> memref<1x1x1x3x40xi32, #tpu.memory_space<hbm>>
      %dma_start3A_1580 = tpu.memref_squeeze %dma_start3A_1579 : memref<1x1x1x3x40xi32, #tpu.memory_space<hbm>> -> memref<3x40xi32, #tpu.memory_space<hbm>>
      %dma_start3A_1581 = arith.constant 0 : i32
      %dma_start3A_1582 = arith.constant 0 : i32
      %dma_start3A_1583 = tpu.memref_slice %arg9[%rem3A_1571, %dma_start3A_1581, %dma_start3A_1582] : memref<3x3x40xi32, #tpu.memory_space<vmem>> -> memref<1x3x40xi32, #tpu.memory_space<vmem>>
      %dma_start3A_1584 = tpu.memref_squeeze %dma_start3A_1583 : memref<1x3x40xi32, #tpu.memory_space<vmem>> -> memref<3x40xi32, #tpu.memory_space<vmem>>
      %dma_start3A_1585 = arith.constant 0 : i32
      %dma_start3A_1586 = arith.constant 0 : i32
      %dma_start3A_1587 = tpu.memref_slice %arg2[%dma_start3A_1572, %add3A, %min3A_1567, %dma_start3A_1585, %dma_start3A_1586] : memref<3x32x84x3x40xi32, #tpu.memory_space<hbm>> -> memref<1x1x1x3x40xi32, #tpu.memory_space<hbm>>
      %dma_start3A_1588 = tpu.memref_squeeze %dma_start3A_1587 : memref<1x1x1x3x40xi32, #tpu.memory_space<hbm>> -> memref<3x40xi32, #tpu.memory_space<hbm>>
      tpu.enqueue_dma source(%dma_start3A_1588 : memref<3x40xi32, #tpu.memory_space<hbm>>) target(%dma_start3A_1584 : memref<3x40xi32, #tpu.memory_space<vmem>>) target_semaphore(%arg12 : memref<!tpu.dma_semaphore, #tpu.memory_space<semaphore_mem>>)
      %dma_start3A_1589 = arith.constant 0 : i32
      %dma_start3A_1590 = arith.constant 0 : i32
      %dma_start3A_1591 = arith.constant 0 : i32
      %dma_start3A_1592 = tpu.memref_slice %arg10[%rem3A_1571, %dma_start3A_1590, %dma_start3A_1591] : memref<3x3x40xi32, #tpu.memory_space<vmem>> -> memref<1x3x40xi32, #tpu.memory_space<vmem>>
      %dma_start3A_1593 = tpu.memref_squeeze %dma_start3A_1592 : memref<1x3x40xi32, #tpu.memory_space<vmem>> -> memref<3x40xi32, #tpu.memory_space<vmem>>
      %dma_start3A_1594 = arith.constant 0 : i32
      %dma_start3A_1595 = arith.constant 0 : i32
      %dma_start3A_1596 = tpu.memref_slice %arg3[%dma_start3A_1589, %add3A, %min3A_1567, %dma_start3A_1594, %dma_start3A_1595] : memref<3x32x84x3x40xi32, #tpu.memory_space<hbm>> -> memref<1x1x1x3x40xi32, #tpu.memory_space<hbm>>
      %dma_start3A_1597 = tpu.memref_squeeze %dma_start3A_1596 : memref<1x1x1x3x40xi32, #tpu.memory_space<hbm>> -> memref<3x40xi32, #tpu.memory_space<hbm>>
      %dma_start3A_1598 = arith.constant 0 : i32
      %dma_start3A_1599 = arith.constant 0 : i32
      %dma_start3A_1600 = tpu.memref_slice %arg10[%rem3A_1571, %dma_start3A_1598, %dma_start3A_1599] : memref<3x3x40xi32, #tpu.memory_space<vmem>> -> memref<1x3x40xi32, #tpu.memory_space<vmem>>
      %dma_start3A_1601 = tpu.memref_squeeze %dma_start3A_1600 : memref<1x3x40xi32, #tpu.memory_space<vmem>> -> memref<3x40xi32, #tpu.memory_space<vmem>>
      %dma_start3A_1602 = arith.constant 0 : i32
      %dma_start3A_1603 = arith.constant 0 : i32
      %dma_start3A_1604 = tpu.memref_slice %arg3[%dma_start3A_1589, %add3A, %min3A_1567, %dma_start3A_1602, %dma_start3A_1603] : memref<3x32x84x3x40xi32, #tpu.memory_space<hbm>> -> memref<1x1x1x3x40xi32, #tpu.memory_space<hbm>>
      %dma_start3A_1605 = tpu.memref_squeeze %dma_start3A_1604 : memref<1x1x1x3x40xi32, #tpu.memory_space<hbm>> -> memref<3x40xi32, #tpu.memory_space<hbm>>
      tpu.enqueue_dma source(%dma_start3A_1605 : memref<3x40xi32, #tpu.memory_space<hbm>>) target(%dma_start3A_1601 : memref<3x40xi32, #tpu.memory_space<vmem>>) target_semaphore(%arg12 : memref<!tpu.dma_semaphore, #tpu.memory_space<semaphore_mem>>)
      %dma_wait3A_1606 = arith.constant 0 : i32
      %dma_wait3A_1607 = arith.constant 0 : i32
      %dma_wait3A_1608 = arith.constant 0 : i32
      %dma_wait3A_1609 = arith.constant 0 : i32
      %dma_wait3A_1610 = arith.constant 0 : i32
      %dma_wait3A_1611 = arith.constant 0 : i32
      %dma_wait3A_1612 = tpu.memref_slice %arg9[%dma_wait3A_1609, %dma_wait3A_1610, %dma_wait3A_1611] : memref<3x3x40xi32, #tpu.memory_space<vmem>> -> memref<1x3x40xi32, #tpu.memory_space<vmem>>
      %dma_wait3A_1613 = tpu.memref_squeeze %dma_wait3A_1612 : memref<1x3x40xi32, #tpu.memory_space<vmem>> -> memref<3x40xi32, #tpu.memory_space<vmem>>
      %dma_wait3A_1614 = arith.constant 0 : i32
      %dma_wait3A_1615 = arith.constant 0 : i32
      %dma_wait3A_1616 = tpu.memref_slice %arg2[%dma_wait3A_1606, %dma_wait3A_1607, %dma_wait3A_1608, %dma_wait3A_1614, %dma_wait3A_1615] : memref<3x32x84x3x40xi32, #tpu.memory_space<hbm>> -> memref<1x1x1x3x40xi32, #tpu.memory_space<hbm>>
      %dma_wait3A_1617 = tpu.memref_squeeze %dma_wait3A_1616 : memref<1x1x1x3x40xi32, #tpu.memory_space<hbm>> -> memref<3x40xi32, #tpu.memory_space<hbm>>
      %dma_wait3A_1618 = arith.constant 0 : i32
      %dma_wait3A_1619 = arith.constant 0 : i32
      %dma_wait3A_1620 = tpu.memref_slice %arg9[%dma_wait3A_1609, %dma_wait3A_1618, %dma_wait3A_1619] : memref<3x3x40xi32, #tpu.memory_space<vmem>> -> memref<1x3x40xi32, #tpu.memory_space<vmem>>
      %dma_wait3A_1621 = tpu.memref_squeeze %dma_wait3A_1620 : memref<1x3x40xi32, #tpu.memory_space<vmem>> -> memref<3x40xi32, #tpu.memory_space<vmem>>
      %dma_wait3A_1622 = arith.constant 0 : i32
      %dma_wait3A_1623 = arith.constant 0 : i32
      %dma_wait3A_1624 = tpu.memref_slice %arg2[%dma_wait3A_1606, %dma_wait3A_1607, %dma_wait3A_1608, %dma_wait3A_1622, %dma_wait3A_1623] : memref<3x32x84x3x40xi32, #tpu.memory_space<hbm>> -> memref<1x1x1x3x40xi32, #tpu.memory_space<hbm>>
      %dma_wait3A_1625 = tpu.memref_squeeze %dma_wait3A_1624 : memref<1x1x1x3x40xi32, #tpu.memory_space<hbm>> -> memref<3x40xi32, #tpu.memory_space<hbm>>
      tpu.wait_dma2 semaphore(%arg12 : memref<!tpu.dma_semaphore, #tpu.memory_space<semaphore_mem>>) src(%dma_wait3A_1625 : memref<3x40xi32, #tpu.memory_space<hbm>>) dst(%dma_wait3A_1621 : memref<3x40xi32, #tpu.memory_space<vmem>>)
      %dma_wait3A_1626 = arith.constant 0 : i32
      %dma_wait3A_1627 = arith.constant 0 : i32
      %dma_wait3A_1628 = arith.constant 0 : i32
      %dma_wait3A_1629 = arith.constant 0 : i32
      %dma_wait3A_1630 = arith.constant 0 : i32
      %dma_wait3A_1631 = arith.constant 0 : i32
      %dma_wait3A_1632 = tpu.memref_slice %arg10[%dma_wait3A_1629, %dma_wait3A_1630, %dma_wait3A_1631] : memref<3x3x40xi32, #tpu.memory_space<vmem>> -> memref<1x3x40xi32, #tpu.memory_space<vmem>>
      %dma_wait3A_1633 = tpu.memref_squeeze %dma_wait3A_1632 : memref<1x3x40xi32, #tpu.memory_space<vmem>> -> memref<3x40xi32, #tpu.memory_space<vmem>>
      %dma_wait3A_1634 = arith.constant 0 : i32
      %dma_wait3A_1635 = arith.constant 0 : i32
      %dma_wait3A_1636 = tpu.memref_slice %arg3[%dma_wait3A_1626, %dma_wait3A_1627, %dma_wait3A_1628, %dma_wait3A_1634, %dma_wait3A_1635] : memref<3x32x84x3x40xi32, #tpu.memory_space<hbm>> -> memref<1x1x1x3x40xi32, #tpu.memory_space<hbm>>
      %dma_wait3A_1637 = tpu.memref_squeeze %dma_wait3A_1636 : memref<1x1x1x3x40xi32, #tpu.memory_space<hbm>> -> memref<3x40xi32, #tpu.memory_space<hbm>>
      %dma_wait3A_1638 = arith.constant 0 : i32
      %dma_wait3A_1639 = arith.constant 0 : i32
      %dma_wait3A_1640 = tpu.memref_slice %arg10[%dma_wait3A_1629, %dma_wait3A_1638, %dma_wait3A_1639] : memref<3x3x40xi32, #tpu.memory_space<vmem>> -> memref<1x3x40xi32, #tpu.memory_space<vmem>>
      %dma_wait3A_1641 = tpu.memref_squeeze %dma_wait3A_1640 : memref<1x3x40xi32, #tpu.memory_space<vmem>> -> memref<3x40xi32, #tpu.memory_space<vmem>>
      %dma_wait3A_1642 = arith.constant 0 : i32
      %dma_wait3A_1643 = arith.constant 0 : i32
      %dma_wait3A_1644 = tpu.memref_slice %arg3[%dma_wait3A_1626, %dma_wait3A_1627, %dma_wait3A_1628, %dma_wait3A_1642, %dma_wait3A_1643] : memref<3x32x84x3x40xi32, #tpu.memory_space<hbm>> -> memref<1x1x1x3x40xi32, #tpu.memory_space<hbm>>
      %dma_wait3A_1645 = tpu.memref_squeeze %dma_wait3A_1644 : memref<1x1x1x3x40xi32, #tpu.memory_space<hbm>> -> memref<3x40xi32, #tpu.memory_space<hbm>>
      tpu.wait_dma2 semaphore(%arg12 : memref<!tpu.dma_semaphore, #tpu.memory_space<semaphore_mem>>) src(%dma_wait3A_1645 : memref<3x40xi32, #tpu.memory_space<hbm>>) dst(%dma_wait3A_1641 : memref<3x40xi32, #tpu.memory_space<vmem>>)
      %dma_wait3A_1646 = arith.constant 0 : i32
      %dma_wait3A_1647 = arith.constant 0 : i32
      %dma_wait3A_1648 = arith.constant 0 : i32
      %dma_wait3A_1649 = arith.constant 0 : i32
      %dma_wait3A_1650 = arith.constant 0 : i32
      %dma_wait3A_1651 = arith.constant 0 : i32
      %dma_wait3A_1652 = tpu.memref_slice %arg11[%dma_wait3A_1646, %dma_wait3A_1647, %dma_wait3A_1650, %dma_wait3A_1651] : memref<2x3x40x128xf32, #tpu.memory_space<vmem>> -> memref<1x1x40x128xf32, #tpu.memory_space<vmem>>
      %dma_wait3A_1653 = tpu.memref_squeeze %dma_wait3A_1652 : memref<1x1x40x128xf32, #tpu.memory_space<vmem>> -> memref<40x128xf32, #tpu.memory_space<vmem>>
      %dma_wait3A_1654 = arith.constant 0 : i32
      %dma_wait3A_1655 = tpu.memref_slice %arg10[%dma_wait3A_1648, %dma_wait3A_1649, %dma_wait3A_1654] : memref<3x3x40xi32, #tpu.memory_space<vmem>> -> memref<1x1x40xi32, #tpu.memory_space<vmem>>
      %dma_wait3A_1656 = tpu.memref_squeeze %dma_wait3A_1655 : memref<1x1x40xi32, #tpu.memory_space<vmem>> -> memref<40xi32, #tpu.memory_space<vmem>>
      %dma_wait3A_1657 = arith.constant 0 : i32
      %dma_wait3A_1658 = arith.constant 0 : i32
      %dma_wait3A_1659 = tpu.memref_slice %arg15[%dma_wait3A_1657, %dma_wait3A_1658] : memref<10240x128xf32, #tpu.memory_space<vmem_shared>> -> memref<10240x128xf32, #tpu.memory_space<vmem_shared>>
      tpu.wait_indirect_dma semaphore(%arg14 : memref<!tpu.dma_semaphore, #tpu.memory_space<semaphore_mem>>) src(%dma_wait3A_1653 : memref<40x128xf32, #tpu.memory_space<vmem>>) dst(%dma_wait3A_1659 : memref<10240x128xf32, #tpu.memory_space<vmem_shared>>)
      %dma_wait3A_1660 = arith.constant 0 : i32
      %dma_wait3A_1661 = arith.constant 1 : i32
      %dma_wait3A_1662 = arith.constant 0 : i32
      %dma_wait3A_1663 = arith.constant 1 : i32
      %dma_wait3A_1664 = arith.constant 0 : i32
      %dma_wait3A_1665 = arith.constant 0 : i32
      %dma_wait3A_1666 = tpu.memref_slice %arg11[%dma_wait3A_1660, %dma_wait3A_1661, %dma_wait3A_1664, %dma_wait3A_1665] : memref<2x3x40x128xf32, #tpu.memory_space<vmem>> -> memref<1x1x40x128xf32, #tpu.memory_space<vmem>>
      %dma_wait3A_1667 = tpu.memref_squeeze %dma_wait3A_1666 : memref<1x1x40x128xf32, #tpu.memory_space<vmem>> -> memref<40x128xf32, #tpu.memory_space<vmem>>
      %dma_wait3A_1668 = arith.constant 0 : i32
      %dma_wait3A_1669 = tpu.memref_slice %arg10[%dma_wait3A_1662, %dma_wait3A_1663, %dma_wait3A_1668] : memref<3x3x40xi32, #tpu.memory_space<vmem>> -> memref<1x1x40xi32, #tpu.memory_space<vmem>>
      %dma_wait3A_1670 = tpu.memref_squeeze %dma_wait3A_1669 : memref<1x1x40xi32, #tpu.memory_space<vmem>> -> memref<40xi32, #tpu.memory_space<vmem>>
      %dma_wait3A_1671 = arith.constant 0 : i32
      %dma_wait3A_1672 = arith.constant 0 : i32
      %dma_wait3A_1673 = tpu.memref_slice %arg15[%dma_wait3A_1671, %dma_wait3A_1672] : memref<10240x128xf32, #tpu.memory_space<vmem_shared>> -> memref<10240x128xf32, #tpu.memory_space<vmem_shared>>
      tpu.wait_indirect_dma semaphore(%arg14 : memref<!tpu.dma_semaphore, #tpu.memory_space<semaphore_mem>>) src(%dma_wait3A_1667 : memref<40x128xf32, #tpu.memory_space<vmem>>) dst(%dma_wait3A_1673 : memref<10240x128xf32, #tpu.memory_space<vmem_shared>>)
      %dma_wait3A_1674 = arith.constant 0 : i32
      %dma_wait3A_1675 = arith.constant 2 : i32
      %dma_wait3A_1676 = arith.constant 0 : i32
      %dma_wait3A_1677 = arith.constant 2 : i32
      %dma_wait3A_1678 = arith.constant 0 : i32
      %dma_wait3A_1679 = arith.constant 0 : i32
      %dma_wait3A_1680 = tpu.memref_slice %arg11[%dma_wait3A_1674, %dma_wait3A_1675, %dma_wait3A_1678, %dma_wait3A_1679] : memref<2x3x40x128xf32, #tpu.memory_space<vmem>> -> memref<1x1x40x128xf32, #tpu.memory_space<vmem>>
      %dma_wait3A_1681 = tpu.memref_squeeze %dma_wait3A_1680 : memref<1x1x40x128xf32, #tpu.memory_space<vmem>> -> memref<40x128xf32, #tpu.memory_space<vmem>>
      %dma_wait3A_1682 = arith.constant 0 : i32
      %dma_wait3A_1683 = tpu.memref_slice %arg10[%dma_wait3A_1676, %dma_wait3A_1677, %dma_wait3A_1682] : memref<3x3x40xi32, #tpu.memory_space<vmem>> -> memref<1x1x40xi32, #tpu.memory_space<vmem>>
      %dma_wait3A_1684 = tpu.memref_squeeze %dma_wait3A_1683 : memref<1x1x40xi32, #tpu.memory_space<vmem>> -> memref<40xi32, #tpu.memory_space<vmem>>
      %dma_wait3A_1685 = arith.constant 0 : i32
      %dma_wait3A_1686 = arith.constant 0 : i32
      %dma_wait3A_1687 = tpu.memref_slice %arg15[%dma_wait3A_1685, %dma_wait3A_1686] : memref<10240x128xf32, #tpu.memory_space<vmem_shared>> -> memref<10240x128xf32, #tpu.memory_space<vmem_shared>>
      tpu.wait_indirect_dma semaphore(%arg14 : memref<!tpu.dma_semaphore, #tpu.memory_space<semaphore_mem>>) src(%dma_wait3A_1681 : memref<40x128xf32, #tpu.memory_space<vmem>>) dst(%dma_wait3A_1687 : memref<10240x128xf32, #tpu.memory_space<vmem_shared>>)
      %add3A_1688 = arith.constant 1 : i32
      %add3A_1689 = arith.addi %scan3A_1561, %add3A_1688 : i32
      %rem3A_1690 = arith.constant 3 : i32
      %rem3A_1691 = arith.remsi %add3A_1689, %rem3A_1690 : i32
      %dma_start3A_1692 = arith.constant 0 : i32
      %dma_start3A_1693 = arith.constant 0 : i32
      %dma_start3A_1694 = arith.constant 0 : i32
      %dma_start3A_1695 = arith.constant 0 : i32
      %dma_start3A_1696 = tpu.memref_slice %arg11[%sub3A_1563, %dma_start3A_1693, %dma_start3A_1694, %dma_start3A_1695] : memref<2x3x40x128xf32, #tpu.memory_space<vmem>> -> memref<1x1x40x128xf32, #tpu.memory_space<vmem>>
      %dma_start3A_1697 = tpu.memref_squeeze %dma_start3A_1696 : memref<1x1x40x128xf32, #tpu.memory_space<vmem>> -> memref<40x128xf32, #tpu.memory_space<vmem>>
      %dma_start3A_1698 = arith.constant 0 : i32
      %dma_start3A_1699 = tpu.memref_slice %arg9[%rem3A_1691, %dma_start3A_1692, %dma_start3A_1698] : memref<3x3x40xi32, #tpu.memory_space<vmem>> -> memref<1x1x40xi32, #tpu.memory_space<vmem>>
      %dma_start3A_1700 = tpu.memref_squeeze %dma_start3A_1699 : memref<1x1x40xi32, #tpu.memory_space<vmem>> -> memref<40xi32, #tpu.memory_space<vmem>>
      %dma_start3A_1701 = arith.constant 0 : i32
      %dma_start3A_1702 = arith.constant 0 : i32
      %dma_start3A_1703 = tpu.memref_slice %arg5[%dma_start3A_1701, %dma_start3A_1702] : memref<10000x128xf32, #tpu.memory_space<hbm>> -> memref<10000x128xf32, #tpu.memory_space<hbm>>
      tpu.enqueue_indirect_dma source(%dma_start3A_1703 : memref<10000x128xf32, #tpu.memory_space<hbm>>) target(%dma_start3A_1697 : memref<40x128xf32, #tpu.memory_space<vmem>>) offsets(%dma_start3A_1700 : memref<40xi32, #tpu.memory_space<vmem>>) semaphore(%arg13 : memref<!tpu.dma_semaphore, #tpu.memory_space<semaphore_mem>>)
      %dma_start3A_1704 = arith.constant 1 : i32
      %dma_start3A_1705 = arith.constant 1 : i32
      %dma_start3A_1706 = arith.constant 0 : i32
      %dma_start3A_1707 = arith.constant 0 : i32
      %dma_start3A_1708 = tpu.memref_slice %arg11[%sub3A_1563, %dma_start3A_1705, %dma_start3A_1706, %dma_start3A_1707] : memref<2x3x40x128xf32, #tpu.memory_space<vmem>> -> memref<1x1x40x128xf32, #tpu.memory_space<vmem>>
      %dma_start3A_1709 = tpu.memref_squeeze %dma_start3A_1708 : memref<1x1x40x128xf32, #tpu.memory_space<vmem>> -> memref<40x128xf32, #tpu.memory_space<vmem>>
      %dma_start3A_1710 = arith.constant 0 : i32
      %dma_start3A_1711 = tpu.memref_slice %arg9[%rem3A_1691, %dma_start3A_1704, %dma_start3A_1710] : memref<3x3x40xi32, #tpu.memory_space<vmem>> -> memref<1x1x40xi32, #tpu.memory_space<vmem>>
      %dma_start3A_1712 = tpu.memref_squeeze %dma_start3A_1711 : memref<1x1x40xi32, #tpu.memory_space<vmem>> -> memref<40xi32, #tpu.memory_space<vmem>>
      %dma_start3A_1713 = arith.constant 0 : i32
      %dma_start3A_1714 = arith.constant 0 : i32
      %dma_start3A_1715 = tpu.memref_slice %arg5[%dma_start3A_1713, %dma_start3A_1714] : memref<10000x128xf32, #tpu.memory_space<hbm>> -> memref<10000x128xf32, #tpu.memory_space<hbm>>
      tpu.enqueue_indirect_dma source(%dma_start3A_1715 : memref<10000x128xf32, #tpu.memory_space<hbm>>) target(%dma_start3A_1709 : memref<40x128xf32, #tpu.memory_space<vmem>>) offsets(%dma_start3A_1712 : memref<40xi32, #tpu.memory_space<vmem>>) semaphore(%arg13 : memref<!tpu.dma_semaphore, #tpu.memory_space<semaphore_mem>>)
      %dma_start3A_1716 = arith.constant 2 : i32
      %dma_start3A_1717 = arith.constant 2 : i32
      %dma_start3A_1718 = arith.constant 0 : i32
      %dma_start3A_1719 = arith.constant 0 : i32
      %dma_start3A_1720 = tpu.memref_slice %arg11[%sub3A_1563, %dma_start3A_1717, %dma_start3A_1718, %dma_start3A_1719] : memref<2x3x40x128xf32, #tpu.memory_space<vmem>> -> memref<1x1x40x128xf32, #tpu.memory_space<vmem>>
      %dma_start3A_1721 = tpu.memref_squeeze %dma_start3A_1720 : memref<1x1x40x128xf32, #tpu.memory_space<vmem>> -> memref<40x128xf32, #tpu.memory_space<vmem>>
      %dma_start3A_1722 = arith.constant 0 : i32
      %dma_start3A_1723 = tpu.memref_slice %arg9[%rem3A_1691, %dma_start3A_1716, %dma_start3A_1722] : memref<3x3x40xi32, #tpu.memory_space<vmem>> -> memref<1x1x40xi32, #tpu.memory_space<vmem>>
      %dma_start3A_1724 = tpu.memref_squeeze %dma_start3A_1723 : memref<1x1x40xi32, #tpu.memory_space<vmem>> -> memref<40xi32, #tpu.memory_space<vmem>>
      %dma_start3A_1725 = arith.constant 0 : i32
      %dma_start3A_1726 = arith.constant 0 : i32
      %dma_start3A_1727 = tpu.memref_slice %arg5[%dma_start3A_1725, %dma_start3A_1726] : memref<10000x128xf32, #tpu.memory_space<hbm>> -> memref<10000x128xf32, #tpu.memory_space<hbm>>
      tpu.enqueue_indirect_dma source(%dma_start3A_1727 : memref<10000x128xf32, #tpu.memory_space<hbm>>) target(%dma_start3A_1721 : memref<40x128xf32, #tpu.memory_space<vmem>>) offsets(%dma_start3A_1724 : memref<40xi32, #tpu.memory_space<vmem>>) semaphore(%arg13 : memref<!tpu.dma_semaphore, #tpu.memory_space<semaphore_mem>>)
      %dma_wait3A_1728 = arith.constant 0 : i32
      %dma_wait3A_1729 = arith.constant 0 : i32
      %dma_wait3A_1730 = arith.constant 0 : i32
      %dma_wait3A_1731 = arith.constant 0 : i32
      %dma_wait3A_1732 = arith.constant 0 : i32
      %dma_wait3A_1733 = arith.constant 0 : i32
      %dma_wait3A_1734 = tpu.memref_slice %arg11[%dma_wait3A_1730, %dma_wait3A_1731, %dma_wait3A_1732, %dma_wait3A_1733] : memref<2x3x40x128xf32, #tpu.memory_space<vmem>> -> memref<1x1x40x128xf32, #tpu.memory_space<vmem>>
      %dma_wait3A_1735 = tpu.memref_squeeze %dma_wait3A_1734 : memref<1x1x40x128xf32, #tpu.memory_space<vmem>> -> memref<40x128xf32, #tpu.memory_space<vmem>>
      %dma_wait3A_1736 = arith.constant 0 : i32
      %dma_wait3A_1737 = tpu.memref_slice %arg9[%dma_wait3A_1728, %dma_wait3A_1729, %dma_wait3A_1736] : memref<3x3x40xi32, #tpu.memory_space<vmem>> -> memref<1x1x40xi32, #tpu.memory_space<vmem>>
      %dma_wait3A_1738 = tpu.memref_squeeze %dma_wait3A_1737 : memref<1x1x40xi32, #tpu.memory_space<vmem>> -> memref<40xi32, #tpu.memory_space<vmem>>
      %dma_wait3A_1739 = arith.constant 0 : i32
      %dma_wait3A_1740 = arith.constant 0 : i32
      %dma_wait3A_1741 = tpu.memref_slice %arg5[%dma_wait3A_1739, %dma_wait3A_1740] : memref<10000x128xf32, #tpu.memory_space<hbm>> -> memref<10000x128xf32, #tpu.memory_space<hbm>>
      tpu.wait_indirect_dma semaphore(%arg13 : memref<!tpu.dma_semaphore, #tpu.memory_space<semaphore_mem>>) src(%dma_wait3A_1741 : memref<10000x128xf32, #tpu.memory_space<hbm>>) dst(%dma_wait3A_1735 : memref<40x128xf32, #tpu.memory_space<vmem>>)
      %dma_wait3A_1742 = arith.constant 0 : i32
      %dma_wait3A_1743 = arith.constant 0 : i32
      %dma_wait3A_1744 = arith.constant 0 : i32
      %dma_wait3A_1745 = arith.constant 1 : i32
      %dma_wait3A_1746 = arith.constant 0 : i32
      %dma_wait3A_1747 = arith.constant 0 : i32
      %dma_wait3A_1748 = tpu.memref_slice %arg11[%dma_wait3A_1744, %dma_wait3A_1745, %dma_wait3A_1746, %dma_wait3A_1747] : memref<2x3x40x128xf32, #tpu.memory_space<vmem>> -> memref<1x1x40x128xf32, #tpu.memory_space<vmem>>
      %dma_wait3A_1749 = tpu.memref_squeeze %dma_wait3A_1748 : memref<1x1x40x128xf32, #tpu.memory_space<vmem>> -> memref<40x128xf32, #tpu.memory_space<vmem>>
      %dma_wait3A_1750 = arith.constant 0 : i32
      %dma_wait3A_1751 = tpu.memref_slice %arg9[%dma_wait3A_1742, %dma_wait3A_1743, %dma_wait3A_1750] : memref<3x3x40xi32, #tpu.memory_space<vmem>> -> memref<1x1x40xi32, #tpu.memory_space<vmem>>
      %dma_wait3A_1752 = tpu.memref_squeeze %dma_wait3A_1751 : memref<1x1x40xi32, #tpu.memory_space<vmem>> -> memref<40xi32, #tpu.memory_space<vmem>>
      %dma_wait3A_1753 = arith.constant 0 : i32
      %dma_wait3A_1754 = arith.constant 0 : i32
      %dma_wait3A_1755 = tpu.memref_slice %arg5[%dma_wait3A_1753, %dma_wait3A_1754] : memref<10000x128xf32, #tpu.memory_space<hbm>> -> memref<10000x128xf32, #tpu.memory_space<hbm>>
      tpu.wait_indirect_dma semaphore(%arg13 : memref<!tpu.dma_semaphore, #tpu.memory_space<semaphore_mem>>) src(%dma_wait3A_1755 : memref<10000x128xf32, #tpu.memory_space<hbm>>) dst(%dma_wait3A_1749 : memref<40x128xf32, #tpu.memory_space<vmem>>)
      %dma_wait3A_1756 = arith.constant 0 : i32
      %dma_wait3A_1757 = arith.constant 0 : i32
      %dma_wait3A_1758 = arith.constant 0 : i32
      %dma_wait3A_1759 = arith.constant 2 : i32
      %dma_wait3A_1760 = arith.constant 0 : i32
      %dma_wait3A_1761 = arith.constant 0 : i32
      %dma_wait3A_1762 = tpu.memref_slice %arg11[%dma_wait3A_1758, %dma_wait3A_1759, %dma_wait3A_1760, %dma_wait3A_1761] : memref<2x3x40x128xf32, #tpu.memory_space<vmem>> -> memref<1x1x40x128xf32, #tpu.memory_space<vmem>>
      %dma_wait3A_1763 = tpu.memref_squeeze %dma_wait3A_1762 : memref<1x1x40x128xf32, #tpu.memory_space<vmem>> -> memref<40x128xf32, #tpu.memory_space<vmem>>
      %dma_wait3A_1764 = arith.constant 0 : i32
      %dma_wait3A_1765 = tpu.memref_slice %arg9[%dma_wait3A_1756, %dma_wait3A_1757, %dma_wait3A_1764] : memref<3x3x40xi32, #tpu.memory_space<vmem>> -> memref<1x1x40xi32, #tpu.memory_space<vmem>>
      %dma_wait3A_1766 = tpu.memref_squeeze %dma_wait3A_1765 : memref<1x1x40xi32, #tpu.memory_space<vmem>> -> memref<40xi32, #tpu.memory_space<vmem>>
      %dma_wait3A_1767 = arith.constant 0 : i32
      %dma_wait3A_1768 = arith.constant 0 : i32
      %dma_wait3A_1769 = tpu.memref_slice %arg5[%dma_wait3A_1767, %dma_wait3A_1768] : memref<10000x128xf32, #tpu.memory_space<hbm>> -> memref<10000x128xf32, #tpu.memory_space<hbm>>
      tpu.wait_indirect_dma semaphore(%arg13 : memref<!tpu.dma_semaphore, #tpu.memory_space<semaphore_mem>>) src(%dma_wait3A_1769 : memref<10000x128xf32, #tpu.memory_space<hbm>>) dst(%dma_wait3A_1763 : memref<40x128xf32, #tpu.memory_space<vmem>>)
      %rem3A_1770 = arith.constant 3 : i32
      %rem3A_1771 = arith.remsi %scan3A_1561, %rem3A_1770 : i32
      %dma_start3A_1772 = arith.constant 0 : i32
      %dma_start3A_1773 = arith.constant 0 : i32
      %dma_start3A_1774 = arith.constant 0 : i32
      %dma_start3A_1775 = arith.constant 0 : i32
      %dma_start3A_1776 = tpu.memref_slice %arg11[%rem3A_1562, %dma_start3A_1772, %dma_start3A_1774, %dma_start3A_1775] : memref<2x3x40x128xf32, #tpu.memory_space<vmem>> -> memref<1x1x40x128xf32, #tpu.memory_space<vmem>>
      %dma_start3A_1777 = tpu.memref_squeeze %dma_start3A_1776 : memref<1x1x40x128xf32, #tpu.memory_space<vmem>> -> memref<40x128xf32, #tpu.memory_space<vmem>>
      %dma_start3A_1778 = arith.constant 0 : i32
      %dma_start3A_1779 = tpu.memref_slice %arg10[%rem3A_1771, %dma_start3A_1773, %dma_start3A_1778] : memref<3x3x40xi32, #tpu.memory_space<vmem>> -> memref<1x1x40xi32, #tpu.memory_space<vmem>>
      %dma_start3A_1780 = tpu.memref_squeeze %dma_start3A_1779 : memref<1x1x40xi32, #tpu.memory_space<vmem>> -> memref<40xi32, #tpu.memory_space<vmem>>
      %dma_start3A_1781 = arith.constant 0 : i32
      %dma_start3A_1782 = arith.constant 0 : i32
      %dma_start3A_1783 = tpu.memref_slice %arg15[%dma_start3A_1781, %dma_start3A_1782] : memref<10240x128xf32, #tpu.memory_space<vmem_shared>> -> memref<10240x128xf32, #tpu.memory_space<vmem_shared>>
      tpu.enqueue_indirect_dma source(%dma_start3A_1777 : memref<40x128xf32, #tpu.memory_space<vmem>>) target(%dma_start3A_1783 : memref<10240x128xf32, #tpu.memory_space<vmem_shared>>) offsets(%dma_start3A_1780 : memref<40xi32, #tpu.memory_space<vmem>>) semaphore(%arg14 : memref<!tpu.dma_semaphore, #tpu.memory_space<semaphore_mem>>) {add = true}
      %dma_start3A_1784 = arith.constant 1 : i32
      %dma_start3A_1785 = arith.constant 1 : i32
      %dma_start3A_1786 = arith.constant 0 : i32
      %dma_start3A_1787 = arith.constant 0 : i32
      %dma_start3A_1788 = tpu.memref_slice %arg11[%rem3A_1562, %dma_start3A_1784, %dma_start3A_1786, %dma_start3A_1787] : memref<2x3x40x128xf32, #tpu.memory_space<vmem>> -> memref<1x1x40x128xf32, #tpu.memory_space<vmem>>
      %dma_start3A_1789 = tpu.memref_squeeze %dma_start3A_1788 : memref<1x1x40x128xf32, #tpu.memory_space<vmem>> -> memref<40x128xf32, #tpu.memory_space<vmem>>
      %dma_start3A_1790 = arith.constant 0 : i32
      %dma_start3A_1791 = tpu.memref_slice %arg10[%rem3A_1771, %dma_start3A_1785, %dma_start3A_1790] : memref<3x3x40xi32, #tpu.memory_space<vmem>> -> memref<1x1x40xi32, #tpu.memory_space<vmem>>
      %dma_start3A_1792 = tpu.memref_squeeze %dma_start3A_1791 : memref<1x1x40xi32, #tpu.memory_space<vmem>> -> memref<40xi32, #tpu.memory_space<vmem>>
      %dma_start3A_1793 = arith.constant 0 : i32
      %dma_start3A_1794 = arith.constant 0 : i32
      %dma_start3A_1795 = tpu.memref_slice %arg15[%dma_start3A_1793, %dma_start3A_1794] : memref<10240x128xf32, #tpu.memory_space<vmem_shared>> -> memref<10240x128xf32, #tpu.memory_space<vmem_shared>>
      tpu.enqueue_indirect_dma source(%dma_start3A_1789 : memref<40x128xf32, #tpu.memory_space<vmem>>) target(%dma_start3A_1795 : memref<10240x128xf32, #tpu.memory_space<vmem_shared>>) offsets(%dma_start3A_1792 : memref<40xi32, #tpu.memory_space<vmem>>) semaphore(%arg14 : memref<!tpu.dma_semaphore, #tpu.memory_space<semaphore_mem>>) {add = true}
      %dma_start3A_1796 = arith.constant 2 : i32
      %dma_start3A_1797 = arith.constant 2 : i32
      %dma_start3A_1798 = arith.constant 0 : i32
      %dma_start3A_1799 = arith.constant 0 : i32
      %dma_start3A_1800 = tpu.memref_slice %arg11[%rem3A_1562, %dma_start3A_1796, %dma_start3A_1798, %dma_start3A_1799] : memref<2x3x40x128xf32, #tpu.memory_space<vmem>> -> memref<1x1x40x128xf32, #tpu.memory_space<vmem>>
      %dma_start3A_1801 = tpu.memref_squeeze %dma_start3A_1800 : memref<1x1x40x128xf32, #tpu.memory_space<vmem>> -> memref<40x128xf32, #tpu.memory_space<vmem>>
      %dma_start3A_1802 = arith.constant 0 : i32
      %dma_start3A_1803 = tpu.memref_slice %arg10[%rem3A_1771, %dma_start3A_1797, %dma_start3A_1802] : memref<3x3x40xi32, #tpu.memory_space<vmem>> -> memref<1x1x40xi32, #tpu.memory_space<vmem>>
      %dma_start3A_1804 = tpu.memref_squeeze %dma_start3A_1803 : memref<1x1x40xi32, #tpu.memory_space<vmem>> -> memref<40xi32, #tpu.memory_space<vmem>>
      %dma_start3A_1805 = arith.constant 0 : i32
      %dma_start3A_1806 = arith.constant 0 : i32
      %dma_start3A_1807 = tpu.memref_slice %arg15[%dma_start3A_1805, %dma_start3A_1806] : memref<10240x128xf32, #tpu.memory_space<vmem_shared>> -> memref<10240x128xf32, #tpu.memory_space<vmem_shared>>
      tpu.enqueue_indirect_dma source(%dma_start3A_1801 : memref<40x128xf32, #tpu.memory_space<vmem>>) target(%dma_start3A_1807 : memref<10240x128xf32, #tpu.memory_space<vmem_shared>>) offsets(%dma_start3A_1804 : memref<40xi32, #tpu.memory_space<vmem>>) semaphore(%arg14 : memref<!tpu.dma_semaphore, #tpu.memory_space<semaphore_mem>>) {add = true}
    }
    %scan3A_366 = arith.constant 83 : i32
    %dma_wait3A_367 = arith.constant 0 : i32
    %dma_wait3A_368 = arith.constant 0 : i32
    %dma_wait3A_369 = arith.constant 0 : i32
    %dma_wait3A_370 = arith.constant 0 : i32
    %dma_wait3A_371 = arith.constant 0 : i32
    %dma_wait3A_372 = arith.constant 0 : i32
    %dma_wait3A_373 = tpu.memref_slice %arg11[%dma_wait3A_369, %dma_wait3A_370, %dma_wait3A_371, %dma_wait3A_372] : memref<2x3x40x128xf32, #tpu.memory_space<vmem>> -> memref<1x1x40x128xf32, #tpu.memory_space<vmem>>
    %dma_wait3A_374 = tpu.memref_squeeze %dma_wait3A_373 : memref<1x1x40x128xf32, #tpu.memory_space<vmem>> -> memref<40x128xf32, #tpu.memory_space<vmem>>
    %dma_wait3A_375 = arith.constant 0 : i32
    %dma_wait3A_376 = tpu.memref_slice %arg9[%dma_wait3A_367, %dma_wait3A_368, %dma_wait3A_375] : memref<3x3x40xi32, #tpu.memory_space<vmem>> -> memref<1x1x40xi32, #tpu.memory_space<vmem>>
    %dma_wait3A_377 = tpu.memref_squeeze %dma_wait3A_376 : memref<1x1x40xi32, #tpu.memory_space<vmem>> -> memref<40xi32, #tpu.memory_space<vmem>>
    %dma_wait3A_378 = arith.constant 0 : i32
    %dma_wait3A_379 = arith.constant 0 : i32
    %dma_wait3A_380 = tpu.memref_slice %arg5[%dma_wait3A_378, %dma_wait3A_379] : memref<10000x128xf32, #tpu.memory_space<hbm>> -> memref<10000x128xf32, #tpu.memory_space<hbm>>
    tpu.wait_indirect_dma semaphore(%arg13 : memref<!tpu.dma_semaphore, #tpu.memory_space<semaphore_mem>>) src(%dma_wait3A_380 : memref<10000x128xf32, #tpu.memory_space<hbm>>) dst(%dma_wait3A_374 : memref<40x128xf32, #tpu.memory_space<vmem>>)
    %dma_wait3A_381 = arith.constant 0 : i32
    %dma_wait3A_382 = arith.constant 0 : i32
    %dma_wait3A_383 = arith.constant 0 : i32
    %dma_wait3A_384 = arith.constant 1 : i32
    %dma_wait3A_385 = arith.constant 0 : i32
    %dma_wait3A_386 = arith.constant 0 : i32
    %dma_wait3A_387 = tpu.memref_slice %arg11[%dma_wait3A_383, %dma_wait3A_384, %dma_wait3A_385, %dma_wait3A_386] : memref<2x3x40x128xf32, #tpu.memory_space<vmem>> -> memref<1x1x40x128xf32, #tpu.memory_space<vmem>>
    %dma_wait3A_388 = tpu.memref_squeeze %dma_wait3A_387 : memref<1x1x40x128xf32, #tpu.memory_space<vmem>> -> memref<40x128xf32, #tpu.memory_space<vmem>>
    %dma_wait3A_389 = arith.constant 0 : i32
    %dma_wait3A_390 = tpu.memref_slice %arg9[%dma_wait3A_381, %dma_wait3A_382, %dma_wait3A_389] : memref<3x3x40xi32, #tpu.memory_space<vmem>> -> memref<1x1x40xi32, #tpu.memory_space<vmem>>
    %dma_wait3A_391 = tpu.memref_squeeze %dma_wait3A_390 : memref<1x1x40xi32, #tpu.memory_space<vmem>> -> memref<40xi32, #tpu.memory_space<vmem>>
    %dma_wait3A_392 = arith.constant 0 : i32
    %dma_wait3A_393 = arith.constant 0 : i32
    %dma_wait3A_394 = tpu.memref_slice %arg5[%dma_wait3A_392, %dma_wait3A_393] : memref<10000x128xf32, #tpu.memory_space<hbm>> -> memref<10000x128xf32, #tpu.memory_space<hbm>>
    tpu.wait_indirect_dma semaphore(%arg13 : memref<!tpu.dma_semaphore, #tpu.memory_space<semaphore_mem>>) src(%dma_wait3A_394 : memref<10000x128xf32, #tpu.memory_space<hbm>>) dst(%dma_wait3A_388 : memref<40x128xf32, #tpu.memory_space<vmem>>)
    %dma_wait3A_395 = arith.constant 0 : i32
    %dma_wait3A_396 = arith.constant 0 : i32
    %dma_wait3A_397 = arith.constant 0 : i32
    %dma_wait3A_398 = arith.constant 2 : i32
    %dma_wait3A_399 = arith.constant 0 : i32
    %dma_wait3A_400 = arith.constant 0 : i32
    %dma_wait3A_401 = tpu.memref_slice %arg11[%dma_wait3A_397, %dma_wait3A_398, %dma_wait3A_399, %dma_wait3A_400] : memref<2x3x40x128xf32, #tpu.memory_space<vmem>> -> memref<1x1x40x128xf32, #tpu.memory_space<vmem>>
    %dma_wait3A_402 = tpu.memref_squeeze %dma_wait3A_401 : memref<1x1x40x128xf32, #tpu.memory_space<vmem>> -> memref<40x128xf32, #tpu.memory_space<vmem>>
    %dma_wait3A_403 = arith.constant 0 : i32
    %dma_wait3A_404 = tpu.memref_slice %arg9[%dma_wait3A_395, %dma_wait3A_396, %dma_wait3A_403] : memref<3x3x40xi32, #tpu.memory_space<vmem>> -> memref<1x1x40xi32, #tpu.memory_space<vmem>>
    %dma_wait3A_405 = tpu.memref_squeeze %dma_wait3A_404 : memref<1x1x40xi32, #tpu.memory_space<vmem>> -> memref<40xi32, #tpu.memory_space<vmem>>
    %dma_wait3A_406 = arith.constant 0 : i32
    %dma_wait3A_407 = arith.constant 0 : i32
    %dma_wait3A_408 = tpu.memref_slice %arg5[%dma_wait3A_406, %dma_wait3A_407] : memref<10000x128xf32, #tpu.memory_space<hbm>> -> memref<10000x128xf32, #tpu.memory_space<hbm>>
    tpu.wait_indirect_dma semaphore(%arg13 : memref<!tpu.dma_semaphore, #tpu.memory_space<semaphore_mem>>) src(%dma_wait3A_408 : memref<10000x128xf32, #tpu.memory_space<hbm>>) dst(%dma_wait3A_402 : memref<40x128xf32, #tpu.memory_space<vmem>>)
    %dma_wait3A_409 = arith.constant 0 : i32
    %dma_wait3A_410 = arith.constant 0 : i32
    %dma_wait3A_411 = arith.constant 0 : i32
    %dma_wait3A_412 = arith.constant 0 : i32
    %dma_wait3A_413 = arith.constant 0 : i32
    %dma_wait3A_414 = arith.constant 0 : i32
    %dma_wait3A_415 = tpu.memref_slice %arg11[%dma_wait3A_409, %dma_wait3A_410, %dma_wait3A_413, %dma_wait3A_414] : memref<2x3x40x128xf32, #tpu.memory_space<vmem>> -> memref<1x1x40x128xf32, #tpu.memory_space<vmem>>
    %dma_wait3A_416 = tpu.memref_squeeze %dma_wait3A_415 : memref<1x1x40x128xf32, #tpu.memory_space<vmem>> -> memref<40x128xf32, #tpu.memory_space<vmem>>
    %dma_wait3A_417 = arith.constant 0 : i32
    %dma_wait3A_418 = tpu.memref_slice %arg10[%dma_wait3A_411, %dma_wait3A_412, %dma_wait3A_417] : memref<3x3x40xi32, #tpu.memory_space<vmem>> -> memref<1x1x40xi32, #tpu.memory_space<vmem>>
    %dma_wait3A_419 = tpu.memref_squeeze %dma_wait3A_418 : memref<1x1x40xi32, #tpu.memory_space<vmem>> -> memref<40xi32, #tpu.memory_space<vmem>>
    %dma_wait3A_420 = arith.constant 0 : i32
    %dma_wait3A_421 = arith.constant 0 : i32
    %dma_wait3A_422 = tpu.memref_slice %arg15[%dma_wait3A_420, %dma_wait3A_421] : memref<10240x128xf32, #tpu.memory_space<vmem_shared>> -> memref<10240x128xf32, #tpu.memory_space<vmem_shared>>
    tpu.wait_indirect_dma semaphore(%arg14 : memref<!tpu.dma_semaphore, #tpu.memory_space<semaphore_mem>>) src(%dma_wait3A_416 : memref<40x128xf32, #tpu.memory_space<vmem>>) dst(%dma_wait3A_422 : memref<10240x128xf32, #tpu.memory_space<vmem_shared>>)
    %dma_wait3A_423 = arith.constant 0 : i32
    %dma_wait3A_424 = arith.constant 1 : i32
    %dma_wait3A_425 = arith.constant 0 : i32
    %dma_wait3A_426 = arith.constant 1 : i32
    %dma_wait3A_427 = arith.constant 0 : i32
    %dma_wait3A_428 = arith.constant 0 : i32
    %dma_wait3A_429 = tpu.memref_slice %arg11[%dma_wait3A_423, %dma_wait3A_424, %dma_wait3A_427, %dma_wait3A_428] : memref<2x3x40x128xf32, #tpu.memory_space<vmem>> -> memref<1x1x40x128xf32, #tpu.memory_space<vmem>>
    %dma_wait3A_430 = tpu.memref_squeeze %dma_wait3A_429 : memref<1x1x40x128xf32, #tpu.memory_space<vmem>> -> memref<40x128xf32, #tpu.memory_space<vmem>>
    %dma_wait3A_431 = arith.constant 0 : i32
    %dma_wait3A_432 = tpu.memref_slice %arg10[%dma_wait3A_425, %dma_wait3A_426, %dma_wait3A_431] : memref<3x3x40xi32, #tpu.memory_space<vmem>> -> memref<1x1x40xi32, #tpu.memory_space<vmem>>
    %dma_wait3A_433 = tpu.memref_squeeze %dma_wait3A_432 : memref<1x1x40xi32, #tpu.memory_space<vmem>> -> memref<40xi32, #tpu.memory_space<vmem>>
    %dma_wait3A_434 = arith.constant 0 : i32
    %dma_wait3A_435 = arith.constant 0 : i32
    %dma_wait3A_436 = tpu.memref_slice %arg15[%dma_wait3A_434, %dma_wait3A_435] : memref<10240x128xf32, #tpu.memory_space<vmem_shared>> -> memref<10240x128xf32, #tpu.memory_space<vmem_shared>>
    tpu.wait_indirect_dma semaphore(%arg14 : memref<!tpu.dma_semaphore, #tpu.memory_space<semaphore_mem>>) src(%dma_wait3A_430 : memref<40x128xf32, #tpu.memory_space<vmem>>) dst(%dma_wait3A_436 : memref<10240x128xf32, #tpu.memory_space<vmem_shared>>)
    %dma_wait3A_437 = arith.constant 0 : i32
    %dma_wait3A_438 = arith.constant 2 : i32
    %dma_wait3A_439 = arith.constant 0 : i32
    %dma_wait3A_440 = arith.constant 2 : i32
    %dma_wait3A_441 = arith.constant 0 : i32
    %dma_wait3A_442 = arith.constant 0 : i32
    %dma_wait3A_443 = tpu.memref_slice %arg11[%dma_wait3A_437, %dma_wait3A_438, %dma_wait3A_441, %dma_wait3A_442] : memref<2x3x40x128xf32, #tpu.memory_space<vmem>> -> memref<1x1x40x128xf32, #tpu.memory_space<vmem>>
    %dma_wait3A_444 = tpu.memref_squeeze %dma_wait3A_443 : memref<1x1x40x128xf32, #tpu.memory_space<vmem>> -> memref<40x128xf32, #tpu.memory_space<vmem>>
    %dma_wait3A_445 = arith.constant 0 : i32
    %dma_wait3A_446 = tpu.memref_slice %arg10[%dma_wait3A_439, %dma_wait3A_440, %dma_wait3A_445] : memref<3x3x40xi32, #tpu.memory_space<vmem>> -> memref<1x1x40xi32, #tpu.memory_space<vmem>>
    %dma_wait3A_447 = tpu.memref_squeeze %dma_wait3A_446 : memref<1x1x40xi32, #tpu.memory_space<vmem>> -> memref<40xi32, #tpu.memory_space<vmem>>
    %dma_wait3A_448 = arith.constant 0 : i32
    %dma_wait3A_449 = arith.constant 0 : i32
    %dma_wait3A_450 = tpu.memref_slice %arg15[%dma_wait3A_448, %dma_wait3A_449] : memref<10240x128xf32, #tpu.memory_space<vmem_shared>> -> memref<10240x128xf32, #tpu.memory_space<vmem_shared>>
    tpu.wait_indirect_dma semaphore(%arg14 : memref<!tpu.dma_semaphore, #tpu.memory_space<semaphore_mem>>) src(%dma_wait3A_444 : memref<40x128xf32, #tpu.memory_space<vmem>>) dst(%dma_wait3A_450 : memref<10240x128xf32, #tpu.memory_space<vmem_shared>>)
    %dma_wait3A_451 = arith.constant 0 : i32
    %dma_wait3A_452 = arith.constant 0 : i32
    %dma_wait3A_453 = arith.constant 0 : i32
    %dma_wait3A_454 = arith.constant 0 : i32
    %dma_wait3A_455 = arith.constant 0 : i32
    %dma_wait3A_456 = arith.constant 0 : i32
    %dma_wait3A_457 = tpu.memref_slice %arg9[%dma_wait3A_454, %dma_wait3A_455, %dma_wait3A_456] : memref<3x3x40xi32, #tpu.memory_space<vmem>> -> memref<1x3x40xi32, #tpu.memory_space<vmem>>
    %dma_wait3A_458 = tpu.memref_squeeze %dma_wait3A_457 : memref<1x3x40xi32, #tpu.memory_space<vmem>> -> memref<3x40xi32, #tpu.memory_space<vmem>>
    %dma_wait3A_459 = arith.constant 0 : i32
    %dma_wait3A_460 = arith.constant 0 : i32
    %dma_wait3A_461 = tpu.memref_slice %arg2[%dma_wait3A_451, %dma_wait3A_452, %dma_wait3A_453, %dma_wait3A_459, %dma_wait3A_460] : memref<3x32x84x3x40xi32, #tpu.memory_space<hbm>> -> memref<1x1x1x3x40xi32, #tpu.memory_space<hbm>>
    %dma_wait3A_462 = tpu.memref_squeeze %dma_wait3A_461 : memref<1x1x1x3x40xi32, #tpu.memory_space<hbm>> -> memref<3x40xi32, #tpu.memory_space<hbm>>
    %dma_wait3A_463 = arith.constant 0 : i32
    %dma_wait3A_464 = arith.constant 0 : i32
    %dma_wait3A_465 = tpu.memref_slice %arg9[%dma_wait3A_454, %dma_wait3A_463, %dma_wait3A_464] : memref<3x3x40xi32, #tpu.memory_space<vmem>> -> memref<1x3x40xi32, #tpu.memory_space<vmem>>
    %dma_wait3A_466 = tpu.memref_squeeze %dma_wait3A_465 : memref<1x3x40xi32, #tpu.memory_space<vmem>> -> memref<3x40xi32, #tpu.memory_space<vmem>>
    %dma_wait3A_467 = arith.constant 0 : i32
    %dma_wait3A_468 = arith.constant 0 : i32
    %dma_wait3A_469 = tpu.memref_slice %arg2[%dma_wait3A_451, %dma_wait3A_452, %dma_wait3A_453, %dma_wait3A_467, %dma_wait3A_468] : memref<3x32x84x3x40xi32, #tpu.memory_space<hbm>> -> memref<1x1x1x3x40xi32, #tpu.memory_space<hbm>>
    %dma_wait3A_470 = tpu.memref_squeeze %dma_wait3A_469 : memref<1x1x1x3x40xi32, #tpu.memory_space<hbm>> -> memref<3x40xi32, #tpu.memory_space<hbm>>
    tpu.wait_dma2 semaphore(%arg12 : memref<!tpu.dma_semaphore, #tpu.memory_space<semaphore_mem>>) src(%dma_wait3A_470 : memref<3x40xi32, #tpu.memory_space<hbm>>) dst(%dma_wait3A_466 : memref<3x40xi32, #tpu.memory_space<vmem>>)
    %dma_wait3A_471 = arith.constant 0 : i32
    %dma_wait3A_472 = arith.constant 0 : i32
    %dma_wait3A_473 = arith.constant 0 : i32
    %dma_wait3A_474 = arith.constant 0 : i32
    %dma_wait3A_475 = arith.constant 0 : i32
    %dma_wait3A_476 = arith.constant 0 : i32
    %dma_wait3A_477 = tpu.memref_slice %arg10[%dma_wait3A_474, %dma_wait3A_475, %dma_wait3A_476] : memref<3x3x40xi32, #tpu.memory_space<vmem>> -> memref<1x3x40xi32, #tpu.memory_space<vmem>>
    %dma_wait3A_478 = tpu.memref_squeeze %dma_wait3A_477 : memref<1x3x40xi32, #tpu.memory_space<vmem>> -> memref<3x40xi32, #tpu.memory_space<vmem>>
    %dma_wait3A_479 = arith.constant 0 : i32
    %dma_wait3A_480 = arith.constant 0 : i32
    %dma_wait3A_481 = tpu.memref_slice %arg3[%dma_wait3A_471, %dma_wait3A_472, %dma_wait3A_473, %dma_wait3A_479, %dma_wait3A_480] : memref<3x32x84x3x40xi32, #tpu.memory_space<hbm>> -> memref<1x1x1x3x40xi32, #tpu.memory_space<hbm>>
    %dma_wait3A_482 = tpu.memref_squeeze %dma_wait3A_481 : memref<1x1x1x3x40xi32, #tpu.memory_space<hbm>> -> memref<3x40xi32, #tpu.memory_space<hbm>>
    %dma_wait3A_483 = arith.constant 0 : i32
    %dma_wait3A_484 = arith.constant 0 : i32
    %dma_wait3A_485 = tpu.memref_slice %arg10[%dma_wait3A_474, %dma_wait3A_483, %dma_wait3A_484] : memref<3x3x40xi32, #tpu.memory_space<vmem>> -> memref<1x3x40xi32, #tpu.memory_space<vmem>>
    %dma_wait3A_486 = tpu.memref_squeeze %dma_wait3A_485 : memref<1x3x40xi32, #tpu.memory_space<vmem>> -> memref<3x40xi32, #tpu.memory_space<vmem>>
    %dma_wait3A_487 = arith.constant 0 : i32
    %dma_wait3A_488 = arith.constant 0 : i32
    %dma_wait3A_489 = tpu.memref_slice %arg3[%dma_wait3A_471, %dma_wait3A_472, %dma_wait3A_473, %dma_wait3A_487, %dma_wait3A_488] : memref<3x32x84x3x40xi32, #tpu.memory_space<hbm>> -> memref<1x1x1x3x40xi32, #tpu.memory_space<hbm>>
    %dma_wait3A_490 = tpu.memref_squeeze %dma_wait3A_489 : memref<1x1x1x3x40xi32, #tpu.memory_space<hbm>> -> memref<3x40xi32, #tpu.memory_space<hbm>>
    tpu.wait_dma2 semaphore(%arg12 : memref<!tpu.dma_semaphore, #tpu.memory_space<semaphore_mem>>) src(%dma_wait3A_490 : memref<3x40xi32, #tpu.memory_space<hbm>>) dst(%dma_wait3A_486 : memref<3x40xi32, #tpu.memory_space<vmem>>)
    %barrier3A_491 = arith.constant 0 : index
    tpu.barrier barrier_id(%barrier3A_491)
    %mul3A_492 = arith.constant 640 : i32
    %mul3A_493 = arith.muli %arg1, %mul3A_492 : i32
    %add3A_494 = arith.constant 0 : i32
    %add3A_495 = arith.addi %mul3A_493, %add3A_494 : i32
    %run_scoped3A = arith.constant 0 : i32
    "tpu.region"() ({
      %run_scoped3A_1561 = tpu.sem_alloc : memref<!tpu.dma_semaphore, #tpu.memory_space<semaphore_mem>>
      %dma_start3A_1562 = arith.constant 0 : i32
      %dma_start3A_1563 = tpu.memref_slice %arg8[%run_scoped3A, %arg0, %add3A_495, %dma_start3A_1562] : memref<3x2x10240x128xf32, #tpu.memory_space<hbm>> -> memref<1x1x128x128xf32, #tpu.memory_space<hbm>>
      %dma_start3A_1564 = tpu.memref_squeeze %dma_start3A_1563 : memref<1x1x128x128xf32, #tpu.memory_space<hbm>> -> memref<128x128xf32, #tpu.memory_space<hbm>>
      %dma_start3A_1565 = arith.constant 0 : i32
      %dma_start3A_1566 = tpu.memref_slice %arg15[%add3A_495, %dma_start3A_1565] : memref<10240x128xf32, #tpu.memory_space<vmem_shared>> -> memref<128x128xf32, #tpu.memory_space<vmem_shared>>
      tpu.enqueue_dma source(%dma_start3A_1566 : memref<128x128xf32, #tpu.memory_space<vmem_shared>>) target(%dma_start3A_1564 : memref<128x128xf32, #tpu.memory_space<hbm>>) target_semaphore(%run_scoped3A_1561 : memref<!tpu.dma_semaphore, #tpu.memory_space<semaphore_mem>>)
      %dma_wait3A_1567 = arith.constant 0 : i32
      %dma_wait3A_1568 = tpu.memref_slice %arg8[%run_scoped3A, %arg0, %add3A_495, %dma_wait3A_1567] : memref<3x2x10240x128xf32, #tpu.memory_space<hbm>> -> memref<1x1x128x128xf32, #tpu.memory_space<hbm>>
      %dma_wait3A_1569 = tpu.memref_squeeze %dma_wait3A_1568 : memref<1x1x128x128xf32, #tpu.memory_space<hbm>> -> memref<128x128xf32, #tpu.memory_space<hbm>>
      %dma_wait3A_1570 = arith.constant 0 : i32
      %dma_wait3A_1571 = tpu.memref_slice %arg15[%add3A_495, %dma_wait3A_1570] : memref<10240x128xf32, #tpu.memory_space<vmem_shared>> -> memref<128x128xf32, #tpu.memory_space<vmem_shared>>
      tpu.wait_dma2 semaphore(%run_scoped3A_1561 : memref<!tpu.dma_semaphore, #tpu.memory_space<semaphore_mem>>) src(%dma_wait3A_1571 : memref<128x128xf32, #tpu.memory_space<vmem_shared>>) dst(%dma_wait3A_1569 : memref<128x128xf32, #tpu.memory_space<hbm>>)
      tpu.yield
    }) : () -> ()
    %mul3A_496 = arith.constant 640 : i32
    %mul3A_497 = arith.muli %arg1, %mul3A_496 : i32
    %add3A_498 = arith.constant 128 : i32
    %add3A_499 = arith.addi %mul3A_497, %add3A_498 : i32
    %run_scoped3A_500 = arith.constant 0 : i32
    "tpu.region"() ({
      %run_scoped3A_1561 = tpu.sem_alloc : memref<!tpu.dma_semaphore, #tpu.memory_space<semaphore_mem>>
      %dma_start3A_1562 = arith.constant 0 : i32
      %dma_start3A_1563 = tpu.memref_slice %arg8[%run_scoped3A_500, %arg0, %add3A_499, %dma_start3A_1562] : memref<3x2x10240x128xf32, #tpu.memory_space<hbm>> -> memref<1x1x128x128xf32, #tpu.memory_space<hbm>>
      %dma_start3A_1564 = tpu.memref_squeeze %dma_start3A_1563 : memref<1x1x128x128xf32, #tpu.memory_space<hbm>> -> memref<128x128xf32, #tpu.memory_space<hbm>>
      %dma_start3A_1565 = arith.constant 0 : i32
      %dma_start3A_1566 = tpu.memref_slice %arg15[%add3A_499, %dma_start3A_1565] : memref<10240x128xf32, #tpu.memory_space<vmem_shared>> -> memref<128x128xf32, #tpu.memory_space<vmem_shared>>
      tpu.enqueue_dma source(%dma_start3A_1566 : memref<128x128xf32, #tpu.memory_space<vmem_shared>>) target(%dma_start3A_1564 : memref<128x128xf32, #tpu.memory_space<hbm>>) target_semaphore(%run_scoped3A_1561 : memref<!tpu.dma_semaphore, #tpu.memory_space<semaphore_mem>>)
      %dma_wait3A_1567 = arith.constant 0 : i32
      %dma_wait3A_1568 = tpu.memref_slice %arg8[%run_scoped3A_500, %arg0, %add3A_499, %dma_wait3A_1567] : memref<3x2x10240x128xf32, #tpu.memory_space<hbm>> -> memref<1x1x128x128xf32, #tpu.memory_space<hbm>>
      %dma_wait3A_1569 = tpu.memref_squeeze %dma_wait3A_1568 : memref<1x1x128x128xf32, #tpu.memory_space<hbm>> -> memref<128x128xf32, #tpu.memory_space<hbm>>
      %dma_wait3A_1570 = arith.constant 0 : i32
      %dma_wait3A_1571 = tpu.memref_slice %arg15[%add3A_499, %dma_wait3A_1570] : memref<10240x128xf32, #tpu.memory_space<vmem_shared>> -> memref<128x128xf32, #tpu.memory_space<vmem_shared>>
      tpu.wait_dma2 semaphore(%run_scoped3A_1561 : memref<!tpu.dma_semaphore, #tpu.memory_space<semaphore_mem>>) src(%dma_wait3A_1571 : memref<128x128xf32, #tpu.memory_space<vmem_shared>>) dst(%dma_wait3A_1569 : memref<128x128xf32, #tpu.memory_space<hbm>>)
      tpu.yield
    }) : () -> ()
    %mul3A_501 = arith.constant 640 : i32
    %mul3A_502 = arith.muli %arg1, %mul3A_501 : i32
    %add3A_503 = arith.constant 256 : i32
    %add3A_504 = arith.addi %mul3A_502, %add3A_503 : i32
    %run_scoped3A_505 = arith.constant 0 : i32
    "tpu.region"() ({
      %run_scoped3A_1561 = tpu.sem_alloc : memref<!tpu.dma_semaphore, #tpu.memory_space<semaphore_mem>>
      %dma_start3A_1562 = arith.constant 0 : i32
      %dma_start3A_1563 = tpu.memref_slice %arg8[%run_scoped3A_505, %arg0, %add3A_504, %dma_start3A_1562] : memref<3x2x10240x128xf32, #tpu.memory_space<hbm>> -> memref<1x1x128x128xf32, #tpu.memory_space<hbm>>
      %dma_start3A_1564 = tpu.memref_squeeze %dma_start3A_1563 : memref<1x1x128x128xf32, #tpu.memory_space<hbm>> -> memref<128x128xf32, #tpu.memory_space<hbm>>
      %dma_start3A_1565 = arith.constant 0 : i32
      %dma_start3A_1566 = tpu.memref_slice %arg15[%add3A_504, %dma_start3A_1565] : memref<10240x128xf32, #tpu.memory_space<vmem_shared>> -> memref<128x128xf32, #tpu.memory_space<vmem_shared>>
      tpu.enqueue_dma source(%dma_start3A_1566 : memref<128x128xf32, #tpu.memory_space<vmem_shared>>) target(%dma_start3A_1564 : memref<128x128xf32, #tpu.memory_space<hbm>>) target_semaphore(%run_scoped3A_1561 : memref<!tpu.dma_semaphore, #tpu.memory_space<semaphore_mem>>)
      %dma_wait3A_1567 = arith.constant 0 : i32
      %dma_wait3A_1568 = tpu.memref_slice %arg8[%run_scoped3A_505, %arg0, %add3A_504, %dma_wait3A_1567] : memref<3x2x10240x128xf32, #tpu.memory_space<hbm>> -> memref<1x1x128x128xf32, #tpu.memory_space<hbm>>
      %dma_wait3A_1569 = tpu.memref_squeeze %dma_wait3A_1568 : memref<1x1x128x128xf32, #tpu.memory_space<hbm>> -> memref<128x128xf32, #tpu.memory_space<hbm>>
      %dma_wait3A_1570 = arith.constant 0 : i32
      %dma_wait3A_1571 = tpu.memref_slice %arg15[%add3A_504, %dma_wait3A_1570] : memref<10240x128xf32, #tpu.memory_space<vmem_shared>> -> memref<128x128xf32, #tpu.memory_space<vmem_shared>>
      tpu.wait_dma2 semaphore(%run_scoped3A_1561 : memref<!tpu.dma_semaphore, #tpu.memory_space<semaphore_mem>>) src(%dma_wait3A_1571 : memref<128x128xf32, #tpu.memory_space<vmem_shared>>) dst(%dma_wait3A_1569 : memref<128x128xf32, #tpu.memory_space<hbm>>)
      tpu.yield
    }) : () -> ()
    %mul3A_506 = arith.constant 640 : i32
    %mul3A_507 = arith.muli %arg1, %mul3A_506 : i32
    %add3A_508 = arith.constant 384 : i32
    %add3A_509 = arith.addi %mul3A_507, %add3A_508 : i32
    %run_scoped3A_510 = arith.constant 0 : i32
    "tpu.region"() ({
      %run_scoped3A_1561 = tpu.sem_alloc : memref<!tpu.dma_semaphore, #tpu.memory_space<semaphore_mem>>
      %dma_start3A_1562 = arith.constant 0 : i32
      %dma_start3A_1563 = tpu.memref_slice %arg8[%run_scoped3A_510, %arg0, %add3A_509, %dma_start3A_1562] : memref<3x2x10240x128xf32, #tpu.memory_space<hbm>> -> memref<1x1x128x128xf32, #tpu.memory_space<hbm>>
      %dma_start3A_1564 = tpu.memref_squeeze %dma_start3A_1563 : memref<1x1x128x128xf32, #tpu.memory_space<hbm>> -> memref<128x128xf32, #tpu.memory_space<hbm>>
      %dma_start3A_1565 = arith.constant 0 : i32
      %dma_start3A_1566 = tpu.memref_slice %arg15[%add3A_509, %dma_start3A_1565] : memref<10240x128xf32, #tpu.memory_space<vmem_shared>> -> memref<128x128xf32, #tpu.memory_space<vmem_shared>>
      tpu.enqueue_dma source(%dma_start3A_1566 : memref<128x128xf32, #tpu.memory_space<vmem_shared>>) target(%dma_start3A_1564 : memref<128x128xf32, #tpu.memory_space<hbm>>) target_semaphore(%run_scoped3A_1561 : memref<!tpu.dma_semaphore, #tpu.memory_space<semaphore_mem>>)
      %dma_wait3A_1567 = arith.constant 0 : i32
      %dma_wait3A_1568 = tpu.memref_slice %arg8[%run_scoped3A_510, %arg0, %add3A_509, %dma_wait3A_1567] : memref<3x2x10240x128xf32, #tpu.memory_space<hbm>> -> memref<1x1x128x128xf32, #tpu.memory_space<hbm>>
      %dma_wait3A_1569 = tpu.memref_squeeze %dma_wait3A_1568 : memref<1x1x128x128xf32, #tpu.memory_space<hbm>> -> memref<128x128xf32, #tpu.memory_space<hbm>>
      %dma_wait3A_1570 = arith.constant 0 : i32
      %dma_wait3A_1571 = tpu.memref_slice %arg15[%add3A_509, %dma_wait3A_1570] : memref<10240x128xf32, #tpu.memory_space<vmem_shared>> -> memref<128x128xf32, #tpu.memory_space<vmem_shared>>
      tpu.wait_dma2 semaphore(%run_scoped3A_1561 : memref<!tpu.dma_semaphore, #tpu.memory_space<semaphore_mem>>) src(%dma_wait3A_1571 : memref<128x128xf32, #tpu.memory_space<vmem_shared>>) dst(%dma_wait3A_1569 : memref<128x128xf32, #tpu.memory_space<hbm>>)
      tpu.yield
    }) : () -> ()
    %mul3A_511 = arith.constant 640 : i32
    %mul3A_512 = arith.muli %arg1, %mul3A_511 : i32
    %add3A_513 = arith.constant 512 : i32
    %add3A_514 = arith.addi %mul3A_512, %add3A_513 : i32
    %run_scoped3A_515 = arith.constant 0 : i32
    "tpu.region"() ({
      %run_scoped3A_1561 = tpu.sem_alloc : memref<!tpu.dma_semaphore, #tpu.memory_space<semaphore_mem>>
      %dma_start3A_1562 = arith.constant 0 : i32
      %dma_start3A_1563 = tpu.memref_slice %arg8[%run_scoped3A_515, %arg0, %add3A_514, %dma_start3A_1562] : memref<3x2x10240x128xf32, #tpu.memory_space<hbm>> -> memref<1x1x128x128xf32, #tpu.memory_space<hbm>>
      %dma_start3A_1564 = tpu.memref_squeeze %dma_start3A_1563 : memref<1x1x128x128xf32, #tpu.memory_space<hbm>> -> memref<128x128xf32, #tpu.memory_space<hbm>>
      %dma_start3A_1565 = arith.constant 0 : i32
      %dma_start3A_1566 = tpu.memref_slice %arg15[%add3A_514, %dma_start3A_1565] : memref<10240x128xf32, #tpu.memory_space<vmem_shared>> -> memref<128x128xf32, #tpu.memory_space<vmem_shared>>
      tpu.enqueue_dma source(%dma_start3A_1566 : memref<128x128xf32, #tpu.memory_space<vmem_shared>>) target(%dma_start3A_1564 : memref<128x128xf32, #tpu.memory_space<hbm>>) target_semaphore(%run_scoped3A_1561 : memref<!tpu.dma_semaphore, #tpu.memory_space<semaphore_mem>>)
      %dma_wait3A_1567 = arith.constant 0 : i32
      %dma_wait3A_1568 = tpu.memref_slice %arg8[%run_scoped3A_515, %arg0, %add3A_514, %dma_wait3A_1567] : memref<3x2x10240x128xf32, #tpu.memory_space<hbm>> -> memref<1x1x128x128xf32, #tpu.memory_space<hbm>>
      %dma_wait3A_1569 = tpu.memref_squeeze %dma_wait3A_1568 : memref<1x1x128x128xf32, #tpu.memory_space<hbm>> -> memref<128x128xf32, #tpu.memory_space<hbm>>
      %dma_wait3A_1570 = arith.constant 0 : i32
      %dma_wait3A_1571 = tpu.memref_slice %arg15[%add3A_514, %dma_wait3A_1570] : memref<10240x128xf32, #tpu.memory_space<vmem_shared>> -> memref<128x128xf32, #tpu.memory_space<vmem_shared>>
      tpu.wait_dma2 semaphore(%run_scoped3A_1561 : memref<!tpu.dma_semaphore, #tpu.memory_space<semaphore_mem>>) src(%dma_wait3A_1571 : memref<128x128xf32, #tpu.memory_space<vmem_shared>>) dst(%dma_wait3A_1569 : memref<128x128xf32, #tpu.memory_space<hbm>>)
      tpu.yield
    }) : () -> ()
    %barrier3A_516 = arith.constant 0 : index
    tpu.barrier barrier_id(%barrier3A_516)
    %mul3A_517 = arith.constant 640 : i32
    %mul3A_518 = arith.muli %arg1, %mul3A_517 : i32
    "tpu.region"() ({
      %run_scoped3A_1561 = tpu.sem_alloc : memref<!tpu.dma_semaphore, #tpu.memory_space<semaphore_mem>>
      %dma_start3A_1562 = arith.constant 0 : i32
      %dma_start3A_1563 = tpu.memref_slice %arg15[%mul3A_518, %dma_start3A_1562] : memref<10240x128xf32, #tpu.memory_space<vmem_shared>> -> memref<640x128xf32, #tpu.memory_space<vmem_shared>>
      tpu.enqueue_dma source(%arg4 : memref<640x128xf32, #tpu.memory_space<hbm>>) target(%dma_start3A_1563 : memref<640x128xf32, #tpu.memory_space<vmem_shared>>) target_semaphore(%run_scoped3A_1561 : memref<!tpu.dma_semaphore, #tpu.memory_space<semaphore_mem>>)
      %dma_wait3A_1564 = arith.constant 0 : i32
      %dma_wait3A_1565 = tpu.memref_slice %arg15[%mul3A_518, %dma_wait3A_1564] : memref<10240x128xf32, #tpu.memory_space<vmem_shared>> -> memref<640x128xf32, #tpu.memory_space<vmem_shared>>
      tpu.wait_dma2 semaphore(%run_scoped3A_1561 : memref<!tpu.dma_semaphore, #tpu.memory_space<semaphore_mem>>) src(%arg4 : memref<640x128xf32, #tpu.memory_space<hbm>>) dst(%dma_wait3A_1565 : memref<640x128xf32, #tpu.memory_space<vmem_shared>>)
      tpu.yield
    }) : () -> ()
    %barrier3A_519 = arith.constant 0 : index
    tpu.barrier barrier_id(%barrier3A_519)
    %dma_start3A_520 = arith.constant 1 : i32
    %dma_start3A_521 = arith.constant 0 : i32
    %dma_start3A_522 = arith.constant 0 : i32
    %dma_start3A_523 = arith.constant 0 : i32
    %dma_start3A_524 = arith.constant 0 : i32
    %dma_start3A_525 = tpu.memref_slice %arg9[%dma_start3A_522, %dma_start3A_523, %dma_start3A_524] : memref<3x3x40xi32, #tpu.memory_space<vmem>> -> memref<1x3x40xi32, #tpu.memory_space<vmem>>
    %dma_start3A_526 = tpu.memref_squeeze %dma_start3A_525 : memref<1x3x40xi32, #tpu.memory_space<vmem>> -> memref<3x40xi32, #tpu.memory_space<vmem>>
    %dma_start3A_527 = arith.constant 0 : i32
    %dma_start3A_528 = arith.constant 0 : i32
    %dma_start3A_529 = tpu.memref_slice %arg2[%dma_start3A_520, %add3A, %dma_start3A_521, %dma_start3A_527, %dma_start3A_528] : memref<3x32x84x3x40xi32, #tpu.memory_space<hbm>> -> memref<1x1x1x3x40xi32, #tpu.memory_space<hbm>>
    %dma_start3A_530 = tpu.memref_squeeze %dma_start3A_529 : memref<1x1x1x3x40xi32, #tpu.memory_space<hbm>> -> memref<3x40xi32, #tpu.memory_space<hbm>>
    %dma_start3A_531 = arith.constant 0 : i32
    %dma_start3A_532 = arith.constant 0 : i32
    %dma_start3A_533 = tpu.memref_slice %arg9[%dma_start3A_522, %dma_start3A_531, %dma_start3A_532] : memref<3x3x40xi32, #tpu.memory_space<vmem>> -> memref<1x3x40xi32, #tpu.memory_space<vmem>>
    %dma_start3A_534 = tpu.memref_squeeze %dma_start3A_533 : memref<1x3x40xi32, #tpu.memory_space<vmem>> -> memref<3x40xi32, #tpu.memory_space<vmem>>
    %dma_start3A_535 = arith.constant 0 : i32
    %dma_start3A_536 = arith.constant 0 : i32
    %dma_start3A_537 = tpu.memref_slice %arg2[%dma_start3A_520, %add3A, %dma_start3A_521, %dma_start3A_535, %dma_start3A_536] : memref<3x32x84x3x40xi32, #tpu.memory_space<hbm>> -> memref<1x1x1x3x40xi32, #tpu.memory_space<hbm>>
    %dma_start3A_538 = tpu.memref_squeeze %dma_start3A_537 : memref<1x1x1x3x40xi32, #tpu.memory_space<hbm>> -> memref<3x40xi32, #tpu.memory_space<hbm>>
    tpu.enqueue_dma source(%dma_start3A_538 : memref<3x40xi32, #tpu.memory_space<hbm>>) target(%dma_start3A_534 : memref<3x40xi32, #tpu.memory_space<vmem>>) target_semaphore(%arg12 : memref<!tpu.dma_semaphore, #tpu.memory_space<semaphore_mem>>)
    %dma_start3A_539 = arith.constant 1 : i32
    %dma_start3A_540 = arith.constant 0 : i32
    %dma_start3A_541 = arith.constant 0 : i32
    %dma_start3A_542 = arith.constant 0 : i32
    %dma_start3A_543 = arith.constant 0 : i32
    %dma_start3A_544 = tpu.memref_slice %arg10[%dma_start3A_541, %dma_start3A_542, %dma_start3A_543] : memref<3x3x40xi32, #tpu.memory_space<vmem>> -> memref<1x3x40xi32, #tpu.memory_space<vmem>>
    %dma_start3A_545 = tpu.memref_squeeze %dma_start3A_544 : memref<1x3x40xi32, #tpu.memory_space<vmem>> -> memref<3x40xi32, #tpu.memory_space<vmem>>
    %dma_start3A_546 = arith.constant 0 : i32
    %dma_start3A_547 = arith.constant 0 : i32
    %dma_start3A_548 = tpu.memref_slice %arg3[%dma_start3A_539, %add3A, %dma_start3A_540, %dma_start3A_546, %dma_start3A_547] : memref<3x32x84x3x40xi32, #tpu.memory_space<hbm>> -> memref<1x1x1x3x40xi32, #tpu.memory_space<hbm>>
    %dma_start3A_549 = tpu.memref_squeeze %dma_start3A_548 : memref<1x1x1x3x40xi32, #tpu.memory_space<hbm>> -> memref<3x40xi32, #tpu.memory_space<hbm>>
    %dma_start3A_550 = arith.constant 0 : i32
    %dma_start3A_551 = arith.constant 0 : i32
    %dma_start3A_552 = tpu.memref_slice %arg10[%dma_start3A_541, %dma_start3A_550, %dma_start3A_551] : memref<3x3x40xi32, #tpu.memory_space<vmem>> -> memref<1x3x40xi32, #tpu.memory_space<vmem>>
    %dma_start3A_553 = tpu.memref_squeeze %dma_start3A_552 : memref<1x3x40xi32, #tpu.memory_space<vmem>> -> memref<3x40xi32, #tpu.memory_space<vmem>>
    %dma_start3A_554 = arith.constant 0 : i32
    %dma_start3A_555 = arith.constant 0 : i32
    %dma_start3A_556 = tpu.memref_slice %arg3[%dma_start3A_539, %add3A, %dma_start3A_540, %dma_start3A_554, %dma_start3A_555] : memref<3x32x84x3x40xi32, #tpu.memory_space<hbm>> -> memref<1x1x1x3x40xi32, #tpu.memory_space<hbm>>
    %dma_start3A_557 = tpu.memref_squeeze %dma_start3A_556 : memref<1x1x1x3x40xi32, #tpu.memory_space<hbm>> -> memref<3x40xi32, #tpu.memory_space<hbm>>
    tpu.enqueue_dma source(%dma_start3A_557 : memref<3x40xi32, #tpu.memory_space<hbm>>) target(%dma_start3A_553 : memref<3x40xi32, #tpu.memory_space<vmem>>) target_semaphore(%arg12 : memref<!tpu.dma_semaphore, #tpu.memory_space<semaphore_mem>>)
    %dma_start3A_558 = arith.constant 1 : i32
    %dma_start3A_559 = arith.constant 1 : i32
    %dma_start3A_560 = arith.constant 1 : i32
    %dma_start3A_561 = arith.constant 0 : i32
    %dma_start3A_562 = arith.constant 0 : i32
    %dma_start3A_563 = tpu.memref_slice %arg9[%dma_start3A_560, %dma_start3A_561, %dma_start3A_562] : memref<3x3x40xi32, #tpu.memory_space<vmem>> -> memref<1x3x40xi32, #tpu.memory_space<vmem>>
    %dma_start3A_564 = tpu.memref_squeeze %dma_start3A_563 : memref<1x3x40xi32, #tpu.memory_space<vmem>> -> memref<3x40xi32, #tpu.memory_space<vmem>>
    %dma_start3A_565 = arith.constant 0 : i32
    %dma_start3A_566 = arith.constant 0 : i32
    %dma_start3A_567 = tpu.memref_slice %arg2[%dma_start3A_558, %add3A, %dma_start3A_559, %dma_start3A_565, %dma_start3A_566] : memref<3x32x84x3x40xi32, #tpu.memory_space<hbm>> -> memref<1x1x1x3x40xi32, #tpu.memory_space<hbm>>
    %dma_start3A_568 = tpu.memref_squeeze %dma_start3A_567 : memref<1x1x1x3x40xi32, #tpu.memory_space<hbm>> -> memref<3x40xi32, #tpu.memory_space<hbm>>
    %dma_start3A_569 = arith.constant 0 : i32
    %dma_start3A_570 = arith.constant 0 : i32
    %dma_start3A_571 = tpu.memref_slice %arg9[%dma_start3A_560, %dma_start3A_569, %dma_start3A_570] : memref<3x3x40xi32, #tpu.memory_space<vmem>> -> memref<1x3x40xi32, #tpu.memory_space<vmem>>
    %dma_start3A_572 = tpu.memref_squeeze %dma_start3A_571 : memref<1x3x40xi32, #tpu.memory_space<vmem>> -> memref<3x40xi32, #tpu.memory_space<vmem>>
    %dma_start3A_573 = arith.constant 0 : i32
    %dma_start3A_574 = arith.constant 0 : i32
    %dma_start3A_575 = tpu.memref_slice %arg2[%dma_start3A_558, %add3A, %dma_start3A_559, %dma_start3A_573, %dma_start3A_574] : memref<3x32x84x3x40xi32, #tpu.memory_space<hbm>> -> memref<1x1x1x3x40xi32, #tpu.memory_space<hbm>>
    %dma_start3A_576 = tpu.memref_squeeze %dma_start3A_575 : memref<1x1x1x3x40xi32, #tpu.memory_space<hbm>> -> memref<3x40xi32, #tpu.memory_space<hbm>>
    tpu.enqueue_dma source(%dma_start3A_576 : memref<3x40xi32, #tpu.memory_space<hbm>>) target(%dma_start3A_572 : memref<3x40xi32, #tpu.memory_space<vmem>>) target_semaphore(%arg12 : memref<!tpu.dma_semaphore, #tpu.memory_space<semaphore_mem>>)
    %dma_start3A_577 = arith.constant 1 : i32
    %dma_start3A_578 = arith.constant 1 : i32
    %dma_start3A_579 = arith.constant 1 : i32
    %dma_start3A_580 = arith.constant 0 : i32
    %dma_start3A_581 = arith.constant 0 : i32
    %dma_start3A_582 = tpu.memref_slice %arg10[%dma_start3A_579, %dma_start3A_580, %dma_start3A_581] : memref<3x3x40xi32, #tpu.memory_space<vmem>> -> memref<1x3x40xi32, #tpu.memory_space<vmem>>
    %dma_start3A_583 = tpu.memref_squeeze %dma_start3A_582 : memref<1x3x40xi32, #tpu.memory_space<vmem>> -> memref<3x40xi32, #tpu.memory_space<vmem>>
    %dma_start3A_584 = arith.constant 0 : i32
    %dma_start3A_585 = arith.constant 0 : i32
    %dma_start3A_586 = tpu.memref_slice %arg3[%dma_start3A_577, %add3A, %dma_start3A_578, %dma_start3A_584, %dma_start3A_585] : memref<3x32x84x3x40xi32, #tpu.memory_space<hbm>> -> memref<1x1x1x3x40xi32, #tpu.memory_space<hbm>>
    %dma_start3A_587 = tpu.memref_squeeze %dma_start3A_586 : memref<1x1x1x3x40xi32, #tpu.memory_space<hbm>> -> memref<3x40xi32, #tpu.memory_space<hbm>>
    %dma_start3A_588 = arith.constant 0 : i32
    %dma_start3A_589 = arith.constant 0 : i32
    %dma_start3A_590 = tpu.memref_slice %arg10[%dma_start3A_579, %dma_start3A_588, %dma_start3A_589] : memref<3x3x40xi32, #tpu.memory_space<vmem>> -> memref<1x3x40xi32, #tpu.memory_space<vmem>>
    %dma_start3A_591 = tpu.memref_squeeze %dma_start3A_590 : memref<1x3x40xi32, #tpu.memory_space<vmem>> -> memref<3x40xi32, #tpu.memory_space<vmem>>
    %dma_start3A_592 = arith.constant 0 : i32
    %dma_start3A_593 = arith.constant 0 : i32
    %dma_start3A_594 = tpu.memref_slice %arg3[%dma_start3A_577, %add3A, %dma_start3A_578, %dma_start3A_592, %dma_start3A_593] : memref<3x32x84x3x40xi32, #tpu.memory_space<hbm>> -> memref<1x1x1x3x40xi32, #tpu.memory_space<hbm>>
    %dma_start3A_595 = tpu.memref_squeeze %dma_start3A_594 : memref<1x1x1x3x40xi32, #tpu.memory_space<hbm>> -> memref<3x40xi32, #tpu.memory_space<hbm>>
    tpu.enqueue_dma source(%dma_start3A_595 : memref<3x40xi32, #tpu.memory_space<hbm>>) target(%dma_start3A_591 : memref<3x40xi32, #tpu.memory_space<vmem>>) target_semaphore(%arg12 : memref<!tpu.dma_semaphore, #tpu.memory_space<semaphore_mem>>)
    %dma_wait3A_596 = arith.constant 0 : i32
    %dma_wait3A_597 = arith.constant 0 : i32
    %dma_wait3A_598 = arith.constant 0 : i32
    %dma_wait3A_599 = arith.constant 0 : i32
    %dma_wait3A_600 = arith.constant 0 : i32
    %dma_wait3A_601 = arith.constant 0 : i32
    %dma_wait3A_602 = tpu.memref_slice %arg9[%dma_wait3A_599, %dma_wait3A_600, %dma_wait3A_601] : memref<3x3x40xi32, #tpu.memory_space<vmem>> -> memref<1x3x40xi32, #tpu.memory_space<vmem>>
    %dma_wait3A_603 = tpu.memref_squeeze %dma_wait3A_602 : memref<1x3x40xi32, #tpu.memory_space<vmem>> -> memref<3x40xi32, #tpu.memory_space<vmem>>
    %dma_wait3A_604 = arith.constant 0 : i32
    %dma_wait3A_605 = arith.constant 0 : i32
    %dma_wait3A_606 = tpu.memref_slice %arg2[%dma_wait3A_596, %dma_wait3A_597, %dma_wait3A_598, %dma_wait3A_604, %dma_wait3A_605] : memref<3x32x84x3x40xi32, #tpu.memory_space<hbm>> -> memref<1x1x1x3x40xi32, #tpu.memory_space<hbm>>
    %dma_wait3A_607 = tpu.memref_squeeze %dma_wait3A_606 : memref<1x1x1x3x40xi32, #tpu.memory_space<hbm>> -> memref<3x40xi32, #tpu.memory_space<hbm>>
    %dma_wait3A_608 = arith.constant 0 : i32
    %dma_wait3A_609 = arith.constant 0 : i32
    %dma_wait3A_610 = tpu.memref_slice %arg9[%dma_wait3A_599, %dma_wait3A_608, %dma_wait3A_609] : memref<3x3x40xi32, #tpu.memory_space<vmem>> -> memref<1x3x40xi32, #tpu.memory_space<vmem>>
    %dma_wait3A_611 = tpu.memref_squeeze %dma_wait3A_610 : memref<1x3x40xi32, #tpu.memory_space<vmem>> -> memref<3x40xi32, #tpu.memory_space<vmem>>
    %dma_wait3A_612 = arith.constant 0 : i32
    %dma_wait3A_613 = arith.constant 0 : i32
    %dma_wait3A_614 = tpu.memref_slice %arg2[%dma_wait3A_596, %dma_wait3A_597, %dma_wait3A_598, %dma_wait3A_612, %dma_wait3A_613] : memref<3x32x84x3x40xi32, #tpu.memory_space<hbm>> -> memref<1x1x1x3x40xi32, #tpu.memory_space<hbm>>
    %dma_wait3A_615 = tpu.memref_squeeze %dma_wait3A_614 : memref<1x1x1x3x40xi32, #tpu.memory_space<hbm>> -> memref<3x40xi32, #tpu.memory_space<hbm>>
    tpu.wait_dma2 semaphore(%arg12 : memref<!tpu.dma_semaphore, #tpu.memory_space<semaphore_mem>>) src(%dma_wait3A_615 : memref<3x40xi32, #tpu.memory_space<hbm>>) dst(%dma_wait3A_611 : memref<3x40xi32, #tpu.memory_space<vmem>>)
    %dma_wait3A_616 = arith.constant 0 : i32
    %dma_wait3A_617 = arith.constant 0 : i32
    %dma_wait3A_618 = arith.constant 0 : i32
    %dma_wait3A_619 = arith.constant 0 : i32
    %dma_wait3A_620 = arith.constant 0 : i32
    %dma_wait3A_621 = arith.constant 0 : i32
    %dma_wait3A_622 = tpu.memref_slice %arg10[%dma_wait3A_619, %dma_wait3A_620, %dma_wait3A_621] : memref<3x3x40xi32, #tpu.memory_space<vmem>> -> memref<1x3x40xi32, #tpu.memory_space<vmem>>
    %dma_wait3A_623 = tpu.memref_squeeze %dma_wait3A_622 : memref<1x3x40xi32, #tpu.memory_space<vmem>> -> memref<3x40xi32, #tpu.memory_space<vmem>>
    %dma_wait3A_624 = arith.constant 0 : i32
    %dma_wait3A_625 = arith.constant 0 : i32
    %dma_wait3A_626 = tpu.memref_slice %arg3[%dma_wait3A_616, %dma_wait3A_617, %dma_wait3A_618, %dma_wait3A_624, %dma_wait3A_625] : memref<3x32x84x3x40xi32, #tpu.memory_space<hbm>> -> memref<1x1x1x3x40xi32, #tpu.memory_space<hbm>>
    %dma_wait3A_627 = tpu.memref_squeeze %dma_wait3A_626 : memref<1x1x1x3x40xi32, #tpu.memory_space<hbm>> -> memref<3x40xi32, #tpu.memory_space<hbm>>
    %dma_wait3A_628 = arith.constant 0 : i32
    %dma_wait3A_629 = arith.constant 0 : i32
    %dma_wait3A_630 = tpu.memref_slice %arg10[%dma_wait3A_619, %dma_wait3A_628, %dma_wait3A_629] : memref<3x3x40xi32, #tpu.memory_space<vmem>> -> memref<1x3x40xi32, #tpu.memory_space<vmem>>
    %dma_wait3A_631 = tpu.memref_squeeze %dma_wait3A_630 : memref<1x3x40xi32, #tpu.memory_space<vmem>> -> memref<3x40xi32, #tpu.memory_space<vmem>>
    %dma_wait3A_632 = arith.constant 0 : i32
    %dma_wait3A_633 = arith.constant 0 : i32
    %dma_wait3A_634 = tpu.memref_slice %arg3[%dma_wait3A_616, %dma_wait3A_617, %dma_wait3A_618, %dma_wait3A_632, %dma_wait3A_633] : memref<3x32x84x3x40xi32, #tpu.memory_space<hbm>> -> memref<1x1x1x3x40xi32, #tpu.memory_space<hbm>>
    %dma_wait3A_635 = tpu.memref_squeeze %dma_wait3A_634 : memref<1x1x1x3x40xi32, #tpu.memory_space<hbm>> -> memref<3x40xi32, #tpu.memory_space<hbm>>
    tpu.wait_dma2 semaphore(%arg12 : memref<!tpu.dma_semaphore, #tpu.memory_space<semaphore_mem>>) src(%dma_wait3A_635 : memref<3x40xi32, #tpu.memory_space<hbm>>) dst(%dma_wait3A_631 : memref<3x40xi32, #tpu.memory_space<vmem>>)
    %dma_start3A_636 = arith.constant 0 : i32
    %dma_start3A_637 = arith.constant 0 : i32
    %dma_start3A_638 = arith.constant 0 : i32
    %dma_start3A_639 = arith.constant 0 : i32
    %dma_start3A_640 = arith.constant 0 : i32
    %dma_start3A_641 = arith.constant 0 : i32
    %dma_start3A_642 = tpu.memref_slice %arg11[%dma_start3A_638, %dma_start3A_639, %dma_start3A_640, %dma_start3A_641] : memref<2x3x40x128xf32, #tpu.memory_space<vmem>> -> memref<1x1x40x128xf32, #tpu.memory_space<vmem>>
    %dma_start3A_643 = tpu.memref_squeeze %dma_start3A_642 : memref<1x1x40x128xf32, #tpu.memory_space<vmem>> -> memref<40x128xf32, #tpu.memory_space<vmem>>
    %dma_start3A_644 = arith.constant 0 : i32
    %dma_start3A_645 = tpu.memref_slice %arg9[%dma_start3A_636, %dma_start3A_637, %dma_start3A_644] : memref<3x3x40xi32, #tpu.memory_space<vmem>> -> memref<1x1x40xi32, #tpu.memory_space<vmem>>
    %dma_start3A_646 = tpu.memref_squeeze %dma_start3A_645 : memref<1x1x40xi32, #tpu.memory_space<vmem>> -> memref<40xi32, #tpu.memory_space<vmem>>
    %dma_start3A_647 = arith.constant 0 : i32
    %dma_start3A_648 = arith.constant 0 : i32
    %dma_start3A_649 = tpu.memref_slice %arg6[%dma_start3A_647, %dma_start3A_648] : memref<10000x128xf32, #tpu.memory_space<hbm>> -> memref<10000x128xf32, #tpu.memory_space<hbm>>
    tpu.enqueue_indirect_dma source(%dma_start3A_649 : memref<10000x128xf32, #tpu.memory_space<hbm>>) target(%dma_start3A_643 : memref<40x128xf32, #tpu.memory_space<vmem>>) offsets(%dma_start3A_646 : memref<40xi32, #tpu.memory_space<vmem>>) semaphore(%arg13 : memref<!tpu.dma_semaphore, #tpu.memory_space<semaphore_mem>>)
    %dma_start3A_650 = arith.constant 0 : i32
    %dma_start3A_651 = arith.constant 1 : i32
    %dma_start3A_652 = arith.constant 0 : i32
    %dma_start3A_653 = arith.constant 1 : i32
    %dma_start3A_654 = arith.constant 0 : i32
    %dma_start3A_655 = arith.constant 0 : i32
    %dma_start3A_656 = tpu.memref_slice %arg11[%dma_start3A_652, %dma_start3A_653, %dma_start3A_654, %dma_start3A_655] : memref<2x3x40x128xf32, #tpu.memory_space<vmem>> -> memref<1x1x40x128xf32, #tpu.memory_space<vmem>>
    %dma_start3A_657 = tpu.memref_squeeze %dma_start3A_656 : memref<1x1x40x128xf32, #tpu.memory_space<vmem>> -> memref<40x128xf32, #tpu.memory_space<vmem>>
    %dma_start3A_658 = arith.constant 0 : i32
    %dma_start3A_659 = tpu.memref_slice %arg9[%dma_start3A_650, %dma_start3A_651, %dma_start3A_658] : memref<3x3x40xi32, #tpu.memory_space<vmem>> -> memref<1x1x40xi32, #tpu.memory_space<vmem>>
    %dma_start3A_660 = tpu.memref_squeeze %dma_start3A_659 : memref<1x1x40xi32, #tpu.memory_space<vmem>> -> memref<40xi32, #tpu.memory_space<vmem>>
    %dma_start3A_661 = arith.constant 0 : i32
    %dma_start3A_662 = arith.constant 0 : i32
    %dma_start3A_663 = tpu.memref_slice %arg6[%dma_start3A_661, %dma_start3A_662] : memref<10000x128xf32, #tpu.memory_space<hbm>> -> memref<10000x128xf32, #tpu.memory_space<hbm>>
    tpu.enqueue_indirect_dma source(%dma_start3A_663 : memref<10000x128xf32, #tpu.memory_space<hbm>>) target(%dma_start3A_657 : memref<40x128xf32, #tpu.memory_space<vmem>>) offsets(%dma_start3A_660 : memref<40xi32, #tpu.memory_space<vmem>>) semaphore(%arg13 : memref<!tpu.dma_semaphore, #tpu.memory_space<semaphore_mem>>)
    %dma_start3A_664 = arith.constant 0 : i32
    %dma_start3A_665 = arith.constant 2 : i32
    %dma_start3A_666 = arith.constant 0 : i32
    %dma_start3A_667 = arith.constant 2 : i32
    %dma_start3A_668 = arith.constant 0 : i32
    %dma_start3A_669 = arith.constant 0 : i32
    %dma_start3A_670 = tpu.memref_slice %arg11[%dma_start3A_666, %dma_start3A_667, %dma_start3A_668, %dma_start3A_669] : memref<2x3x40x128xf32, #tpu.memory_space<vmem>> -> memref<1x1x40x128xf32, #tpu.memory_space<vmem>>
    %dma_start3A_671 = tpu.memref_squeeze %dma_start3A_670 : memref<1x1x40x128xf32, #tpu.memory_space<vmem>> -> memref<40x128xf32, #tpu.memory_space<vmem>>
    %dma_start3A_672 = arith.constant 0 : i32
    %dma_start3A_673 = tpu.memref_slice %arg9[%dma_start3A_664, %dma_start3A_665, %dma_start3A_672] : memref<3x3x40xi32, #tpu.memory_space<vmem>> -> memref<1x1x40xi32, #tpu.memory_space<vmem>>
    %dma_start3A_674 = tpu.memref_squeeze %dma_start3A_673 : memref<1x1x40xi32, #tpu.memory_space<vmem>> -> memref<40xi32, #tpu.memory_space<vmem>>
    %dma_start3A_675 = arith.constant 0 : i32
    %dma_start3A_676 = arith.constant 0 : i32
    %dma_start3A_677 = tpu.memref_slice %arg6[%dma_start3A_675, %dma_start3A_676] : memref<10000x128xf32, #tpu.memory_space<hbm>> -> memref<10000x128xf32, #tpu.memory_space<hbm>>
    tpu.enqueue_indirect_dma source(%dma_start3A_677 : memref<10000x128xf32, #tpu.memory_space<hbm>>) target(%dma_start3A_671 : memref<40x128xf32, #tpu.memory_space<vmem>>) offsets(%dma_start3A_674 : memref<40xi32, #tpu.memory_space<vmem>>) semaphore(%arg13 : memref<!tpu.dma_semaphore, #tpu.memory_space<semaphore_mem>>)
    %min3A_678 = arith.constant 2 : i32
    %min3A_679 = arith.constant 83 : i32
    %min3A_680 = arith.minsi %min3A_678, %min3A_679 : i32
    %dma_start3A_681 = arith.constant 1 : i32
    %dma_start3A_682 = arith.constant 2 : i32
    %dma_start3A_683 = arith.constant 0 : i32
    %dma_start3A_684 = arith.constant 0 : i32
    %dma_start3A_685 = tpu.memref_slice %arg9[%dma_start3A_682, %dma_start3A_683, %dma_start3A_684] : memref<3x3x40xi32, #tpu.memory_space<vmem>> -> memref<1x3x40xi32, #tpu.memory_space<vmem>>
    %dma_start3A_686 = tpu.memref_squeeze %dma_start3A_685 : memref<1x3x40xi32, #tpu.memory_space<vmem>> -> memref<3x40xi32, #tpu.memory_space<vmem>>
    %dma_start3A_687 = arith.constant 0 : i32
    %dma_start3A_688 = arith.constant 0 : i32
    %dma_start3A_689 = tpu.memref_slice %arg2[%dma_start3A_681, %add3A, %min3A_680, %dma_start3A_687, %dma_start3A_688] : memref<3x32x84x3x40xi32, #tpu.memory_space<hbm>> -> memref<1x1x1x3x40xi32, #tpu.memory_space<hbm>>
    %dma_start3A_690 = tpu.memref_squeeze %dma_start3A_689 : memref<1x1x1x3x40xi32, #tpu.memory_space<hbm>> -> memref<3x40xi32, #tpu.memory_space<hbm>>
    %dma_start3A_691 = arith.constant 0 : i32
    %dma_start3A_692 = arith.constant 0 : i32
    %dma_start3A_693 = tpu.memref_slice %arg9[%dma_start3A_682, %dma_start3A_691, %dma_start3A_692] : memref<3x3x40xi32, #tpu.memory_space<vmem>> -> memref<1x3x40xi32, #tpu.memory_space<vmem>>
    %dma_start3A_694 = tpu.memref_squeeze %dma_start3A_693 : memref<1x3x40xi32, #tpu.memory_space<vmem>> -> memref<3x40xi32, #tpu.memory_space<vmem>>
    %dma_start3A_695 = arith.constant 0 : i32
    %dma_start3A_696 = arith.constant 0 : i32
    %dma_start3A_697 = tpu.memref_slice %arg2[%dma_start3A_681, %add3A, %min3A_680, %dma_start3A_695, %dma_start3A_696] : memref<3x32x84x3x40xi32, #tpu.memory_space<hbm>> -> memref<1x1x1x3x40xi32, #tpu.memory_space<hbm>>
    %dma_start3A_698 = tpu.memref_squeeze %dma_start3A_697 : memref<1x1x1x3x40xi32, #tpu.memory_space<hbm>> -> memref<3x40xi32, #tpu.memory_space<hbm>>
    tpu.enqueue_dma source(%dma_start3A_698 : memref<3x40xi32, #tpu.memory_space<hbm>>) target(%dma_start3A_694 : memref<3x40xi32, #tpu.memory_space<vmem>>) target_semaphore(%arg12 : memref<!tpu.dma_semaphore, #tpu.memory_space<semaphore_mem>>)
    %dma_start3A_699 = arith.constant 1 : i32
    %dma_start3A_700 = arith.constant 2 : i32
    %dma_start3A_701 = arith.constant 0 : i32
    %dma_start3A_702 = arith.constant 0 : i32
    %dma_start3A_703 = tpu.memref_slice %arg10[%dma_start3A_700, %dma_start3A_701, %dma_start3A_702] : memref<3x3x40xi32, #tpu.memory_space<vmem>> -> memref<1x3x40xi32, #tpu.memory_space<vmem>>
    %dma_start3A_704 = tpu.memref_squeeze %dma_start3A_703 : memref<1x3x40xi32, #tpu.memory_space<vmem>> -> memref<3x40xi32, #tpu.memory_space<vmem>>
    %dma_start3A_705 = arith.constant 0 : i32
    %dma_start3A_706 = arith.constant 0 : i32
    %dma_start3A_707 = tpu.memref_slice %arg3[%dma_start3A_699, %add3A, %min3A_680, %dma_start3A_705, %dma_start3A_706] : memref<3x32x84x3x40xi32, #tpu.memory_space<hbm>> -> memref<1x1x1x3x40xi32, #tpu.memory_space<hbm>>
    %dma_start3A_708 = tpu.memref_squeeze %dma_start3A_707 : memref<1x1x1x3x40xi32, #tpu.memory_space<hbm>> -> memref<3x40xi32, #tpu.memory_space<hbm>>
    %dma_start3A_709 = arith.constant 0 : i32
    %dma_start3A_710 = arith.constant 0 : i32
    %dma_start3A_711 = tpu.memref_slice %arg10[%dma_start3A_700, %dma_start3A_709, %dma_start3A_710] : memref<3x3x40xi32, #tpu.memory_space<vmem>> -> memref<1x3x40xi32, #tpu.memory_space<vmem>>
    %dma_start3A_712 = tpu.memref_squeeze %dma_start3A_711 : memref<1x3x40xi32, #tpu.memory_space<vmem>> -> memref<3x40xi32, #tpu.memory_space<vmem>>
    %dma_start3A_713 = arith.constant 0 : i32
    %dma_start3A_714 = arith.constant 0 : i32
    %dma_start3A_715 = tpu.memref_slice %arg3[%dma_start3A_699, %add3A, %min3A_680, %dma_start3A_713, %dma_start3A_714] : memref<3x32x84x3x40xi32, #tpu.memory_space<hbm>> -> memref<1x1x1x3x40xi32, #tpu.memory_space<hbm>>
    %dma_start3A_716 = tpu.memref_squeeze %dma_start3A_715 : memref<1x1x1x3x40xi32, #tpu.memory_space<hbm>> -> memref<3x40xi32, #tpu.memory_space<hbm>>
    tpu.enqueue_dma source(%dma_start3A_716 : memref<3x40xi32, #tpu.memory_space<hbm>>) target(%dma_start3A_712 : memref<3x40xi32, #tpu.memory_space<vmem>>) target_semaphore(%arg12 : memref<!tpu.dma_semaphore, #tpu.memory_space<semaphore_mem>>)
    %dma_wait3A_717 = arith.constant 0 : i32
    %dma_wait3A_718 = arith.constant 0 : i32
    %dma_wait3A_719 = arith.constant 0 : i32
    %dma_wait3A_720 = arith.constant 0 : i32
    %dma_wait3A_721 = arith.constant 0 : i32
    %dma_wait3A_722 = arith.constant 0 : i32
    %dma_wait3A_723 = tpu.memref_slice %arg9[%dma_wait3A_720, %dma_wait3A_721, %dma_wait3A_722] : memref<3x3x40xi32, #tpu.memory_space<vmem>> -> memref<1x3x40xi32, #tpu.memory_space<vmem>>
    %dma_wait3A_724 = tpu.memref_squeeze %dma_wait3A_723 : memref<1x3x40xi32, #tpu.memory_space<vmem>> -> memref<3x40xi32, #tpu.memory_space<vmem>>
    %dma_wait3A_725 = arith.constant 0 : i32
    %dma_wait3A_726 = arith.constant 0 : i32
    %dma_wait3A_727 = tpu.memref_slice %arg2[%dma_wait3A_717, %dma_wait3A_718, %dma_wait3A_719, %dma_wait3A_725, %dma_wait3A_726] : memref<3x32x84x3x40xi32, #tpu.memory_space<hbm>> -> memref<1x1x1x3x40xi32, #tpu.memory_space<hbm>>
    %dma_wait3A_728 = tpu.memref_squeeze %dma_wait3A_727 : memref<1x1x1x3x40xi32, #tpu.memory_space<hbm>> -> memref<3x40xi32, #tpu.memory_space<hbm>>
    %dma_wait3A_729 = arith.constant 0 : i32
    %dma_wait3A_730 = arith.constant 0 : i32
    %dma_wait3A_731 = tpu.memref_slice %arg9[%dma_wait3A_720, %dma_wait3A_729, %dma_wait3A_730] : memref<3x3x40xi32, #tpu.memory_space<vmem>> -> memref<1x3x40xi32, #tpu.memory_space<vmem>>
    %dma_wait3A_732 = tpu.memref_squeeze %dma_wait3A_731 : memref<1x3x40xi32, #tpu.memory_space<vmem>> -> memref<3x40xi32, #tpu.memory_space<vmem>>
    %dma_wait3A_733 = arith.constant 0 : i32
    %dma_wait3A_734 = arith.constant 0 : i32
    %dma_wait3A_735 = tpu.memref_slice %arg2[%dma_wait3A_717, %dma_wait3A_718, %dma_wait3A_719, %dma_wait3A_733, %dma_wait3A_734] : memref<3x32x84x3x40xi32, #tpu.memory_space<hbm>> -> memref<1x1x1x3x40xi32, #tpu.memory_space<hbm>>
    %dma_wait3A_736 = tpu.memref_squeeze %dma_wait3A_735 : memref<1x1x1x3x40xi32, #tpu.memory_space<hbm>> -> memref<3x40xi32, #tpu.memory_space<hbm>>
    tpu.wait_dma2 semaphore(%arg12 : memref<!tpu.dma_semaphore, #tpu.memory_space<semaphore_mem>>) src(%dma_wait3A_736 : memref<3x40xi32, #tpu.memory_space<hbm>>) dst(%dma_wait3A_732 : memref<3x40xi32, #tpu.memory_space<vmem>>)
    %dma_wait3A_737 = arith.constant 0 : i32
    %dma_wait3A_738 = arith.constant 0 : i32
    %dma_wait3A_739 = arith.constant 0 : i32
    %dma_wait3A_740 = arith.constant 0 : i32
    %dma_wait3A_741 = arith.constant 0 : i32
    %dma_wait3A_742 = arith.constant 0 : i32
    %dma_wait3A_743 = tpu.memref_slice %arg10[%dma_wait3A_740, %dma_wait3A_741, %dma_wait3A_742] : memref<3x3x40xi32, #tpu.memory_space<vmem>> -> memref<1x3x40xi32, #tpu.memory_space<vmem>>
    %dma_wait3A_744 = tpu.memref_squeeze %dma_wait3A_743 : memref<1x3x40xi32, #tpu.memory_space<vmem>> -> memref<3x40xi32, #tpu.memory_space<vmem>>
    %dma_wait3A_745 = arith.constant 0 : i32
    %dma_wait3A_746 = arith.constant 0 : i32
    %dma_wait3A_747 = tpu.memref_slice %arg3[%dma_wait3A_737, %dma_wait3A_738, %dma_wait3A_739, %dma_wait3A_745, %dma_wait3A_746] : memref<3x32x84x3x40xi32, #tpu.memory_space<hbm>> -> memref<1x1x1x3x40xi32, #tpu.memory_space<hbm>>
    %dma_wait3A_748 = tpu.memref_squeeze %dma_wait3A_747 : memref<1x1x1x3x40xi32, #tpu.memory_space<hbm>> -> memref<3x40xi32, #tpu.memory_space<hbm>>
    %dma_wait3A_749 = arith.constant 0 : i32
    %dma_wait3A_750 = arith.constant 0 : i32
    %dma_wait3A_751 = tpu.memref_slice %arg10[%dma_wait3A_740, %dma_wait3A_749, %dma_wait3A_750] : memref<3x3x40xi32, #tpu.memory_space<vmem>> -> memref<1x3x40xi32, #tpu.memory_space<vmem>>
    %dma_wait3A_752 = tpu.memref_squeeze %dma_wait3A_751 : memref<1x3x40xi32, #tpu.memory_space<vmem>> -> memref<3x40xi32, #tpu.memory_space<vmem>>
    %dma_wait3A_753 = arith.constant 0 : i32
    %dma_wait3A_754 = arith.constant 0 : i32
    %dma_wait3A_755 = tpu.memref_slice %arg3[%dma_wait3A_737, %dma_wait3A_738, %dma_wait3A_739, %dma_wait3A_753, %dma_wait3A_754] : memref<3x32x84x3x40xi32, #tpu.memory_space<hbm>> -> memref<1x1x1x3x40xi32, #tpu.memory_space<hbm>>
    %dma_wait3A_756 = tpu.memref_squeeze %dma_wait3A_755 : memref<1x1x1x3x40xi32, #tpu.memory_space<hbm>> -> memref<3x40xi32, #tpu.memory_space<hbm>>
    tpu.wait_dma2 semaphore(%arg12 : memref<!tpu.dma_semaphore, #tpu.memory_space<semaphore_mem>>) src(%dma_wait3A_756 : memref<3x40xi32, #tpu.memory_space<hbm>>) dst(%dma_wait3A_752 : memref<3x40xi32, #tpu.memory_space<vmem>>)
    %dma_start3A_757 = arith.constant 1 : i32
    %dma_start3A_758 = arith.constant 0 : i32
    %dma_start3A_759 = arith.constant 1 : i32
    %dma_start3A_760 = arith.constant 0 : i32
    %dma_start3A_761 = arith.constant 0 : i32
    %dma_start3A_762 = arith.constant 0 : i32
    %dma_start3A_763 = tpu.memref_slice %arg11[%dma_start3A_759, %dma_start3A_760, %dma_start3A_761, %dma_start3A_762] : memref<2x3x40x128xf32, #tpu.memory_space<vmem>> -> memref<1x1x40x128xf32, #tpu.memory_space<vmem>>
    %dma_start3A_764 = tpu.memref_squeeze %dma_start3A_763 : memref<1x1x40x128xf32, #tpu.memory_space<vmem>> -> memref<40x128xf32, #tpu.memory_space<vmem>>
    %dma_start3A_765 = arith.constant 0 : i32
    %dma_start3A_766 = tpu.memref_slice %arg9[%dma_start3A_757, %dma_start3A_758, %dma_start3A_765] : memref<3x3x40xi32, #tpu.memory_space<vmem>> -> memref<1x1x40xi32, #tpu.memory_space<vmem>>
    %dma_start3A_767 = tpu.memref_squeeze %dma_start3A_766 : memref<1x1x40xi32, #tpu.memory_space<vmem>> -> memref<40xi32, #tpu.memory_space<vmem>>
    %dma_start3A_768 = arith.constant 0 : i32
    %dma_start3A_769 = arith.constant 0 : i32
    %dma_start3A_770 = tpu.memref_slice %arg6[%dma_start3A_768, %dma_start3A_769] : memref<10000x128xf32, #tpu.memory_space<hbm>> -> memref<10000x128xf32, #tpu.memory_space<hbm>>
    tpu.enqueue_indirect_dma source(%dma_start3A_770 : memref<10000x128xf32, #tpu.memory_space<hbm>>) target(%dma_start3A_764 : memref<40x128xf32, #tpu.memory_space<vmem>>) offsets(%dma_start3A_767 : memref<40xi32, #tpu.memory_space<vmem>>) semaphore(%arg13 : memref<!tpu.dma_semaphore, #tpu.memory_space<semaphore_mem>>)
    %dma_start3A_771 = arith.constant 1 : i32
    %dma_start3A_772 = arith.constant 1 : i32
    %dma_start3A_773 = arith.constant 1 : i32
    %dma_start3A_774 = arith.constant 1 : i32
    %dma_start3A_775 = arith.constant 0 : i32
    %dma_start3A_776 = arith.constant 0 : i32
    %dma_start3A_777 = tpu.memref_slice %arg11[%dma_start3A_773, %dma_start3A_774, %dma_start3A_775, %dma_start3A_776] : memref<2x3x40x128xf32, #tpu.memory_space<vmem>> -> memref<1x1x40x128xf32, #tpu.memory_space<vmem>>
    %dma_start3A_778 = tpu.memref_squeeze %dma_start3A_777 : memref<1x1x40x128xf32, #tpu.memory_space<vmem>> -> memref<40x128xf32, #tpu.memory_space<vmem>>
    %dma_start3A_779 = arith.constant 0 : i32
    %dma_start3A_780 = tpu.memref_slice %arg9[%dma_start3A_771, %dma_start3A_772, %dma_start3A_779] : memref<3x3x40xi32, #tpu.memory_space<vmem>> -> memref<1x1x40xi32, #tpu.memory_space<vmem>>
    %dma_start3A_781 = tpu.memref_squeeze %dma_start3A_780 : memref<1x1x40xi32, #tpu.memory_space<vmem>> -> memref<40xi32, #tpu.memory_space<vmem>>
    %dma_start3A_782 = arith.constant 0 : i32
    %dma_start3A_783 = arith.constant 0 : i32
    %dma_start3A_784 = tpu.memref_slice %arg6[%dma_start3A_782, %dma_start3A_783] : memref<10000x128xf32, #tpu.memory_space<hbm>> -> memref<10000x128xf32, #tpu.memory_space<hbm>>
    tpu.enqueue_indirect_dma source(%dma_start3A_784 : memref<10000x128xf32, #tpu.memory_space<hbm>>) target(%dma_start3A_778 : memref<40x128xf32, #tpu.memory_space<vmem>>) offsets(%dma_start3A_781 : memref<40xi32, #tpu.memory_space<vmem>>) semaphore(%arg13 : memref<!tpu.dma_semaphore, #tpu.memory_space<semaphore_mem>>)
    %dma_start3A_785 = arith.constant 1 : i32
    %dma_start3A_786 = arith.constant 2 : i32
    %dma_start3A_787 = arith.constant 1 : i32
    %dma_start3A_788 = arith.constant 2 : i32
    %dma_start3A_789 = arith.constant 0 : i32
    %dma_start3A_790 = arith.constant 0 : i32
    %dma_start3A_791 = tpu.memref_slice %arg11[%dma_start3A_787, %dma_start3A_788, %dma_start3A_789, %dma_start3A_790] : memref<2x3x40x128xf32, #tpu.memory_space<vmem>> -> memref<1x1x40x128xf32, #tpu.memory_space<vmem>>
    %dma_start3A_792 = tpu.memref_squeeze %dma_start3A_791 : memref<1x1x40x128xf32, #tpu.memory_space<vmem>> -> memref<40x128xf32, #tpu.memory_space<vmem>>
    %dma_start3A_793 = arith.constant 0 : i32
    %dma_start3A_794 = tpu.memref_slice %arg9[%dma_start3A_785, %dma_start3A_786, %dma_start3A_793] : memref<3x3x40xi32, #tpu.memory_space<vmem>> -> memref<1x1x40xi32, #tpu.memory_space<vmem>>
    %dma_start3A_795 = tpu.memref_squeeze %dma_start3A_794 : memref<1x1x40xi32, #tpu.memory_space<vmem>> -> memref<40xi32, #tpu.memory_space<vmem>>
    %dma_start3A_796 = arith.constant 0 : i32
    %dma_start3A_797 = arith.constant 0 : i32
    %dma_start3A_798 = tpu.memref_slice %arg6[%dma_start3A_796, %dma_start3A_797] : memref<10000x128xf32, #tpu.memory_space<hbm>> -> memref<10000x128xf32, #tpu.memory_space<hbm>>
    tpu.enqueue_indirect_dma source(%dma_start3A_798 : memref<10000x128xf32, #tpu.memory_space<hbm>>) target(%dma_start3A_792 : memref<40x128xf32, #tpu.memory_space<vmem>>) offsets(%dma_start3A_795 : memref<40xi32, #tpu.memory_space<vmem>>) semaphore(%arg13 : memref<!tpu.dma_semaphore, #tpu.memory_space<semaphore_mem>>)
    %dma_wait3A_799 = arith.constant 0 : i32
    %dma_wait3A_800 = arith.constant 0 : i32
    %dma_wait3A_801 = arith.constant 0 : i32
    %dma_wait3A_802 = arith.constant 0 : i32
    %dma_wait3A_803 = arith.constant 0 : i32
    %dma_wait3A_804 = arith.constant 0 : i32
    %dma_wait3A_805 = tpu.memref_slice %arg11[%dma_wait3A_801, %dma_wait3A_802, %dma_wait3A_803, %dma_wait3A_804] : memref<2x3x40x128xf32, #tpu.memory_space<vmem>> -> memref<1x1x40x128xf32, #tpu.memory_space<vmem>>
    %dma_wait3A_806 = tpu.memref_squeeze %dma_wait3A_805 : memref<1x1x40x128xf32, #tpu.memory_space<vmem>> -> memref<40x128xf32, #tpu.memory_space<vmem>>
    %dma_wait3A_807 = arith.constant 0 : i32
    %dma_wait3A_808 = tpu.memref_slice %arg9[%dma_wait3A_799, %dma_wait3A_800, %dma_wait3A_807] : memref<3x3x40xi32, #tpu.memory_space<vmem>> -> memref<1x1x40xi32, #tpu.memory_space<vmem>>
    %dma_wait3A_809 = tpu.memref_squeeze %dma_wait3A_808 : memref<1x1x40xi32, #tpu.memory_space<vmem>> -> memref<40xi32, #tpu.memory_space<vmem>>
    %dma_wait3A_810 = arith.constant 0 : i32
    %dma_wait3A_811 = arith.constant 0 : i32
    %dma_wait3A_812 = tpu.memref_slice %arg6[%dma_wait3A_810, %dma_wait3A_811] : memref<10000x128xf32, #tpu.memory_space<hbm>> -> memref<10000x128xf32, #tpu.memory_space<hbm>>
    tpu.wait_indirect_dma semaphore(%arg13 : memref<!tpu.dma_semaphore, #tpu.memory_space<semaphore_mem>>) src(%dma_wait3A_812 : memref<10000x128xf32, #tpu.memory_space<hbm>>) dst(%dma_wait3A_806 : memref<40x128xf32, #tpu.memory_space<vmem>>)
    %dma_wait3A_813 = arith.constant 0 : i32
    %dma_wait3A_814 = arith.constant 0 : i32
    %dma_wait3A_815 = arith.constant 0 : i32
    %dma_wait3A_816 = arith.constant 1 : i32
    %dma_wait3A_817 = arith.constant 0 : i32
    %dma_wait3A_818 = arith.constant 0 : i32
    %dma_wait3A_819 = tpu.memref_slice %arg11[%dma_wait3A_815, %dma_wait3A_816, %dma_wait3A_817, %dma_wait3A_818] : memref<2x3x40x128xf32, #tpu.memory_space<vmem>> -> memref<1x1x40x128xf32, #tpu.memory_space<vmem>>
    %dma_wait3A_820 = tpu.memref_squeeze %dma_wait3A_819 : memref<1x1x40x128xf32, #tpu.memory_space<vmem>> -> memref<40x128xf32, #tpu.memory_space<vmem>>
    %dma_wait3A_821 = arith.constant 0 : i32
    %dma_wait3A_822 = tpu.memref_slice %arg9[%dma_wait3A_813, %dma_wait3A_814, %dma_wait3A_821] : memref<3x3x40xi32, #tpu.memory_space<vmem>> -> memref<1x1x40xi32, #tpu.memory_space<vmem>>
    %dma_wait3A_823 = tpu.memref_squeeze %dma_wait3A_822 : memref<1x1x40xi32, #tpu.memory_space<vmem>> -> memref<40xi32, #tpu.memory_space<vmem>>
    %dma_wait3A_824 = arith.constant 0 : i32
    %dma_wait3A_825 = arith.constant 0 : i32
    %dma_wait3A_826 = tpu.memref_slice %arg6[%dma_wait3A_824, %dma_wait3A_825] : memref<10000x128xf32, #tpu.memory_space<hbm>> -> memref<10000x128xf32, #tpu.memory_space<hbm>>
    tpu.wait_indirect_dma semaphore(%arg13 : memref<!tpu.dma_semaphore, #tpu.memory_space<semaphore_mem>>) src(%dma_wait3A_826 : memref<10000x128xf32, #tpu.memory_space<hbm>>) dst(%dma_wait3A_820 : memref<40x128xf32, #tpu.memory_space<vmem>>)
    %dma_wait3A_827 = arith.constant 0 : i32
    %dma_wait3A_828 = arith.constant 0 : i32
    %dma_wait3A_829 = arith.constant 0 : i32
    %dma_wait3A_830 = arith.constant 2 : i32
    %dma_wait3A_831 = arith.constant 0 : i32
    %dma_wait3A_832 = arith.constant 0 : i32
    %dma_wait3A_833 = tpu.memref_slice %arg11[%dma_wait3A_829, %dma_wait3A_830, %dma_wait3A_831, %dma_wait3A_832] : memref<2x3x40x128xf32, #tpu.memory_space<vmem>> -> memref<1x1x40x128xf32, #tpu.memory_space<vmem>>
    %dma_wait3A_834 = tpu.memref_squeeze %dma_wait3A_833 : memref<1x1x40x128xf32, #tpu.memory_space<vmem>> -> memref<40x128xf32, #tpu.memory_space<vmem>>
    %dma_wait3A_835 = arith.constant 0 : i32
    %dma_wait3A_836 = tpu.memref_slice %arg9[%dma_wait3A_827, %dma_wait3A_828, %dma_wait3A_835] : memref<3x3x40xi32, #tpu.memory_space<vmem>> -> memref<1x1x40xi32, #tpu.memory_space<vmem>>
    %dma_wait3A_837 = tpu.memref_squeeze %dma_wait3A_836 : memref<1x1x40xi32, #tpu.memory_space<vmem>> -> memref<40xi32, #tpu.memory_space<vmem>>
    %dma_wait3A_838 = arith.constant 0 : i32
    %dma_wait3A_839 = arith.constant 0 : i32
    %dma_wait3A_840 = tpu.memref_slice %arg6[%dma_wait3A_838, %dma_wait3A_839] : memref<10000x128xf32, #tpu.memory_space<hbm>> -> memref<10000x128xf32, #tpu.memory_space<hbm>>
    tpu.wait_indirect_dma semaphore(%arg13 : memref<!tpu.dma_semaphore, #tpu.memory_space<semaphore_mem>>) src(%dma_wait3A_840 : memref<10000x128xf32, #tpu.memory_space<hbm>>) dst(%dma_wait3A_834 : memref<40x128xf32, #tpu.memory_space<vmem>>)
    %dma_start3A_841 = arith.constant 0 : i32
    %dma_start3A_842 = arith.constant 0 : i32
    %dma_start3A_843 = arith.constant 0 : i32
    %dma_start3A_844 = arith.constant 0 : i32
    %dma_start3A_845 = arith.constant 0 : i32
    %dma_start3A_846 = arith.constant 0 : i32
    %dma_start3A_847 = tpu.memref_slice %arg11[%dma_start3A_841, %dma_start3A_842, %dma_start3A_845, %dma_start3A_846] : memref<2x3x40x128xf32, #tpu.memory_space<vmem>> -> memref<1x1x40x128xf32, #tpu.memory_space<vmem>>
    %dma_start3A_848 = tpu.memref_squeeze %dma_start3A_847 : memref<1x1x40x128xf32, #tpu.memory_space<vmem>> -> memref<40x128xf32, #tpu.memory_space<vmem>>
    %dma_start3A_849 = arith.constant 0 : i32
    %dma_start3A_850 = tpu.memref_slice %arg10[%dma_start3A_843, %dma_start3A_844, %dma_start3A_849] : memref<3x3x40xi32, #tpu.memory_space<vmem>> -> memref<1x1x40xi32, #tpu.memory_space<vmem>>
    %dma_start3A_851 = tpu.memref_squeeze %dma_start3A_850 : memref<1x1x40xi32, #tpu.memory_space<vmem>> -> memref<40xi32, #tpu.memory_space<vmem>>
    %dma_start3A_852 = arith.constant 0 : i32
    %dma_start3A_853 = arith.constant 0 : i32
    %dma_start3A_854 = tpu.memref_slice %arg15[%dma_start3A_852, %dma_start3A_853] : memref<10240x128xf32, #tpu.memory_space<vmem_shared>> -> memref<10240x128xf32, #tpu.memory_space<vmem_shared>>
    tpu.enqueue_indirect_dma source(%dma_start3A_848 : memref<40x128xf32, #tpu.memory_space<vmem>>) target(%dma_start3A_854 : memref<10240x128xf32, #tpu.memory_space<vmem_shared>>) offsets(%dma_start3A_851 : memref<40xi32, #tpu.memory_space<vmem>>) semaphore(%arg14 : memref<!tpu.dma_semaphore, #tpu.memory_space<semaphore_mem>>) {add = true}
    %dma_start3A_855 = arith.constant 0 : i32
    %dma_start3A_856 = arith.constant 1 : i32
    %dma_start3A_857 = arith.constant 0 : i32
    %dma_start3A_858 = arith.constant 1 : i32
    %dma_start3A_859 = arith.constant 0 : i32
    %dma_start3A_860 = arith.constant 0 : i32
    %dma_start3A_861 = tpu.memref_slice %arg11[%dma_start3A_855, %dma_start3A_856, %dma_start3A_859, %dma_start3A_860] : memref<2x3x40x128xf32, #tpu.memory_space<vmem>> -> memref<1x1x40x128xf32, #tpu.memory_space<vmem>>
    %dma_start3A_862 = tpu.memref_squeeze %dma_start3A_861 : memref<1x1x40x128xf32, #tpu.memory_space<vmem>> -> memref<40x128xf32, #tpu.memory_space<vmem>>
    %dma_start3A_863 = arith.constant 0 : i32
    %dma_start3A_864 = tpu.memref_slice %arg10[%dma_start3A_857, %dma_start3A_858, %dma_start3A_863] : memref<3x3x40xi32, #tpu.memory_space<vmem>> -> memref<1x1x40xi32, #tpu.memory_space<vmem>>
    %dma_start3A_865 = tpu.memref_squeeze %dma_start3A_864 : memref<1x1x40xi32, #tpu.memory_space<vmem>> -> memref<40xi32, #tpu.memory_space<vmem>>
    %dma_start3A_866 = arith.constant 0 : i32
    %dma_start3A_867 = arith.constant 0 : i32
    %dma_start3A_868 = tpu.memref_slice %arg15[%dma_start3A_866, %dma_start3A_867] : memref<10240x128xf32, #tpu.memory_space<vmem_shared>> -> memref<10240x128xf32, #tpu.memory_space<vmem_shared>>
    tpu.enqueue_indirect_dma source(%dma_start3A_862 : memref<40x128xf32, #tpu.memory_space<vmem>>) target(%dma_start3A_868 : memref<10240x128xf32, #tpu.memory_space<vmem_shared>>) offsets(%dma_start3A_865 : memref<40xi32, #tpu.memory_space<vmem>>) semaphore(%arg14 : memref<!tpu.dma_semaphore, #tpu.memory_space<semaphore_mem>>) {add = true}
    %dma_start3A_869 = arith.constant 0 : i32
    %dma_start3A_870 = arith.constant 2 : i32
    %dma_start3A_871 = arith.constant 0 : i32
    %dma_start3A_872 = arith.constant 2 : i32
    %dma_start3A_873 = arith.constant 0 : i32
    %dma_start3A_874 = arith.constant 0 : i32
    %dma_start3A_875 = tpu.memref_slice %arg11[%dma_start3A_869, %dma_start3A_870, %dma_start3A_873, %dma_start3A_874] : memref<2x3x40x128xf32, #tpu.memory_space<vmem>> -> memref<1x1x40x128xf32, #tpu.memory_space<vmem>>
    %dma_start3A_876 = tpu.memref_squeeze %dma_start3A_875 : memref<1x1x40x128xf32, #tpu.memory_space<vmem>> -> memref<40x128xf32, #tpu.memory_space<vmem>>
    %dma_start3A_877 = arith.constant 0 : i32
    %dma_start3A_878 = tpu.memref_slice %arg10[%dma_start3A_871, %dma_start3A_872, %dma_start3A_877] : memref<3x3x40xi32, #tpu.memory_space<vmem>> -> memref<1x1x40xi32, #tpu.memory_space<vmem>>
    %dma_start3A_879 = tpu.memref_squeeze %dma_start3A_878 : memref<1x1x40xi32, #tpu.memory_space<vmem>> -> memref<40xi32, #tpu.memory_space<vmem>>
    %dma_start3A_880 = arith.constant 0 : i32
    %dma_start3A_881 = arith.constant 0 : i32
    %dma_start3A_882 = tpu.memref_slice %arg15[%dma_start3A_880, %dma_start3A_881] : memref<10240x128xf32, #tpu.memory_space<vmem_shared>> -> memref<10240x128xf32, #tpu.memory_space<vmem_shared>>
    tpu.enqueue_indirect_dma source(%dma_start3A_876 : memref<40x128xf32, #tpu.memory_space<vmem>>) target(%dma_start3A_882 : memref<10240x128xf32, #tpu.memory_space<vmem_shared>>) offsets(%dma_start3A_879 : memref<40xi32, #tpu.memory_space<vmem>>) semaphore(%arg14 : memref<!tpu.dma_semaphore, #tpu.memory_space<semaphore_mem>>) {add = true}
    %scan3A_883 = arith.constant 1 : i32
    %scan3A_884 = arith.constant 83 : i32
    %scan3A_885 = arith.addi %scan3A_883, %scan3A_884 : i32
    %scan3A_886 = arith.constant 1 : i32
    scf.for %scan3A_1561 = %scan3A_883 to %scan3A_885 step %scan3A_886  : i32 {
      %rem3A = arith.constant 2 : i32
      %rem3A_1562 = arith.remsi %scan3A_1561, %rem3A : i32
      %sub3A = arith.constant 1 : i32
      %sub3A_1563 = arith.subi %sub3A, %rem3A_1562 : i32
      %add3A_1564 = arith.constant 2 : i32
      %add3A_1565 = arith.addi %scan3A_1561, %add3A_1564 : i32
      %min3A_1566 = arith.constant 83 : i32
      %min3A_1567 = arith.minsi %add3A_1565, %min3A_1566 : i32
      %add3A_1568 = arith.constant 2 : i32
      %add3A_1569 = arith.addi %scan3A_1561, %add3A_1568 : i32
      %rem3A_1570 = arith.constant 3 : i32
      %rem3A_1571 = arith.remsi %add3A_1569, %rem3A_1570 : i32
      %dma_start3A_1572 = arith.constant 1 : i32
      %dma_start3A_1573 = arith.constant 0 : i32
      %dma_start3A_1574 = arith.constant 0 : i32
      %dma_start3A_1575 = tpu.memref_slice %arg9[%rem3A_1571, %dma_start3A_1573, %dma_start3A_1574] : memref<3x3x40xi32, #tpu.memory_space<vmem>> -> memref<1x3x40xi32, #tpu.memory_space<vmem>>
      %dma_start3A_1576 = tpu.memref_squeeze %dma_start3A_1575 : memref<1x3x40xi32, #tpu.memory_space<vmem>> -> memref<3x40xi32, #tpu.memory_space<vmem>>
      %dma_start3A_1577 = arith.constant 0 : i32
      %dma_start3A_1578 = arith.constant 0 : i32
      %dma_start3A_1579 = tpu.memref_slice %arg2[%dma_start3A_1572, %add3A, %min3A_1567, %dma_start3A_1577, %dma_start3A_1578] : memref<3x32x84x3x40xi32, #tpu.memory_space<hbm>> -> memref<1x1x1x3x40xi32, #tpu.memory_space<hbm>>
      %dma_start3A_1580 = tpu.memref_squeeze %dma_start3A_1579 : memref<1x1x1x3x40xi32, #tpu.memory_space<hbm>> -> memref<3x40xi32, #tpu.memory_space<hbm>>
      %dma_start3A_1581 = arith.constant 0 : i32
      %dma_start3A_1582 = arith.constant 0 : i32
      %dma_start3A_1583 = tpu.memref_slice %arg9[%rem3A_1571, %dma_start3A_1581, %dma_start3A_1582] : memref<3x3x40xi32, #tpu.memory_space<vmem>> -> memref<1x3x40xi32, #tpu.memory_space<vmem>>
      %dma_start3A_1584 = tpu.memref_squeeze %dma_start3A_1583 : memref<1x3x40xi32, #tpu.memory_space<vmem>> -> memref<3x40xi32, #tpu.memory_space<vmem>>
      %dma_start3A_1585 = arith.constant 0 : i32
      %dma_start3A_1586 = arith.constant 0 : i32
      %dma_start3A_1587 = tpu.memref_slice %arg2[%dma_start3A_1572, %add3A, %min3A_1567, %dma_start3A_1585, %dma_start3A_1586] : memref<3x32x84x3x40xi32, #tpu.memory_space<hbm>> -> memref<1x1x1x3x40xi32, #tpu.memory_space<hbm>>
      %dma_start3A_1588 = tpu.memref_squeeze %dma_start3A_1587 : memref<1x1x1x3x40xi32, #tpu.memory_space<hbm>> -> memref<3x40xi32, #tpu.memory_space<hbm>>
      tpu.enqueue_dma source(%dma_start3A_1588 : memref<3x40xi32, #tpu.memory_space<hbm>>) target(%dma_start3A_1584 : memref<3x40xi32, #tpu.memory_space<vmem>>) target_semaphore(%arg12 : memref<!tpu.dma_semaphore, #tpu.memory_space<semaphore_mem>>)
      %dma_start3A_1589 = arith.constant 1 : i32
      %dma_start3A_1590 = arith.constant 0 : i32
      %dma_start3A_1591 = arith.constant 0 : i32
      %dma_start3A_1592 = tpu.memref_slice %arg10[%rem3A_1571, %dma_start3A_1590, %dma_start3A_1591] : memref<3x3x40xi32, #tpu.memory_space<vmem>> -> memref<1x3x40xi32, #tpu.memory_space<vmem>>
      %dma_start3A_1593 = tpu.memref_squeeze %dma_start3A_1592 : memref<1x3x40xi32, #tpu.memory_space<vmem>> -> memref<3x40xi32, #tpu.memory_space<vmem>>
      %dma_start3A_1594 = arith.constant 0 : i32
      %dma_start3A_1595 = arith.constant 0 : i32
      %dma_start3A_1596 = tpu.memref_slice %arg3[%dma_start3A_1589, %add3A, %min3A_1567, %dma_start3A_1594, %dma_start3A_1595] : memref<3x32x84x3x40xi32, #tpu.memory_space<hbm>> -> memref<1x1x1x3x40xi32, #tpu.memory_space<hbm>>
      %dma_start3A_1597 = tpu.memref_squeeze %dma_start3A_1596 : memref<1x1x1x3x40xi32, #tpu.memory_space<hbm>> -> memref<3x40xi32, #tpu.memory_space<hbm>>
      %dma_start3A_1598 = arith.constant 0 : i32
      %dma_start3A_1599 = arith.constant 0 : i32
      %dma_start3A_1600 = tpu.memref_slice %arg10[%rem3A_1571, %dma_start3A_1598, %dma_start3A_1599] : memref<3x3x40xi32, #tpu.memory_space<vmem>> -> memref<1x3x40xi32, #tpu.memory_space<vmem>>
      %dma_start3A_1601 = tpu.memref_squeeze %dma_start3A_1600 : memref<1x3x40xi32, #tpu.memory_space<vmem>> -> memref<3x40xi32, #tpu.memory_space<vmem>>
      %dma_start3A_1602 = arith.constant 0 : i32
      %dma_start3A_1603 = arith.constant 0 : i32
      %dma_start3A_1604 = tpu.memref_slice %arg3[%dma_start3A_1589, %add3A, %min3A_1567, %dma_start3A_1602, %dma_start3A_1603] : memref<3x32x84x3x40xi32, #tpu.memory_space<hbm>> -> memref<1x1x1x3x40xi32, #tpu.memory_space<hbm>>
      %dma_start3A_1605 = tpu.memref_squeeze %dma_start3A_1604 : memref<1x1x1x3x40xi32, #tpu.memory_space<hbm>> -> memref<3x40xi32, #tpu.memory_space<hbm>>
      tpu.enqueue_dma source(%dma_start3A_1605 : memref<3x40xi32, #tpu.memory_space<hbm>>) target(%dma_start3A_1601 : memref<3x40xi32, #tpu.memory_space<vmem>>) target_semaphore(%arg12 : memref<!tpu.dma_semaphore, #tpu.memory_space<semaphore_mem>>)
      %dma_wait3A_1606 = arith.constant 0 : i32
      %dma_wait3A_1607 = arith.constant 0 : i32
      %dma_wait3A_1608 = arith.constant 0 : i32
      %dma_wait3A_1609 = arith.constant 0 : i32
      %dma_wait3A_1610 = arith.constant 0 : i32
      %dma_wait3A_1611 = arith.constant 0 : i32
      %dma_wait3A_1612 = tpu.memref_slice %arg9[%dma_wait3A_1609, %dma_wait3A_1610, %dma_wait3A_1611] : memref<3x3x40xi32, #tpu.memory_space<vmem>> -> memref<1x3x40xi32, #tpu.memory_space<vmem>>
      %dma_wait3A_1613 = tpu.memref_squeeze %dma_wait3A_1612 : memref<1x3x40xi32, #tpu.memory_space<vmem>> -> memref<3x40xi32, #tpu.memory_space<vmem>>
      %dma_wait3A_1614 = arith.constant 0 : i32
      %dma_wait3A_1615 = arith.constant 0 : i32
      %dma_wait3A_1616 = tpu.memref_slice %arg2[%dma_wait3A_1606, %dma_wait3A_1607, %dma_wait3A_1608, %dma_wait3A_1614, %dma_wait3A_1615] : memref<3x32x84x3x40xi32, #tpu.memory_space<hbm>> -> memref<1x1x1x3x40xi32, #tpu.memory_space<hbm>>
      %dma_wait3A_1617 = tpu.memref_squeeze %dma_wait3A_1616 : memref<1x1x1x3x40xi32, #tpu.memory_space<hbm>> -> memref<3x40xi32, #tpu.memory_space<hbm>>
      %dma_wait3A_1618 = arith.constant 0 : i32
      %dma_wait3A_1619 = arith.constant 0 : i32
      %dma_wait3A_1620 = tpu.memref_slice %arg9[%dma_wait3A_1609, %dma_wait3A_1618, %dma_wait3A_1619] : memref<3x3x40xi32, #tpu.memory_space<vmem>> -> memref<1x3x40xi32, #tpu.memory_space<vmem>>
      %dma_wait3A_1621 = tpu.memref_squeeze %dma_wait3A_1620 : memref<1x3x40xi32, #tpu.memory_space<vmem>> -> memref<3x40xi32, #tpu.memory_space<vmem>>
      %dma_wait3A_1622 = arith.constant 0 : i32
      %dma_wait3A_1623 = arith.constant 0 : i32
      %dma_wait3A_1624 = tpu.memref_slice %arg2[%dma_wait3A_1606, %dma_wait3A_1607, %dma_wait3A_1608, %dma_wait3A_1622, %dma_wait3A_1623] : memref<3x32x84x3x40xi32, #tpu.memory_space<hbm>> -> memref<1x1x1x3x40xi32, #tpu.memory_space<hbm>>
      %dma_wait3A_1625 = tpu.memref_squeeze %dma_wait3A_1624 : memref<1x1x1x3x40xi32, #tpu.memory_space<hbm>> -> memref<3x40xi32, #tpu.memory_space<hbm>>
      tpu.wait_dma2 semaphore(%arg12 : memref<!tpu.dma_semaphore, #tpu.memory_space<semaphore_mem>>) src(%dma_wait3A_1625 : memref<3x40xi32, #tpu.memory_space<hbm>>) dst(%dma_wait3A_1621 : memref<3x40xi32, #tpu.memory_space<vmem>>)
      %dma_wait3A_1626 = arith.constant 0 : i32
      %dma_wait3A_1627 = arith.constant 0 : i32
      %dma_wait3A_1628 = arith.constant 0 : i32
      %dma_wait3A_1629 = arith.constant 0 : i32
      %dma_wait3A_1630 = arith.constant 0 : i32
      %dma_wait3A_1631 = arith.constant 0 : i32
      %dma_wait3A_1632 = tpu.memref_slice %arg10[%dma_wait3A_1629, %dma_wait3A_1630, %dma_wait3A_1631] : memref<3x3x40xi32, #tpu.memory_space<vmem>> -> memref<1x3x40xi32, #tpu.memory_space<vmem>>
      %dma_wait3A_1633 = tpu.memref_squeeze %dma_wait3A_1632 : memref<1x3x40xi32, #tpu.memory_space<vmem>> -> memref<3x40xi32, #tpu.memory_space<vmem>>
      %dma_wait3A_1634 = arith.constant 0 : i32
      %dma_wait3A_1635 = arith.constant 0 : i32
      %dma_wait3A_1636 = tpu.memref_slice %arg3[%dma_wait3A_1626, %dma_wait3A_1627, %dma_wait3A_1628, %dma_wait3A_1634, %dma_wait3A_1635] : memref<3x32x84x3x40xi32, #tpu.memory_space<hbm>> -> memref<1x1x1x3x40xi32, #tpu.memory_space<hbm>>
      %dma_wait3A_1637 = tpu.memref_squeeze %dma_wait3A_1636 : memref<1x1x1x3x40xi32, #tpu.memory_space<hbm>> -> memref<3x40xi32, #tpu.memory_space<hbm>>
      %dma_wait3A_1638 = arith.constant 0 : i32
      %dma_wait3A_1639 = arith.constant 0 : i32
      %dma_wait3A_1640 = tpu.memref_slice %arg10[%dma_wait3A_1629, %dma_wait3A_1638, %dma_wait3A_1639] : memref<3x3x40xi32, #tpu.memory_space<vmem>> -> memref<1x3x40xi32, #tpu.memory_space<vmem>>
      %dma_wait3A_1641 = tpu.memref_squeeze %dma_wait3A_1640 : memref<1x3x40xi32, #tpu.memory_space<vmem>> -> memref<3x40xi32, #tpu.memory_space<vmem>>
      %dma_wait3A_1642 = arith.constant 0 : i32
      %dma_wait3A_1643 = arith.constant 0 : i32
      %dma_wait3A_1644 = tpu.memref_slice %arg3[%dma_wait3A_1626, %dma_wait3A_1627, %dma_wait3A_1628, %dma_wait3A_1642, %dma_wait3A_1643] : memref<3x32x84x3x40xi32, #tpu.memory_space<hbm>> -> memref<1x1x1x3x40xi32, #tpu.memory_space<hbm>>
      %dma_wait3A_1645 = tpu.memref_squeeze %dma_wait3A_1644 : memref<1x1x1x3x40xi32, #tpu.memory_space<hbm>> -> memref<3x40xi32, #tpu.memory_space<hbm>>
      tpu.wait_dma2 semaphore(%arg12 : memref<!tpu.dma_semaphore, #tpu.memory_space<semaphore_mem>>) src(%dma_wait3A_1645 : memref<3x40xi32, #tpu.memory_space<hbm>>) dst(%dma_wait3A_1641 : memref<3x40xi32, #tpu.memory_space<vmem>>)
      %dma_wait3A_1646 = arith.constant 0 : i32
      %dma_wait3A_1647 = arith.constant 0 : i32
      %dma_wait3A_1648 = arith.constant 0 : i32
      %dma_wait3A_1649 = arith.constant 0 : i32
      %dma_wait3A_1650 = arith.constant 0 : i32
      %dma_wait3A_1651 = arith.constant 0 : i32
      %dma_wait3A_1652 = tpu.memref_slice %arg11[%dma_wait3A_1646, %dma_wait3A_1647, %dma_wait3A_1650, %dma_wait3A_1651] : memref<2x3x40x128xf32, #tpu.memory_space<vmem>> -> memref<1x1x40x128xf32, #tpu.memory_space<vmem>>
      %dma_wait3A_1653 = tpu.memref_squeeze %dma_wait3A_1652 : memref<1x1x40x128xf32, #tpu.memory_space<vmem>> -> memref<40x128xf32, #tpu.memory_space<vmem>>
      %dma_wait3A_1654 = arith.constant 0 : i32
      %dma_wait3A_1655 = tpu.memref_slice %arg10[%dma_wait3A_1648, %dma_wait3A_1649, %dma_wait3A_1654] : memref<3x3x40xi32, #tpu.memory_space<vmem>> -> memref<1x1x40xi32, #tpu.memory_space<vmem>>
      %dma_wait3A_1656 = tpu.memref_squeeze %dma_wait3A_1655 : memref<1x1x40xi32, #tpu.memory_space<vmem>> -> memref<40xi32, #tpu.memory_space<vmem>>
      %dma_wait3A_1657 = arith.constant 0 : i32
      %dma_wait3A_1658 = arith.constant 0 : i32
      %dma_wait3A_1659 = tpu.memref_slice %arg15[%dma_wait3A_1657, %dma_wait3A_1658] : memref<10240x128xf32, #tpu.memory_space<vmem_shared>> -> memref<10240x128xf32, #tpu.memory_space<vmem_shared>>
      tpu.wait_indirect_dma semaphore(%arg14 : memref<!tpu.dma_semaphore, #tpu.memory_space<semaphore_mem>>) src(%dma_wait3A_1653 : memref<40x128xf32, #tpu.memory_space<vmem>>) dst(%dma_wait3A_1659 : memref<10240x128xf32, #tpu.memory_space<vmem_shared>>)
      %dma_wait3A_1660 = arith.constant 0 : i32
      %dma_wait3A_1661 = arith.constant 1 : i32
      %dma_wait3A_1662 = arith.constant 0 : i32
      %dma_wait3A_1663 = arith.constant 1 : i32
      %dma_wait3A_1664 = arith.constant 0 : i32
      %dma_wait3A_1665 = arith.constant 0 : i32
      %dma_wait3A_1666 = tpu.memref_slice %arg11[%dma_wait3A_1660, %dma_wait3A_1661, %dma_wait3A_1664, %dma_wait3A_1665] : memref<2x3x40x128xf32, #tpu.memory_space<vmem>> -> memref<1x1x40x128xf32, #tpu.memory_space<vmem>>
      %dma_wait3A_1667 = tpu.memref_squeeze %dma_wait3A_1666 : memref<1x1x40x128xf32, #tpu.memory_space<vmem>> -> memref<40x128xf32, #tpu.memory_space<vmem>>
      %dma_wait3A_1668 = arith.constant 0 : i32
      %dma_wait3A_1669 = tpu.memref_slice %arg10[%dma_wait3A_1662, %dma_wait3A_1663, %dma_wait3A_1668] : memref<3x3x40xi32, #tpu.memory_space<vmem>> -> memref<1x1x40xi32, #tpu.memory_space<vmem>>
      %dma_wait3A_1670 = tpu.memref_squeeze %dma_wait3A_1669 : memref<1x1x40xi32, #tpu.memory_space<vmem>> -> memref<40xi32, #tpu.memory_space<vmem>>
      %dma_wait3A_1671 = arith.constant 0 : i32
      %dma_wait3A_1672 = arith.constant 0 : i32
      %dma_wait3A_1673 = tpu.memref_slice %arg15[%dma_wait3A_1671, %dma_wait3A_1672] : memref<10240x128xf32, #tpu.memory_space<vmem_shared>> -> memref<10240x128xf32, #tpu.memory_space<vmem_shared>>
      tpu.wait_indirect_dma semaphore(%arg14 : memref<!tpu.dma_semaphore, #tpu.memory_space<semaphore_mem>>) src(%dma_wait3A_1667 : memref<40x128xf32, #tpu.memory_space<vmem>>) dst(%dma_wait3A_1673 : memref<10240x128xf32, #tpu.memory_space<vmem_shared>>)
      %dma_wait3A_1674 = arith.constant 0 : i32
      %dma_wait3A_1675 = arith.constant 2 : i32
      %dma_wait3A_1676 = arith.constant 0 : i32
      %dma_wait3A_1677 = arith.constant 2 : i32
      %dma_wait3A_1678 = arith.constant 0 : i32
      %dma_wait3A_1679 = arith.constant 0 : i32
      %dma_wait3A_1680 = tpu.memref_slice %arg11[%dma_wait3A_1674, %dma_wait3A_1675, %dma_wait3A_1678, %dma_wait3A_1679] : memref<2x3x40x128xf32, #tpu.memory_space<vmem>> -> memref<1x1x40x128xf32, #tpu.memory_space<vmem>>
      %dma_wait3A_1681 = tpu.memref_squeeze %dma_wait3A_1680 : memref<1x1x40x128xf32, #tpu.memory_space<vmem>> -> memref<40x128xf32, #tpu.memory_space<vmem>>
      %dma_wait3A_1682 = arith.constant 0 : i32
      %dma_wait3A_1683 = tpu.memref_slice %arg10[%dma_wait3A_1676, %dma_wait3A_1677, %dma_wait3A_1682] : memref<3x3x40xi32, #tpu.memory_space<vmem>> -> memref<1x1x40xi32, #tpu.memory_space<vmem>>
      %dma_wait3A_1684 = tpu.memref_squeeze %dma_wait3A_1683 : memref<1x1x40xi32, #tpu.memory_space<vmem>> -> memref<40xi32, #tpu.memory_space<vmem>>
      %dma_wait3A_1685 = arith.constant 0 : i32
      %dma_wait3A_1686 = arith.constant 0 : i32
      %dma_wait3A_1687 = tpu.memref_slice %arg15[%dma_wait3A_1685, %dma_wait3A_1686] : memref<10240x128xf32, #tpu.memory_space<vmem_shared>> -> memref<10240x128xf32, #tpu.memory_space<vmem_shared>>
      tpu.wait_indirect_dma semaphore(%arg14 : memref<!tpu.dma_semaphore, #tpu.memory_space<semaphore_mem>>) src(%dma_wait3A_1681 : memref<40x128xf32, #tpu.memory_space<vmem>>) dst(%dma_wait3A_1687 : memref<10240x128xf32, #tpu.memory_space<vmem_shared>>)
      %add3A_1688 = arith.constant 1 : i32
      %add3A_1689 = arith.addi %scan3A_1561, %add3A_1688 : i32
      %rem3A_1690 = arith.constant 3 : i32
      %rem3A_1691 = arith.remsi %add3A_1689, %rem3A_1690 : i32
      %dma_start3A_1692 = arith.constant 0 : i32
      %dma_start3A_1693 = arith.constant 0 : i32
      %dma_start3A_1694 = arith.constant 0 : i32
      %dma_start3A_1695 = arith.constant 0 : i32
      %dma_start3A_1696 = tpu.memref_slice %arg11[%sub3A_1563, %dma_start3A_1693, %dma_start3A_1694, %dma_start3A_1695] : memref<2x3x40x128xf32, #tpu.memory_space<vmem>> -> memref<1x1x40x128xf32, #tpu.memory_space<vmem>>
      %dma_start3A_1697 = tpu.memref_squeeze %dma_start3A_1696 : memref<1x1x40x128xf32, #tpu.memory_space<vmem>> -> memref<40x128xf32, #tpu.memory_space<vmem>>
      %dma_start3A_1698 = arith.constant 0 : i32
      %dma_start3A_1699 = tpu.memref_slice %arg9[%rem3A_1691, %dma_start3A_1692, %dma_start3A_1698] : memref<3x3x40xi32, #tpu.memory_space<vmem>> -> memref<1x1x40xi32, #tpu.memory_space<vmem>>
      %dma_start3A_1700 = tpu.memref_squeeze %dma_start3A_1699 : memref<1x1x40xi32, #tpu.memory_space<vmem>> -> memref<40xi32, #tpu.memory_space<vmem>>
      %dma_start3A_1701 = arith.constant 0 : i32
      %dma_start3A_1702 = arith.constant 0 : i32
      %dma_start3A_1703 = tpu.memref_slice %arg6[%dma_start3A_1701, %dma_start3A_1702] : memref<10000x128xf32, #tpu.memory_space<hbm>> -> memref<10000x128xf32, #tpu.memory_space<hbm>>
      tpu.enqueue_indirect_dma source(%dma_start3A_1703 : memref<10000x128xf32, #tpu.memory_space<hbm>>) target(%dma_start3A_1697 : memref<40x128xf32, #tpu.memory_space<vmem>>) offsets(%dma_start3A_1700 : memref<40xi32, #tpu.memory_space<vmem>>) semaphore(%arg13 : memref<!tpu.dma_semaphore, #tpu.memory_space<semaphore_mem>>)
      %dma_start3A_1704 = arith.constant 1 : i32
      %dma_start3A_1705 = arith.constant 1 : i32
      %dma_start3A_1706 = arith.constant 0 : i32
      %dma_start3A_1707 = arith.constant 0 : i32
      %dma_start3A_1708 = tpu.memref_slice %arg11[%sub3A_1563, %dma_start3A_1705, %dma_start3A_1706, %dma_start3A_1707] : memref<2x3x40x128xf32, #tpu.memory_space<vmem>> -> memref<1x1x40x128xf32, #tpu.memory_space<vmem>>
      %dma_start3A_1709 = tpu.memref_squeeze %dma_start3A_1708 : memref<1x1x40x128xf32, #tpu.memory_space<vmem>> -> memref<40x128xf32, #tpu.memory_space<vmem>>
      %dma_start3A_1710 = arith.constant 0 : i32
      %dma_start3A_1711 = tpu.memref_slice %arg9[%rem3A_1691, %dma_start3A_1704, %dma_start3A_1710] : memref<3x3x40xi32, #tpu.memory_space<vmem>> -> memref<1x1x40xi32, #tpu.memory_space<vmem>>
      %dma_start3A_1712 = tpu.memref_squeeze %dma_start3A_1711 : memref<1x1x40xi32, #tpu.memory_space<vmem>> -> memref<40xi32, #tpu.memory_space<vmem>>
      %dma_start3A_1713 = arith.constant 0 : i32
      %dma_start3A_1714 = arith.constant 0 : i32
      %dma_start3A_1715 = tpu.memref_slice %arg6[%dma_start3A_1713, %dma_start3A_1714] : memref<10000x128xf32, #tpu.memory_space<hbm>> -> memref<10000x128xf32, #tpu.memory_space<hbm>>
      tpu.enqueue_indirect_dma source(%dma_start3A_1715 : memref<10000x128xf32, #tpu.memory_space<hbm>>) target(%dma_start3A_1709 : memref<40x128xf32, #tpu.memory_space<vmem>>) offsets(%dma_start3A_1712 : memref<40xi32, #tpu.memory_space<vmem>>) semaphore(%arg13 : memref<!tpu.dma_semaphore, #tpu.memory_space<semaphore_mem>>)
      %dma_start3A_1716 = arith.constant 2 : i32
      %dma_start3A_1717 = arith.constant 2 : i32
      %dma_start3A_1718 = arith.constant 0 : i32
      %dma_start3A_1719 = arith.constant 0 : i32
      %dma_start3A_1720 = tpu.memref_slice %arg11[%sub3A_1563, %dma_start3A_1717, %dma_start3A_1718, %dma_start3A_1719] : memref<2x3x40x128xf32, #tpu.memory_space<vmem>> -> memref<1x1x40x128xf32, #tpu.memory_space<vmem>>
      %dma_start3A_1721 = tpu.memref_squeeze %dma_start3A_1720 : memref<1x1x40x128xf32, #tpu.memory_space<vmem>> -> memref<40x128xf32, #tpu.memory_space<vmem>>
      %dma_start3A_1722 = arith.constant 0 : i32
      %dma_start3A_1723 = tpu.memref_slice %arg9[%rem3A_1691, %dma_start3A_1716, %dma_start3A_1722] : memref<3x3x40xi32, #tpu.memory_space<vmem>> -> memref<1x1x40xi32, #tpu.memory_space<vmem>>
      %dma_start3A_1724 = tpu.memref_squeeze %dma_start3A_1723 : memref<1x1x40xi32, #tpu.memory_space<vmem>> -> memref<40xi32, #tpu.memory_space<vmem>>
      %dma_start3A_1725 = arith.constant 0 : i32
      %dma_start3A_1726 = arith.constant 0 : i32
      %dma_start3A_1727 = tpu.memref_slice %arg6[%dma_start3A_1725, %dma_start3A_1726] : memref<10000x128xf32, #tpu.memory_space<hbm>> -> memref<10000x128xf32, #tpu.memory_space<hbm>>
      tpu.enqueue_indirect_dma source(%dma_start3A_1727 : memref<10000x128xf32, #tpu.memory_space<hbm>>) target(%dma_start3A_1721 : memref<40x128xf32, #tpu.memory_space<vmem>>) offsets(%dma_start3A_1724 : memref<40xi32, #tpu.memory_space<vmem>>) semaphore(%arg13 : memref<!tpu.dma_semaphore, #tpu.memory_space<semaphore_mem>>)
      %dma_wait3A_1728 = arith.constant 0 : i32
      %dma_wait3A_1729 = arith.constant 0 : i32
      %dma_wait3A_1730 = arith.constant 0 : i32
      %dma_wait3A_1731 = arith.constant 0 : i32
      %dma_wait3A_1732 = arith.constant 0 : i32
      %dma_wait3A_1733 = arith.constant 0 : i32
      %dma_wait3A_1734 = tpu.memref_slice %arg11[%dma_wait3A_1730, %dma_wait3A_1731, %dma_wait3A_1732, %dma_wait3A_1733] : memref<2x3x40x128xf32, #tpu.memory_space<vmem>> -> memref<1x1x40x128xf32, #tpu.memory_space<vmem>>
      %dma_wait3A_1735 = tpu.memref_squeeze %dma_wait3A_1734 : memref<1x1x40x128xf32, #tpu.memory_space<vmem>> -> memref<40x128xf32, #tpu.memory_space<vmem>>
      %dma_wait3A_1736 = arith.constant 0 : i32
      %dma_wait3A_1737 = tpu.memref_slice %arg9[%dma_wait3A_1728, %dma_wait3A_1729, %dma_wait3A_1736] : memref<3x3x40xi32, #tpu.memory_space<vmem>> -> memref<1x1x40xi32, #tpu.memory_space<vmem>>
      %dma_wait3A_1738 = tpu.memref_squeeze %dma_wait3A_1737 : memref<1x1x40xi32, #tpu.memory_space<vmem>> -> memref<40xi32, #tpu.memory_space<vmem>>
      %dma_wait3A_1739 = arith.constant 0 : i32
      %dma_wait3A_1740 = arith.constant 0 : i32
      %dma_wait3A_1741 = tpu.memref_slice %arg6[%dma_wait3A_1739, %dma_wait3A_1740] : memref<10000x128xf32, #tpu.memory_space<hbm>> -> memref<10000x128xf32, #tpu.memory_space<hbm>>
      tpu.wait_indirect_dma semaphore(%arg13 : memref<!tpu.dma_semaphore, #tpu.memory_space<semaphore_mem>>) src(%dma_wait3A_1741 : memref<10000x128xf32, #tpu.memory_space<hbm>>) dst(%dma_wait3A_1735 : memref<40x128xf32, #tpu.memory_space<vmem>>)
      %dma_wait3A_1742 = arith.constant 0 : i32
      %dma_wait3A_1743 = arith.constant 0 : i32
      %dma_wait3A_1744 = arith.constant 0 : i32
      %dma_wait3A_1745 = arith.constant 1 : i32
      %dma_wait3A_1746 = arith.constant 0 : i32
      %dma_wait3A_1747 = arith.constant 0 : i32
      %dma_wait3A_1748 = tpu.memref_slice %arg11[%dma_wait3A_1744, %dma_wait3A_1745, %dma_wait3A_1746, %dma_wait3A_1747] : memref<2x3x40x128xf32, #tpu.memory_space<vmem>> -> memref<1x1x40x128xf32, #tpu.memory_space<vmem>>
      %dma_wait3A_1749 = tpu.memref_squeeze %dma_wait3A_1748 : memref<1x1x40x128xf32, #tpu.memory_space<vmem>> -> memref<40x128xf32, #tpu.memory_space<vmem>>
      %dma_wait3A_1750 = arith.constant 0 : i32
      %dma_wait3A_1751 = tpu.memref_slice %arg9[%dma_wait3A_1742, %dma_wait3A_1743, %dma_wait3A_1750] : memref<3x3x40xi32, #tpu.memory_space<vmem>> -> memref<1x1x40xi32, #tpu.memory_space<vmem>>
      %dma_wait3A_1752 = tpu.memref_squeeze %dma_wait3A_1751 : memref<1x1x40xi32, #tpu.memory_space<vmem>> -> memref<40xi32, #tpu.memory_space<vmem>>
      %dma_wait3A_1753 = arith.constant 0 : i32
      %dma_wait3A_1754 = arith.constant 0 : i32
      %dma_wait3A_1755 = tpu.memref_slice %arg6[%dma_wait3A_1753, %dma_wait3A_1754] : memref<10000x128xf32, #tpu.memory_space<hbm>> -> memref<10000x128xf32, #tpu.memory_space<hbm>>
      tpu.wait_indirect_dma semaphore(%arg13 : memref<!tpu.dma_semaphore, #tpu.memory_space<semaphore_mem>>) src(%dma_wait3A_1755 : memref<10000x128xf32, #tpu.memory_space<hbm>>) dst(%dma_wait3A_1749 : memref<40x128xf32, #tpu.memory_space<vmem>>)
      %dma_wait3A_1756 = arith.constant 0 : i32
      %dma_wait3A_1757 = arith.constant 0 : i32
      %dma_wait3A_1758 = arith.constant 0 : i32
      %dma_wait3A_1759 = arith.constant 2 : i32
      %dma_wait3A_1760 = arith.constant 0 : i32
      %dma_wait3A_1761 = arith.constant 0 : i32
      %dma_wait3A_1762 = tpu.memref_slice %arg11[%dma_wait3A_1758, %dma_wait3A_1759, %dma_wait3A_1760, %dma_wait3A_1761] : memref<2x3x40x128xf32, #tpu.memory_space<vmem>> -> memref<1x1x40x128xf32, #tpu.memory_space<vmem>>
      %dma_wait3A_1763 = tpu.memref_squeeze %dma_wait3A_1762 : memref<1x1x40x128xf32, #tpu.memory_space<vmem>> -> memref<40x128xf32, #tpu.memory_space<vmem>>
      %dma_wait3A_1764 = arith.constant 0 : i32
      %dma_wait3A_1765 = tpu.memref_slice %arg9[%dma_wait3A_1756, %dma_wait3A_1757, %dma_wait3A_1764] : memref<3x3x40xi32, #tpu.memory_space<vmem>> -> memref<1x1x40xi32, #tpu.memory_space<vmem>>
      %dma_wait3A_1766 = tpu.memref_squeeze %dma_wait3A_1765 : memref<1x1x40xi32, #tpu.memory_space<vmem>> -> memref<40xi32, #tpu.memory_space<vmem>>
      %dma_wait3A_1767 = arith.constant 0 : i32
      %dma_wait3A_1768 = arith.constant 0 : i32
      %dma_wait3A_1769 = tpu.memref_slice %arg6[%dma_wait3A_1767, %dma_wait3A_1768] : memref<10000x128xf32, #tpu.memory_space<hbm>> -> memref<10000x128xf32, #tpu.memory_space<hbm>>
      tpu.wait_indirect_dma semaphore(%arg13 : memref<!tpu.dma_semaphore, #tpu.memory_space<semaphore_mem>>) src(%dma_wait3A_1769 : memref<10000x128xf32, #tpu.memory_space<hbm>>) dst(%dma_wait3A_1763 : memref<40x128xf32, #tpu.memory_space<vmem>>)
      %rem3A_1770 = arith.constant 3 : i32
      %rem3A_1771 = arith.remsi %scan3A_1561, %rem3A_1770 : i32
      %dma_start3A_1772 = arith.constant 0 : i32
      %dma_start3A_1773 = arith.constant 0 : i32
      %dma_start3A_1774 = arith.constant 0 : i32
      %dma_start3A_1775 = arith.constant 0 : i32
      %dma_start3A_1776 = tpu.memref_slice %arg11[%rem3A_1562, %dma_start3A_1772, %dma_start3A_1774, %dma_start3A_1775] : memref<2x3x40x128xf32, #tpu.memory_space<vmem>> -> memref<1x1x40x128xf32, #tpu.memory_space<vmem>>
      %dma_start3A_1777 = tpu.memref_squeeze %dma_start3A_1776 : memref<1x1x40x128xf32, #tpu.memory_space<vmem>> -> memref<40x128xf32, #tpu.memory_space<vmem>>
      %dma_start3A_1778 = arith.constant 0 : i32
      %dma_start3A_1779 = tpu.memref_slice %arg10[%rem3A_1771, %dma_start3A_1773, %dma_start3A_1778] : memref<3x3x40xi32, #tpu.memory_space<vmem>> -> memref<1x1x40xi32, #tpu.memory_space<vmem>>
      %dma_start3A_1780 = tpu.memref_squeeze %dma_start3A_1779 : memref<1x1x40xi32, #tpu.memory_space<vmem>> -> memref<40xi32, #tpu.memory_space<vmem>>
      %dma_start3A_1781 = arith.constant 0 : i32
      %dma_start3A_1782 = arith.constant 0 : i32
      %dma_start3A_1783 = tpu.memref_slice %arg15[%dma_start3A_1781, %dma_start3A_1782] : memref<10240x128xf32, #tpu.memory_space<vmem_shared>> -> memref<10240x128xf32, #tpu.memory_space<vmem_shared>>
      tpu.enqueue_indirect_dma source(%dma_start3A_1777 : memref<40x128xf32, #tpu.memory_space<vmem>>) target(%dma_start3A_1783 : memref<10240x128xf32, #tpu.memory_space<vmem_shared>>) offsets(%dma_start3A_1780 : memref<40xi32, #tpu.memory_space<vmem>>) semaphore(%arg14 : memref<!tpu.dma_semaphore, #tpu.memory_space<semaphore_mem>>) {add = true}
      %dma_start3A_1784 = arith.constant 1 : i32
      %dma_start3A_1785 = arith.constant 1 : i32
      %dma_start3A_1786 = arith.constant 0 : i32
      %dma_start3A_1787 = arith.constant 0 : i32
      %dma_start3A_1788 = tpu.memref_slice %arg11[%rem3A_1562, %dma_start3A_1784, %dma_start3A_1786, %dma_start3A_1787] : memref<2x3x40x128xf32, #tpu.memory_space<vmem>> -> memref<1x1x40x128xf32, #tpu.memory_space<vmem>>
      %dma_start3A_1789 = tpu.memref_squeeze %dma_start3A_1788 : memref<1x1x40x128xf32, #tpu.memory_space<vmem>> -> memref<40x128xf32, #tpu.memory_space<vmem>>
      %dma_start3A_1790 = arith.constant 0 : i32
      %dma_start3A_1791 = tpu.memref_slice %arg10[%rem3A_1771, %dma_start3A_1785, %dma_start3A_1790] : memref<3x3x40xi32, #tpu.memory_space<vmem>> -> memref<1x1x40xi32, #tpu.memory_space<vmem>>
      %dma_start3A_1792 = tpu.memref_squeeze %dma_start3A_1791 : memref<1x1x40xi32, #tpu.memory_space<vmem>> -> memref<40xi32, #tpu.memory_space<vmem>>
      %dma_start3A_1793 = arith.constant 0 : i32
      %dma_start3A_1794 = arith.constant 0 : i32
      %dma_start3A_1795 = tpu.memref_slice %arg15[%dma_start3A_1793, %dma_start3A_1794] : memref<10240x128xf32, #tpu.memory_space<vmem_shared>> -> memref<10240x128xf32, #tpu.memory_space<vmem_shared>>
      tpu.enqueue_indirect_dma source(%dma_start3A_1789 : memref<40x128xf32, #tpu.memory_space<vmem>>) target(%dma_start3A_1795 : memref<10240x128xf32, #tpu.memory_space<vmem_shared>>) offsets(%dma_start3A_1792 : memref<40xi32, #tpu.memory_space<vmem>>) semaphore(%arg14 : memref<!tpu.dma_semaphore, #tpu.memory_space<semaphore_mem>>) {add = true}
      %dma_start3A_1796 = arith.constant 2 : i32
      %dma_start3A_1797 = arith.constant 2 : i32
      %dma_start3A_1798 = arith.constant 0 : i32
      %dma_start3A_1799 = arith.constant 0 : i32
      %dma_start3A_1800 = tpu.memref_slice %arg11[%rem3A_1562, %dma_start3A_1796, %dma_start3A_1798, %dma_start3A_1799] : memref<2x3x40x128xf32, #tpu.memory_space<vmem>> -> memref<1x1x40x128xf32, #tpu.memory_space<vmem>>
      %dma_start3A_1801 = tpu.memref_squeeze %dma_start3A_1800 : memref<1x1x40x128xf32, #tpu.memory_space<vmem>> -> memref<40x128xf32, #tpu.memory_space<vmem>>
      %dma_start3A_1802 = arith.constant 0 : i32
      %dma_start3A_1803 = tpu.memref_slice %arg10[%rem3A_1771, %dma_start3A_1797, %dma_start3A_1802] : memref<3x3x40xi32, #tpu.memory_space<vmem>> -> memref<1x1x40xi32, #tpu.memory_space<vmem>>
      %dma_start3A_1804 = tpu.memref_squeeze %dma_start3A_1803 : memref<1x1x40xi32, #tpu.memory_space<vmem>> -> memref<40xi32, #tpu.memory_space<vmem>>
      %dma_start3A_1805 = arith.constant 0 : i32
      %dma_start3A_1806 = arith.constant 0 : i32
      %dma_start3A_1807 = tpu.memref_slice %arg15[%dma_start3A_1805, %dma_start3A_1806] : memref<10240x128xf32, #tpu.memory_space<vmem_shared>> -> memref<10240x128xf32, #tpu.memory_space<vmem_shared>>
      tpu.enqueue_indirect_dma source(%dma_start3A_1801 : memref<40x128xf32, #tpu.memory_space<vmem>>) target(%dma_start3A_1807 : memref<10240x128xf32, #tpu.memory_space<vmem_shared>>) offsets(%dma_start3A_1804 : memref<40xi32, #tpu.memory_space<vmem>>) semaphore(%arg14 : memref<!tpu.dma_semaphore, #tpu.memory_space<semaphore_mem>>) {add = true}
    }
    %scan3A_887 = arith.constant 83 : i32
    %dma_wait3A_888 = arith.constant 0 : i32
    %dma_wait3A_889 = arith.constant 0 : i32
    %dma_wait3A_890 = arith.constant 0 : i32
    %dma_wait3A_891 = arith.constant 0 : i32
    %dma_wait3A_892 = arith.constant 0 : i32
    %dma_wait3A_893 = arith.constant 0 : i32
    %dma_wait3A_894 = tpu.memref_slice %arg11[%dma_wait3A_890, %dma_wait3A_891, %dma_wait3A_892, %dma_wait3A_893] : memref<2x3x40x128xf32, #tpu.memory_space<vmem>> -> memref<1x1x40x128xf32, #tpu.memory_space<vmem>>
    %dma_wait3A_895 = tpu.memref_squeeze %dma_wait3A_894 : memref<1x1x40x128xf32, #tpu.memory_space<vmem>> -> memref<40x128xf32, #tpu.memory_space<vmem>>
    %dma_wait3A_896 = arith.constant 0 : i32
    %dma_wait3A_897 = tpu.memref_slice %arg9[%dma_wait3A_888, %dma_wait3A_889, %dma_wait3A_896] : memref<3x3x40xi32, #tpu.memory_space<vmem>> -> memref<1x1x40xi32, #tpu.memory_space<vmem>>
    %dma_wait3A_898 = tpu.memref_squeeze %dma_wait3A_897 : memref<1x1x40xi32, #tpu.memory_space<vmem>> -> memref<40xi32, #tpu.memory_space<vmem>>
    %dma_wait3A_899 = arith.constant 0 : i32
    %dma_wait3A_900 = arith.constant 0 : i32
    %dma_wait3A_901 = tpu.memref_slice %arg6[%dma_wait3A_899, %dma_wait3A_900] : memref<10000x128xf32, #tpu.memory_space<hbm>> -> memref<10000x128xf32, #tpu.memory_space<hbm>>
    tpu.wait_indirect_dma semaphore(%arg13 : memref<!tpu.dma_semaphore, #tpu.memory_space<semaphore_mem>>) src(%dma_wait3A_901 : memref<10000x128xf32, #tpu.memory_space<hbm>>) dst(%dma_wait3A_895 : memref<40x128xf32, #tpu.memory_space<vmem>>)
    %dma_wait3A_902 = arith.constant 0 : i32
    %dma_wait3A_903 = arith.constant 0 : i32
    %dma_wait3A_904 = arith.constant 0 : i32
    %dma_wait3A_905 = arith.constant 1 : i32
    %dma_wait3A_906 = arith.constant 0 : i32
    %dma_wait3A_907 = arith.constant 0 : i32
    %dma_wait3A_908 = tpu.memref_slice %arg11[%dma_wait3A_904, %dma_wait3A_905, %dma_wait3A_906, %dma_wait3A_907] : memref<2x3x40x128xf32, #tpu.memory_space<vmem>> -> memref<1x1x40x128xf32, #tpu.memory_space<vmem>>
    %dma_wait3A_909 = tpu.memref_squeeze %dma_wait3A_908 : memref<1x1x40x128xf32, #tpu.memory_space<vmem>> -> memref<40x128xf32, #tpu.memory_space<vmem>>
    %dma_wait3A_910 = arith.constant 0 : i32
    %dma_wait3A_911 = tpu.memref_slice %arg9[%dma_wait3A_902, %dma_wait3A_903, %dma_wait3A_910] : memref<3x3x40xi32, #tpu.memory_space<vmem>> -> memref<1x1x40xi32, #tpu.memory_space<vmem>>
    %dma_wait3A_912 = tpu.memref_squeeze %dma_wait3A_911 : memref<1x1x40xi32, #tpu.memory_space<vmem>> -> memref<40xi32, #tpu.memory_space<vmem>>
    %dma_wait3A_913 = arith.constant 0 : i32
    %dma_wait3A_914 = arith.constant 0 : i32
    %dma_wait3A_915 = tpu.memref_slice %arg6[%dma_wait3A_913, %dma_wait3A_914] : memref<10000x128xf32, #tpu.memory_space<hbm>> -> memref<10000x128xf32, #tpu.memory_space<hbm>>
    tpu.wait_indirect_dma semaphore(%arg13 : memref<!tpu.dma_semaphore, #tpu.memory_space<semaphore_mem>>) src(%dma_wait3A_915 : memref<10000x128xf32, #tpu.memory_space<hbm>>) dst(%dma_wait3A_909 : memref<40x128xf32, #tpu.memory_space<vmem>>)
    %dma_wait3A_916 = arith.constant 0 : i32
    %dma_wait3A_917 = arith.constant 0 : i32
    %dma_wait3A_918 = arith.constant 0 : i32
    %dma_wait3A_919 = arith.constant 2 : i32
    %dma_wait3A_920 = arith.constant 0 : i32
    %dma_wait3A_921 = arith.constant 0 : i32
    %dma_wait3A_922 = tpu.memref_slice %arg11[%dma_wait3A_918, %dma_wait3A_919, %dma_wait3A_920, %dma_wait3A_921] : memref<2x3x40x128xf32, #tpu.memory_space<vmem>> -> memref<1x1x40x128xf32, #tpu.memory_space<vmem>>
    %dma_wait3A_923 = tpu.memref_squeeze %dma_wait3A_922 : memref<1x1x40x128xf32, #tpu.memory_space<vmem>> -> memref<40x128xf32, #tpu.memory_space<vmem>>
    %dma_wait3A_924 = arith.constant 0 : i32
    %dma_wait3A_925 = tpu.memref_slice %arg9[%dma_wait3A_916, %dma_wait3A_917, %dma_wait3A_924] : memref<3x3x40xi32, #tpu.memory_space<vmem>> -> memref<1x1x40xi32, #tpu.memory_space<vmem>>
    %dma_wait3A_926 = tpu.memref_squeeze %dma_wait3A_925 : memref<1x1x40xi32, #tpu.memory_space<vmem>> -> memref<40xi32, #tpu.memory_space<vmem>>
    %dma_wait3A_927 = arith.constant 0 : i32
    %dma_wait3A_928 = arith.constant 0 : i32
    %dma_wait3A_929 = tpu.memref_slice %arg6[%dma_wait3A_927, %dma_wait3A_928] : memref<10000x128xf32, #tpu.memory_space<hbm>> -> memref<10000x128xf32, #tpu.memory_space<hbm>>
    tpu.wait_indirect_dma semaphore(%arg13 : memref<!tpu.dma_semaphore, #tpu.memory_space<semaphore_mem>>) src(%dma_wait3A_929 : memref<10000x128xf32, #tpu.memory_space<hbm>>) dst(%dma_wait3A_923 : memref<40x128xf32, #tpu.memory_space<vmem>>)
    %dma_wait3A_930 = arith.constant 0 : i32
    %dma_wait3A_931 = arith.constant 0 : i32
    %dma_wait3A_932 = arith.constant 0 : i32
    %dma_wait3A_933 = arith.constant 0 : i32
    %dma_wait3A_934 = arith.constant 0 : i32
    %dma_wait3A_935 = arith.constant 0 : i32
    %dma_wait3A_936 = tpu.memref_slice %arg11[%dma_wait3A_930, %dma_wait3A_931, %dma_wait3A_934, %dma_wait3A_935] : memref<2x3x40x128xf32, #tpu.memory_space<vmem>> -> memref<1x1x40x128xf32, #tpu.memory_space<vmem>>
    %dma_wait3A_937 = tpu.memref_squeeze %dma_wait3A_936 : memref<1x1x40x128xf32, #tpu.memory_space<vmem>> -> memref<40x128xf32, #tpu.memory_space<vmem>>
    %dma_wait3A_938 = arith.constant 0 : i32
    %dma_wait3A_939 = tpu.memref_slice %arg10[%dma_wait3A_932, %dma_wait3A_933, %dma_wait3A_938] : memref<3x3x40xi32, #tpu.memory_space<vmem>> -> memref<1x1x40xi32, #tpu.memory_space<vmem>>
    %dma_wait3A_940 = tpu.memref_squeeze %dma_wait3A_939 : memref<1x1x40xi32, #tpu.memory_space<vmem>> -> memref<40xi32, #tpu.memory_space<vmem>>
    %dma_wait3A_941 = arith.constant 0 : i32
    %dma_wait3A_942 = arith.constant 0 : i32
    %dma_wait3A_943 = tpu.memref_slice %arg15[%dma_wait3A_941, %dma_wait3A_942] : memref<10240x128xf32, #tpu.memory_space<vmem_shared>> -> memref<10240x128xf32, #tpu.memory_space<vmem_shared>>
    tpu.wait_indirect_dma semaphore(%arg14 : memref<!tpu.dma_semaphore, #tpu.memory_space<semaphore_mem>>) src(%dma_wait3A_937 : memref<40x128xf32, #tpu.memory_space<vmem>>) dst(%dma_wait3A_943 : memref<10240x128xf32, #tpu.memory_space<vmem_shared>>)
    %dma_wait3A_944 = arith.constant 0 : i32
    %dma_wait3A_945 = arith.constant 1 : i32
    %dma_wait3A_946 = arith.constant 0 : i32
    %dma_wait3A_947 = arith.constant 1 : i32
    %dma_wait3A_948 = arith.constant 0 : i32
    %dma_wait3A_949 = arith.constant 0 : i32
    %dma_wait3A_950 = tpu.memref_slice %arg11[%dma_wait3A_944, %dma_wait3A_945, %dma_wait3A_948, %dma_wait3A_949] : memref<2x3x40x128xf32, #tpu.memory_space<vmem>> -> memref<1x1x40x128xf32, #tpu.memory_space<vmem>>
    %dma_wait3A_951 = tpu.memref_squeeze %dma_wait3A_950 : memref<1x1x40x128xf32, #tpu.memory_space<vmem>> -> memref<40x128xf32, #tpu.memory_space<vmem>>
    %dma_wait3A_952 = arith.constant 0 : i32
    %dma_wait3A_953 = tpu.memref_slice %arg10[%dma_wait3A_946, %dma_wait3A_947, %dma_wait3A_952] : memref<3x3x40xi32, #tpu.memory_space<vmem>> -> memref<1x1x40xi32, #tpu.memory_space<vmem>>
    %dma_wait3A_954 = tpu.memref_squeeze %dma_wait3A_953 : memref<1x1x40xi32, #tpu.memory_space<vmem>> -> memref<40xi32, #tpu.memory_space<vmem>>
    %dma_wait3A_955 = arith.constant 0 : i32
    %dma_wait3A_956 = arith.constant 0 : i32
    %dma_wait3A_957 = tpu.memref_slice %arg15[%dma_wait3A_955, %dma_wait3A_956] : memref<10240x128xf32, #tpu.memory_space<vmem_shared>> -> memref<10240x128xf32, #tpu.memory_space<vmem_shared>>
    tpu.wait_indirect_dma semaphore(%arg14 : memref<!tpu.dma_semaphore, #tpu.memory_space<semaphore_mem>>) src(%dma_wait3A_951 : memref<40x128xf32, #tpu.memory_space<vmem>>) dst(%dma_wait3A_957 : memref<10240x128xf32, #tpu.memory_space<vmem_shared>>)
    %dma_wait3A_958 = arith.constant 0 : i32
    %dma_wait3A_959 = arith.constant 2 : i32
    %dma_wait3A_960 = arith.constant 0 : i32
    %dma_wait3A_961 = arith.constant 2 : i32
    %dma_wait3A_962 = arith.constant 0 : i32
    %dma_wait3A_963 = arith.constant 0 : i32
    %dma_wait3A_964 = tpu.memref_slice %arg11[%dma_wait3A_958, %dma_wait3A_959, %dma_wait3A_962, %dma_wait3A_963] : memref<2x3x40x128xf32, #tpu.memory_space<vmem>> -> memref<1x1x40x128xf32, #tpu.memory_space<vmem>>
    %dma_wait3A_965 = tpu.memref_squeeze %dma_wait3A_964 : memref<1x1x40x128xf32, #tpu.memory_space<vmem>> -> memref<40x128xf32, #tpu.memory_space<vmem>>
    %dma_wait3A_966 = arith.constant 0 : i32
    %dma_wait3A_967 = tpu.memref_slice %arg10[%dma_wait3A_960, %dma_wait3A_961, %dma_wait3A_966] : memref<3x3x40xi32, #tpu.memory_space<vmem>> -> memref<1x1x40xi32, #tpu.memory_space<vmem>>
    %dma_wait3A_968 = tpu.memref_squeeze %dma_wait3A_967 : memref<1x1x40xi32, #tpu.memory_space<vmem>> -> memref<40xi32, #tpu.memory_space<vmem>>
    %dma_wait3A_969 = arith.constant 0 : i32
    %dma_wait3A_970 = arith.constant 0 : i32
    %dma_wait3A_971 = tpu.memref_slice %arg15[%dma_wait3A_969, %dma_wait3A_970] : memref<10240x128xf32, #tpu.memory_space<vmem_shared>> -> memref<10240x128xf32, #tpu.memory_space<vmem_shared>>
    tpu.wait_indirect_dma semaphore(%arg14 : memref<!tpu.dma_semaphore, #tpu.memory_space<semaphore_mem>>) src(%dma_wait3A_965 : memref<40x128xf32, #tpu.memory_space<vmem>>) dst(%dma_wait3A_971 : memref<10240x128xf32, #tpu.memory_space<vmem_shared>>)
    %dma_wait3A_972 = arith.constant 0 : i32
    %dma_wait3A_973 = arith.constant 0 : i32
    %dma_wait3A_974 = arith.constant 0 : i32
    %dma_wait3A_975 = arith.constant 0 : i32
    %dma_wait3A_976 = arith.constant 0 : i32
    %dma_wait3A_977 = arith.constant 0 : i32
    %dma_wait3A_978 = tpu.memref_slice %arg9[%dma_wait3A_975, %dma_wait3A_976, %dma_wait3A_977] : memref<3x3x40xi32, #tpu.memory_space<vmem>> -> memref<1x3x40xi32, #tpu.memory_space<vmem>>
    %dma_wait3A_979 = tpu.memref_squeeze %dma_wait3A_978 : memref<1x3x40xi32, #tpu.memory_space<vmem>> -> memref<3x40xi32, #tpu.memory_space<vmem>>
    %dma_wait3A_980 = arith.constant 0 : i32
    %dma_wait3A_981 = arith.constant 0 : i32
    %dma_wait3A_982 = tpu.memref_slice %arg2[%dma_wait3A_972, %dma_wait3A_973, %dma_wait3A_974, %dma_wait3A_980, %dma_wait3A_981] : memref<3x32x84x3x40xi32, #tpu.memory_space<hbm>> -> memref<1x1x1x3x40xi32, #tpu.memory_space<hbm>>
    %dma_wait3A_983 = tpu.memref_squeeze %dma_wait3A_982 : memref<1x1x1x3x40xi32, #tpu.memory_space<hbm>> -> memref<3x40xi32, #tpu.memory_space<hbm>>
    %dma_wait3A_984 = arith.constant 0 : i32
    %dma_wait3A_985 = arith.constant 0 : i32
    %dma_wait3A_986 = tpu.memref_slice %arg9[%dma_wait3A_975, %dma_wait3A_984, %dma_wait3A_985] : memref<3x3x40xi32, #tpu.memory_space<vmem>> -> memref<1x3x40xi32, #tpu.memory_space<vmem>>
    %dma_wait3A_987 = tpu.memref_squeeze %dma_wait3A_986 : memref<1x3x40xi32, #tpu.memory_space<vmem>> -> memref<3x40xi32, #tpu.memory_space<vmem>>
    %dma_wait3A_988 = arith.constant 0 : i32
    %dma_wait3A_989 = arith.constant 0 : i32
    %dma_wait3A_990 = tpu.memref_slice %arg2[%dma_wait3A_972, %dma_wait3A_973, %dma_wait3A_974, %dma_wait3A_988, %dma_wait3A_989] : memref<3x32x84x3x40xi32, #tpu.memory_space<hbm>> -> memref<1x1x1x3x40xi32, #tpu.memory_space<hbm>>
    %dma_wait3A_991 = tpu.memref_squeeze %dma_wait3A_990 : memref<1x1x1x3x40xi32, #tpu.memory_space<hbm>> -> memref<3x40xi32, #tpu.memory_space<hbm>>
    tpu.wait_dma2 semaphore(%arg12 : memref<!tpu.dma_semaphore, #tpu.memory_space<semaphore_mem>>) src(%dma_wait3A_991 : memref<3x40xi32, #tpu.memory_space<hbm>>) dst(%dma_wait3A_987 : memref<3x40xi32, #tpu.memory_space<vmem>>)
    %dma_wait3A_992 = arith.constant 0 : i32
    %dma_wait3A_993 = arith.constant 0 : i32
    %dma_wait3A_994 = arith.constant 0 : i32
    %dma_wait3A_995 = arith.constant 0 : i32
    %dma_wait3A_996 = arith.constant 0 : i32
    %dma_wait3A_997 = arith.constant 0 : i32
    %dma_wait3A_998 = tpu.memref_slice %arg10[%dma_wait3A_995, %dma_wait3A_996, %dma_wait3A_997] : memref<3x3x40xi32, #tpu.memory_space<vmem>> -> memref<1x3x40xi32, #tpu.memory_space<vmem>>
    %dma_wait3A_999 = tpu.memref_squeeze %dma_wait3A_998 : memref<1x3x40xi32, #tpu.memory_space<vmem>> -> memref<3x40xi32, #tpu.memory_space<vmem>>
    %dma_wait3A_1000 = arith.constant 0 : i32
    %dma_wait3A_1001 = arith.constant 0 : i32
    %dma_wait3A_1002 = tpu.memref_slice %arg3[%dma_wait3A_992, %dma_wait3A_993, %dma_wait3A_994, %dma_wait3A_1000, %dma_wait3A_1001] : memref<3x32x84x3x40xi32, #tpu.memory_space<hbm>> -> memref<1x1x1x3x40xi32, #tpu.memory_space<hbm>>
    %dma_wait3A_1003 = tpu.memref_squeeze %dma_wait3A_1002 : memref<1x1x1x3x40xi32, #tpu.memory_space<hbm>> -> memref<3x40xi32, #tpu.memory_space<hbm>>
    %dma_wait3A_1004 = arith.constant 0 : i32
    %dma_wait3A_1005 = arith.constant 0 : i32
    %dma_wait3A_1006 = tpu.memref_slice %arg10[%dma_wait3A_995, %dma_wait3A_1004, %dma_wait3A_1005] : memref<3x3x40xi32, #tpu.memory_space<vmem>> -> memref<1x3x40xi32, #tpu.memory_space<vmem>>
    %dma_wait3A_1007 = tpu.memref_squeeze %dma_wait3A_1006 : memref<1x3x40xi32, #tpu.memory_space<vmem>> -> memref<3x40xi32, #tpu.memory_space<vmem>>
    %dma_wait3A_1008 = arith.constant 0 : i32
    %dma_wait3A_1009 = arith.constant 0 : i32
    %dma_wait3A_1010 = tpu.memref_slice %arg3[%dma_wait3A_992, %dma_wait3A_993, %dma_wait3A_994, %dma_wait3A_1008, %dma_wait3A_1009] : memref<3x32x84x3x40xi32, #tpu.memory_space<hbm>> -> memref<1x1x1x3x40xi32, #tpu.memory_space<hbm>>
    %dma_wait3A_1011 = tpu.memref_squeeze %dma_wait3A_1010 : memref<1x1x1x3x40xi32, #tpu.memory_space<hbm>> -> memref<3x40xi32, #tpu.memory_space<hbm>>
    tpu.wait_dma2 semaphore(%arg12 : memref<!tpu.dma_semaphore, #tpu.memory_space<semaphore_mem>>) src(%dma_wait3A_1011 : memref<3x40xi32, #tpu.memory_space<hbm>>) dst(%dma_wait3A_1007 : memref<3x40xi32, #tpu.memory_space<vmem>>)
    %barrier3A_1012 = arith.constant 0 : index
    tpu.barrier barrier_id(%barrier3A_1012)
    %mul3A_1013 = arith.constant 640 : i32
    %mul3A_1014 = arith.muli %arg1, %mul3A_1013 : i32
    %add3A_1015 = arith.constant 0 : i32
    %add3A_1016 = arith.addi %mul3A_1014, %add3A_1015 : i32
    %run_scoped3A_1017 = arith.constant 1 : i32
    "tpu.region"() ({
      %run_scoped3A_1561 = tpu.sem_alloc : memref<!tpu.dma_semaphore, #tpu.memory_space<semaphore_mem>>
      %dma_start3A_1562 = arith.constant 0 : i32
      %dma_start3A_1563 = tpu.memref_slice %arg8[%run_scoped3A_1017, %arg0, %add3A_1016, %dma_start3A_1562] : memref<3x2x10240x128xf32, #tpu.memory_space<hbm>> -> memref<1x1x128x128xf32, #tpu.memory_space<hbm>>
      %dma_start3A_1564 = tpu.memref_squeeze %dma_start3A_1563 : memref<1x1x128x128xf32, #tpu.memory_space<hbm>> -> memref<128x128xf32, #tpu.memory_space<hbm>>
      %dma_start3A_1565 = arith.constant 0 : i32
      %dma_start3A_1566 = tpu.memref_slice %arg15[%add3A_1016, %dma_start3A_1565] : memref<10240x128xf32, #tpu.memory_space<vmem_shared>> -> memref<128x128xf32, #tpu.memory_space<vmem_shared>>
      tpu.enqueue_dma source(%dma_start3A_1566 : memref<128x128xf32, #tpu.memory_space<vmem_shared>>) target(%dma_start3A_1564 : memref<128x128xf32, #tpu.memory_space<hbm>>) target_semaphore(%run_scoped3A_1561 : memref<!tpu.dma_semaphore, #tpu.memory_space<semaphore_mem>>)
      %dma_wait3A_1567 = arith.constant 0 : i32
      %dma_wait3A_1568 = tpu.memref_slice %arg8[%run_scoped3A_1017, %arg0, %add3A_1016, %dma_wait3A_1567] : memref<3x2x10240x128xf32, #tpu.memory_space<hbm>> -> memref<1x1x128x128xf32, #tpu.memory_space<hbm>>
      %dma_wait3A_1569 = tpu.memref_squeeze %dma_wait3A_1568 : memref<1x1x128x128xf32, #tpu.memory_space<hbm>> -> memref<128x128xf32, #tpu.memory_space<hbm>>
      %dma_wait3A_1570 = arith.constant 0 : i32
      %dma_wait3A_1571 = tpu.memref_slice %arg15[%add3A_1016, %dma_wait3A_1570] : memref<10240x128xf32, #tpu.memory_space<vmem_shared>> -> memref<128x128xf32, #tpu.memory_space<vmem_shared>>
      tpu.wait_dma2 semaphore(%run_scoped3A_1561 : memref<!tpu.dma_semaphore, #tpu.memory_space<semaphore_mem>>) src(%dma_wait3A_1571 : memref<128x128xf32, #tpu.memory_space<vmem_shared>>) dst(%dma_wait3A_1569 : memref<128x128xf32, #tpu.memory_space<hbm>>)
      tpu.yield
    }) : () -> ()
    %mul3A_1018 = arith.constant 640 : i32
    %mul3A_1019 = arith.muli %arg1, %mul3A_1018 : i32
    %add3A_1020 = arith.constant 128 : i32
    %add3A_1021 = arith.addi %mul3A_1019, %add3A_1020 : i32
    %run_scoped3A_1022 = arith.constant 1 : i32
    "tpu.region"() ({
      %run_scoped3A_1561 = tpu.sem_alloc : memref<!tpu.dma_semaphore, #tpu.memory_space<semaphore_mem>>
      %dma_start3A_1562 = arith.constant 0 : i32
      %dma_start3A_1563 = tpu.memref_slice %arg8[%run_scoped3A_1022, %arg0, %add3A_1021, %dma_start3A_1562] : memref<3x2x10240x128xf32, #tpu.memory_space<hbm>> -> memref<1x1x128x128xf32, #tpu.memory_space<hbm>>
      %dma_start3A_1564 = tpu.memref_squeeze %dma_start3A_1563 : memref<1x1x128x128xf32, #tpu.memory_space<hbm>> -> memref<128x128xf32, #tpu.memory_space<hbm>>
      %dma_start3A_1565 = arith.constant 0 : i32
      %dma_start3A_1566 = tpu.memref_slice %arg15[%add3A_1021, %dma_start3A_1565] : memref<10240x128xf32, #tpu.memory_space<vmem_shared>> -> memref<128x128xf32, #tpu.memory_space<vmem_shared>>
      tpu.enqueue_dma source(%dma_start3A_1566 : memref<128x128xf32, #tpu.memory_space<vmem_shared>>) target(%dma_start3A_1564 : memref<128x128xf32, #tpu.memory_space<hbm>>) target_semaphore(%run_scoped3A_1561 : memref<!tpu.dma_semaphore, #tpu.memory_space<semaphore_mem>>)
      %dma_wait3A_1567 = arith.constant 0 : i32
      %dma_wait3A_1568 = tpu.memref_slice %arg8[%run_scoped3A_1022, %arg0, %add3A_1021, %dma_wait3A_1567] : memref<3x2x10240x128xf32, #tpu.memory_space<hbm>> -> memref<1x1x128x128xf32, #tpu.memory_space<hbm>>
      %dma_wait3A_1569 = tpu.memref_squeeze %dma_wait3A_1568 : memref<1x1x128x128xf32, #tpu.memory_space<hbm>> -> memref<128x128xf32, #tpu.memory_space<hbm>>
      %dma_wait3A_1570 = arith.constant 0 : i32
      %dma_wait3A_1571 = tpu.memref_slice %arg15[%add3A_1021, %dma_wait3A_1570] : memref<10240x128xf32, #tpu.memory_space<vmem_shared>> -> memref<128x128xf32, #tpu.memory_space<vmem_shared>>
      tpu.wait_dma2 semaphore(%run_scoped3A_1561 : memref<!tpu.dma_semaphore, #tpu.memory_space<semaphore_mem>>) src(%dma_wait3A_1571 : memref<128x128xf32, #tpu.memory_space<vmem_shared>>) dst(%dma_wait3A_1569 : memref<128x128xf32, #tpu.memory_space<hbm>>)
      tpu.yield
    }) : () -> ()
    %mul3A_1023 = arith.constant 640 : i32
    %mul3A_1024 = arith.muli %arg1, %mul3A_1023 : i32
    %add3A_1025 = arith.constant 256 : i32
    %add3A_1026 = arith.addi %mul3A_1024, %add3A_1025 : i32
    %run_scoped3A_1027 = arith.constant 1 : i32
    "tpu.region"() ({
      %run_scoped3A_1561 = tpu.sem_alloc : memref<!tpu.dma_semaphore, #tpu.memory_space<semaphore_mem>>
      %dma_start3A_1562 = arith.constant 0 : i32
      %dma_start3A_1563 = tpu.memref_slice %arg8[%run_scoped3A_1027, %arg0, %add3A_1026, %dma_start3A_1562] : memref<3x2x10240x128xf32, #tpu.memory_space<hbm>> -> memref<1x1x128x128xf32, #tpu.memory_space<hbm>>
      %dma_start3A_1564 = tpu.memref_squeeze %dma_start3A_1563 : memref<1x1x128x128xf32, #tpu.memory_space<hbm>> -> memref<128x128xf32, #tpu.memory_space<hbm>>
      %dma_start3A_1565 = arith.constant 0 : i32
      %dma_start3A_1566 = tpu.memref_slice %arg15[%add3A_1026, %dma_start3A_1565] : memref<10240x128xf32, #tpu.memory_space<vmem_shared>> -> memref<128x128xf32, #tpu.memory_space<vmem_shared>>
      tpu.enqueue_dma source(%dma_start3A_1566 : memref<128x128xf32, #tpu.memory_space<vmem_shared>>) target(%dma_start3A_1564 : memref<128x128xf32, #tpu.memory_space<hbm>>) target_semaphore(%run_scoped3A_1561 : memref<!tpu.dma_semaphore, #tpu.memory_space<semaphore_mem>>)
      %dma_wait3A_1567 = arith.constant 0 : i32
      %dma_wait3A_1568 = tpu.memref_slice %arg8[%run_scoped3A_1027, %arg0, %add3A_1026, %dma_wait3A_1567] : memref<3x2x10240x128xf32, #tpu.memory_space<hbm>> -> memref<1x1x128x128xf32, #tpu.memory_space<hbm>>
      %dma_wait3A_1569 = tpu.memref_squeeze %dma_wait3A_1568 : memref<1x1x128x128xf32, #tpu.memory_space<hbm>> -> memref<128x128xf32, #tpu.memory_space<hbm>>
      %dma_wait3A_1570 = arith.constant 0 : i32
      %dma_wait3A_1571 = tpu.memref_slice %arg15[%add3A_1026, %dma_wait3A_1570] : memref<10240x128xf32, #tpu.memory_space<vmem_shared>> -> memref<128x128xf32, #tpu.memory_space<vmem_shared>>
      tpu.wait_dma2 semaphore(%run_scoped3A_1561 : memref<!tpu.dma_semaphore, #tpu.memory_space<semaphore_mem>>) src(%dma_wait3A_1571 : memref<128x128xf32, #tpu.memory_space<vmem_shared>>) dst(%dma_wait3A_1569 : memref<128x128xf32, #tpu.memory_space<hbm>>)
      tpu.yield
    }) : () -> ()
    %mul3A_1028 = arith.constant 640 : i32
    %mul3A_1029 = arith.muli %arg1, %mul3A_1028 : i32
    %add3A_1030 = arith.constant 384 : i32
    %add3A_1031 = arith.addi %mul3A_1029, %add3A_1030 : i32
    %run_scoped3A_1032 = arith.constant 1 : i32
    "tpu.region"() ({
      %run_scoped3A_1561 = tpu.sem_alloc : memref<!tpu.dma_semaphore, #tpu.memory_space<semaphore_mem>>
      %dma_start3A_1562 = arith.constant 0 : i32
      %dma_start3A_1563 = tpu.memref_slice %arg8[%run_scoped3A_1032, %arg0, %add3A_1031, %dma_start3A_1562] : memref<3x2x10240x128xf32, #tpu.memory_space<hbm>> -> memref<1x1x128x128xf32, #tpu.memory_space<hbm>>
      %dma_start3A_1564 = tpu.memref_squeeze %dma_start3A_1563 : memref<1x1x128x128xf32, #tpu.memory_space<hbm>> -> memref<128x128xf32, #tpu.memory_space<hbm>>
      %dma_start3A_1565 = arith.constant 0 : i32
      %dma_start3A_1566 = tpu.memref_slice %arg15[%add3A_1031, %dma_start3A_1565] : memref<10240x128xf32, #tpu.memory_space<vmem_shared>> -> memref<128x128xf32, #tpu.memory_space<vmem_shared>>
      tpu.enqueue_dma source(%dma_start3A_1566 : memref<128x128xf32, #tpu.memory_space<vmem_shared>>) target(%dma_start3A_1564 : memref<128x128xf32, #tpu.memory_space<hbm>>) target_semaphore(%run_scoped3A_1561 : memref<!tpu.dma_semaphore, #tpu.memory_space<semaphore_mem>>)
      %dma_wait3A_1567 = arith.constant 0 : i32
      %dma_wait3A_1568 = tpu.memref_slice %arg8[%run_scoped3A_1032, %arg0, %add3A_1031, %dma_wait3A_1567] : memref<3x2x10240x128xf32, #tpu.memory_space<hbm>> -> memref<1x1x128x128xf32, #tpu.memory_space<hbm>>
      %dma_wait3A_1569 = tpu.memref_squeeze %dma_wait3A_1568 : memref<1x1x128x128xf32, #tpu.memory_space<hbm>> -> memref<128x128xf32, #tpu.memory_space<hbm>>
      %dma_wait3A_1570 = arith.constant 0 : i32
      %dma_wait3A_1571 = tpu.memref_slice %arg15[%add3A_1031, %dma_wait3A_1570] : memref<10240x128xf32, #tpu.memory_space<vmem_shared>> -> memref<128x128xf32, #tpu.memory_space<vmem_shared>>
      tpu.wait_dma2 semaphore(%run_scoped3A_1561 : memref<!tpu.dma_semaphore, #tpu.memory_space<semaphore_mem>>) src(%dma_wait3A_1571 : memref<128x128xf32, #tpu.memory_space<vmem_shared>>) dst(%dma_wait3A_1569 : memref<128x128xf32, #tpu.memory_space<hbm>>)
      tpu.yield
    }) : () -> ()
    %mul3A_1033 = arith.constant 640 : i32
    %mul3A_1034 = arith.muli %arg1, %mul3A_1033 : i32
    %add3A_1035 = arith.constant 512 : i32
    %add3A_1036 = arith.addi %mul3A_1034, %add3A_1035 : i32
    %run_scoped3A_1037 = arith.constant 1 : i32
    "tpu.region"() ({
      %run_scoped3A_1561 = tpu.sem_alloc : memref<!tpu.dma_semaphore, #tpu.memory_space<semaphore_mem>>
      %dma_start3A_1562 = arith.constant 0 : i32
      %dma_start3A_1563 = tpu.memref_slice %arg8[%run_scoped3A_1037, %arg0, %add3A_1036, %dma_start3A_1562] : memref<3x2x10240x128xf32, #tpu.memory_space<hbm>> -> memref<1x1x128x128xf32, #tpu.memory_space<hbm>>
      %dma_start3A_1564 = tpu.memref_squeeze %dma_start3A_1563 : memref<1x1x128x128xf32, #tpu.memory_space<hbm>> -> memref<128x128xf32, #tpu.memory_space<hbm>>
      %dma_start3A_1565 = arith.constant 0 : i32
      %dma_start3A_1566 = tpu.memref_slice %arg15[%add3A_1036, %dma_start3A_1565] : memref<10240x128xf32, #tpu.memory_space<vmem_shared>> -> memref<128x128xf32, #tpu.memory_space<vmem_shared>>
      tpu.enqueue_dma source(%dma_start3A_1566 : memref<128x128xf32, #tpu.memory_space<vmem_shared>>) target(%dma_start3A_1564 : memref<128x128xf32, #tpu.memory_space<hbm>>) target_semaphore(%run_scoped3A_1561 : memref<!tpu.dma_semaphore, #tpu.memory_space<semaphore_mem>>)
      %dma_wait3A_1567 = arith.constant 0 : i32
      %dma_wait3A_1568 = tpu.memref_slice %arg8[%run_scoped3A_1037, %arg0, %add3A_1036, %dma_wait3A_1567] : memref<3x2x10240x128xf32, #tpu.memory_space<hbm>> -> memref<1x1x128x128xf32, #tpu.memory_space<hbm>>
      %dma_wait3A_1569 = tpu.memref_squeeze %dma_wait3A_1568 : memref<1x1x128x128xf32, #tpu.memory_space<hbm>> -> memref<128x128xf32, #tpu.memory_space<hbm>>
      %dma_wait3A_1570 = arith.constant 0 : i32
      %dma_wait3A_1571 = tpu.memref_slice %arg15[%add3A_1036, %dma_wait3A_1570] : memref<10240x128xf32, #tpu.memory_space<vmem_shared>> -> memref<128x128xf32, #tpu.memory_space<vmem_shared>>
      tpu.wait_dma2 semaphore(%run_scoped3A_1561 : memref<!tpu.dma_semaphore, #tpu.memory_space<semaphore_mem>>) src(%dma_wait3A_1571 : memref<128x128xf32, #tpu.memory_space<vmem_shared>>) dst(%dma_wait3A_1569 : memref<128x128xf32, #tpu.memory_space<hbm>>)
      tpu.yield
    }) : () -> ()
    %barrier3A_1038 = arith.constant 0 : index
    tpu.barrier barrier_id(%barrier3A_1038)
    %mul3A_1039 = arith.constant 640 : i32
    %mul3A_1040 = arith.muli %arg1, %mul3A_1039 : i32
    "tpu.region"() ({
      %run_scoped3A_1561 = tpu.sem_alloc : memref<!tpu.dma_semaphore, #tpu.memory_space<semaphore_mem>>
      %dma_start3A_1562 = arith.constant 0 : i32
      %dma_start3A_1563 = tpu.memref_slice %arg15[%mul3A_1040, %dma_start3A_1562] : memref<10240x128xf32, #tpu.memory_space<vmem_shared>> -> memref<640x128xf32, #tpu.memory_space<vmem_shared>>
      tpu.enqueue_dma source(%arg4 : memref<640x128xf32, #tpu.memory_space<hbm>>) target(%dma_start3A_1563 : memref<640x128xf32, #tpu.memory_space<vmem_shared>>) target_semaphore(%run_scoped3A_1561 : memref<!tpu.dma_semaphore, #tpu.memory_space<semaphore_mem>>)
      %dma_wait3A_1564 = arith.constant 0 : i32
      %dma_wait3A_1565 = tpu.memref_slice %arg15[%mul3A_1040, %dma_wait3A_1564] : memref<10240x128xf32, #tpu.memory_space<vmem_shared>> -> memref<640x128xf32, #tpu.memory_space<vmem_shared>>
      tpu.wait_dma2 semaphore(%run_scoped3A_1561 : memref<!tpu.dma_semaphore, #tpu.memory_space<semaphore_mem>>) src(%arg4 : memref<640x128xf32, #tpu.memory_space<hbm>>) dst(%dma_wait3A_1565 : memref<640x128xf32, #tpu.memory_space<vmem_shared>>)
      tpu.yield
    }) : () -> ()
    %barrier3A_1041 = arith.constant 0 : index
    tpu.barrier barrier_id(%barrier3A_1041)
    %dma_start3A_1042 = arith.constant 2 : i32
    %dma_start3A_1043 = arith.constant 0 : i32
    %dma_start3A_1044 = arith.constant 0 : i32
    %dma_start3A_1045 = arith.constant 0 : i32
    %dma_start3A_1046 = arith.constant 0 : i32
    %dma_start3A_1047 = tpu.memref_slice %arg9[%dma_start3A_1044, %dma_start3A_1045, %dma_start3A_1046] : memref<3x3x40xi32, #tpu.memory_space<vmem>> -> memref<1x3x40xi32, #tpu.memory_space<vmem>>
    %dma_start3A_1048 = tpu.memref_squeeze %dma_start3A_1047 : memref<1x3x40xi32, #tpu.memory_space<vmem>> -> memref<3x40xi32, #tpu.memory_space<vmem>>
    %dma_start3A_1049 = arith.constant 0 : i32
    %dma_start3A_1050 = arith.constant 0 : i32
    %dma_start3A_1051 = tpu.memref_slice %arg2[%dma_start3A_1042, %add3A, %dma_start3A_1043, %dma_start3A_1049, %dma_start3A_1050] : memref<3x32x84x3x40xi32, #tpu.memory_space<hbm>> -> memref<1x1x1x3x40xi32, #tpu.memory_space<hbm>>
    %dma_start3A_1052 = tpu.memref_squeeze %dma_start3A_1051 : memref<1x1x1x3x40xi32, #tpu.memory_space<hbm>> -> memref<3x40xi32, #tpu.memory_space<hbm>>
    %dma_start3A_1053 = arith.constant 0 : i32
    %dma_start3A_1054 = arith.constant 0 : i32
    %dma_start3A_1055 = tpu.memref_slice %arg9[%dma_start3A_1044, %dma_start3A_1053, %dma_start3A_1054] : memref<3x3x40xi32, #tpu.memory_space<vmem>> -> memref<1x3x40xi32, #tpu.memory_space<vmem>>
    %dma_start3A_1056 = tpu.memref_squeeze %dma_start3A_1055 : memref<1x3x40xi32, #tpu.memory_space<vmem>> -> memref<3x40xi32, #tpu.memory_space<vmem>>
    %dma_start3A_1057 = arith.constant 0 : i32
    %dma_start3A_1058 = arith.constant 0 : i32
    %dma_start3A_1059 = tpu.memref_slice %arg2[%dma_start3A_1042, %add3A, %dma_start3A_1043, %dma_start3A_1057, %dma_start3A_1058] : memref<3x32x84x3x40xi32, #tpu.memory_space<hbm>> -> memref<1x1x1x3x40xi32, #tpu.memory_space<hbm>>
    %dma_start3A_1060 = tpu.memref_squeeze %dma_start3A_1059 : memref<1x1x1x3x40xi32, #tpu.memory_space<hbm>> -> memref<3x40xi32, #tpu.memory_space<hbm>>
    tpu.enqueue_dma source(%dma_start3A_1060 : memref<3x40xi32, #tpu.memory_space<hbm>>) target(%dma_start3A_1056 : memref<3x40xi32, #tpu.memory_space<vmem>>) target_semaphore(%arg12 : memref<!tpu.dma_semaphore, #tpu.memory_space<semaphore_mem>>)
    %dma_start3A_1061 = arith.constant 2 : i32
    %dma_start3A_1062 = arith.constant 0 : i32
    %dma_start3A_1063 = arith.constant 0 : i32
    %dma_start3A_1064 = arith.constant 0 : i32
    %dma_start3A_1065 = arith.constant 0 : i32
    %dma_start3A_1066 = tpu.memref_slice %arg10[%dma_start3A_1063, %dma_start3A_1064, %dma_start3A_1065] : memref<3x3x40xi32, #tpu.memory_space<vmem>> -> memref<1x3x40xi32, #tpu.memory_space<vmem>>
    %dma_start3A_1067 = tpu.memref_squeeze %dma_start3A_1066 : memref<1x3x40xi32, #tpu.memory_space<vmem>> -> memref<3x40xi32, #tpu.memory_space<vmem>>
    %dma_start3A_1068 = arith.constant 0 : i32
    %dma_start3A_1069 = arith.constant 0 : i32
    %dma_start3A_1070 = tpu.memref_slice %arg3[%dma_start3A_1061, %add3A, %dma_start3A_1062, %dma_start3A_1068, %dma_start3A_1069] : memref<3x32x84x3x40xi32, #tpu.memory_space<hbm>> -> memref<1x1x1x3x40xi32, #tpu.memory_space<hbm>>
    %dma_start3A_1071 = tpu.memref_squeeze %dma_start3A_1070 : memref<1x1x1x3x40xi32, #tpu.memory_space<hbm>> -> memref<3x40xi32, #tpu.memory_space<hbm>>
    %dma_start3A_1072 = arith.constant 0 : i32
    %dma_start3A_1073 = arith.constant 0 : i32
    %dma_start3A_1074 = tpu.memref_slice %arg10[%dma_start3A_1063, %dma_start3A_1072, %dma_start3A_1073] : memref<3x3x40xi32, #tpu.memory_space<vmem>> -> memref<1x3x40xi32, #tpu.memory_space<vmem>>
    %dma_start3A_1075 = tpu.memref_squeeze %dma_start3A_1074 : memref<1x3x40xi32, #tpu.memory_space<vmem>> -> memref<3x40xi32, #tpu.memory_space<vmem>>
    %dma_start3A_1076 = arith.constant 0 : i32
    %dma_start3A_1077 = arith.constant 0 : i32
    %dma_start3A_1078 = tpu.memref_slice %arg3[%dma_start3A_1061, %add3A, %dma_start3A_1062, %dma_start3A_1076, %dma_start3A_1077] : memref<3x32x84x3x40xi32, #tpu.memory_space<hbm>> -> memref<1x1x1x3x40xi32, #tpu.memory_space<hbm>>
    %dma_start3A_1079 = tpu.memref_squeeze %dma_start3A_1078 : memref<1x1x1x3x40xi32, #tpu.memory_space<hbm>> -> memref<3x40xi32, #tpu.memory_space<hbm>>
    tpu.enqueue_dma source(%dma_start3A_1079 : memref<3x40xi32, #tpu.memory_space<hbm>>) target(%dma_start3A_1075 : memref<3x40xi32, #tpu.memory_space<vmem>>) target_semaphore(%arg12 : memref<!tpu.dma_semaphore, #tpu.memory_space<semaphore_mem>>)
    %dma_start3A_1080 = arith.constant 2 : i32
    %dma_start3A_1081 = arith.constant 1 : i32
    %dma_start3A_1082 = arith.constant 1 : i32
    %dma_start3A_1083 = arith.constant 0 : i32
    %dma_start3A_1084 = arith.constant 0 : i32
    %dma_start3A_1085 = tpu.memref_slice %arg9[%dma_start3A_1082, %dma_start3A_1083, %dma_start3A_1084] : memref<3x3x40xi32, #tpu.memory_space<vmem>> -> memref<1x3x40xi32, #tpu.memory_space<vmem>>
    %dma_start3A_1086 = tpu.memref_squeeze %dma_start3A_1085 : memref<1x3x40xi32, #tpu.memory_space<vmem>> -> memref<3x40xi32, #tpu.memory_space<vmem>>
    %dma_start3A_1087 = arith.constant 0 : i32
    %dma_start3A_1088 = arith.constant 0 : i32
    %dma_start3A_1089 = tpu.memref_slice %arg2[%dma_start3A_1080, %add3A, %dma_start3A_1081, %dma_start3A_1087, %dma_start3A_1088] : memref<3x32x84x3x40xi32, #tpu.memory_space<hbm>> -> memref<1x1x1x3x40xi32, #tpu.memory_space<hbm>>
    %dma_start3A_1090 = tpu.memref_squeeze %dma_start3A_1089 : memref<1x1x1x3x40xi32, #tpu.memory_space<hbm>> -> memref<3x40xi32, #tpu.memory_space<hbm>>
    %dma_start3A_1091 = arith.constant 0 : i32
    %dma_start3A_1092 = arith.constant 0 : i32
    %dma_start3A_1093 = tpu.memref_slice %arg9[%dma_start3A_1082, %dma_start3A_1091, %dma_start3A_1092] : memref<3x3x40xi32, #tpu.memory_space<vmem>> -> memref<1x3x40xi32, #tpu.memory_space<vmem>>
    %dma_start3A_1094 = tpu.memref_squeeze %dma_start3A_1093 : memref<1x3x40xi32, #tpu.memory_space<vmem>> -> memref<3x40xi32, #tpu.memory_space<vmem>>
    %dma_start3A_1095 = arith.constant 0 : i32
    %dma_start3A_1096 = arith.constant 0 : i32
    %dma_start3A_1097 = tpu.memref_slice %arg2[%dma_start3A_1080, %add3A, %dma_start3A_1081, %dma_start3A_1095, %dma_start3A_1096] : memref<3x32x84x3x40xi32, #tpu.memory_space<hbm>> -> memref<1x1x1x3x40xi32, #tpu.memory_space<hbm>>
    %dma_start3A_1098 = tpu.memref_squeeze %dma_start3A_1097 : memref<1x1x1x3x40xi32, #tpu.memory_space<hbm>> -> memref<3x40xi32, #tpu.memory_space<hbm>>
    tpu.enqueue_dma source(%dma_start3A_1098 : memref<3x40xi32, #tpu.memory_space<hbm>>) target(%dma_start3A_1094 : memref<3x40xi32, #tpu.memory_space<vmem>>) target_semaphore(%arg12 : memref<!tpu.dma_semaphore, #tpu.memory_space<semaphore_mem>>)
    %dma_start3A_1099 = arith.constant 2 : i32
    %dma_start3A_1100 = arith.constant 1 : i32
    %dma_start3A_1101 = arith.constant 1 : i32
    %dma_start3A_1102 = arith.constant 0 : i32
    %dma_start3A_1103 = arith.constant 0 : i32
    %dma_start3A_1104 = tpu.memref_slice %arg10[%dma_start3A_1101, %dma_start3A_1102, %dma_start3A_1103] : memref<3x3x40xi32, #tpu.memory_space<vmem>> -> memref<1x3x40xi32, #tpu.memory_space<vmem>>
    %dma_start3A_1105 = tpu.memref_squeeze %dma_start3A_1104 : memref<1x3x40xi32, #tpu.memory_space<vmem>> -> memref<3x40xi32, #tpu.memory_space<vmem>>
    %dma_start3A_1106 = arith.constant 0 : i32
    %dma_start3A_1107 = arith.constant 0 : i32
    %dma_start3A_1108 = tpu.memref_slice %arg3[%dma_start3A_1099, %add3A, %dma_start3A_1100, %dma_start3A_1106, %dma_start3A_1107] : memref<3x32x84x3x40xi32, #tpu.memory_space<hbm>> -> memref<1x1x1x3x40xi32, #tpu.memory_space<hbm>>
    %dma_start3A_1109 = tpu.memref_squeeze %dma_start3A_1108 : memref<1x1x1x3x40xi32, #tpu.memory_space<hbm>> -> memref<3x40xi32, #tpu.memory_space<hbm>>
    %dma_start3A_1110 = arith.constant 0 : i32
    %dma_start3A_1111 = arith.constant 0 : i32
    %dma_start3A_1112 = tpu.memref_slice %arg10[%dma_start3A_1101, %dma_start3A_1110, %dma_start3A_1111] : memref<3x3x40xi32, #tpu.memory_space<vmem>> -> memref<1x3x40xi32, #tpu.memory_space<vmem>>
    %dma_start3A_1113 = tpu.memref_squeeze %dma_start3A_1112 : memref<1x3x40xi32, #tpu.memory_space<vmem>> -> memref<3x40xi32, #tpu.memory_space<vmem>>
    %dma_start3A_1114 = arith.constant 0 : i32
    %dma_start3A_1115 = arith.constant 0 : i32
    %dma_start3A_1116 = tpu.memref_slice %arg3[%dma_start3A_1099, %add3A, %dma_start3A_1100, %dma_start3A_1114, %dma_start3A_1115] : memref<3x32x84x3x40xi32, #tpu.memory_space<hbm>> -> memref<1x1x1x3x40xi32, #tpu.memory_space<hbm>>
    %dma_start3A_1117 = tpu.memref_squeeze %dma_start3A_1116 : memref<1x1x1x3x40xi32, #tpu.memory_space<hbm>> -> memref<3x40xi32, #tpu.memory_space<hbm>>
    tpu.enqueue_dma source(%dma_start3A_1117 : memref<3x40xi32, #tpu.memory_space<hbm>>) target(%dma_start3A_1113 : memref<3x40xi32, #tpu.memory_space<vmem>>) target_semaphore(%arg12 : memref<!tpu.dma_semaphore, #tpu.memory_space<semaphore_mem>>)
    %dma_wait3A_1118 = arith.constant 0 : i32
    %dma_wait3A_1119 = arith.constant 0 : i32
    %dma_wait3A_1120 = arith.constant 0 : i32
    %dma_wait3A_1121 = arith.constant 0 : i32
    %dma_wait3A_1122 = arith.constant 0 : i32
    %dma_wait3A_1123 = arith.constant 0 : i32
    %dma_wait3A_1124 = tpu.memref_slice %arg9[%dma_wait3A_1121, %dma_wait3A_1122, %dma_wait3A_1123] : memref<3x3x40xi32, #tpu.memory_space<vmem>> -> memref<1x3x40xi32, #tpu.memory_space<vmem>>
    %dma_wait3A_1125 = tpu.memref_squeeze %dma_wait3A_1124 : memref<1x3x40xi32, #tpu.memory_space<vmem>> -> memref<3x40xi32, #tpu.memory_space<vmem>>
    %dma_wait3A_1126 = arith.constant 0 : i32
    %dma_wait3A_1127 = arith.constant 0 : i32
    %dma_wait3A_1128 = tpu.memref_slice %arg2[%dma_wait3A_1118, %dma_wait3A_1119, %dma_wait3A_1120, %dma_wait3A_1126, %dma_wait3A_1127] : memref<3x32x84x3x40xi32, #tpu.memory_space<hbm>> -> memref<1x1x1x3x40xi32, #tpu.memory_space<hbm>>
    %dma_wait3A_1129 = tpu.memref_squeeze %dma_wait3A_1128 : memref<1x1x1x3x40xi32, #tpu.memory_space<hbm>> -> memref<3x40xi32, #tpu.memory_space<hbm>>
    %dma_wait3A_1130 = arith.constant 0 : i32
    %dma_wait3A_1131 = arith.constant 0 : i32
    %dma_wait3A_1132 = tpu.memref_slice %arg9[%dma_wait3A_1121, %dma_wait3A_1130, %dma_wait3A_1131] : memref<3x3x40xi32, #tpu.memory_space<vmem>> -> memref<1x3x40xi32, #tpu.memory_space<vmem>>
    %dma_wait3A_1133 = tpu.memref_squeeze %dma_wait3A_1132 : memref<1x3x40xi32, #tpu.memory_space<vmem>> -> memref<3x40xi32, #tpu.memory_space<vmem>>
    %dma_wait3A_1134 = arith.constant 0 : i32
    %dma_wait3A_1135 = arith.constant 0 : i32
    %dma_wait3A_1136 = tpu.memref_slice %arg2[%dma_wait3A_1118, %dma_wait3A_1119, %dma_wait3A_1120, %dma_wait3A_1134, %dma_wait3A_1135] : memref<3x32x84x3x40xi32, #tpu.memory_space<hbm>> -> memref<1x1x1x3x40xi32, #tpu.memory_space<hbm>>
    %dma_wait3A_1137 = tpu.memref_squeeze %dma_wait3A_1136 : memref<1x1x1x3x40xi32, #tpu.memory_space<hbm>> -> memref<3x40xi32, #tpu.memory_space<hbm>>
    tpu.wait_dma2 semaphore(%arg12 : memref<!tpu.dma_semaphore, #tpu.memory_space<semaphore_mem>>) src(%dma_wait3A_1137 : memref<3x40xi32, #tpu.memory_space<hbm>>) dst(%dma_wait3A_1133 : memref<3x40xi32, #tpu.memory_space<vmem>>)
    %dma_wait3A_1138 = arith.constant 0 : i32
    %dma_wait3A_1139 = arith.constant 0 : i32
    %dma_wait3A_1140 = arith.constant 0 : i32
    %dma_wait3A_1141 = arith.constant 0 : i32
    %dma_wait3A_1142 = arith.constant 0 : i32
    %dma_wait3A_1143 = arith.constant 0 : i32
    %dma_wait3A_1144 = tpu.memref_slice %arg10[%dma_wait3A_1141, %dma_wait3A_1142, %dma_wait3A_1143] : memref<3x3x40xi32, #tpu.memory_space<vmem>> -> memref<1x3x40xi32, #tpu.memory_space<vmem>>
    %dma_wait3A_1145 = tpu.memref_squeeze %dma_wait3A_1144 : memref<1x3x40xi32, #tpu.memory_space<vmem>> -> memref<3x40xi32, #tpu.memory_space<vmem>>
    %dma_wait3A_1146 = arith.constant 0 : i32
    %dma_wait3A_1147 = arith.constant 0 : i32
    %dma_wait3A_1148 = tpu.memref_slice %arg3[%dma_wait3A_1138, %dma_wait3A_1139, %dma_wait3A_1140, %dma_wait3A_1146, %dma_wait3A_1147] : memref<3x32x84x3x40xi32, #tpu.memory_space<hbm>> -> memref<1x1x1x3x40xi32, #tpu.memory_space<hbm>>
    %dma_wait3A_1149 = tpu.memref_squeeze %dma_wait3A_1148 : memref<1x1x1x3x40xi32, #tpu.memory_space<hbm>> -> memref<3x40xi32, #tpu.memory_space<hbm>>
    %dma_wait3A_1150 = arith.constant 0 : i32
    %dma_wait3A_1151 = arith.constant 0 : i32
    %dma_wait3A_1152 = tpu.memref_slice %arg10[%dma_wait3A_1141, %dma_wait3A_1150, %dma_wait3A_1151] : memref<3x3x40xi32, #tpu.memory_space<vmem>> -> memref<1x3x40xi32, #tpu.memory_space<vmem>>
    %dma_wait3A_1153 = tpu.memref_squeeze %dma_wait3A_1152 : memref<1x3x40xi32, #tpu.memory_space<vmem>> -> memref<3x40xi32, #tpu.memory_space<vmem>>
    %dma_wait3A_1154 = arith.constant 0 : i32
    %dma_wait3A_1155 = arith.constant 0 : i32
    %dma_wait3A_1156 = tpu.memref_slice %arg3[%dma_wait3A_1138, %dma_wait3A_1139, %dma_wait3A_1140, %dma_wait3A_1154, %dma_wait3A_1155] : memref<3x32x84x3x40xi32, #tpu.memory_space<hbm>> -> memref<1x1x1x3x40xi32, #tpu.memory_space<hbm>>
    %dma_wait3A_1157 = tpu.memref_squeeze %dma_wait3A_1156 : memref<1x1x1x3x40xi32, #tpu.memory_space<hbm>> -> memref<3x40xi32, #tpu.memory_space<hbm>>
    tpu.wait_dma2 semaphore(%arg12 : memref<!tpu.dma_semaphore, #tpu.memory_space<semaphore_mem>>) src(%dma_wait3A_1157 : memref<3x40xi32, #tpu.memory_space<hbm>>) dst(%dma_wait3A_1153 : memref<3x40xi32, #tpu.memory_space<vmem>>)
    %dma_start3A_1158 = arith.constant 0 : i32
    %dma_start3A_1159 = arith.constant 0 : i32
    %dma_start3A_1160 = arith.constant 0 : i32
    %dma_start3A_1161 = arith.constant 0 : i32
    %dma_start3A_1162 = arith.constant 0 : i32
    %dma_start3A_1163 = arith.constant 0 : i32
    %dma_start3A_1164 = tpu.memref_slice %arg11[%dma_start3A_1160, %dma_start3A_1161, %dma_start3A_1162, %dma_start3A_1163] : memref<2x3x40x128xf32, #tpu.memory_space<vmem>> -> memref<1x1x40x128xf32, #tpu.memory_space<vmem>>
    %dma_start3A_1165 = tpu.memref_squeeze %dma_start3A_1164 : memref<1x1x40x128xf32, #tpu.memory_space<vmem>> -> memref<40x128xf32, #tpu.memory_space<vmem>>
    %dma_start3A_1166 = arith.constant 0 : i32
    %dma_start3A_1167 = tpu.memref_slice %arg9[%dma_start3A_1158, %dma_start3A_1159, %dma_start3A_1166] : memref<3x3x40xi32, #tpu.memory_space<vmem>> -> memref<1x1x40xi32, #tpu.memory_space<vmem>>
    %dma_start3A_1168 = tpu.memref_squeeze %dma_start3A_1167 : memref<1x1x40xi32, #tpu.memory_space<vmem>> -> memref<40xi32, #tpu.memory_space<vmem>>
    %dma_start3A_1169 = arith.constant 0 : i32
    %dma_start3A_1170 = arith.constant 0 : i32
    %dma_start3A_1171 = tpu.memref_slice %arg7[%dma_start3A_1169, %dma_start3A_1170] : memref<10000x128xf32, #tpu.memory_space<hbm>> -> memref<10000x128xf32, #tpu.memory_space<hbm>>
    tpu.enqueue_indirect_dma source(%dma_start3A_1171 : memref<10000x128xf32, #tpu.memory_space<hbm>>) target(%dma_start3A_1165 : memref<40x128xf32, #tpu.memory_space<vmem>>) offsets(%dma_start3A_1168 : memref<40xi32, #tpu.memory_space<vmem>>) semaphore(%arg13 : memref<!tpu.dma_semaphore, #tpu.memory_space<semaphore_mem>>)
    %dma_start3A_1172 = arith.constant 0 : i32
    %dma_start3A_1173 = arith.constant 1 : i32
    %dma_start3A_1174 = arith.constant 0 : i32
    %dma_start3A_1175 = arith.constant 1 : i32
    %dma_start3A_1176 = arith.constant 0 : i32
    %dma_start3A_1177 = arith.constant 0 : i32
    %dma_start3A_1178 = tpu.memref_slice %arg11[%dma_start3A_1174, %dma_start3A_1175, %dma_start3A_1176, %dma_start3A_1177] : memref<2x3x40x128xf32, #tpu.memory_space<vmem>> -> memref<1x1x40x128xf32, #tpu.memory_space<vmem>>
    %dma_start3A_1179 = tpu.memref_squeeze %dma_start3A_1178 : memref<1x1x40x128xf32, #tpu.memory_space<vmem>> -> memref<40x128xf32, #tpu.memory_space<vmem>>
    %dma_start3A_1180 = arith.constant 0 : i32
    %dma_start3A_1181 = tpu.memref_slice %arg9[%dma_start3A_1172, %dma_start3A_1173, %dma_start3A_1180] : memref<3x3x40xi32, #tpu.memory_space<vmem>> -> memref<1x1x40xi32, #tpu.memory_space<vmem>>
    %dma_start3A_1182 = tpu.memref_squeeze %dma_start3A_1181 : memref<1x1x40xi32, #tpu.memory_space<vmem>> -> memref<40xi32, #tpu.memory_space<vmem>>
    %dma_start3A_1183 = arith.constant 0 : i32
    %dma_start3A_1184 = arith.constant 0 : i32
    %dma_start3A_1185 = tpu.memref_slice %arg7[%dma_start3A_1183, %dma_start3A_1184] : memref<10000x128xf32, #tpu.memory_space<hbm>> -> memref<10000x128xf32, #tpu.memory_space<hbm>>
    tpu.enqueue_indirect_dma source(%dma_start3A_1185 : memref<10000x128xf32, #tpu.memory_space<hbm>>) target(%dma_start3A_1179 : memref<40x128xf32, #tpu.memory_space<vmem>>) offsets(%dma_start3A_1182 : memref<40xi32, #tpu.memory_space<vmem>>) semaphore(%arg13 : memref<!tpu.dma_semaphore, #tpu.memory_space<semaphore_mem>>)
    %dma_start3A_1186 = arith.constant 0 : i32
    %dma_start3A_1187 = arith.constant 2 : i32
    %dma_start3A_1188 = arith.constant 0 : i32
    %dma_start3A_1189 = arith.constant 2 : i32
    %dma_start3A_1190 = arith.constant 0 : i32
    %dma_start3A_1191 = arith.constant 0 : i32
    %dma_start3A_1192 = tpu.memref_slice %arg11[%dma_start3A_1188, %dma_start3A_1189, %dma_start3A_1190, %dma_start3A_1191] : memref<2x3x40x128xf32, #tpu.memory_space<vmem>> -> memref<1x1x40x128xf32, #tpu.memory_space<vmem>>
    %dma_start3A_1193 = tpu.memref_squeeze %dma_start3A_1192 : memref<1x1x40x128xf32, #tpu.memory_space<vmem>> -> memref<40x128xf32, #tpu.memory_space<vmem>>
    %dma_start3A_1194 = arith.constant 0 : i32
    %dma_start3A_1195 = tpu.memref_slice %arg9[%dma_start3A_1186, %dma_start3A_1187, %dma_start3A_1194] : memref<3x3x40xi32, #tpu.memory_space<vmem>> -> memref<1x1x40xi32, #tpu.memory_space<vmem>>
    %dma_start3A_1196 = tpu.memref_squeeze %dma_start3A_1195 : memref<1x1x40xi32, #tpu.memory_space<vmem>> -> memref<40xi32, #tpu.memory_space<vmem>>
    %dma_start3A_1197 = arith.constant 0 : i32
    %dma_start3A_1198 = arith.constant 0 : i32
    %dma_start3A_1199 = tpu.memref_slice %arg7[%dma_start3A_1197, %dma_start3A_1198] : memref<10000x128xf32, #tpu.memory_space<hbm>> -> memref<10000x128xf32, #tpu.memory_space<hbm>>
    tpu.enqueue_indirect_dma source(%dma_start3A_1199 : memref<10000x128xf32, #tpu.memory_space<hbm>>) target(%dma_start3A_1193 : memref<40x128xf32, #tpu.memory_space<vmem>>) offsets(%dma_start3A_1196 : memref<40xi32, #tpu.memory_space<vmem>>) semaphore(%arg13 : memref<!tpu.dma_semaphore, #tpu.memory_space<semaphore_mem>>)
    %min3A_1200 = arith.constant 2 : i32
    %min3A_1201 = arith.constant 83 : i32
    %min3A_1202 = arith.minsi %min3A_1200, %min3A_1201 : i32
    %dma_start3A_1203 = arith.constant 2 : i32
    %dma_start3A_1204 = arith.constant 2 : i32
    %dma_start3A_1205 = arith.constant 0 : i32
    %dma_start3A_1206 = arith.constant 0 : i32
    %dma_start3A_1207 = tpu.memref_slice %arg9[%dma_start3A_1204, %dma_start3A_1205, %dma_start3A_1206] : memref<3x3x40xi32, #tpu.memory_space<vmem>> -> memref<1x3x40xi32, #tpu.memory_space<vmem>>
    %dma_start3A_1208 = tpu.memref_squeeze %dma_start3A_1207 : memref<1x3x40xi32, #tpu.memory_space<vmem>> -> memref<3x40xi32, #tpu.memory_space<vmem>>
    %dma_start3A_1209 = arith.constant 0 : i32
    %dma_start3A_1210 = arith.constant 0 : i32
    %dma_start3A_1211 = tpu.memref_slice %arg2[%dma_start3A_1203, %add3A, %min3A_1202, %dma_start3A_1209, %dma_start3A_1210] : memref<3x32x84x3x40xi32, #tpu.memory_space<hbm>> -> memref<1x1x1x3x40xi32, #tpu.memory_space<hbm>>
    %dma_start3A_1212 = tpu.memref_squeeze %dma_start3A_1211 : memref<1x1x1x3x40xi32, #tpu.memory_space<hbm>> -> memref<3x40xi32, #tpu.memory_space<hbm>>
    %dma_start3A_1213 = arith.constant 0 : i32
    %dma_start3A_1214 = arith.constant 0 : i32
    %dma_start3A_1215 = tpu.memref_slice %arg9[%dma_start3A_1204, %dma_start3A_1213, %dma_start3A_1214] : memref<3x3x40xi32, #tpu.memory_space<vmem>> -> memref<1x3x40xi32, #tpu.memory_space<vmem>>
    %dma_start3A_1216 = tpu.memref_squeeze %dma_start3A_1215 : memref<1x3x40xi32, #tpu.memory_space<vmem>> -> memref<3x40xi32, #tpu.memory_space<vmem>>
    %dma_start3A_1217 = arith.constant 0 : i32
    %dma_start3A_1218 = arith.constant 0 : i32
    %dma_start3A_1219 = tpu.memref_slice %arg2[%dma_start3A_1203, %add3A, %min3A_1202, %dma_start3A_1217, %dma_start3A_1218] : memref<3x32x84x3x40xi32, #tpu.memory_space<hbm>> -> memref<1x1x1x3x40xi32, #tpu.memory_space<hbm>>
    %dma_start3A_1220 = tpu.memref_squeeze %dma_start3A_1219 : memref<1x1x1x3x40xi32, #tpu.memory_space<hbm>> -> memref<3x40xi32, #tpu.memory_space<hbm>>
    tpu.enqueue_dma source(%dma_start3A_1220 : memref<3x40xi32, #tpu.memory_space<hbm>>) target(%dma_start3A_1216 : memref<3x40xi32, #tpu.memory_space<vmem>>) target_semaphore(%arg12 : memref<!tpu.dma_semaphore, #tpu.memory_space<semaphore_mem>>)
    %dma_start3A_1221 = arith.constant 2 : i32
    %dma_start3A_1222 = arith.constant 2 : i32
    %dma_start3A_1223 = arith.constant 0 : i32
    %dma_start3A_1224 = arith.constant 0 : i32
    %dma_start3A_1225 = tpu.memref_slice %arg10[%dma_start3A_1222, %dma_start3A_1223, %dma_start3A_1224] : memref<3x3x40xi32, #tpu.memory_space<vmem>> -> memref<1x3x40xi32, #tpu.memory_space<vmem>>
    %dma_start3A_1226 = tpu.memref_squeeze %dma_start3A_1225 : memref<1x3x40xi32, #tpu.memory_space<vmem>> -> memref<3x40xi32, #tpu.memory_space<vmem>>
    %dma_start3A_1227 = arith.constant 0 : i32
    %dma_start3A_1228 = arith.constant 0 : i32
    %dma_start3A_1229 = tpu.memref_slice %arg3[%dma_start3A_1221, %add3A, %min3A_1202, %dma_start3A_1227, %dma_start3A_1228] : memref<3x32x84x3x40xi32, #tpu.memory_space<hbm>> -> memref<1x1x1x3x40xi32, #tpu.memory_space<hbm>>
    %dma_start3A_1230 = tpu.memref_squeeze %dma_start3A_1229 : memref<1x1x1x3x40xi32, #tpu.memory_space<hbm>> -> memref<3x40xi32, #tpu.memory_space<hbm>>
    %dma_start3A_1231 = arith.constant 0 : i32
    %dma_start3A_1232 = arith.constant 0 : i32
    %dma_start3A_1233 = tpu.memref_slice %arg10[%dma_start3A_1222, %dma_start3A_1231, %dma_start3A_1232] : memref<3x3x40xi32, #tpu.memory_space<vmem>> -> memref<1x3x40xi32, #tpu.memory_space<vmem>>
    %dma_start3A_1234 = tpu.memref_squeeze %dma_start3A_1233 : memref<1x3x40xi32, #tpu.memory_space<vmem>> -> memref<3x40xi32, #tpu.memory_space<vmem>>
    %dma_start3A_1235 = arith.constant 0 : i32
    %dma_start3A_1236 = arith.constant 0 : i32
    %dma_start3A_1237 = tpu.memref_slice %arg3[%dma_start3A_1221, %add3A, %min3A_1202, %dma_start3A_1235, %dma_start3A_1236] : memref<3x32x84x3x40xi32, #tpu.memory_space<hbm>> -> memref<1x1x1x3x40xi32, #tpu.memory_space<hbm>>
    %dma_start3A_1238 = tpu.memref_squeeze %dma_start3A_1237 : memref<1x1x1x3x40xi32, #tpu.memory_space<hbm>> -> memref<3x40xi32, #tpu.memory_space<hbm>>
    tpu.enqueue_dma source(%dma_start3A_1238 : memref<3x40xi32, #tpu.memory_space<hbm>>) target(%dma_start3A_1234 : memref<3x40xi32, #tpu.memory_space<vmem>>) target_semaphore(%arg12 : memref<!tpu.dma_semaphore, #tpu.memory_space<semaphore_mem>>)
    %dma_wait3A_1239 = arith.constant 0 : i32
    %dma_wait3A_1240 = arith.constant 0 : i32
    %dma_wait3A_1241 = arith.constant 0 : i32
    %dma_wait3A_1242 = arith.constant 0 : i32
    %dma_wait3A_1243 = arith.constant 0 : i32
    %dma_wait3A_1244 = arith.constant 0 : i32
    %dma_wait3A_1245 = tpu.memref_slice %arg9[%dma_wait3A_1242, %dma_wait3A_1243, %dma_wait3A_1244] : memref<3x3x40xi32, #tpu.memory_space<vmem>> -> memref<1x3x40xi32, #tpu.memory_space<vmem>>
    %dma_wait3A_1246 = tpu.memref_squeeze %dma_wait3A_1245 : memref<1x3x40xi32, #tpu.memory_space<vmem>> -> memref<3x40xi32, #tpu.memory_space<vmem>>
    %dma_wait3A_1247 = arith.constant 0 : i32
    %dma_wait3A_1248 = arith.constant 0 : i32
    %dma_wait3A_1249 = tpu.memref_slice %arg2[%dma_wait3A_1239, %dma_wait3A_1240, %dma_wait3A_1241, %dma_wait3A_1247, %dma_wait3A_1248] : memref<3x32x84x3x40xi32, #tpu.memory_space<hbm>> -> memref<1x1x1x3x40xi32, #tpu.memory_space<hbm>>
    %dma_wait3A_1250 = tpu.memref_squeeze %dma_wait3A_1249 : memref<1x1x1x3x40xi32, #tpu.memory_space<hbm>> -> memref<3x40xi32, #tpu.memory_space<hbm>>
    %dma_wait3A_1251 = arith.constant 0 : i32
    %dma_wait3A_1252 = arith.constant 0 : i32
    %dma_wait3A_1253 = tpu.memref_slice %arg9[%dma_wait3A_1242, %dma_wait3A_1251, %dma_wait3A_1252] : memref<3x3x40xi32, #tpu.memory_space<vmem>> -> memref<1x3x40xi32, #tpu.memory_space<vmem>>
    %dma_wait3A_1254 = tpu.memref_squeeze %dma_wait3A_1253 : memref<1x3x40xi32, #tpu.memory_space<vmem>> -> memref<3x40xi32, #tpu.memory_space<vmem>>
    %dma_wait3A_1255 = arith.constant 0 : i32
    %dma_wait3A_1256 = arith.constant 0 : i32
    %dma_wait3A_1257 = tpu.memref_slice %arg2[%dma_wait3A_1239, %dma_wait3A_1240, %dma_wait3A_1241, %dma_wait3A_1255, %dma_wait3A_1256] : memref<3x32x84x3x40xi32, #tpu.memory_space<hbm>> -> memref<1x1x1x3x40xi32, #tpu.memory_space<hbm>>
    %dma_wait3A_1258 = tpu.memref_squeeze %dma_wait3A_1257 : memref<1x1x1x3x40xi32, #tpu.memory_space<hbm>> -> memref<3x40xi32, #tpu.memory_space<hbm>>
    tpu.wait_dma2 semaphore(%arg12 : memref<!tpu.dma_semaphore, #tpu.memory_space<semaphore_mem>>) src(%dma_wait3A_1258 : memref<3x40xi32, #tpu.memory_space<hbm>>) dst(%dma_wait3A_1254 : memref<3x40xi32, #tpu.memory_space<vmem>>)
    %dma_wait3A_1259 = arith.constant 0 : i32
    %dma_wait3A_1260 = arith.constant 0 : i32
    %dma_wait3A_1261 = arith.constant 0 : i32
    %dma_wait3A_1262 = arith.constant 0 : i32
    %dma_wait3A_1263 = arith.constant 0 : i32
    %dma_wait3A_1264 = arith.constant 0 : i32
    %dma_wait3A_1265 = tpu.memref_slice %arg10[%dma_wait3A_1262, %dma_wait3A_1263, %dma_wait3A_1264] : memref<3x3x40xi32, #tpu.memory_space<vmem>> -> memref<1x3x40xi32, #tpu.memory_space<vmem>>
    %dma_wait3A_1266 = tpu.memref_squeeze %dma_wait3A_1265 : memref<1x3x40xi32, #tpu.memory_space<vmem>> -> memref<3x40xi32, #tpu.memory_space<vmem>>
    %dma_wait3A_1267 = arith.constant 0 : i32
    %dma_wait3A_1268 = arith.constant 0 : i32
    %dma_wait3A_1269 = tpu.memref_slice %arg3[%dma_wait3A_1259, %dma_wait3A_1260, %dma_wait3A_1261, %dma_wait3A_1267, %dma_wait3A_1268] : memref<3x32x84x3x40xi32, #tpu.memory_space<hbm>> -> memref<1x1x1x3x40xi32, #tpu.memory_space<hbm>>
    %dma_wait3A_1270 = tpu.memref_squeeze %dma_wait3A_1269 : memref<1x1x1x3x40xi32, #tpu.memory_space<hbm>> -> memref<3x40xi32, #tpu.memory_space<hbm>>
    %dma_wait3A_1271 = arith.constant 0 : i32
    %dma_wait3A_1272 = arith.constant 0 : i32
    %dma_wait3A_1273 = tpu.memref_slice %arg10[%dma_wait3A_1262, %dma_wait3A_1271, %dma_wait3A_1272] : memref<3x3x40xi32, #tpu.memory_space<vmem>> -> memref<1x3x40xi32, #tpu.memory_space<vmem>>
    %dma_wait3A_1274 = tpu.memref_squeeze %dma_wait3A_1273 : memref<1x3x40xi32, #tpu.memory_space<vmem>> -> memref<3x40xi32, #tpu.memory_space<vmem>>
    %dma_wait3A_1275 = arith.constant 0 : i32
    %dma_wait3A_1276 = arith.constant 0 : i32
    %dma_wait3A_1277 = tpu.memref_slice %arg3[%dma_wait3A_1259, %dma_wait3A_1260, %dma_wait3A_1261, %dma_wait3A_1275, %dma_wait3A_1276] : memref<3x32x84x3x40xi32, #tpu.memory_space<hbm>> -> memref<1x1x1x3x40xi32, #tpu.memory_space<hbm>>
    %dma_wait3A_1278 = tpu.memref_squeeze %dma_wait3A_1277 : memref<1x1x1x3x40xi32, #tpu.memory_space<hbm>> -> memref<3x40xi32, #tpu.memory_space<hbm>>
    tpu.wait_dma2 semaphore(%arg12 : memref<!tpu.dma_semaphore, #tpu.memory_space<semaphore_mem>>) src(%dma_wait3A_1278 : memref<3x40xi32, #tpu.memory_space<hbm>>) dst(%dma_wait3A_1274 : memref<3x40xi32, #tpu.memory_space<vmem>>)
    %dma_start3A_1279 = arith.constant 1 : i32
    %dma_start3A_1280 = arith.constant 0 : i32
    %dma_start3A_1281 = arith.constant 1 : i32
    %dma_start3A_1282 = arith.constant 0 : i32
    %dma_start3A_1283 = arith.constant 0 : i32
    %dma_start3A_1284 = arith.constant 0 : i32
    %dma_start3A_1285 = tpu.memref_slice %arg11[%dma_start3A_1281, %dma_start3A_1282, %dma_start3A_1283, %dma_start3A_1284] : memref<2x3x40x128xf32, #tpu.memory_space<vmem>> -> memref<1x1x40x128xf32, #tpu.memory_space<vmem>>
    %dma_start3A_1286 = tpu.memref_squeeze %dma_start3A_1285 : memref<1x1x40x128xf32, #tpu.memory_space<vmem>> -> memref<40x128xf32, #tpu.memory_space<vmem>>
    %dma_start3A_1287 = arith.constant 0 : i32
    %dma_start3A_1288 = tpu.memref_slice %arg9[%dma_start3A_1279, %dma_start3A_1280, %dma_start3A_1287] : memref<3x3x40xi32, #tpu.memory_space<vmem>> -> memref<1x1x40xi32, #tpu.memory_space<vmem>>
    %dma_start3A_1289 = tpu.memref_squeeze %dma_start3A_1288 : memref<1x1x40xi32, #tpu.memory_space<vmem>> -> memref<40xi32, #tpu.memory_space<vmem>>
    %dma_start3A_1290 = arith.constant 0 : i32
    %dma_start3A_1291 = arith.constant 0 : i32
    %dma_start3A_1292 = tpu.memref_slice %arg7[%dma_start3A_1290, %dma_start3A_1291] : memref<10000x128xf32, #tpu.memory_space<hbm>> -> memref<10000x128xf32, #tpu.memory_space<hbm>>
    tpu.enqueue_indirect_dma source(%dma_start3A_1292 : memref<10000x128xf32, #tpu.memory_space<hbm>>) target(%dma_start3A_1286 : memref<40x128xf32, #tpu.memory_space<vmem>>) offsets(%dma_start3A_1289 : memref<40xi32, #tpu.memory_space<vmem>>) semaphore(%arg13 : memref<!tpu.dma_semaphore, #tpu.memory_space<semaphore_mem>>)
    %dma_start3A_1293 = arith.constant 1 : i32
    %dma_start3A_1294 = arith.constant 1 : i32
    %dma_start3A_1295 = arith.constant 1 : i32
    %dma_start3A_1296 = arith.constant 1 : i32
    %dma_start3A_1297 = arith.constant 0 : i32
    %dma_start3A_1298 = arith.constant 0 : i32
    %dma_start3A_1299 = tpu.memref_slice %arg11[%dma_start3A_1295, %dma_start3A_1296, %dma_start3A_1297, %dma_start3A_1298] : memref<2x3x40x128xf32, #tpu.memory_space<vmem>> -> memref<1x1x40x128xf32, #tpu.memory_space<vmem>>
    %dma_start3A_1300 = tpu.memref_squeeze %dma_start3A_1299 : memref<1x1x40x128xf32, #tpu.memory_space<vmem>> -> memref<40x128xf32, #tpu.memory_space<vmem>>
    %dma_start3A_1301 = arith.constant 0 : i32
    %dma_start3A_1302 = tpu.memref_slice %arg9[%dma_start3A_1293, %dma_start3A_1294, %dma_start3A_1301] : memref<3x3x40xi32, #tpu.memory_space<vmem>> -> memref<1x1x40xi32, #tpu.memory_space<vmem>>
    %dma_start3A_1303 = tpu.memref_squeeze %dma_start3A_1302 : memref<1x1x40xi32, #tpu.memory_space<vmem>> -> memref<40xi32, #tpu.memory_space<vmem>>
    %dma_start3A_1304 = arith.constant 0 : i32
    %dma_start3A_1305 = arith.constant 0 : i32
    %dma_start3A_1306 = tpu.memref_slice %arg7[%dma_start3A_1304, %dma_start3A_1305] : memref<10000x128xf32, #tpu.memory_space<hbm>> -> memref<10000x128xf32, #tpu.memory_space<hbm>>
    tpu.enqueue_indirect_dma source(%dma_start3A_1306 : memref<10000x128xf32, #tpu.memory_space<hbm>>) target(%dma_start3A_1300 : memref<40x128xf32, #tpu.memory_space<vmem>>) offsets(%dma_start3A_1303 : memref<40xi32, #tpu.memory_space<vmem>>) semaphore(%arg13 : memref<!tpu.dma_semaphore, #tpu.memory_space<semaphore_mem>>)
    %dma_start3A_1307 = arith.constant 1 : i32
    %dma_start3A_1308 = arith.constant 2 : i32
    %dma_start3A_1309 = arith.constant 1 : i32
    %dma_start3A_1310 = arith.constant 2 : i32
    %dma_start3A_1311 = arith.constant 0 : i32
    %dma_start3A_1312 = arith.constant 0 : i32
    %dma_start3A_1313 = tpu.memref_slice %arg11[%dma_start3A_1309, %dma_start3A_1310, %dma_start3A_1311, %dma_start3A_1312] : memref<2x3x40x128xf32, #tpu.memory_space<vmem>> -> memref<1x1x40x128xf32, #tpu.memory_space<vmem>>
    %dma_start3A_1314 = tpu.memref_squeeze %dma_start3A_1313 : memref<1x1x40x128xf32, #tpu.memory_space<vmem>> -> memref<40x128xf32, #tpu.memory_space<vmem>>
    %dma_start3A_1315 = arith.constant 0 : i32
    %dma_start3A_1316 = tpu.memref_slice %arg9[%dma_start3A_1307, %dma_start3A_1308, %dma_start3A_1315] : memref<3x3x40xi32, #tpu.memory_space<vmem>> -> memref<1x1x40xi32, #tpu.memory_space<vmem>>
    %dma_start3A_1317 = tpu.memref_squeeze %dma_start3A_1316 : memref<1x1x40xi32, #tpu.memory_space<vmem>> -> memref<40xi32, #tpu.memory_space<vmem>>
    %dma_start3A_1318 = arith.constant 0 : i32
    %dma_start3A_1319 = arith.constant 0 : i32
    %dma_start3A_1320 = tpu.memref_slice %arg7[%dma_start3A_1318, %dma_start3A_1319] : memref<10000x128xf32, #tpu.memory_space<hbm>> -> memref<10000x128xf32, #tpu.memory_space<hbm>>
    tpu.enqueue_indirect_dma source(%dma_start3A_1320 : memref<10000x128xf32, #tpu.memory_space<hbm>>) target(%dma_start3A_1314 : memref<40x128xf32, #tpu.memory_space<vmem>>) offsets(%dma_start3A_1317 : memref<40xi32, #tpu.memory_space<vmem>>) semaphore(%arg13 : memref<!tpu.dma_semaphore, #tpu.memory_space<semaphore_mem>>)
    %dma_wait3A_1321 = arith.constant 0 : i32
    %dma_wait3A_1322 = arith.constant 0 : i32
    %dma_wait3A_1323 = arith.constant 0 : i32
    %dma_wait3A_1324 = arith.constant 0 : i32
    %dma_wait3A_1325 = arith.constant 0 : i32
    %dma_wait3A_1326 = arith.constant 0 : i32
    %dma_wait3A_1327 = tpu.memref_slice %arg11[%dma_wait3A_1323, %dma_wait3A_1324, %dma_wait3A_1325, %dma_wait3A_1326] : memref<2x3x40x128xf32, #tpu.memory_space<vmem>> -> memref<1x1x40x128xf32, #tpu.memory_space<vmem>>
    %dma_wait3A_1328 = tpu.memref_squeeze %dma_wait3A_1327 : memref<1x1x40x128xf32, #tpu.memory_space<vmem>> -> memref<40x128xf32, #tpu.memory_space<vmem>>
    %dma_wait3A_1329 = arith.constant 0 : i32
    %dma_wait3A_1330 = tpu.memref_slice %arg9[%dma_wait3A_1321, %dma_wait3A_1322, %dma_wait3A_1329] : memref<3x3x40xi32, #tpu.memory_space<vmem>> -> memref<1x1x40xi32, #tpu.memory_space<vmem>>
    %dma_wait3A_1331 = tpu.memref_squeeze %dma_wait3A_1330 : memref<1x1x40xi32, #tpu.memory_space<vmem>> -> memref<40xi32, #tpu.memory_space<vmem>>
    %dma_wait3A_1332 = arith.constant 0 : i32
    %dma_wait3A_1333 = arith.constant 0 : i32
    %dma_wait3A_1334 = tpu.memref_slice %arg7[%dma_wait3A_1332, %dma_wait3A_1333] : memref<10000x128xf32, #tpu.memory_space<hbm>> -> memref<10000x128xf32, #tpu.memory_space<hbm>>
    tpu.wait_indirect_dma semaphore(%arg13 : memref<!tpu.dma_semaphore, #tpu.memory_space<semaphore_mem>>) src(%dma_wait3A_1334 : memref<10000x128xf32, #tpu.memory_space<hbm>>) dst(%dma_wait3A_1328 : memref<40x128xf32, #tpu.memory_space<vmem>>)
    %dma_wait3A_1335 = arith.constant 0 : i32
    %dma_wait3A_1336 = arith.constant 0 : i32
    %dma_wait3A_1337 = arith.constant 0 : i32
    %dma_wait3A_1338 = arith.constant 1 : i32
    %dma_wait3A_1339 = arith.constant 0 : i32
    %dma_wait3A_1340 = arith.constant 0 : i32
    %dma_wait3A_1341 = tpu.memref_slice %arg11[%dma_wait3A_1337, %dma_wait3A_1338, %dma_wait3A_1339, %dma_wait3A_1340] : memref<2x3x40x128xf32, #tpu.memory_space<vmem>> -> memref<1x1x40x128xf32, #tpu.memory_space<vmem>>
    %dma_wait3A_1342 = tpu.memref_squeeze %dma_wait3A_1341 : memref<1x1x40x128xf32, #tpu.memory_space<vmem>> -> memref<40x128xf32, #tpu.memory_space<vmem>>
    %dma_wait3A_1343 = arith.constant 0 : i32
    %dma_wait3A_1344 = tpu.memref_slice %arg9[%dma_wait3A_1335, %dma_wait3A_1336, %dma_wait3A_1343] : memref<3x3x40xi32, #tpu.memory_space<vmem>> -> memref<1x1x40xi32, #tpu.memory_space<vmem>>
    %dma_wait3A_1345 = tpu.memref_squeeze %dma_wait3A_1344 : memref<1x1x40xi32, #tpu.memory_space<vmem>> -> memref<40xi32, #tpu.memory_space<vmem>>
    %dma_wait3A_1346 = arith.constant 0 : i32
    %dma_wait3A_1347 = arith.constant 0 : i32
    %dma_wait3A_1348 = tpu.memref_slice %arg7[%dma_wait3A_1346, %dma_wait3A_1347] : memref<10000x128xf32, #tpu.memory_space<hbm>> -> memref<10000x128xf32, #tpu.memory_space<hbm>>
    tpu.wait_indirect_dma semaphore(%arg13 : memref<!tpu.dma_semaphore, #tpu.memory_space<semaphore_mem>>) src(%dma_wait3A_1348 : memref<10000x128xf32, #tpu.memory_space<hbm>>) dst(%dma_wait3A_1342 : memref<40x128xf32, #tpu.memory_space<vmem>>)
    %dma_wait3A_1349 = arith.constant 0 : i32
    %dma_wait3A_1350 = arith.constant 0 : i32
    %dma_wait3A_1351 = arith.constant 0 : i32
    %dma_wait3A_1352 = arith.constant 2 : i32
    %dma_wait3A_1353 = arith.constant 0 : i32
    %dma_wait3A_1354 = arith.constant 0 : i32
    %dma_wait3A_1355 = tpu.memref_slice %arg11[%dma_wait3A_1351, %dma_wait3A_1352, %dma_wait3A_1353, %dma_wait3A_1354] : memref<2x3x40x128xf32, #tpu.memory_space<vmem>> -> memref<1x1x40x128xf32, #tpu.memory_space<vmem>>
    %dma_wait3A_1356 = tpu.memref_squeeze %dma_wait3A_1355 : memref<1x1x40x128xf32, #tpu.memory_space<vmem>> -> memref<40x128xf32, #tpu.memory_space<vmem>>
    %dma_wait3A_1357 = arith.constant 0 : i32
    %dma_wait3A_1358 = tpu.memref_slice %arg9[%dma_wait3A_1349, %dma_wait3A_1350, %dma_wait3A_1357] : memref<3x3x40xi32, #tpu.memory_space<vmem>> -> memref<1x1x40xi32, #tpu.memory_space<vmem>>
    %dma_wait3A_1359 = tpu.memref_squeeze %dma_wait3A_1358 : memref<1x1x40xi32, #tpu.memory_space<vmem>> -> memref<40xi32, #tpu.memory_space<vmem>>
    %dma_wait3A_1360 = arith.constant 0 : i32
    %dma_wait3A_1361 = arith.constant 0 : i32
    %dma_wait3A_1362 = tpu.memref_slice %arg7[%dma_wait3A_1360, %dma_wait3A_1361] : memref<10000x128xf32, #tpu.memory_space<hbm>> -> memref<10000x128xf32, #tpu.memory_space<hbm>>
    tpu.wait_indirect_dma semaphore(%arg13 : memref<!tpu.dma_semaphore, #tpu.memory_space<semaphore_mem>>) src(%dma_wait3A_1362 : memref<10000x128xf32, #tpu.memory_space<hbm>>) dst(%dma_wait3A_1356 : memref<40x128xf32, #tpu.memory_space<vmem>>)
    %dma_start3A_1363 = arith.constant 0 : i32
    %dma_start3A_1364 = arith.constant 0 : i32
    %dma_start3A_1365 = arith.constant 0 : i32
    %dma_start3A_1366 = arith.constant 0 : i32
    %dma_start3A_1367 = arith.constant 0 : i32
    %dma_start3A_1368 = arith.constant 0 : i32
    %dma_start3A_1369 = tpu.memref_slice %arg11[%dma_start3A_1363, %dma_start3A_1364, %dma_start3A_1367, %dma_start3A_1368] : memref<2x3x40x128xf32, #tpu.memory_space<vmem>> -> memref<1x1x40x128xf32, #tpu.memory_space<vmem>>
    %dma_start3A_1370 = tpu.memref_squeeze %dma_start3A_1369 : memref<1x1x40x128xf32, #tpu.memory_space<vmem>> -> memref<40x128xf32, #tpu.memory_space<vmem>>
    %dma_start3A_1371 = arith.constant 0 : i32
    %dma_start3A_1372 = tpu.memref_slice %arg10[%dma_start3A_1365, %dma_start3A_1366, %dma_start3A_1371] : memref<3x3x40xi32, #tpu.memory_space<vmem>> -> memref<1x1x40xi32, #tpu.memory_space<vmem>>
    %dma_start3A_1373 = tpu.memref_squeeze %dma_start3A_1372 : memref<1x1x40xi32, #tpu.memory_space<vmem>> -> memref<40xi32, #tpu.memory_space<vmem>>
    %dma_start3A_1374 = arith.constant 0 : i32
    %dma_start3A_1375 = arith.constant 0 : i32
    %dma_start3A_1376 = tpu.memref_slice %arg15[%dma_start3A_1374, %dma_start3A_1375] : memref<10240x128xf32, #tpu.memory_space<vmem_shared>> -> memref<10240x128xf32, #tpu.memory_space<vmem_shared>>
    tpu.enqueue_indirect_dma source(%dma_start3A_1370 : memref<40x128xf32, #tpu.memory_space<vmem>>) target(%dma_start3A_1376 : memref<10240x128xf32, #tpu.memory_space<vmem_shared>>) offsets(%dma_start3A_1373 : memref<40xi32, #tpu.memory_space<vmem>>) semaphore(%arg14 : memref<!tpu.dma_semaphore, #tpu.memory_space<semaphore_mem>>) {add = true}
    %dma_start3A_1377 = arith.constant 0 : i32
    %dma_start3A_1378 = arith.constant 1 : i32
    %dma_start3A_1379 = arith.constant 0 : i32
    %dma_start3A_1380 = arith.constant 1 : i32
    %dma_start3A_1381 = arith.constant 0 : i32
    %dma_start3A_1382 = arith.constant 0 : i32
    %dma_start3A_1383 = tpu.memref_slice %arg11[%dma_start3A_1377, %dma_start3A_1378, %dma_start3A_1381, %dma_start3A_1382] : memref<2x3x40x128xf32, #tpu.memory_space<vmem>> -> memref<1x1x40x128xf32, #tpu.memory_space<vmem>>
    %dma_start3A_1384 = tpu.memref_squeeze %dma_start3A_1383 : memref<1x1x40x128xf32, #tpu.memory_space<vmem>> -> memref<40x128xf32, #tpu.memory_space<vmem>>
    %dma_start3A_1385 = arith.constant 0 : i32
    %dma_start3A_1386 = tpu.memref_slice %arg10[%dma_start3A_1379, %dma_start3A_1380, %dma_start3A_1385] : memref<3x3x40xi32, #tpu.memory_space<vmem>> -> memref<1x1x40xi32, #tpu.memory_space<vmem>>
    %dma_start3A_1387 = tpu.memref_squeeze %dma_start3A_1386 : memref<1x1x40xi32, #tpu.memory_space<vmem>> -> memref<40xi32, #tpu.memory_space<vmem>>
    %dma_start3A_1388 = arith.constant 0 : i32
    %dma_start3A_1389 = arith.constant 0 : i32
    %dma_start3A_1390 = tpu.memref_slice %arg15[%dma_start3A_1388, %dma_start3A_1389] : memref<10240x128xf32, #tpu.memory_space<vmem_shared>> -> memref<10240x128xf32, #tpu.memory_space<vmem_shared>>
    tpu.enqueue_indirect_dma source(%dma_start3A_1384 : memref<40x128xf32, #tpu.memory_space<vmem>>) target(%dma_start3A_1390 : memref<10240x128xf32, #tpu.memory_space<vmem_shared>>) offsets(%dma_start3A_1387 : memref<40xi32, #tpu.memory_space<vmem>>) semaphore(%arg14 : memref<!tpu.dma_semaphore, #tpu.memory_space<semaphore_mem>>) {add = true}
    %dma_start3A_1391 = arith.constant 0 : i32
    %dma_start3A_1392 = arith.constant 2 : i32
    %dma_start3A_1393 = arith.constant 0 : i32
    %dma_start3A_1394 = arith.constant 2 : i32
    %dma_start3A_1395 = arith.constant 0 : i32
    %dma_start3A_1396 = arith.constant 0 : i32
    %dma_start3A_1397 = tpu.memref_slice %arg11[%dma_start3A_1391, %dma_start3A_1392, %dma_start3A_1395, %dma_start3A_1396] : memref<2x3x40x128xf32, #tpu.memory_space<vmem>> -> memref<1x1x40x128xf32, #tpu.memory_space<vmem>>
    %dma_start3A_1398 = tpu.memref_squeeze %dma_start3A_1397 : memref<1x1x40x128xf32, #tpu.memory_space<vmem>> -> memref<40x128xf32, #tpu.memory_space<vmem>>
    %dma_start3A_1399 = arith.constant 0 : i32
    %dma_start3A_1400 = tpu.memref_slice %arg10[%dma_start3A_1393, %dma_start3A_1394, %dma_start3A_1399] : memref<3x3x40xi32, #tpu.memory_space<vmem>> -> memref<1x1x40xi32, #tpu.memory_space<vmem>>
    %dma_start3A_1401 = tpu.memref_squeeze %dma_start3A_1400 : memref<1x1x40xi32, #tpu.memory_space<vmem>> -> memref<40xi32, #tpu.memory_space<vmem>>
    %dma_start3A_1402 = arith.constant 0 : i32
    %dma_start3A_1403 = arith.constant 0 : i32
    %dma_start3A_1404 = tpu.memref_slice %arg15[%dma_start3A_1402, %dma_start3A_1403] : memref<10240x128xf32, #tpu.memory_space<vmem_shared>> -> memref<10240x128xf32, #tpu.memory_space<vmem_shared>>
    tpu.enqueue_indirect_dma source(%dma_start3A_1398 : memref<40x128xf32, #tpu.memory_space<vmem>>) target(%dma_start3A_1404 : memref<10240x128xf32, #tpu.memory_space<vmem_shared>>) offsets(%dma_start3A_1401 : memref<40xi32, #tpu.memory_space<vmem>>) semaphore(%arg14 : memref<!tpu.dma_semaphore, #tpu.memory_space<semaphore_mem>>) {add = true}
    %scan3A_1405 = arith.constant 1 : i32
    %scan3A_1406 = arith.constant 83 : i32
    %scan3A_1407 = arith.addi %scan3A_1405, %scan3A_1406 : i32
    %scan3A_1408 = arith.constant 1 : i32
    scf.for %scan3A_1561 = %scan3A_1405 to %scan3A_1407 step %scan3A_1408  : i32 {
      %rem3A = arith.constant 2 : i32
      %rem3A_1562 = arith.remsi %scan3A_1561, %rem3A : i32
      %sub3A = arith.constant 1 : i32
      %sub3A_1563 = arith.subi %sub3A, %rem3A_1562 : i32
      %add3A_1564 = arith.constant 2 : i32
      %add3A_1565 = arith.addi %scan3A_1561, %add3A_1564 : i32
      %min3A_1566 = arith.constant 83 : i32
      %min3A_1567 = arith.minsi %add3A_1565, %min3A_1566 : i32
      %add3A_1568 = arith.constant 2 : i32
      %add3A_1569 = arith.addi %scan3A_1561, %add3A_1568 : i32
      %rem3A_1570 = arith.constant 3 : i32
      %rem3A_1571 = arith.remsi %add3A_1569, %rem3A_1570 : i32
      %dma_start3A_1572 = arith.constant 2 : i32
      %dma_start3A_1573 = arith.constant 0 : i32
      %dma_start3A_1574 = arith.constant 0 : i32
      %dma_start3A_1575 = tpu.memref_slice %arg9[%rem3A_1571, %dma_start3A_1573, %dma_start3A_1574] : memref<3x3x40xi32, #tpu.memory_space<vmem>> -> memref<1x3x40xi32, #tpu.memory_space<vmem>>
      %dma_start3A_1576 = tpu.memref_squeeze %dma_start3A_1575 : memref<1x3x40xi32, #tpu.memory_space<vmem>> -> memref<3x40xi32, #tpu.memory_space<vmem>>
      %dma_start3A_1577 = arith.constant 0 : i32
      %dma_start3A_1578 = arith.constant 0 : i32
      %dma_start3A_1579 = tpu.memref_slice %arg2[%dma_start3A_1572, %add3A, %min3A_1567, %dma_start3A_1577, %dma_start3A_1578] : memref<3x32x84x3x40xi32, #tpu.memory_space<hbm>> -> memref<1x1x1x3x40xi32, #tpu.memory_space<hbm>>
      %dma_start3A_1580 = tpu.memref_squeeze %dma_start3A_1579 : memref<1x1x1x3x40xi32, #tpu.memory_space<hbm>> -> memref<3x40xi32, #tpu.memory_space<hbm>>
      %dma_start3A_1581 = arith.constant 0 : i32
      %dma_start3A_1582 = arith.constant 0 : i32
      %dma_start3A_1583 = tpu.memref_slice %arg9[%rem3A_1571, %dma_start3A_1581, %dma_start3A_1582] : memref<3x3x40xi32, #tpu.memory_space<vmem>> -> memref<1x3x40xi32, #tpu.memory_space<vmem>>
      %dma_start3A_1584 = tpu.memref_squeeze %dma_start3A_1583 : memref<1x3x40xi32, #tpu.memory_space<vmem>> -> memref<3x40xi32, #tpu.memory_space<vmem>>
      %dma_start3A_1585 = arith.constant 0 : i32
      %dma_start3A_1586 = arith.constant 0 : i32
      %dma_start3A_1587 = tpu.memref_slice %arg2[%dma_start3A_1572, %add3A, %min3A_1567, %dma_start3A_1585, %dma_start3A_1586] : memref<3x32x84x3x40xi32, #tpu.memory_space<hbm>> -> memref<1x1x1x3x40xi32, #tpu.memory_space<hbm>>
      %dma_start3A_1588 = tpu.memref_squeeze %dma_start3A_1587 : memref<1x1x1x3x40xi32, #tpu.memory_space<hbm>> -> memref<3x40xi32, #tpu.memory_space<hbm>>
      tpu.enqueue_dma source(%dma_start3A_1588 : memref<3x40xi32, #tpu.memory_space<hbm>>) target(%dma_start3A_1584 : memref<3x40xi32, #tpu.memory_space<vmem>>) target_semaphore(%arg12 : memref<!tpu.dma_semaphore, #tpu.memory_space<semaphore_mem>>)
      %dma_start3A_1589 = arith.constant 2 : i32
      %dma_start3A_1590 = arith.constant 0 : i32
      %dma_start3A_1591 = arith.constant 0 : i32
      %dma_start3A_1592 = tpu.memref_slice %arg10[%rem3A_1571, %dma_start3A_1590, %dma_start3A_1591] : memref<3x3x40xi32, #tpu.memory_space<vmem>> -> memref<1x3x40xi32, #tpu.memory_space<vmem>>
      %dma_start3A_1593 = tpu.memref_squeeze %dma_start3A_1592 : memref<1x3x40xi32, #tpu.memory_space<vmem>> -> memref<3x40xi32, #tpu.memory_space<vmem>>
      %dma_start3A_1594 = arith.constant 0 : i32
      %dma_start3A_1595 = arith.constant 0 : i32
      %dma_start3A_1596 = tpu.memref_slice %arg3[%dma_start3A_1589, %add3A, %min3A_1567, %dma_start3A_1594, %dma_start3A_1595] : memref<3x32x84x3x40xi32, #tpu.memory_space<hbm>> -> memref<1x1x1x3x40xi32, #tpu.memory_space<hbm>>
      %dma_start3A_1597 = tpu.memref_squeeze %dma_start3A_1596 : memref<1x1x1x3x40xi32, #tpu.memory_space<hbm>> -> memref<3x40xi32, #tpu.memory_space<hbm>>
      %dma_start3A_1598 = arith.constant 0 : i32
      %dma_start3A_1599 = arith.constant 0 : i32
      %dma_start3A_1600 = tpu.memref_slice %arg10[%rem3A_1571, %dma_start3A_1598, %dma_start3A_1599] : memref<3x3x40xi32, #tpu.memory_space<vmem>> -> memref<1x3x40xi32, #tpu.memory_space<vmem>>
      %dma_start3A_1601 = tpu.memref_squeeze %dma_start3A_1600 : memref<1x3x40xi32, #tpu.memory_space<vmem>> -> memref<3x40xi32, #tpu.memory_space<vmem>>
      %dma_start3A_1602 = arith.constant 0 : i32
      %dma_start3A_1603 = arith.constant 0 : i32
      %dma_start3A_1604 = tpu.memref_slice %arg3[%dma_start3A_1589, %add3A, %min3A_1567, %dma_start3A_1602, %dma_start3A_1603] : memref<3x32x84x3x40xi32, #tpu.memory_space<hbm>> -> memref<1x1x1x3x40xi32, #tpu.memory_space<hbm>>
      %dma_start3A_1605 = tpu.memref_squeeze %dma_start3A_1604 : memref<1x1x1x3x40xi32, #tpu.memory_space<hbm>> -> memref<3x40xi32, #tpu.memory_space<hbm>>
      tpu.enqueue_dma source(%dma_start3A_1605 : memref<3x40xi32, #tpu.memory_space<hbm>>) target(%dma_start3A_1601 : memref<3x40xi32, #tpu.memory_space<vmem>>) target_semaphore(%arg12 : memref<!tpu.dma_semaphore, #tpu.memory_space<semaphore_mem>>)
      %dma_wait3A_1606 = arith.constant 0 : i32
      %dma_wait3A_1607 = arith.constant 0 : i32
      %dma_wait3A_1608 = arith.constant 0 : i32
      %dma_wait3A_1609 = arith.constant 0 : i32
      %dma_wait3A_1610 = arith.constant 0 : i32
      %dma_wait3A_1611 = arith.constant 0 : i32
      %dma_wait3A_1612 = tpu.memref_slice %arg9[%dma_wait3A_1609, %dma_wait3A_1610, %dma_wait3A_1611] : memref<3x3x40xi32, #tpu.memory_space<vmem>> -> memref<1x3x40xi32, #tpu.memory_space<vmem>>
      %dma_wait3A_1613 = tpu.memref_squeeze %dma_wait3A_1612 : memref<1x3x40xi32, #tpu.memory_space<vmem>> -> memref<3x40xi32, #tpu.memory_space<vmem>>
      %dma_wait3A_1614 = arith.constant 0 : i32
      %dma_wait3A_1615 = arith.constant 0 : i32
      %dma_wait3A_1616 = tpu.memref_slice %arg2[%dma_wait3A_1606, %dma_wait3A_1607, %dma_wait3A_1608, %dma_wait3A_1614, %dma_wait3A_1615] : memref<3x32x84x3x40xi32, #tpu.memory_space<hbm>> -> memref<1x1x1x3x40xi32, #tpu.memory_space<hbm>>
      %dma_wait3A_1617 = tpu.memref_squeeze %dma_wait3A_1616 : memref<1x1x1x3x40xi32, #tpu.memory_space<hbm>> -> memref<3x40xi32, #tpu.memory_space<hbm>>
      %dma_wait3A_1618 = arith.constant 0 : i32
      %dma_wait3A_1619 = arith.constant 0 : i32
      %dma_wait3A_1620 = tpu.memref_slice %arg9[%dma_wait3A_1609, %dma_wait3A_1618, %dma_wait3A_1619] : memref<3x3x40xi32, #tpu.memory_space<vmem>> -> memref<1x3x40xi32, #tpu.memory_space<vmem>>
      %dma_wait3A_1621 = tpu.memref_squeeze %dma_wait3A_1620 : memref<1x3x40xi32, #tpu.memory_space<vmem>> -> memref<3x40xi32, #tpu.memory_space<vmem>>
      %dma_wait3A_1622 = arith.constant 0 : i32
      %dma_wait3A_1623 = arith.constant 0 : i32
      %dma_wait3A_1624 = tpu.memref_slice %arg2[%dma_wait3A_1606, %dma_wait3A_1607, %dma_wait3A_1608, %dma_wait3A_1622, %dma_wait3A_1623] : memref<3x32x84x3x40xi32, #tpu.memory_space<hbm>> -> memref<1x1x1x3x40xi32, #tpu.memory_space<hbm>>
      %dma_wait3A_1625 = tpu.memref_squeeze %dma_wait3A_1624 : memref<1x1x1x3x40xi32, #tpu.memory_space<hbm>> -> memref<3x40xi32, #tpu.memory_space<hbm>>
      tpu.wait_dma2 semaphore(%arg12 : memref<!tpu.dma_semaphore, #tpu.memory_space<semaphore_mem>>) src(%dma_wait3A_1625 : memref<3x40xi32, #tpu.memory_space<hbm>>) dst(%dma_wait3A_1621 : memref<3x40xi32, #tpu.memory_space<vmem>>)
      %dma_wait3A_1626 = arith.constant 0 : i32
      %dma_wait3A_1627 = arith.constant 0 : i32
      %dma_wait3A_1628 = arith.constant 0 : i32
      %dma_wait3A_1629 = arith.constant 0 : i32
      %dma_wait3A_1630 = arith.constant 0 : i32
      %dma_wait3A_1631 = arith.constant 0 : i32
      %dma_wait3A_1632 = tpu.memref_slice %arg10[%dma_wait3A_1629, %dma_wait3A_1630, %dma_wait3A_1631] : memref<3x3x40xi32, #tpu.memory_space<vmem>> -> memref<1x3x40xi32, #tpu.memory_space<vmem>>
      %dma_wait3A_1633 = tpu.memref_squeeze %dma_wait3A_1632 : memref<1x3x40xi32, #tpu.memory_space<vmem>> -> memref<3x40xi32, #tpu.memory_space<vmem>>
      %dma_wait3A_1634 = arith.constant 0 : i32
      %dma_wait3A_1635 = arith.constant 0 : i32
      %dma_wait3A_1636 = tpu.memref_slice %arg3[%dma_wait3A_1626, %dma_wait3A_1627, %dma_wait3A_1628, %dma_wait3A_1634, %dma_wait3A_1635] : memref<3x32x84x3x40xi32, #tpu.memory_space<hbm>> -> memref<1x1x1x3x40xi32, #tpu.memory_space<hbm>>
      %dma_wait3A_1637 = tpu.memref_squeeze %dma_wait3A_1636 : memref<1x1x1x3x40xi32, #tpu.memory_space<hbm>> -> memref<3x40xi32, #tpu.memory_space<hbm>>
      %dma_wait3A_1638 = arith.constant 0 : i32
      %dma_wait3A_1639 = arith.constant 0 : i32
      %dma_wait3A_1640 = tpu.memref_slice %arg10[%dma_wait3A_1629, %dma_wait3A_1638, %dma_wait3A_1639] : memref<3x3x40xi32, #tpu.memory_space<vmem>> -> memref<1x3x40xi32, #tpu.memory_space<vmem>>
      %dma_wait3A_1641 = tpu.memref_squeeze %dma_wait3A_1640 : memref<1x3x40xi32, #tpu.memory_space<vmem>> -> memref<3x40xi32, #tpu.memory_space<vmem>>
      %dma_wait3A_1642 = arith.constant 0 : i32
      %dma_wait3A_1643 = arith.constant 0 : i32
      %dma_wait3A_1644 = tpu.memref_slice %arg3[%dma_wait3A_1626, %dma_wait3A_1627, %dma_wait3A_1628, %dma_wait3A_1642, %dma_wait3A_1643] : memref<3x32x84x3x40xi32, #tpu.memory_space<hbm>> -> memref<1x1x1x3x40xi32, #tpu.memory_space<hbm>>
      %dma_wait3A_1645 = tpu.memref_squeeze %dma_wait3A_1644 : memref<1x1x1x3x40xi32, #tpu.memory_space<hbm>> -> memref<3x40xi32, #tpu.memory_space<hbm>>
      tpu.wait_dma2 semaphore(%arg12 : memref<!tpu.dma_semaphore, #tpu.memory_space<semaphore_mem>>) src(%dma_wait3A_1645 : memref<3x40xi32, #tpu.memory_space<hbm>>) dst(%dma_wait3A_1641 : memref<3x40xi32, #tpu.memory_space<vmem>>)
      %dma_wait3A_1646 = arith.constant 0 : i32
      %dma_wait3A_1647 = arith.constant 0 : i32
      %dma_wait3A_1648 = arith.constant 0 : i32
      %dma_wait3A_1649 = arith.constant 0 : i32
      %dma_wait3A_1650 = arith.constant 0 : i32
      %dma_wait3A_1651 = arith.constant 0 : i32
      %dma_wait3A_1652 = tpu.memref_slice %arg11[%dma_wait3A_1646, %dma_wait3A_1647, %dma_wait3A_1650, %dma_wait3A_1651] : memref<2x3x40x128xf32, #tpu.memory_space<vmem>> -> memref<1x1x40x128xf32, #tpu.memory_space<vmem>>
      %dma_wait3A_1653 = tpu.memref_squeeze %dma_wait3A_1652 : memref<1x1x40x128xf32, #tpu.memory_space<vmem>> -> memref<40x128xf32, #tpu.memory_space<vmem>>
      %dma_wait3A_1654 = arith.constant 0 : i32
      %dma_wait3A_1655 = tpu.memref_slice %arg10[%dma_wait3A_1648, %dma_wait3A_1649, %dma_wait3A_1654] : memref<3x3x40xi32, #tpu.memory_space<vmem>> -> memref<1x1x40xi32, #tpu.memory_space<vmem>>
      %dma_wait3A_1656 = tpu.memref_squeeze %dma_wait3A_1655 : memref<1x1x40xi32, #tpu.memory_space<vmem>> -> memref<40xi32, #tpu.memory_space<vmem>>
      %dma_wait3A_1657 = arith.constant 0 : i32
      %dma_wait3A_1658 = arith.constant 0 : i32
      %dma_wait3A_1659 = tpu.memref_slice %arg15[%dma_wait3A_1657, %dma_wait3A_1658] : memref<10240x128xf32, #tpu.memory_space<vmem_shared>> -> memref<10240x128xf32, #tpu.memory_space<vmem_shared>>
      tpu.wait_indirect_dma semaphore(%arg14 : memref<!tpu.dma_semaphore, #tpu.memory_space<semaphore_mem>>) src(%dma_wait3A_1653 : memref<40x128xf32, #tpu.memory_space<vmem>>) dst(%dma_wait3A_1659 : memref<10240x128xf32, #tpu.memory_space<vmem_shared>>)
      %dma_wait3A_1660 = arith.constant 0 : i32
      %dma_wait3A_1661 = arith.constant 1 : i32
      %dma_wait3A_1662 = arith.constant 0 : i32
      %dma_wait3A_1663 = arith.constant 1 : i32
      %dma_wait3A_1664 = arith.constant 0 : i32
      %dma_wait3A_1665 = arith.constant 0 : i32
      %dma_wait3A_1666 = tpu.memref_slice %arg11[%dma_wait3A_1660, %dma_wait3A_1661, %dma_wait3A_1664, %dma_wait3A_1665] : memref<2x3x40x128xf32, #tpu.memory_space<vmem>> -> memref<1x1x40x128xf32, #tpu.memory_space<vmem>>
      %dma_wait3A_1667 = tpu.memref_squeeze %dma_wait3A_1666 : memref<1x1x40x128xf32, #tpu.memory_space<vmem>> -> memref<40x128xf32, #tpu.memory_space<vmem>>
      %dma_wait3A_1668 = arith.constant 0 : i32
      %dma_wait3A_1669 = tpu.memref_slice %arg10[%dma_wait3A_1662, %dma_wait3A_1663, %dma_wait3A_1668] : memref<3x3x40xi32, #tpu.memory_space<vmem>> -> memref<1x1x40xi32, #tpu.memory_space<vmem>>
      %dma_wait3A_1670 = tpu.memref_squeeze %dma_wait3A_1669 : memref<1x1x40xi32, #tpu.memory_space<vmem>> -> memref<40xi32, #tpu.memory_space<vmem>>
      %dma_wait3A_1671 = arith.constant 0 : i32
      %dma_wait3A_1672 = arith.constant 0 : i32
      %dma_wait3A_1673 = tpu.memref_slice %arg15[%dma_wait3A_1671, %dma_wait3A_1672] : memref<10240x128xf32, #tpu.memory_space<vmem_shared>> -> memref<10240x128xf32, #tpu.memory_space<vmem_shared>>
      tpu.wait_indirect_dma semaphore(%arg14 : memref<!tpu.dma_semaphore, #tpu.memory_space<semaphore_mem>>) src(%dma_wait3A_1667 : memref<40x128xf32, #tpu.memory_space<vmem>>) dst(%dma_wait3A_1673 : memref<10240x128xf32, #tpu.memory_space<vmem_shared>>)
      %dma_wait3A_1674 = arith.constant 0 : i32
      %dma_wait3A_1675 = arith.constant 2 : i32
      %dma_wait3A_1676 = arith.constant 0 : i32
      %dma_wait3A_1677 = arith.constant 2 : i32
      %dma_wait3A_1678 = arith.constant 0 : i32
      %dma_wait3A_1679 = arith.constant 0 : i32
      %dma_wait3A_1680 = tpu.memref_slice %arg11[%dma_wait3A_1674, %dma_wait3A_1675, %dma_wait3A_1678, %dma_wait3A_1679] : memref<2x3x40x128xf32, #tpu.memory_space<vmem>> -> memref<1x1x40x128xf32, #tpu.memory_space<vmem>>
      %dma_wait3A_1681 = tpu.memref_squeeze %dma_wait3A_1680 : memref<1x1x40x128xf32, #tpu.memory_space<vmem>> -> memref<40x128xf32, #tpu.memory_space<vmem>>
      %dma_wait3A_1682 = arith.constant 0 : i32
      %dma_wait3A_1683 = tpu.memref_slice %arg10[%dma_wait3A_1676, %dma_wait3A_1677, %dma_wait3A_1682] : memref<3x3x40xi32, #tpu.memory_space<vmem>> -> memref<1x1x40xi32, #tpu.memory_space<vmem>>
      %dma_wait3A_1684 = tpu.memref_squeeze %dma_wait3A_1683 : memref<1x1x40xi32, #tpu.memory_space<vmem>> -> memref<40xi32, #tpu.memory_space<vmem>>
      %dma_wait3A_1685 = arith.constant 0 : i32
      %dma_wait3A_1686 = arith.constant 0 : i32
      %dma_wait3A_1687 = tpu.memref_slice %arg15[%dma_wait3A_1685, %dma_wait3A_1686] : memref<10240x128xf32, #tpu.memory_space<vmem_shared>> -> memref<10240x128xf32, #tpu.memory_space<vmem_shared>>
      tpu.wait_indirect_dma semaphore(%arg14 : memref<!tpu.dma_semaphore, #tpu.memory_space<semaphore_mem>>) src(%dma_wait3A_1681 : memref<40x128xf32, #tpu.memory_space<vmem>>) dst(%dma_wait3A_1687 : memref<10240x128xf32, #tpu.memory_space<vmem_shared>>)
      %add3A_1688 = arith.constant 1 : i32
      %add3A_1689 = arith.addi %scan3A_1561, %add3A_1688 : i32
      %rem3A_1690 = arith.constant 3 : i32
      %rem3A_1691 = arith.remsi %add3A_1689, %rem3A_1690 : i32
      %dma_start3A_1692 = arith.constant 0 : i32
      %dma_start3A_1693 = arith.constant 0 : i32
      %dma_start3A_1694 = arith.constant 0 : i32
      %dma_start3A_1695 = arith.constant 0 : i32
      %dma_start3A_1696 = tpu.memref_slice %arg11[%sub3A_1563, %dma_start3A_1693, %dma_start3A_1694, %dma_start3A_1695] : memref<2x3x40x128xf32, #tpu.memory_space<vmem>> -> memref<1x1x40x128xf32, #tpu.memory_space<vmem>>
      %dma_start3A_1697 = tpu.memref_squeeze %dma_start3A_1696 : memref<1x1x40x128xf32, #tpu.memory_space<vmem>> -> memref<40x128xf32, #tpu.memory_space<vmem>>
      %dma_start3A_1698 = arith.constant 0 : i32
      %dma_start3A_1699 = tpu.memref_slice %arg9[%rem3A_1691, %dma_start3A_1692, %dma_start3A_1698] : memref<3x3x40xi32, #tpu.memory_space<vmem>> -> memref<1x1x40xi32, #tpu.memory_space<vmem>>
      %dma_start3A_1700 = tpu.memref_squeeze %dma_start3A_1699 : memref<1x1x40xi32, #tpu.memory_space<vmem>> -> memref<40xi32, #tpu.memory_space<vmem>>
      %dma_start3A_1701 = arith.constant 0 : i32
      %dma_start3A_1702 = arith.constant 0 : i32
      %dma_start3A_1703 = tpu.memref_slice %arg7[%dma_start3A_1701, %dma_start3A_1702] : memref<10000x128xf32, #tpu.memory_space<hbm>> -> memref<10000x128xf32, #tpu.memory_space<hbm>>
      tpu.enqueue_indirect_dma source(%dma_start3A_1703 : memref<10000x128xf32, #tpu.memory_space<hbm>>) target(%dma_start3A_1697 : memref<40x128xf32, #tpu.memory_space<vmem>>) offsets(%dma_start3A_1700 : memref<40xi32, #tpu.memory_space<vmem>>) semaphore(%arg13 : memref<!tpu.dma_semaphore, #tpu.memory_space<semaphore_mem>>)
      %dma_start3A_1704 = arith.constant 1 : i32
      %dma_start3A_1705 = arith.constant 1 : i32
      %dma_start3A_1706 = arith.constant 0 : i32
      %dma_start3A_1707 = arith.constant 0 : i32
      %dma_start3A_1708 = tpu.memref_slice %arg11[%sub3A_1563, %dma_start3A_1705, %dma_start3A_1706, %dma_start3A_1707] : memref<2x3x40x128xf32, #tpu.memory_space<vmem>> -> memref<1x1x40x128xf32, #tpu.memory_space<vmem>>
      %dma_start3A_1709 = tpu.memref_squeeze %dma_start3A_1708 : memref<1x1x40x128xf32, #tpu.memory_space<vmem>> -> memref<40x128xf32, #tpu.memory_space<vmem>>
      %dma_start3A_1710 = arith.constant 0 : i32
      %dma_start3A_1711 = tpu.memref_slice %arg9[%rem3A_1691, %dma_start3A_1704, %dma_start3A_1710] : memref<3x3x40xi32, #tpu.memory_space<vmem>> -> memref<1x1x40xi32, #tpu.memory_space<vmem>>
      %dma_start3A_1712 = tpu.memref_squeeze %dma_start3A_1711 : memref<1x1x40xi32, #tpu.memory_space<vmem>> -> memref<40xi32, #tpu.memory_space<vmem>>
      %dma_start3A_1713 = arith.constant 0 : i32
      %dma_start3A_1714 = arith.constant 0 : i32
      %dma_start3A_1715 = tpu.memref_slice %arg7[%dma_start3A_1713, %dma_start3A_1714] : memref<10000x128xf32, #tpu.memory_space<hbm>> -> memref<10000x128xf32, #tpu.memory_space<hbm>>
      tpu.enqueue_indirect_dma source(%dma_start3A_1715 : memref<10000x128xf32, #tpu.memory_space<hbm>>) target(%dma_start3A_1709 : memref<40x128xf32, #tpu.memory_space<vmem>>) offsets(%dma_start3A_1712 : memref<40xi32, #tpu.memory_space<vmem>>) semaphore(%arg13 : memref<!tpu.dma_semaphore, #tpu.memory_space<semaphore_mem>>)
      %dma_start3A_1716 = arith.constant 2 : i32
      %dma_start3A_1717 = arith.constant 2 : i32
      %dma_start3A_1718 = arith.constant 0 : i32
      %dma_start3A_1719 = arith.constant 0 : i32
      %dma_start3A_1720 = tpu.memref_slice %arg11[%sub3A_1563, %dma_start3A_1717, %dma_start3A_1718, %dma_start3A_1719] : memref<2x3x40x128xf32, #tpu.memory_space<vmem>> -> memref<1x1x40x128xf32, #tpu.memory_space<vmem>>
      %dma_start3A_1721 = tpu.memref_squeeze %dma_start3A_1720 : memref<1x1x40x128xf32, #tpu.memory_space<vmem>> -> memref<40x128xf32, #tpu.memory_space<vmem>>
      %dma_start3A_1722 = arith.constant 0 : i32
      %dma_start3A_1723 = tpu.memref_slice %arg9[%rem3A_1691, %dma_start3A_1716, %dma_start3A_1722] : memref<3x3x40xi32, #tpu.memory_space<vmem>> -> memref<1x1x40xi32, #tpu.memory_space<vmem>>
      %dma_start3A_1724 = tpu.memref_squeeze %dma_start3A_1723 : memref<1x1x40xi32, #tpu.memory_space<vmem>> -> memref<40xi32, #tpu.memory_space<vmem>>
      %dma_start3A_1725 = arith.constant 0 : i32
      %dma_start3A_1726 = arith.constant 0 : i32
      %dma_start3A_1727 = tpu.memref_slice %arg7[%dma_start3A_1725, %dma_start3A_1726] : memref<10000x128xf32, #tpu.memory_space<hbm>> -> memref<10000x128xf32, #tpu.memory_space<hbm>>
      tpu.enqueue_indirect_dma source(%dma_start3A_1727 : memref<10000x128xf32, #tpu.memory_space<hbm>>) target(%dma_start3A_1721 : memref<40x128xf32, #tpu.memory_space<vmem>>) offsets(%dma_start3A_1724 : memref<40xi32, #tpu.memory_space<vmem>>) semaphore(%arg13 : memref<!tpu.dma_semaphore, #tpu.memory_space<semaphore_mem>>)
      %dma_wait3A_1728 = arith.constant 0 : i32
      %dma_wait3A_1729 = arith.constant 0 : i32
      %dma_wait3A_1730 = arith.constant 0 : i32
      %dma_wait3A_1731 = arith.constant 0 : i32
      %dma_wait3A_1732 = arith.constant 0 : i32
      %dma_wait3A_1733 = arith.constant 0 : i32
      %dma_wait3A_1734 = tpu.memref_slice %arg11[%dma_wait3A_1730, %dma_wait3A_1731, %dma_wait3A_1732, %dma_wait3A_1733] : memref<2x3x40x128xf32, #tpu.memory_space<vmem>> -> memref<1x1x40x128xf32, #tpu.memory_space<vmem>>
      %dma_wait3A_1735 = tpu.memref_squeeze %dma_wait3A_1734 : memref<1x1x40x128xf32, #tpu.memory_space<vmem>> -> memref<40x128xf32, #tpu.memory_space<vmem>>
      %dma_wait3A_1736 = arith.constant 0 : i32
      %dma_wait3A_1737 = tpu.memref_slice %arg9[%dma_wait3A_1728, %dma_wait3A_1729, %dma_wait3A_1736] : memref<3x3x40xi32, #tpu.memory_space<vmem>> -> memref<1x1x40xi32, #tpu.memory_space<vmem>>
      %dma_wait3A_1738 = tpu.memref_squeeze %dma_wait3A_1737 : memref<1x1x40xi32, #tpu.memory_space<vmem>> -> memref<40xi32, #tpu.memory_space<vmem>>
      %dma_wait3A_1739 = arith.constant 0 : i32
      %dma_wait3A_1740 = arith.constant 0 : i32
      %dma_wait3A_1741 = tpu.memref_slice %arg7[%dma_wait3A_1739, %dma_wait3A_1740] : memref<10000x128xf32, #tpu.memory_space<hbm>> -> memref<10000x128xf32, #tpu.memory_space<hbm>>
      tpu.wait_indirect_dma semaphore(%arg13 : memref<!tpu.dma_semaphore, #tpu.memory_space<semaphore_mem>>) src(%dma_wait3A_1741 : memref<10000x128xf32, #tpu.memory_space<hbm>>) dst(%dma_wait3A_1735 : memref<40x128xf32, #tpu.memory_space<vmem>>)
      %dma_wait3A_1742 = arith.constant 0 : i32
      %dma_wait3A_1743 = arith.constant 0 : i32
      %dma_wait3A_1744 = arith.constant 0 : i32
      %dma_wait3A_1745 = arith.constant 1 : i32
      %dma_wait3A_1746 = arith.constant 0 : i32
      %dma_wait3A_1747 = arith.constant 0 : i32
      %dma_wait3A_1748 = tpu.memref_slice %arg11[%dma_wait3A_1744, %dma_wait3A_1745, %dma_wait3A_1746, %dma_wait3A_1747] : memref<2x3x40x128xf32, #tpu.memory_space<vmem>> -> memref<1x1x40x128xf32, #tpu.memory_space<vmem>>
      %dma_wait3A_1749 = tpu.memref_squeeze %dma_wait3A_1748 : memref<1x1x40x128xf32, #tpu.memory_space<vmem>> -> memref<40x128xf32, #tpu.memory_space<vmem>>
      %dma_wait3A_1750 = arith.constant 0 : i32
      %dma_wait3A_1751 = tpu.memref_slice %arg9[%dma_wait3A_1742, %dma_wait3A_1743, %dma_wait3A_1750] : memref<3x3x40xi32, #tpu.memory_space<vmem>> -> memref<1x1x40xi32, #tpu.memory_space<vmem>>
      %dma_wait3A_1752 = tpu.memref_squeeze %dma_wait3A_1751 : memref<1x1x40xi32, #tpu.memory_space<vmem>> -> memref<40xi32, #tpu.memory_space<vmem>>
      %dma_wait3A_1753 = arith.constant 0 : i32
      %dma_wait3A_1754 = arith.constant 0 : i32
      %dma_wait3A_1755 = tpu.memref_slice %arg7[%dma_wait3A_1753, %dma_wait3A_1754] : memref<10000x128xf32, #tpu.memory_space<hbm>> -> memref<10000x128xf32, #tpu.memory_space<hbm>>
      tpu.wait_indirect_dma semaphore(%arg13 : memref<!tpu.dma_semaphore, #tpu.memory_space<semaphore_mem>>) src(%dma_wait3A_1755 : memref<10000x128xf32, #tpu.memory_space<hbm>>) dst(%dma_wait3A_1749 : memref<40x128xf32, #tpu.memory_space<vmem>>)
      %dma_wait3A_1756 = arith.constant 0 : i32
      %dma_wait3A_1757 = arith.constant 0 : i32
      %dma_wait3A_1758 = arith.constant 0 : i32
      %dma_wait3A_1759 = arith.constant 2 : i32
      %dma_wait3A_1760 = arith.constant 0 : i32
      %dma_wait3A_1761 = arith.constant 0 : i32
      %dma_wait3A_1762 = tpu.memref_slice %arg11[%dma_wait3A_1758, %dma_wait3A_1759, %dma_wait3A_1760, %dma_wait3A_1761] : memref<2x3x40x128xf32, #tpu.memory_space<vmem>> -> memref<1x1x40x128xf32, #tpu.memory_space<vmem>>
      %dma_wait3A_1763 = tpu.memref_squeeze %dma_wait3A_1762 : memref<1x1x40x128xf32, #tpu.memory_space<vmem>> -> memref<40x128xf32, #tpu.memory_space<vmem>>
      %dma_wait3A_1764 = arith.constant 0 : i32
      %dma_wait3A_1765 = tpu.memref_slice %arg9[%dma_wait3A_1756, %dma_wait3A_1757, %dma_wait3A_1764] : memref<3x3x40xi32, #tpu.memory_space<vmem>> -> memref<1x1x40xi32, #tpu.memory_space<vmem>>
      %dma_wait3A_1766 = tpu.memref_squeeze %dma_wait3A_1765 : memref<1x1x40xi32, #tpu.memory_space<vmem>> -> memref<40xi32, #tpu.memory_space<vmem>>
      %dma_wait3A_1767 = arith.constant 0 : i32
      %dma_wait3A_1768 = arith.constant 0 : i32
      %dma_wait3A_1769 = tpu.memref_slice %arg7[%dma_wait3A_1767, %dma_wait3A_1768] : memref<10000x128xf32, #tpu.memory_space<hbm>> -> memref<10000x128xf32, #tpu.memory_space<hbm>>
      tpu.wait_indirect_dma semaphore(%arg13 : memref<!tpu.dma_semaphore, #tpu.memory_space<semaphore_mem>>) src(%dma_wait3A_1769 : memref<10000x128xf32, #tpu.memory_space<hbm>>) dst(%dma_wait3A_1763 : memref<40x128xf32, #tpu.memory_space<vmem>>)
      %rem3A_1770 = arith.constant 3 : i32
      %rem3A_1771 = arith.remsi %scan3A_1561, %rem3A_1770 : i32
      %dma_start3A_1772 = arith.constant 0 : i32
      %dma_start3A_1773 = arith.constant 0 : i32
      %dma_start3A_1774 = arith.constant 0 : i32
      %dma_start3A_1775 = arith.constant 0 : i32
      %dma_start3A_1776 = tpu.memref_slice %arg11[%rem3A_1562, %dma_start3A_1772, %dma_start3A_1774, %dma_start3A_1775] : memref<2x3x40x128xf32, #tpu.memory_space<vmem>> -> memref<1x1x40x128xf32, #tpu.memory_space<vmem>>
      %dma_start3A_1777 = tpu.memref_squeeze %dma_start3A_1776 : memref<1x1x40x128xf32, #tpu.memory_space<vmem>> -> memref<40x128xf32, #tpu.memory_space<vmem>>
      %dma_start3A_1778 = arith.constant 0 : i32
      %dma_start3A_1779 = tpu.memref_slice %arg10[%rem3A_1771, %dma_start3A_1773, %dma_start3A_1778] : memref<3x3x40xi32, #tpu.memory_space<vmem>> -> memref<1x1x40xi32, #tpu.memory_space<vmem>>
      %dma_start3A_1780 = tpu.memref_squeeze %dma_start3A_1779 : memref<1x1x40xi32, #tpu.memory_space<vmem>> -> memref<40xi32, #tpu.memory_space<vmem>>
      %dma_start3A_1781 = arith.constant 0 : i32
      %dma_start3A_1782 = arith.constant 0 : i32
      %dma_start3A_1783 = tpu.memref_slice %arg15[%dma_start3A_1781, %dma_start3A_1782] : memref<10240x128xf32, #tpu.memory_space<vmem_shared>> -> memref<10240x128xf32, #tpu.memory_space<vmem_shared>>
      tpu.enqueue_indirect_dma source(%dma_start3A_1777 : memref<40x128xf32, #tpu.memory_space<vmem>>) target(%dma_start3A_1783 : memref<10240x128xf32, #tpu.memory_space<vmem_shared>>) offsets(%dma_start3A_1780 : memref<40xi32, #tpu.memory_space<vmem>>) semaphore(%arg14 : memref<!tpu.dma_semaphore, #tpu.memory_space<semaphore_mem>>) {add = true}
      %dma_start3A_1784 = arith.constant 1 : i32
      %dma_start3A_1785 = arith.constant 1 : i32
      %dma_start3A_1786 = arith.constant 0 : i32
      %dma_start3A_1787 = arith.constant 0 : i32
      %dma_start3A_1788 = tpu.memref_slice %arg11[%rem3A_1562, %dma_start3A_1784, %dma_start3A_1786, %dma_start3A_1787] : memref<2x3x40x128xf32, #tpu.memory_space<vmem>> -> memref<1x1x40x128xf32, #tpu.memory_space<vmem>>
      %dma_start3A_1789 = tpu.memref_squeeze %dma_start3A_1788 : memref<1x1x40x128xf32, #tpu.memory_space<vmem>> -> memref<40x128xf32, #tpu.memory_space<vmem>>
      %dma_start3A_1790 = arith.constant 0 : i32
      %dma_start3A_1791 = tpu.memref_slice %arg10[%rem3A_1771, %dma_start3A_1785, %dma_start3A_1790] : memref<3x3x40xi32, #tpu.memory_space<vmem>> -> memref<1x1x40xi32, #tpu.memory_space<vmem>>
      %dma_start3A_1792 = tpu.memref_squeeze %dma_start3A_1791 : memref<1x1x40xi32, #tpu.memory_space<vmem>> -> memref<40xi32, #tpu.memory_space<vmem>>
      %dma_start3A_1793 = arith.constant 0 : i32
      %dma_start3A_1794 = arith.constant 0 : i32
      %dma_start3A_1795 = tpu.memref_slice %arg15[%dma_start3A_1793, %dma_start3A_1794] : memref<10240x128xf32, #tpu.memory_space<vmem_shared>> -> memref<10240x128xf32, #tpu.memory_space<vmem_shared>>
      tpu.enqueue_indirect_dma source(%dma_start3A_1789 : memref<40x128xf32, #tpu.memory_space<vmem>>) target(%dma_start3A_1795 : memref<10240x128xf32, #tpu.memory_space<vmem_shared>>) offsets(%dma_start3A_1792 : memref<40xi32, #tpu.memory_space<vmem>>) semaphore(%arg14 : memref<!tpu.dma_semaphore, #tpu.memory_space<semaphore_mem>>) {add = true}
      %dma_start3A_1796 = arith.constant 2 : i32
      %dma_start3A_1797 = arith.constant 2 : i32
      %dma_start3A_1798 = arith.constant 0 : i32
      %dma_start3A_1799 = arith.constant 0 : i32
      %dma_start3A_1800 = tpu.memref_slice %arg11[%rem3A_1562, %dma_start3A_1796, %dma_start3A_1798, %dma_start3A_1799] : memref<2x3x40x128xf32, #tpu.memory_space<vmem>> -> memref<1x1x40x128xf32, #tpu.memory_space<vmem>>
      %dma_start3A_1801 = tpu.memref_squeeze %dma_start3A_1800 : memref<1x1x40x128xf32, #tpu.memory_space<vmem>> -> memref<40x128xf32, #tpu.memory_space<vmem>>
      %dma_start3A_1802 = arith.constant 0 : i32
      %dma_start3A_1803 = tpu.memref_slice %arg10[%rem3A_1771, %dma_start3A_1797, %dma_start3A_1802] : memref<3x3x40xi32, #tpu.memory_space<vmem>> -> memref<1x1x40xi32, #tpu.memory_space<vmem>>
      %dma_start3A_1804 = tpu.memref_squeeze %dma_start3A_1803 : memref<1x1x40xi32, #tpu.memory_space<vmem>> -> memref<40xi32, #tpu.memory_space<vmem>>
      %dma_start3A_1805 = arith.constant 0 : i32
      %dma_start3A_1806 = arith.constant 0 : i32
      %dma_start3A_1807 = tpu.memref_slice %arg15[%dma_start3A_1805, %dma_start3A_1806] : memref<10240x128xf32, #tpu.memory_space<vmem_shared>> -> memref<10240x128xf32, #tpu.memory_space<vmem_shared>>
      tpu.enqueue_indirect_dma source(%dma_start3A_1801 : memref<40x128xf32, #tpu.memory_space<vmem>>) target(%dma_start3A_1807 : memref<10240x128xf32, #tpu.memory_space<vmem_shared>>) offsets(%dma_start3A_1804 : memref<40xi32, #tpu.memory_space<vmem>>) semaphore(%arg14 : memref<!tpu.dma_semaphore, #tpu.memory_space<semaphore_mem>>) {add = true}
    }
    %scan3A_1409 = arith.constant 83 : i32
    %dma_wait3A_1410 = arith.constant 0 : i32
    %dma_wait3A_1411 = arith.constant 0 : i32
    %dma_wait3A_1412 = arith.constant 0 : i32
    %dma_wait3A_1413 = arith.constant 0 : i32
    %dma_wait3A_1414 = arith.constant 0 : i32
    %dma_wait3A_1415 = arith.constant 0 : i32
    %dma_wait3A_1416 = tpu.memref_slice %arg11[%dma_wait3A_1412, %dma_wait3A_1413, %dma_wait3A_1414, %dma_wait3A_1415] : memref<2x3x40x128xf32, #tpu.memory_space<vmem>> -> memref<1x1x40x128xf32, #tpu.memory_space<vmem>>
    %dma_wait3A_1417 = tpu.memref_squeeze %dma_wait3A_1416 : memref<1x1x40x128xf32, #tpu.memory_space<vmem>> -> memref<40x128xf32, #tpu.memory_space<vmem>>
    %dma_wait3A_1418 = arith.constant 0 : i32
    %dma_wait3A_1419 = tpu.memref_slice %arg9[%dma_wait3A_1410, %dma_wait3A_1411, %dma_wait3A_1418] : memref<3x3x40xi32, #tpu.memory_space<vmem>> -> memref<1x1x40xi32, #tpu.memory_space<vmem>>
    %dma_wait3A_1420 = tpu.memref_squeeze %dma_wait3A_1419 : memref<1x1x40xi32, #tpu.memory_space<vmem>> -> memref<40xi32, #tpu.memory_space<vmem>>
    %dma_wait3A_1421 = arith.constant 0 : i32
    %dma_wait3A_1422 = arith.constant 0 : i32
    %dma_wait3A_1423 = tpu.memref_slice %arg7[%dma_wait3A_1421, %dma_wait3A_1422] : memref<10000x128xf32, #tpu.memory_space<hbm>> -> memref<10000x128xf32, #tpu.memory_space<hbm>>
    tpu.wait_indirect_dma semaphore(%arg13 : memref<!tpu.dma_semaphore, #tpu.memory_space<semaphore_mem>>) src(%dma_wait3A_1423 : memref<10000x128xf32, #tpu.memory_space<hbm>>) dst(%dma_wait3A_1417 : memref<40x128xf32, #tpu.memory_space<vmem>>)
    %dma_wait3A_1424 = arith.constant 0 : i32
    %dma_wait3A_1425 = arith.constant 0 : i32
    %dma_wait3A_1426 = arith.constant 0 : i32
    %dma_wait3A_1427 = arith.constant 1 : i32
    %dma_wait3A_1428 = arith.constant 0 : i32
    %dma_wait3A_1429 = arith.constant 0 : i32
    %dma_wait3A_1430 = tpu.memref_slice %arg11[%dma_wait3A_1426, %dma_wait3A_1427, %dma_wait3A_1428, %dma_wait3A_1429] : memref<2x3x40x128xf32, #tpu.memory_space<vmem>> -> memref<1x1x40x128xf32, #tpu.memory_space<vmem>>
    %dma_wait3A_1431 = tpu.memref_squeeze %dma_wait3A_1430 : memref<1x1x40x128xf32, #tpu.memory_space<vmem>> -> memref<40x128xf32, #tpu.memory_space<vmem>>
    %dma_wait3A_1432 = arith.constant 0 : i32
    %dma_wait3A_1433 = tpu.memref_slice %arg9[%dma_wait3A_1424, %dma_wait3A_1425, %dma_wait3A_1432] : memref<3x3x40xi32, #tpu.memory_space<vmem>> -> memref<1x1x40xi32, #tpu.memory_space<vmem>>
    %dma_wait3A_1434 = tpu.memref_squeeze %dma_wait3A_1433 : memref<1x1x40xi32, #tpu.memory_space<vmem>> -> memref<40xi32, #tpu.memory_space<vmem>>
    %dma_wait3A_1435 = arith.constant 0 : i32
    %dma_wait3A_1436 = arith.constant 0 : i32
    %dma_wait3A_1437 = tpu.memref_slice %arg7[%dma_wait3A_1435, %dma_wait3A_1436] : memref<10000x128xf32, #tpu.memory_space<hbm>> -> memref<10000x128xf32, #tpu.memory_space<hbm>>
    tpu.wait_indirect_dma semaphore(%arg13 : memref<!tpu.dma_semaphore, #tpu.memory_space<semaphore_mem>>) src(%dma_wait3A_1437 : memref<10000x128xf32, #tpu.memory_space<hbm>>) dst(%dma_wait3A_1431 : memref<40x128xf32, #tpu.memory_space<vmem>>)
    %dma_wait3A_1438 = arith.constant 0 : i32
    %dma_wait3A_1439 = arith.constant 0 : i32
    %dma_wait3A_1440 = arith.constant 0 : i32
    %dma_wait3A_1441 = arith.constant 2 : i32
    %dma_wait3A_1442 = arith.constant 0 : i32
    %dma_wait3A_1443 = arith.constant 0 : i32
    %dma_wait3A_1444 = tpu.memref_slice %arg11[%dma_wait3A_1440, %dma_wait3A_1441, %dma_wait3A_1442, %dma_wait3A_1443] : memref<2x3x40x128xf32, #tpu.memory_space<vmem>> -> memref<1x1x40x128xf32, #tpu.memory_space<vmem>>
    %dma_wait3A_1445 = tpu.memref_squeeze %dma_wait3A_1444 : memref<1x1x40x128xf32, #tpu.memory_space<vmem>> -> memref<40x128xf32, #tpu.memory_space<vmem>>
    %dma_wait3A_1446 = arith.constant 0 : i32
    %dma_wait3A_1447 = tpu.memref_slice %arg9[%dma_wait3A_1438, %dma_wait3A_1439, %dma_wait3A_1446] : memref<3x3x40xi32, #tpu.memory_space<vmem>> -> memref<1x1x40xi32, #tpu.memory_space<vmem>>
    %dma_wait3A_1448 = tpu.memref_squeeze %dma_wait3A_1447 : memref<1x1x40xi32, #tpu.memory_space<vmem>> -> memref<40xi32, #tpu.memory_space<vmem>>
    %dma_wait3A_1449 = arith.constant 0 : i32
    %dma_wait3A_1450 = arith.constant 0 : i32
    %dma_wait3A_1451 = tpu.memref_slice %arg7[%dma_wait3A_1449, %dma_wait3A_1450] : memref<10000x128xf32, #tpu.memory_space<hbm>> -> memref<10000x128xf32, #tpu.memory_space<hbm>>
    tpu.wait_indirect_dma semaphore(%arg13 : memref<!tpu.dma_semaphore, #tpu.memory_space<semaphore_mem>>) src(%dma_wait3A_1451 : memref<10000x128xf32, #tpu.memory_space<hbm>>) dst(%dma_wait3A_1445 : memref<40x128xf32, #tpu.memory_space<vmem>>)
    %dma_wait3A_1452 = arith.constant 0 : i32
    %dma_wait3A_1453 = arith.constant 0 : i32
    %dma_wait3A_1454 = arith.constant 0 : i32
    %dma_wait3A_1455 = arith.constant 0 : i32
    %dma_wait3A_1456 = arith.constant 0 : i32
    %dma_wait3A_1457 = arith.constant 0 : i32
    %dma_wait3A_1458 = tpu.memref_slice %arg11[%dma_wait3A_1452, %dma_wait3A_1453, %dma_wait3A_1456, %dma_wait3A_1457] : memref<2x3x40x128xf32, #tpu.memory_space<vmem>> -> memref<1x1x40x128xf32, #tpu.memory_space<vmem>>
    %dma_wait3A_1459 = tpu.memref_squeeze %dma_wait3A_1458 : memref<1x1x40x128xf32, #tpu.memory_space<vmem>> -> memref<40x128xf32, #tpu.memory_space<vmem>>
    %dma_wait3A_1460 = arith.constant 0 : i32
    %dma_wait3A_1461 = tpu.memref_slice %arg10[%dma_wait3A_1454, %dma_wait3A_1455, %dma_wait3A_1460] : memref<3x3x40xi32, #tpu.memory_space<vmem>> -> memref<1x1x40xi32, #tpu.memory_space<vmem>>
    %dma_wait3A_1462 = tpu.memref_squeeze %dma_wait3A_1461 : memref<1x1x40xi32, #tpu.memory_space<vmem>> -> memref<40xi32, #tpu.memory_space<vmem>>
    %dma_wait3A_1463 = arith.constant 0 : i32
    %dma_wait3A_1464 = arith.constant 0 : i32
    %dma_wait3A_1465 = tpu.memref_slice %arg15[%dma_wait3A_1463, %dma_wait3A_1464] : memref<10240x128xf32, #tpu.memory_space<vmem_shared>> -> memref<10240x128xf32, #tpu.memory_space<vmem_shared>>
    tpu.wait_indirect_dma semaphore(%arg14 : memref<!tpu.dma_semaphore, #tpu.memory_space<semaphore_mem>>) src(%dma_wait3A_1459 : memref<40x128xf32, #tpu.memory_space<vmem>>) dst(%dma_wait3A_1465 : memref<10240x128xf32, #tpu.memory_space<vmem_shared>>)
    %dma_wait3A_1466 = arith.constant 0 : i32
    %dma_wait3A_1467 = arith.constant 1 : i32
    %dma_wait3A_1468 = arith.constant 0 : i32
    %dma_wait3A_1469 = arith.constant 1 : i32
    %dma_wait3A_1470 = arith.constant 0 : i32
    %dma_wait3A_1471 = arith.constant 0 : i32
    %dma_wait3A_1472 = tpu.memref_slice %arg11[%dma_wait3A_1466, %dma_wait3A_1467, %dma_wait3A_1470, %dma_wait3A_1471] : memref<2x3x40x128xf32, #tpu.memory_space<vmem>> -> memref<1x1x40x128xf32, #tpu.memory_space<vmem>>
    %dma_wait3A_1473 = tpu.memref_squeeze %dma_wait3A_1472 : memref<1x1x40x128xf32, #tpu.memory_space<vmem>> -> memref<40x128xf32, #tpu.memory_space<vmem>>
    %dma_wait3A_1474 = arith.constant 0 : i32
    %dma_wait3A_1475 = tpu.memref_slice %arg10[%dma_wait3A_1468, %dma_wait3A_1469, %dma_wait3A_1474] : memref<3x3x40xi32, #tpu.memory_space<vmem>> -> memref<1x1x40xi32, #tpu.memory_space<vmem>>
    %dma_wait3A_1476 = tpu.memref_squeeze %dma_wait3A_1475 : memref<1x1x40xi32, #tpu.memory_space<vmem>> -> memref<40xi32, #tpu.memory_space<vmem>>
    %dma_wait3A_1477 = arith.constant 0 : i32
    %dma_wait3A_1478 = arith.constant 0 : i32
    %dma_wait3A_1479 = tpu.memref_slice %arg15[%dma_wait3A_1477, %dma_wait3A_1478] : memref<10240x128xf32, #tpu.memory_space<vmem_shared>> -> memref<10240x128xf32, #tpu.memory_space<vmem_shared>>
    tpu.wait_indirect_dma semaphore(%arg14 : memref<!tpu.dma_semaphore, #tpu.memory_space<semaphore_mem>>) src(%dma_wait3A_1473 : memref<40x128xf32, #tpu.memory_space<vmem>>) dst(%dma_wait3A_1479 : memref<10240x128xf32, #tpu.memory_space<vmem_shared>>)
    %dma_wait3A_1480 = arith.constant 0 : i32
    %dma_wait3A_1481 = arith.constant 2 : i32
    %dma_wait3A_1482 = arith.constant 0 : i32
    %dma_wait3A_1483 = arith.constant 2 : i32
    %dma_wait3A_1484 = arith.constant 0 : i32
    %dma_wait3A_1485 = arith.constant 0 : i32
    %dma_wait3A_1486 = tpu.memref_slice %arg11[%dma_wait3A_1480, %dma_wait3A_1481, %dma_wait3A_1484, %dma_wait3A_1485] : memref<2x3x40x128xf32, #tpu.memory_space<vmem>> -> memref<1x1x40x128xf32, #tpu.memory_space<vmem>>
    %dma_wait3A_1487 = tpu.memref_squeeze %dma_wait3A_1486 : memref<1x1x40x128xf32, #tpu.memory_space<vmem>> -> memref<40x128xf32, #tpu.memory_space<vmem>>
    %dma_wait3A_1488 = arith.constant 0 : i32
    %dma_wait3A_1489 = tpu.memref_slice %arg10[%dma_wait3A_1482, %dma_wait3A_1483, %dma_wait3A_1488] : memref<3x3x40xi32, #tpu.memory_space<vmem>> -> memref<1x1x40xi32, #tpu.memory_space<vmem>>
    %dma_wait3A_1490 = tpu.memref_squeeze %dma_wait3A_1489 : memref<1x1x40xi32, #tpu.memory_space<vmem>> -> memref<40xi32, #tpu.memory_space<vmem>>
    %dma_wait3A_1491 = arith.constant 0 : i32
    %dma_wait3A_1492 = arith.constant 0 : i32
    %dma_wait3A_1493 = tpu.memref_slice %arg15[%dma_wait3A_1491, %dma_wait3A_1492] : memref<10240x128xf32, #tpu.memory_space<vmem_shared>> -> memref<10240x128xf32, #tpu.memory_space<vmem_shared>>
    tpu.wait_indirect_dma semaphore(%arg14 : memref<!tpu.dma_semaphore, #tpu.memory_space<semaphore_mem>>) src(%dma_wait3A_1487 : memref<40x128xf32, #tpu.memory_space<vmem>>) dst(%dma_wait3A_1493 : memref<10240x128xf32, #tpu.memory_space<vmem_shared>>)
    %dma_wait3A_1494 = arith.constant 0 : i32
    %dma_wait3A_1495 = arith.constant 0 : i32
    %dma_wait3A_1496 = arith.constant 0 : i32
    %dma_wait3A_1497 = arith.constant 0 : i32
    %dma_wait3A_1498 = arith.constant 0 : i32
    %dma_wait3A_1499 = arith.constant 0 : i32
    %dma_wait3A_1500 = tpu.memref_slice %arg9[%dma_wait3A_1497, %dma_wait3A_1498, %dma_wait3A_1499] : memref<3x3x40xi32, #tpu.memory_space<vmem>> -> memref<1x3x40xi32, #tpu.memory_space<vmem>>
    %dma_wait3A_1501 = tpu.memref_squeeze %dma_wait3A_1500 : memref<1x3x40xi32, #tpu.memory_space<vmem>> -> memref<3x40xi32, #tpu.memory_space<vmem>>
    %dma_wait3A_1502 = arith.constant 0 : i32
    %dma_wait3A_1503 = arith.constant 0 : i32
    %dma_wait3A_1504 = tpu.memref_slice %arg2[%dma_wait3A_1494, %dma_wait3A_1495, %dma_wait3A_1496, %dma_wait3A_1502, %dma_wait3A_1503] : memref<3x32x84x3x40xi32, #tpu.memory_space<hbm>> -> memref<1x1x1x3x40xi32, #tpu.memory_space<hbm>>
    %dma_wait3A_1505 = tpu.memref_squeeze %dma_wait3A_1504 : memref<1x1x1x3x40xi32, #tpu.memory_space<hbm>> -> memref<3x40xi32, #tpu.memory_space<hbm>>
    %dma_wait3A_1506 = arith.constant 0 : i32
    %dma_wait3A_1507 = arith.constant 0 : i32
    %dma_wait3A_1508 = tpu.memref_slice %arg9[%dma_wait3A_1497, %dma_wait3A_1506, %dma_wait3A_1507] : memref<3x3x40xi32, #tpu.memory_space<vmem>> -> memref<1x3x40xi32, #tpu.memory_space<vmem>>
    %dma_wait3A_1509 = tpu.memref_squeeze %dma_wait3A_1508 : memref<1x3x40xi32, #tpu.memory_space<vmem>> -> memref<3x40xi32, #tpu.memory_space<vmem>>
    %dma_wait3A_1510 = arith.constant 0 : i32
    %dma_wait3A_1511 = arith.constant 0 : i32
    %dma_wait3A_1512 = tpu.memref_slice %arg2[%dma_wait3A_1494, %dma_wait3A_1495, %dma_wait3A_1496, %dma_wait3A_1510, %dma_wait3A_1511] : memref<3x32x84x3x40xi32, #tpu.memory_space<hbm>> -> memref<1x1x1x3x40xi32, #tpu.memory_space<hbm>>
    %dma_wait3A_1513 = tpu.memref_squeeze %dma_wait3A_1512 : memref<1x1x1x3x40xi32, #tpu.memory_space<hbm>> -> memref<3x40xi32, #tpu.memory_space<hbm>>
    tpu.wait_dma2 semaphore(%arg12 : memref<!tpu.dma_semaphore, #tpu.memory_space<semaphore_mem>>) src(%dma_wait3A_1513 : memref<3x40xi32, #tpu.memory_space<hbm>>) dst(%dma_wait3A_1509 : memref<3x40xi32, #tpu.memory_space<vmem>>)
    %dma_wait3A_1514 = arith.constant 0 : i32
    %dma_wait3A_1515 = arith.constant 0 : i32
    %dma_wait3A_1516 = arith.constant 0 : i32
    %dma_wait3A_1517 = arith.constant 0 : i32
    %dma_wait3A_1518 = arith.constant 0 : i32
    %dma_wait3A_1519 = arith.constant 0 : i32
    %dma_wait3A_1520 = tpu.memref_slice %arg10[%dma_wait3A_1517, %dma_wait3A_1518, %dma_wait3A_1519] : memref<3x3x40xi32, #tpu.memory_space<vmem>> -> memref<1x3x40xi32, #tpu.memory_space<vmem>>
    %dma_wait3A_1521 = tpu.memref_squeeze %dma_wait3A_1520 : memref<1x3x40xi32, #tpu.memory_space<vmem>> -> memref<3x40xi32, #tpu.memory_space<vmem>>
    %dma_wait3A_1522 = arith.constant 0 : i32
    %dma_wait3A_1523 = arith.constant 0 : i32
    %dma_wait3A_1524 = tpu.memref_slice %arg3[%dma_wait3A_1514, %dma_wait3A_1515, %dma_wait3A_1516, %dma_wait3A_1522, %dma_wait3A_1523] : memref<3x32x84x3x40xi32, #tpu.memory_space<hbm>> -> memref<1x1x1x3x40xi32, #tpu.memory_space<hbm>>
    %dma_wait3A_1525 = tpu.memref_squeeze %dma_wait3A_1524 : memref<1x1x1x3x40xi32, #tpu.memory_space<hbm>> -> memref<3x40xi32, #tpu.memory_space<hbm>>
    %dma_wait3A_1526 = arith.constant 0 : i32
    %dma_wait3A_1527 = arith.constant 0 : i32
    %dma_wait3A_1528 = tpu.memref_slice %arg10[%dma_wait3A_1517, %dma_wait3A_1526, %dma_wait3A_1527] : memref<3x3x40xi32, #tpu.memory_space<vmem>> -> memref<1x3x40xi32, #tpu.memory_space<vmem>>
    %dma_wait3A_1529 = tpu.memref_squeeze %dma_wait3A_1528 : memref<1x3x40xi32, #tpu.memory_space<vmem>> -> memref<3x40xi32, #tpu.memory_space<vmem>>
    %dma_wait3A_1530 = arith.constant 0 : i32
    %dma_wait3A_1531 = arith.constant 0 : i32
    %dma_wait3A_1532 = tpu.memref_slice %arg3[%dma_wait3A_1514, %dma_wait3A_1515, %dma_wait3A_1516, %dma_wait3A_1530, %dma_wait3A_1531] : memref<3x32x84x3x40xi32, #tpu.memory_space<hbm>> -> memref<1x1x1x3x40xi32, #tpu.memory_space<hbm>>
    %dma_wait3A_1533 = tpu.memref_squeeze %dma_wait3A_1532 : memref<1x1x1x3x40xi32, #tpu.memory_space<hbm>> -> memref<3x40xi32, #tpu.memory_space<hbm>>
    tpu.wait_dma2 semaphore(%arg12 : memref<!tpu.dma_semaphore, #tpu.memory_space<semaphore_mem>>) src(%dma_wait3A_1533 : memref<3x40xi32, #tpu.memory_space<hbm>>) dst(%dma_wait3A_1529 : memref<3x40xi32, #tpu.memory_space<vmem>>)
    %barrier3A_1534 = arith.constant 0 : index
    tpu.barrier barrier_id(%barrier3A_1534)
    %mul3A_1535 = arith.constant 640 : i32
    %mul3A_1536 = arith.muli %arg1, %mul3A_1535 : i32
    %add3A_1537 = arith.constant 0 : i32
    %add3A_1538 = arith.addi %mul3A_1536, %add3A_1537 : i32
    %run_scoped3A_1539 = arith.constant 2 : i32
    "tpu.region"() ({
      %run_scoped3A_1561 = tpu.sem_alloc : memref<!tpu.dma_semaphore, #tpu.memory_space<semaphore_mem>>
      %dma_start3A_1562 = arith.constant 0 : i32
      %dma_start3A_1563 = tpu.memref_slice %arg8[%run_scoped3A_1539, %arg0, %add3A_1538, %dma_start3A_1562] : memref<3x2x10240x128xf32, #tpu.memory_space<hbm>> -> memref<1x1x128x128xf32, #tpu.memory_space<hbm>>
      %dma_start3A_1564 = tpu.memref_squeeze %dma_start3A_1563 : memref<1x1x128x128xf32, #tpu.memory_space<hbm>> -> memref<128x128xf32, #tpu.memory_space<hbm>>
      %dma_start3A_1565 = arith.constant 0 : i32
      %dma_start3A_1566 = tpu.memref_slice %arg15[%add3A_1538, %dma_start3A_1565] : memref<10240x128xf32, #tpu.memory_space<vmem_shared>> -> memref<128x128xf32, #tpu.memory_space<vmem_shared>>
      tpu.enqueue_dma source(%dma_start3A_1566 : memref<128x128xf32, #tpu.memory_space<vmem_shared>>) target(%dma_start3A_1564 : memref<128x128xf32, #tpu.memory_space<hbm>>) target_semaphore(%run_scoped3A_1561 : memref<!tpu.dma_semaphore, #tpu.memory_space<semaphore_mem>>)
      %dma_wait3A_1567 = arith.constant 0 : i32
      %dma_wait3A_1568 = tpu.memref_slice %arg8[%run_scoped3A_1539, %arg0, %add3A_1538, %dma_wait3A_1567] : memref<3x2x10240x128xf32, #tpu.memory_space<hbm>> -> memref<1x1x128x128xf32, #tpu.memory_space<hbm>>
      %dma_wait3A_1569 = tpu.memref_squeeze %dma_wait3A_1568 : memref<1x1x128x128xf32, #tpu.memory_space<hbm>> -> memref<128x128xf32, #tpu.memory_space<hbm>>
      %dma_wait3A_1570 = arith.constant 0 : i32
      %dma_wait3A_1571 = tpu.memref_slice %arg15[%add3A_1538, %dma_wait3A_1570] : memref<10240x128xf32, #tpu.memory_space<vmem_shared>> -> memref<128x128xf32, #tpu.memory_space<vmem_shared>>
      tpu.wait_dma2 semaphore(%run_scoped3A_1561 : memref<!tpu.dma_semaphore, #tpu.memory_space<semaphore_mem>>) src(%dma_wait3A_1571 : memref<128x128xf32, #tpu.memory_space<vmem_shared>>) dst(%dma_wait3A_1569 : memref<128x128xf32, #tpu.memory_space<hbm>>)
      tpu.yield
    }) : () -> ()
    %mul3A_1540 = arith.constant 640 : i32
    %mul3A_1541 = arith.muli %arg1, %mul3A_1540 : i32
    %add3A_1542 = arith.constant 128 : i32
    %add3A_1543 = arith.addi %mul3A_1541, %add3A_1542 : i32
    %run_scoped3A_1544 = arith.constant 2 : i32
    "tpu.region"() ({
      %run_scoped3A_1561 = tpu.sem_alloc : memref<!tpu.dma_semaphore, #tpu.memory_space<semaphore_mem>>
      %dma_start3A_1562 = arith.constant 0 : i32
      %dma_start3A_1563 = tpu.memref_slice %arg8[%run_scoped3A_1544, %arg0, %add3A_1543, %dma_start3A_1562] : memref<3x2x10240x128xf32, #tpu.memory_space<hbm>> -> memref<1x1x128x128xf32, #tpu.memory_space<hbm>>
      %dma_start3A_1564 = tpu.memref_squeeze %dma_start3A_1563 : memref<1x1x128x128xf32, #tpu.memory_space<hbm>> -> memref<128x128xf32, #tpu.memory_space<hbm>>
      %dma_start3A_1565 = arith.constant 0 : i32
      %dma_start3A_1566 = tpu.memref_slice %arg15[%add3A_1543, %dma_start3A_1565] : memref<10240x128xf32, #tpu.memory_space<vmem_shared>> -> memref<128x128xf32, #tpu.memory_space<vmem_shared>>
      tpu.enqueue_dma source(%dma_start3A_1566 : memref<128x128xf32, #tpu.memory_space<vmem_shared>>) target(%dma_start3A_1564 : memref<128x128xf32, #tpu.memory_space<hbm>>) target_semaphore(%run_scoped3A_1561 : memref<!tpu.dma_semaphore, #tpu.memory_space<semaphore_mem>>)
      %dma_wait3A_1567 = arith.constant 0 : i32
      %dma_wait3A_1568 = tpu.memref_slice %arg8[%run_scoped3A_1544, %arg0, %add3A_1543, %dma_wait3A_1567] : memref<3x2x10240x128xf32, #tpu.memory_space<hbm>> -> memref<1x1x128x128xf32, #tpu.memory_space<hbm>>
      %dma_wait3A_1569 = tpu.memref_squeeze %dma_wait3A_1568 : memref<1x1x128x128xf32, #tpu.memory_space<hbm>> -> memref<128x128xf32, #tpu.memory_space<hbm>>
      %dma_wait3A_1570 = arith.constant 0 : i32
      %dma_wait3A_1571 = tpu.memref_slice %arg15[%add3A_1543, %dma_wait3A_1570] : memref<10240x128xf32, #tpu.memory_space<vmem_shared>> -> memref<128x128xf32, #tpu.memory_space<vmem_shared>>
      tpu.wait_dma2 semaphore(%run_scoped3A_1561 : memref<!tpu.dma_semaphore, #tpu.memory_space<semaphore_mem>>) src(%dma_wait3A_1571 : memref<128x128xf32, #tpu.memory_space<vmem_shared>>) dst(%dma_wait3A_1569 : memref<128x128xf32, #tpu.memory_space<hbm>>)
      tpu.yield
    }) : () -> ()
    %mul3A_1545 = arith.constant 640 : i32
    %mul3A_1546 = arith.muli %arg1, %mul3A_1545 : i32
    %add3A_1547 = arith.constant 256 : i32
    %add3A_1548 = arith.addi %mul3A_1546, %add3A_1547 : i32
    %run_scoped3A_1549 = arith.constant 2 : i32
    "tpu.region"() ({
      %run_scoped3A_1561 = tpu.sem_alloc : memref<!tpu.dma_semaphore, #tpu.memory_space<semaphore_mem>>
      %dma_start3A_1562 = arith.constant 0 : i32
      %dma_start3A_1563 = tpu.memref_slice %arg8[%run_scoped3A_1549, %arg0, %add3A_1548, %dma_start3A_1562] : memref<3x2x10240x128xf32, #tpu.memory_space<hbm>> -> memref<1x1x128x128xf32, #tpu.memory_space<hbm>>
      %dma_start3A_1564 = tpu.memref_squeeze %dma_start3A_1563 : memref<1x1x128x128xf32, #tpu.memory_space<hbm>> -> memref<128x128xf32, #tpu.memory_space<hbm>>
      %dma_start3A_1565 = arith.constant 0 : i32
      %dma_start3A_1566 = tpu.memref_slice %arg15[%add3A_1548, %dma_start3A_1565] : memref<10240x128xf32, #tpu.memory_space<vmem_shared>> -> memref<128x128xf32, #tpu.memory_space<vmem_shared>>
      tpu.enqueue_dma source(%dma_start3A_1566 : memref<128x128xf32, #tpu.memory_space<vmem_shared>>) target(%dma_start3A_1564 : memref<128x128xf32, #tpu.memory_space<hbm>>) target_semaphore(%run_scoped3A_1561 : memref<!tpu.dma_semaphore, #tpu.memory_space<semaphore_mem>>)
      %dma_wait3A_1567 = arith.constant 0 : i32
      %dma_wait3A_1568 = tpu.memref_slice %arg8[%run_scoped3A_1549, %arg0, %add3A_1548, %dma_wait3A_1567] : memref<3x2x10240x128xf32, #tpu.memory_space<hbm>> -> memref<1x1x128x128xf32, #tpu.memory_space<hbm>>
      %dma_wait3A_1569 = tpu.memref_squeeze %dma_wait3A_1568 : memref<1x1x128x128xf32, #tpu.memory_space<hbm>> -> memref<128x128xf32, #tpu.memory_space<hbm>>
      %dma_wait3A_1570 = arith.constant 0 : i32
      %dma_wait3A_1571 = tpu.memref_slice %arg15[%add3A_1548, %dma_wait3A_1570] : memref<10240x128xf32, #tpu.memory_space<vmem_shared>> -> memref<128x128xf32, #tpu.memory_space<vmem_shared>>
      tpu.wait_dma2 semaphore(%run_scoped3A_1561 : memref<!tpu.dma_semaphore, #tpu.memory_space<semaphore_mem>>) src(%dma_wait3A_1571 : memref<128x128xf32, #tpu.memory_space<vmem_shared>>) dst(%dma_wait3A_1569 : memref<128x128xf32, #tpu.memory_space<hbm>>)
      tpu.yield
    }) : () -> ()
    %mul3A_1550 = arith.constant 640 : i32
    %mul3A_1551 = arith.muli %arg1, %mul3A_1550 : i32
    %add3A_1552 = arith.constant 384 : i32
    %add3A_1553 = arith.addi %mul3A_1551, %add3A_1552 : i32
    %run_scoped3A_1554 = arith.constant 2 : i32
    "tpu.region"() ({
      %run_scoped3A_1561 = tpu.sem_alloc : memref<!tpu.dma_semaphore, #tpu.memory_space<semaphore_mem>>
      %dma_start3A_1562 = arith.constant 0 : i32
      %dma_start3A_1563 = tpu.memref_slice %arg8[%run_scoped3A_1554, %arg0, %add3A_1553, %dma_start3A_1562] : memref<3x2x10240x128xf32, #tpu.memory_space<hbm>> -> memref<1x1x128x128xf32, #tpu.memory_space<hbm>>
      %dma_start3A_1564 = tpu.memref_squeeze %dma_start3A_1563 : memref<1x1x128x128xf32, #tpu.memory_space<hbm>> -> memref<128x128xf32, #tpu.memory_space<hbm>>
      %dma_start3A_1565 = arith.constant 0 : i32
      %dma_start3A_1566 = tpu.memref_slice %arg15[%add3A_1553, %dma_start3A_1565] : memref<10240x128xf32, #tpu.memory_space<vmem_shared>> -> memref<128x128xf32, #tpu.memory_space<vmem_shared>>
      tpu.enqueue_dma source(%dma_start3A_1566 : memref<128x128xf32, #tpu.memory_space<vmem_shared>>) target(%dma_start3A_1564 : memref<128x128xf32, #tpu.memory_space<hbm>>) target_semaphore(%run_scoped3A_1561 : memref<!tpu.dma_semaphore, #tpu.memory_space<semaphore_mem>>)
      %dma_wait3A_1567 = arith.constant 0 : i32
      %dma_wait3A_1568 = tpu.memref_slice %arg8[%run_scoped3A_1554, %arg0, %add3A_1553, %dma_wait3A_1567] : memref<3x2x10240x128xf32, #tpu.memory_space<hbm>> -> memref<1x1x128x128xf32, #tpu.memory_space<hbm>>
      %dma_wait3A_1569 = tpu.memref_squeeze %dma_wait3A_1568 : memref<1x1x128x128xf32, #tpu.memory_space<hbm>> -> memref<128x128xf32, #tpu.memory_space<hbm>>
      %dma_wait3A_1570 = arith.constant 0 : i32
      %dma_wait3A_1571 = tpu.memref_slice %arg15[%add3A_1553, %dma_wait3A_1570] : memref<10240x128xf32, #tpu.memory_space<vmem_shared>> -> memref<128x128xf32, #tpu.memory_space<vmem_shared>>
      tpu.wait_dma2 semaphore(%run_scoped3A_1561 : memref<!tpu.dma_semaphore, #tpu.memory_space<semaphore_mem>>) src(%dma_wait3A_1571 : memref<128x128xf32, #tpu.memory_space<vmem_shared>>) dst(%dma_wait3A_1569 : memref<128x128xf32, #tpu.memory_space<hbm>>)
      tpu.yield
    }) : () -> ()
    %mul3A_1555 = arith.constant 640 : i32
    %mul3A_1556 = arith.muli %arg1, %mul3A_1555 : i32
    %add3A_1557 = arith.constant 512 : i32
    %add3A_1558 = arith.addi %mul3A_1556, %add3A_1557 : i32
    %run_scoped3A_1559 = arith.constant 2 : i32
    "tpu.region"() ({
      %run_scoped3A_1561 = tpu.sem_alloc : memref<!tpu.dma_semaphore, #tpu.memory_space<semaphore_mem>>
      %dma_start3A_1562 = arith.constant 0 : i32
      %dma_start3A_1563 = tpu.memref_slice %arg8[%run_scoped3A_1559, %arg0, %add3A_1558, %dma_start3A_1562] : memref<3x2x10240x128xf32, #tpu.memory_space<hbm>> -> memref<1x1x128x128xf32, #tpu.memory_space<hbm>>
      %dma_start3A_1564 = tpu.memref_squeeze %dma_start3A_1563 : memref<1x1x128x128xf32, #tpu.memory_space<hbm>> -> memref<128x128xf32, #tpu.memory_space<hbm>>
      %dma_start3A_1565 = arith.constant 0 : i32
      %dma_start3A_1566 = tpu.memref_slice %arg15[%add3A_1558, %dma_start3A_1565] : memref<10240x128xf32, #tpu.memory_space<vmem_shared>> -> memref<128x128xf32, #tpu.memory_space<vmem_shared>>
      tpu.enqueue_dma source(%dma_start3A_1566 : memref<128x128xf32, #tpu.memory_space<vmem_shared>>) target(%dma_start3A_1564 : memref<128x128xf32, #tpu.memory_space<hbm>>) target_semaphore(%run_scoped3A_1561 : memref<!tpu.dma_semaphore, #tpu.memory_space<semaphore_mem>>)
      %dma_wait3A_1567 = arith.constant 0 : i32
      %dma_wait3A_1568 = tpu.memref_slice %arg8[%run_scoped3A_1559, %arg0, %add3A_1558, %dma_wait3A_1567] : memref<3x2x10240x128xf32, #tpu.memory_space<hbm>> -> memref<1x1x128x128xf32, #tpu.memory_space<hbm>>
      %dma_wait3A_1569 = tpu.memref_squeeze %dma_wait3A_1568 : memref<1x1x128x128xf32, #tpu.memory_space<hbm>> -> memref<128x128xf32, #tpu.memory_space<hbm>>
      %dma_wait3A_1570 = arith.constant 0 : i32
      %dma_wait3A_1571 = tpu.memref_slice %arg15[%add3A_1558, %dma_wait3A_1570] : memref<10240x128xf32, #tpu.memory_space<vmem_shared>> -> memref<128x128xf32, #tpu.memory_space<vmem_shared>>
      tpu.wait_dma2 semaphore(%run_scoped3A_1561 : memref<!tpu.dma_semaphore, #tpu.memory_space<semaphore_mem>>) src(%dma_wait3A_1571 : memref<128x128xf32, #tpu.memory_space<vmem_shared>>) dst(%dma_wait3A_1569 : memref<128x128xf32, #tpu.memory_space<hbm>>)
      tpu.yield
    }) : () -> ()
    %barrier3A_1560 = arith.constant 0 : index
    tpu.barrier barrier_id(%barrier3A_1560)
    return
  }
}

module attributes {stable_mosaic.version = 14 : i64} {
  func.func @gcn_mm_tc(%arg0: i32, %arg1: memref<1000x128xf32, #tpu.memory_space<vmem>>, %arg2: memref<3x128x128xf32, #tpu.memory_space<vmem>>, %arg3: memref<1000x2x3xf32, #tpu.memory_space<vmem>>, %arg4: memref<1000x128xf32, #tpu.memory_space<vmem>>, %arg5: memref<1000x128xf32, #tpu.memory_space<vmem>>, %arg6: memref<1000x128xf32, #tpu.memory_space<vmem>>) attributes {dimension_semantics = [#tpu.dimension_semantics<arbitrary>], iteration_bounds = array<i64: 10>, scalar_prefetch = 0 : i64, scratch_operands = 0 : i64, tpu.core_type = #tpu.core_type<tc>, window_params = [{transform_indices = @transform_0, window_bounds = array<i64: 1000, 128>}, {pipeline_mode = #tpu.pipeline_mode<synchronous>, transform_indices = @transform_1, window_bounds = array<i64: 3, 128, 128>}, {transform_indices = @transform_2, window_bounds = array<i64: 1000, 2, 3>}, {transform_indices = @transform_3, window_bounds = array<i64: 1000, 128>}, {transform_indices = @transform_4, window_bounds = array<i64: 1000, 128>}, {transform_indices = @transform_5, window_bounds = array<i64: 1000, 128>}]} {
    %get3A = arith.constant 0 : index
    %get3A_0 = arith.constant 0 : index
    %get3A_1 = vector.load %arg1[%get3A, %get3A_0] : memref<1000x128xf32, #tpu.memory_space<vmem>>, vector<1000x128xf32>
    %get3A_2 = arith.constant 0 : index
    %get3A_3 = arith.constant 0 : index
    %get3A_4 = arith.constant 0 : index
    %get3A_5 = vector.load %arg3[%get3A_2, %get3A_3, %get3A_4] : memref<1000x2x3xf32, #tpu.memory_space<vmem>>, vector<1000x1x1xf32>
    %get3A_6 = vector.shape_cast %get3A_5 : vector<1000x1x1xf32> to vector<1000xf32>
    %get3A_7 = arith.constant 0 : index
    %get3A_8 = arith.constant 1 : index
    %get3A_9 = arith.constant 0 : index
    %get3A_10 = vector.load %arg3[%get3A_7, %get3A_8, %get3A_9] : memref<1000x2x3xf32, #tpu.memory_space<vmem>>, vector<1000x1x1xf32>
    %get3A_11 = vector.shape_cast %get3A_10 : vector<1000x1x1xf32> to vector<1000xf32>
    %add3A = arith.addf %get3A_6, %get3A_11 : vector<1000xf32>
    %add3A_12 = arith.constant 1.000000e+00 : f32
    %add3A_13 = vector.broadcast %add3A_12 : f32 to vector<1000xf32>
    %add3A_14 = arith.addf %add3A, %add3A_13 : vector<1000xf32>
    %rsqrt3A = math.rsqrt %add3A_14 : vector<1000xf32>
    %broadcast_in_dim3A = vector.shape_cast %rsqrt3A : vector<1000xf32> to vector<1000x1xf32>
    %get3A_15 = arith.constant 0 : index
    %get3A_16 = arith.constant 0 : index
    %get3A_17 = arith.constant 0 : index
    %get3A_18 = vector.load %arg2[%get3A_15, %get3A_16, %get3A_17] : memref<3x128x128xf32, #tpu.memory_space<vmem>>, vector<1x128x128xf32>
    %get3A_19 = vector.shape_cast %get3A_18 : vector<1x128x128xf32> to vector<128x128xf32>
    %dot_general3A = arith.constant dense<0.000000e+00> : vector<1000x128xf32>
    %dot_general3A_20 = tpu.matmul %get3A_1, %get3A_19, %dot_general3A {dimension_numbers = #tpu.dot_dimension_numbers<[1], [0], [0], [1], [0, 0, 1, 1], [], []>, transpose_lhs_hint = false} : vector<1000x128xf32>, vector<128x128xf32>, vector<1000x128xf32> -> vector<1000x128xf32>
    %mul3A = vector.broadcast %broadcast_in_dim3A : vector<1000x1xf32> to vector<1000x128xf32>
    %mul3A_21 = arith.mulf %dot_general3A_20, %mul3A : vector<1000x128xf32>
    %swap3A = arith.constant 0 : index
    %swap3A_22 = arith.constant 0 : index
    %swap3A_23 = vector.load %arg4[%swap3A, %swap3A_22] : memref<1000x128xf32, #tpu.memory_space<vmem>>, vector<1000x128xf32>
    tpu.vector_store %arg4[%swap3A, %swap3A_22], %mul3A_21 {strides = array<i32>} : memref<1000x128xf32, #tpu.memory_space<vmem>>, vector<1000x128xf32>,
    %get3A_24 = arith.constant 0 : index
    %get3A_25 = arith.constant 0 : index
    %get3A_26 = arith.constant 1 : index
    %get3A_27 = vector.load %arg3[%get3A_24, %get3A_25, %get3A_26] : memref<1000x2x3xf32, #tpu.memory_space<vmem>>, vector<1000x1x1xf32>
    %get3A_28 = vector.shape_cast %get3A_27 : vector<1000x1x1xf32> to vector<1000xf32>
    %get3A_29 = arith.constant 0 : index
    %get3A_30 = arith.constant 1 : index
    %get3A_31 = arith.constant 1 : index
    %get3A_32 = vector.load %arg3[%get3A_29, %get3A_30, %get3A_31] : memref<1000x2x3xf32, #tpu.memory_space<vmem>>, vector<1000x1x1xf32>
    %get3A_33 = vector.shape_cast %get3A_32 : vector<1000x1x1xf32> to vector<1000xf32>
    %add3A_34 = arith.addf %get3A_28, %get3A_33 : vector<1000xf32>
    %add3A_35 = arith.constant 1.000000e+00 : f32
    %add3A_36 = vector.broadcast %add3A_35 : f32 to vector<1000xf32>
    %add3A_37 = arith.addf %add3A_34, %add3A_36 : vector<1000xf32>
    %rsqrt3A_38 = math.rsqrt %add3A_37 : vector<1000xf32>
    %broadcast_in_dim3A_39 = vector.shape_cast %rsqrt3A_38 : vector<1000xf32> to vector<1000x1xf32>
    %get3A_40 = arith.constant 1 : index
    %get3A_41 = arith.constant 0 : index
    %get3A_42 = arith.constant 0 : index
    %get3A_43 = vector.load %arg2[%get3A_40, %get3A_41, %get3A_42] : memref<3x128x128xf32, #tpu.memory_space<vmem>>, vector<1x128x128xf32>
    %get3A_44 = vector.shape_cast %get3A_43 : vector<1x128x128xf32> to vector<128x128xf32>
    %dot_general3A_45 = arith.constant dense<0.000000e+00> : vector<1000x128xf32>
    %dot_general3A_46 = tpu.matmul %get3A_1, %get3A_44, %dot_general3A_45 {dimension_numbers = #tpu.dot_dimension_numbers<[1], [0], [0], [1], [0, 0, 1, 1], [], []>, transpose_lhs_hint = false} : vector<1000x128xf32>, vector<128x128xf32>, vector<1000x128xf32> -> vector<1000x128xf32>
    %mul3A_47 = vector.broadcast %broadcast_in_dim3A_39 : vector<1000x1xf32> to vector<1000x128xf32>
    %mul3A_48 = arith.mulf %dot_general3A_46, %mul3A_47 : vector<1000x128xf32>
    %swap3A_49 = arith.constant 0 : index
    %swap3A_50 = arith.constant 0 : index
    %swap3A_51 = vector.load %arg5[%swap3A_49, %swap3A_50] : memref<1000x128xf32, #tpu.memory_space<vmem>>, vector<1000x128xf32>
    tpu.vector_store %arg5[%swap3A_49, %swap3A_50], %mul3A_48 {strides = array<i32>} : memref<1000x128xf32, #tpu.memory_space<vmem>>, vector<1000x128xf32>,
    %get3A_52 = arith.constant 0 : index
    %get3A_53 = arith.constant 0 : index
    %get3A_54 = arith.constant 2 : index
    %get3A_55 = vector.load %arg3[%get3A_52, %get3A_53, %get3A_54] : memref<1000x2x3xf32, #tpu.memory_space<vmem>>, vector<1000x1x1xf32>
    %get3A_56 = vector.shape_cast %get3A_55 : vector<1000x1x1xf32> to vector<1000xf32>
    %get3A_57 = arith.constant 0 : index
    %get3A_58 = arith.constant 1 : index
    %get3A_59 = arith.constant 2 : index
    %get3A_60 = vector.load %arg3[%get3A_57, %get3A_58, %get3A_59] : memref<1000x2x3xf32, #tpu.memory_space<vmem>>, vector<1000x1x1xf32>
    %get3A_61 = vector.shape_cast %get3A_60 : vector<1000x1x1xf32> to vector<1000xf32>
    %add3A_62 = arith.addf %get3A_56, %get3A_61 : vector<1000xf32>
    %add3A_63 = arith.constant 1.000000e+00 : f32
    %add3A_64 = vector.broadcast %add3A_63 : f32 to vector<1000xf32>
    %add3A_65 = arith.addf %add3A_62, %add3A_64 : vector<1000xf32>
    %rsqrt3A_66 = math.rsqrt %add3A_65 : vector<1000xf32>
    %broadcast_in_dim3A_67 = vector.shape_cast %rsqrt3A_66 : vector<1000xf32> to vector<1000x1xf32>
    %get3A_68 = arith.constant 2 : index
    %get3A_69 = arith.constant 0 : index
    %get3A_70 = arith.constant 0 : index
    %get3A_71 = vector.load %arg2[%get3A_68, %get3A_69, %get3A_70] : memref<3x128x128xf32, #tpu.memory_space<vmem>>, vector<1x128x128xf32>
    %get3A_72 = vector.shape_cast %get3A_71 : vector<1x128x128xf32> to vector<128x128xf32>
    %dot_general3A_73 = arith.constant dense<0.000000e+00> : vector<1000x128xf32>
    %dot_general3A_74 = tpu.matmul %get3A_1, %get3A_72, %dot_general3A_73 {dimension_numbers = #tpu.dot_dimension_numbers<[1], [0], [0], [1], [0, 0, 1, 1], [], []>, transpose_lhs_hint = false} : vector<1000x128xf32>, vector<128x128xf32>, vector<1000x128xf32> -> vector<1000x128xf32>
    %mul3A_75 = vector.broadcast %broadcast_in_dim3A_67 : vector<1000x1xf32> to vector<1000x128xf32>
    %mul3A_76 = arith.mulf %dot_general3A_74, %mul3A_75 : vector<1000x128xf32>
    %swap3A_77 = arith.constant 0 : index
    %swap3A_78 = arith.constant 0 : index
    %swap3A_79 = vector.load %arg6[%swap3A_77, %swap3A_78] : memref<1000x128xf32, #tpu.memory_space<vmem>>, vector<1000x128xf32>
    tpu.vector_store %arg6[%swap3A_77, %swap3A_78], %mul3A_76 {strides = array<i32>} : memref<1000x128xf32, #tpu.memory_space<vmem>>, vector<1000x128xf32>,
    return
  }
  func.func @transform_0(%arg0: i32) -> (i32, i32) {
    %c0_i32 = arith.constant 0 : i32
    %c0_i32_0 = arith.constant 0 : i32
    return %arg0, %c0_i32 : i32, i32
  }
  func.func @transform_1(%arg0: i32) -> (i32, i32, i32) {
    %c0_i32 = arith.constant 0 : i32
    %c0_i32_0 = arith.constant 0 : i32
    %c0_i32_1 = arith.constant 0 : i32
    %c0_i32_2 = arith.constant 0 : i32
    return %c0_i32, %c0_i32_0, %c0_i32_1 : i32, i32, i32
  }
  func.func @transform_2(%arg0: i32) -> (i32, i32, i32) {
    %c0_i32 = arith.constant 0 : i32
    %c0_i32_0 = arith.constant 0 : i32
    %c0_i32_1 = arith.constant 0 : i32
    return %arg0, %c0_i32, %c0_i32_0 : i32, i32, i32
  }
  func.func @transform_3(%arg0: i32) -> (i32, i32) {
    %c0_i32 = arith.constant 0 : i32
    %c0_i32_0 = arith.constant 0 : i32
    return %arg0, %c0_i32 : i32, i32
  }
  func.func @transform_4(%arg0: i32) -> (i32, i32) {
    %c0_i32 = arith.constant 0 : i32
    %c0_i32_0 = arith.constant 0 : i32
    return %arg0, %c0_i32 : i32, i32
  }
  func.func @transform_5(%arg0: i32) -> (i32, i32) {
    %c0_i32 = arith.constant 0 : i32
    %c0_i32_0 = arith.constant 0 : i32
    return %arg0, %c0_i32 : i32, i32
  }
}

module attributes {stable_mosaic.version = 14 : i64} {
  func.func @gcn_combine_tc(%arg0: i32, %arg1: memref<3x2x1000x128xf32, #tpu.memory_space<vmem>>, %arg2: memref<1000x128xf32, #tpu.memory_space<vmem>>, %arg3: memref<1000x128xf32, #tpu.memory_space<vmem>>, %arg4: memref<1000x128xf32, #tpu.memory_space<vmem>>, %arg5: memref<1000x2x3xf32, #tpu.memory_space<vmem>>, %arg6: memref<3x128xf32, #tpu.memory_space<vmem>>, %arg7: memref<1000x128xf32, #tpu.memory_space<vmem>>) attributes {dimension_semantics = [#tpu.dimension_semantics<arbitrary>], iteration_bounds = array<i64: 10>, scalar_prefetch = 0 : i64, scratch_operands = 0 : i64, tpu.core_type = #tpu.core_type<tc>, window_params = [{transform_indices = @transform_0, window_bounds = array<i64: 3, 2, 1000, 128>}, {transform_indices = @transform_1, window_bounds = array<i64: 1000, 128>}, {transform_indices = @transform_2, window_bounds = array<i64: 1000, 128>}, {transform_indices = @transform_3, window_bounds = array<i64: 1000, 128>}, {transform_indices = @transform_4, window_bounds = array<i64: 1000, 2, 3>}, {pipeline_mode = #tpu.pipeline_mode<synchronous>, transform_indices = @transform_5, window_bounds = array<i64: 3, 128>}, {transform_indices = @transform_6, window_bounds = array<i64: 1000, 128>}]} {
    %get3A = arith.constant 0 : index
    %get3A_0 = arith.constant 0 : index
    %get3A_1 = vector.load %arg6[%get3A, %get3A_0] : memref<3x128xf32, #tpu.memory_space<vmem>>, vector<1x128xf32>
    %get3A_2 = vector.shape_cast %get3A_1 : vector<1x128xf32> to vector<128xf32>
    %get3A_3 = arith.constant 1 : index
    %get3A_4 = arith.constant 0 : index
    %get3A_5 = vector.load %arg6[%get3A_3, %get3A_4] : memref<3x128xf32, #tpu.memory_space<vmem>>, vector<1x128xf32>
    %get3A_6 = vector.shape_cast %get3A_5 : vector<1x128xf32> to vector<128xf32>
    %add3A = arith.addf %get3A_2, %get3A_6 : vector<128xf32>
    %get3A_7 = arith.constant 2 : index
    %get3A_8 = arith.constant 0 : index
    %get3A_9 = vector.load %arg6[%get3A_7, %get3A_8] : memref<3x128xf32, #tpu.memory_space<vmem>>, vector<1x128xf32>
    %get3A_10 = vector.shape_cast %get3A_9 : vector<1x128xf32> to vector<128xf32>
    %add3A_11 = arith.addf %add3A, %get3A_10 : vector<128xf32>
    %broadcast_in_dim3A = vector.shape_cast %add3A_11 : vector<128xf32> to vector<1x128xf32>
    %broadcast_in_dim3A_12 = vector.broadcast %broadcast_in_dim3A : vector<1x128xf32> to vector<1000x128xf32>
    %get3A_13 = arith.constant 0 : index
    %get3A_14 = arith.constant 0 : index
    %get3A_15 = arith.constant 0 : index
    %get3A_16 = vector.load %arg5[%get3A_13, %get3A_14, %get3A_15] : memref<1000x2x3xf32, #tpu.memory_space<vmem>>, vector<1000x1x1xf32>
    %get3A_17 = vector.shape_cast %get3A_16 : vector<1000x1x1xf32> to vector<1000xf32>
    %get3A_18 = arith.constant 0 : index
    %get3A_19 = arith.constant 1 : index
    %get3A_20 = arith.constant 0 : index
    %get3A_21 = vector.load %arg5[%get3A_18, %get3A_19, %get3A_20] : memref<1000x2x3xf32, #tpu.memory_space<vmem>>, vector<1000x1x1xf32>
    %get3A_22 = vector.shape_cast %get3A_21 : vector<1000x1x1xf32> to vector<1000xf32>
    %add3A_23 = arith.addf %get3A_17, %get3A_22 : vector<1000xf32>
    %add3A_24 = arith.constant 1.000000e+00 : f32
    %add3A_25 = vector.broadcast %add3A_24 : f32 to vector<1000xf32>
    %add3A_26 = arith.addf %add3A_23, %add3A_25 : vector<1000xf32>
    %rsqrt3A = math.rsqrt %add3A_26 : vector<1000xf32>
    %broadcast_in_dim3A_27 = vector.shape_cast %rsqrt3A : vector<1000xf32> to vector<1000x1xf32>
    %get3A_28 = arith.constant 0 : index
    %get3A_29 = arith.constant 0 : index
    %get3A_30 = arith.constant 0 : index
    %get3A_31 = arith.constant 0 : index
    %get3A_32 = vector.load %arg1[%get3A_28, %get3A_29, %get3A_30, %get3A_31] : memref<3x2x1000x128xf32, #tpu.memory_space<vmem>>, vector<1x1x1000x128xf32>
    %get3A_33 = vector.shape_cast %get3A_32 : vector<1x1x1000x128xf32> to vector<1000x128xf32>
    %get3A_34 = arith.constant 0 : index
    %get3A_35 = arith.constant 1 : index
    %get3A_36 = arith.constant 0 : index
    %get3A_37 = arith.constant 0 : index
    %get3A_38 = vector.load %arg1[%get3A_34, %get3A_35, %get3A_36, %get3A_37] : memref<3x2x1000x128xf32, #tpu.memory_space<vmem>>, vector<1x1x1000x128xf32>
    %get3A_39 = vector.shape_cast %get3A_38 : vector<1x1x1000x128xf32> to vector<1000x128xf32>
    %add3A_40 = arith.addf %get3A_33, %get3A_39 : vector<1000x128xf32>
    %get3A_41 = arith.constant 0 : index
    %get3A_42 = arith.constant 0 : index
    %get3A_43 = vector.load %arg2[%get3A_41, %get3A_42] : memref<1000x128xf32, #tpu.memory_space<vmem>>, vector<1000x128xf32>
    %add3A_44 = arith.addf %add3A_40, %get3A_43 : vector<1000x128xf32>
    %mul3A = vector.broadcast %broadcast_in_dim3A_27 : vector<1000x1xf32> to vector<1000x128xf32>
    %mul3A_45 = arith.mulf %mul3A, %add3A_44 : vector<1000x128xf32>
    %add3A_46 = arith.addf %broadcast_in_dim3A_12, %mul3A_45 : vector<1000x128xf32>
    %get3A_47 = arith.constant 0 : index
    %get3A_48 = arith.constant 0 : index
    %get3A_49 = arith.constant 1 : index
    %get3A_50 = vector.load %arg5[%get3A_47, %get3A_48, %get3A_49] : memref<1000x2x3xf32, #tpu.memory_space<vmem>>, vector<1000x1x1xf32>
    %get3A_51 = vector.shape_cast %get3A_50 : vector<1000x1x1xf32> to vector<1000xf32>
    %get3A_52 = arith.constant 0 : index
    %get3A_53 = arith.constant 1 : index
    %get3A_54 = arith.constant 1 : index
    %get3A_55 = vector.load %arg5[%get3A_52, %get3A_53, %get3A_54] : memref<1000x2x3xf32, #tpu.memory_space<vmem>>, vector<1000x1x1xf32>
    %get3A_56 = vector.shape_cast %get3A_55 : vector<1000x1x1xf32> to vector<1000xf32>
    %add3A_57 = arith.addf %get3A_51, %get3A_56 : vector<1000xf32>
    %add3A_58 = arith.constant 1.000000e+00 : f32
    %add3A_59 = vector.broadcast %add3A_58 : f32 to vector<1000xf32>
    %add3A_60 = arith.addf %add3A_57, %add3A_59 : vector<1000xf32>
    %rsqrt3A_61 = math.rsqrt %add3A_60 : vector<1000xf32>
    %broadcast_in_dim3A_62 = vector.shape_cast %rsqrt3A_61 : vector<1000xf32> to vector<1000x1xf32>
    %get3A_63 = arith.constant 1 : index
    %get3A_64 = arith.constant 0 : index
    %get3A_65 = arith.constant 0 : index
    %get3A_66 = arith.constant 0 : index
    %get3A_67 = vector.load %arg1[%get3A_63, %get3A_64, %get3A_65, %get3A_66] : memref<3x2x1000x128xf32, #tpu.memory_space<vmem>>, vector<1x1x1000x128xf32>
    %get3A_68 = vector.shape_cast %get3A_67 : vector<1x1x1000x128xf32> to vector<1000x128xf32>
    %get3A_69 = arith.constant 1 : index
    %get3A_70 = arith.constant 1 : index
    %get3A_71 = arith.constant 0 : index
    %get3A_72 = arith.constant 0 : index
    %get3A_73 = vector.load %arg1[%get3A_69, %get3A_70, %get3A_71, %get3A_72] : memref<3x2x1000x128xf32, #tpu.memory_space<vmem>>, vector<1x1x1000x128xf32>
    %get3A_74 = vector.shape_cast %get3A_73 : vector<1x1x1000x128xf32> to vector<1000x128xf32>
    %add3A_75 = arith.addf %get3A_68, %get3A_74 : vector<1000x128xf32>
    %get3A_76 = arith.constant 0 : index
    %get3A_77 = arith.constant 0 : index
    %get3A_78 = vector.load %arg3[%get3A_76, %get3A_77] : memref<1000x128xf32, #tpu.memory_space<vmem>>, vector<1000x128xf32>
    %add3A_79 = arith.addf %add3A_75, %get3A_78 : vector<1000x128xf32>
    %mul3A_80 = vector.broadcast %broadcast_in_dim3A_62 : vector<1000x1xf32> to vector<1000x128xf32>
    %mul3A_81 = arith.mulf %mul3A_80, %add3A_79 : vector<1000x128xf32>
    %add3A_82 = arith.addf %add3A_46, %mul3A_81 : vector<1000x128xf32>
    %get3A_83 = arith.constant 0 : index
    %get3A_84 = arith.constant 0 : index
    %get3A_85 = arith.constant 2 : index
    %get3A_86 = vector.load %arg5[%get3A_83, %get3A_84, %get3A_85] : memref<1000x2x3xf32, #tpu.memory_space<vmem>>, vector<1000x1x1xf32>
    %get3A_87 = vector.shape_cast %get3A_86 : vector<1000x1x1xf32> to vector<1000xf32>
    %get3A_88 = arith.constant 0 : index
    %get3A_89 = arith.constant 1 : index
    %get3A_90 = arith.constant 2 : index
    %get3A_91 = vector.load %arg5[%get3A_88, %get3A_89, %get3A_90] : memref<1000x2x3xf32, #tpu.memory_space<vmem>>, vector<1000x1x1xf32>
    %get3A_92 = vector.shape_cast %get3A_91 : vector<1000x1x1xf32> to vector<1000xf32>
    %add3A_93 = arith.addf %get3A_87, %get3A_92 : vector<1000xf32>
    %add3A_94 = arith.constant 1.000000e+00 : f32
    %add3A_95 = vector.broadcast %add3A_94 : f32 to vector<1000xf32>
    %add3A_96 = arith.addf %add3A_93, %add3A_95 : vector<1000xf32>
    %rsqrt3A_97 = math.rsqrt %add3A_96 : vector<1000xf32>
    %broadcast_in_dim3A_98 = vector.shape_cast %rsqrt3A_97 : vector<1000xf32> to vector<1000x1xf32>
    %get3A_99 = arith.constant 2 : index
    %get3A_100 = arith.constant 0 : index
    %get3A_101 = arith.constant 0 : index
    %get3A_102 = arith.constant 0 : index
    %get3A_103 = vector.load %arg1[%get3A_99, %get3A_100, %get3A_101, %get3A_102] : memref<3x2x1000x128xf32, #tpu.memory_space<vmem>>, vector<1x1x1000x128xf32>
    %get3A_104 = vector.shape_cast %get3A_103 : vector<1x1x1000x128xf32> to vector<1000x128xf32>
    %get3A_105 = arith.constant 2 : index
    %get3A_106 = arith.constant 1 : index
    %get3A_107 = arith.constant 0 : index
    %get3A_108 = arith.constant 0 : index
    %get3A_109 = vector.load %arg1[%get3A_105, %get3A_106, %get3A_107, %get3A_108] : memref<3x2x1000x128xf32, #tpu.memory_space<vmem>>, vector<1x1x1000x128xf32>
    %get3A_110 = vector.shape_cast %get3A_109 : vector<1x1x1000x128xf32> to vector<1000x128xf32>
    %add3A_111 = arith.addf %get3A_104, %get3A_110 : vector<1000x128xf32>
    %get3A_112 = arith.constant 0 : index
    %get3A_113 = arith.constant 0 : index
    %get3A_114 = vector.load %arg4[%get3A_112, %get3A_113] : memref<1000x128xf32, #tpu.memory_space<vmem>>, vector<1000x128xf32>
    %add3A_115 = arith.addf %add3A_111, %get3A_114 : vector<1000x128xf32>
    %mul3A_116 = vector.broadcast %broadcast_in_dim3A_98 : vector<1000x1xf32> to vector<1000x128xf32>
    %mul3A_117 = arith.mulf %mul3A_116, %add3A_115 : vector<1000x128xf32>
    %add3A_118 = arith.addf %add3A_82, %mul3A_117 : vector<1000x128xf32>
    %swap3A = arith.constant 0 : index
    %swap3A_119 = arith.constant 0 : index
    %swap3A_120 = vector.load %arg7[%swap3A, %swap3A_119] : memref<1000x128xf32, #tpu.memory_space<vmem>>, vector<1000x128xf32>
    tpu.vector_store %arg7[%swap3A, %swap3A_119], %add3A_118 {strides = array<i32>} : memref<1000x128xf32, #tpu.memory_space<vmem>>, vector<1000x128xf32>,
    return
  }
  func.func @transform_0(%arg0: i32) -> (i32, i32, i32, i32) {
    %c0_i32 = arith.constant 0 : i32
    %c0_i32_0 = arith.constant 0 : i32
    %c0_i32_1 = arith.constant 0 : i32
    %c0_i32_2 = arith.constant 0 : i32
    return %c0_i32, %c0_i32_0, %arg0, %c0_i32_1 : i32, i32, i32, i32
  }
  func.func @transform_1(%arg0: i32) -> (i32, i32) {
    %c0_i32 = arith.constant 0 : i32
    %c0_i32_0 = arith.constant 0 : i32
    return %arg0, %c0_i32 : i32, i32
  }
  func.func @transform_2(%arg0: i32) -> (i32, i32) {
    %c0_i32 = arith.constant 0 : i32
    %c0_i32_0 = arith.constant 0 : i32
    return %arg0, %c0_i32 : i32, i32
  }
  func.func @transform_3(%arg0: i32) -> (i32, i32) {
    %c0_i32 = arith.constant 0 : i32
    %c0_i32_0 = arith.constant 0 : i32
    return %arg0, %c0_i32 : i32, i32
  }
  func.func @transform_4(%arg0: i32) -> (i32, i32, i32) {
    %c0_i32 = arith.constant 0 : i32
    %c0_i32_0 = arith.constant 0 : i32
    %c0_i32_1 = arith.constant 0 : i32
    return %arg0, %c0_i32, %c0_i32_0 : i32, i32, i32
  }
  func.func @transform_5(%arg0: i32) -> (i32, i32) {
    %c0_i32 = arith.constant 0 : i32
    %c0_i32_0 = arith.constant 0 : i32
    %c0_i32_1 = arith.constant 0 : i32
    return %c0_i32, %c0_i32_0 : i32, i32
  }
  func.func @transform_6(%arg0: i32) -> (i32, i32) {
    %c0_i32 = arith.constant 0 : i32
    %c0_i32_0 = arith.constant 0 : i32
    return %arg0, %c0_i32 : i32, i32
  }
}

</mosaic_0001>

<sc_bundles>
// kernel: gcn_deg_sc.3.cloned.1.call-start
scs
__scs_entry_jumppad:
0x0: {  	(pc) =	sbr.rel $0x88, $3  }
0x1: {  	(tag) =	ssettag $0x0;
	lr =	simm.s32 $0x1  }
0x2: {  	[smem:$0x3F99] =	sst lr;
	_ =	strace $0xD0000000  }
0x3: {  	_ = 	snop  }
0x4: {  	_ = 	snop  }
0x5: {  	_ = 	snop  }
0x6: {  	_ = 	snop  }
0x7: {  	_ = 	snop  }
__scs_overlays_trampoline_lowered:
0x8: {  	[smem:$0x3FA8] =	sst s0  }
0x9: {  	[smem:$0x3FA9] =	sst s1  }
0xa: {  	[smem:$0x3FAA] =	sst s2  }
0xb: {  	[smem:$0x3FAB] =	sst s3  }
0xc: {  	[smem:$0x3FAC] =	sst s4  }
0xd: {  	[smem:$0x3FAD] =	sst s5  }
0xe: {  	[smem:$0x3FAE] =	sst s6  }
0xf: {  	[smem:$0x3FAF] =	sst s7  }
0x10: {  	[smem:$0x3FB0] =	sst s8  }
0x11: {  	[smem:$0x3FB1] =	sst s9;
	s0 =	simm.s32 @!p0 $0x0  }
0x12: {  	s1 =	sld [smem:$0x3F97];
	s0 =	simm.s32 @p0 $0x1  }
0x13: {  	[smem:$0x3FB2] =	sst s0;
	s0 =	simm.s32 @!p1 $0x0  }
0x14: {  	s2 =	sld [smem:$0x3F96];
	s0 =	simm.s32 @p1 $0x1  }
0x15: {  	[smem:$0x3FB3] =	sst s0;
	s0 =	simm.s32 @!p2 $0x0  }
0x16: {  	s3 =	sld [smem:$0x3FDB];
	s0 =	simm.s32 @p2 $0x1  }
0x17: {  	s4 =	simm.s32 $0x1BF5;
	[smem:$0x3FB5] =	sst s0  }
0x18: {  	s0 =	sld [smem:$0x3F98];
	_ =	swait.ge [sflag:s4], $0x0  }
0x19: {  	s7 =	sld [smem:$0x3F99]  }
0x1a: {  	s8 =	sadd.s32 $0xFFFFE003, lr  }
0x1b: {  	s9 =	sadd.s32 $0xFFFFFEF7, lr;
	s5 =	simm.s32 $0xFFFFFFFF;
	p2 =	slt.u32 s8, $0xFFFFF086  }
0x1c: {  	p1 =	slt.u32 s9, $0xF7A;
	s5 =	simm.s32 @!p2 $0x0  }
0x1d: {  	s5 =	simm.s32 @p1 $0x1;
	p0 =	seq.s32 s7, s2  }
0x1e: {  	s7 =	smul.u32 @!p0 $0xF7A, s2;
	p2 =	seq.s32 @!p0 s5, $0x0  }
0x1f: {  	s9 =	smul.u32 $0xF7A, s1;
	s8 =	simm.s32 @!p0 $0x1BF5;
	p2 =	por !p2, p0  }
0x20: {  	[sflag:s8] =	ssyncset.s32 @!p0 $0xFFFFF086;
	s6 =	sadd.s32 @!p0 s3, s7;
	s7 =	simm.s32 @!p0 $0x108  }
0x21: {  	s3 =	sadd.s32 s3, s9;
	s6 =	sadd.s32 @!p0 $0x88, s6;
	s7 =	simm.s32 @p2 $0x1082  }
0x22: {  	[simem:s7], [sflag:s8] =	dma.local @!p0 [hbm:s6], $0xF7A  }
0x23: {  	s9 =	sor.u32 $0xD0000000, s2;
	s6 =	simm.s32 $0x108;
	_ =	swait.ge @!p0 [sflag:s8], $0x0  }
0x24: {  	s3 =	sadd.s32 $0x88, s3;
	s6 =	simm.s32 @!p1 $0x1082;
	[sflag:s4] =	ssyncset.s32 $0xFFFFF086  }
0x25: {  	[simem:s6], [sflag:s4] =	dma.local [hbm:s3], $0xF7A  }
0x26: {  	[smem:$0x3F99] =	sst s1;
	(tag) =	ssettag s2;
	_ =	strace s9  }
0x27: {  	s1 =	sld [smem:$0x3FA9]  }
0x28: {  	s2 =	sld [smem:$0x3FAA]  }
0x29: {  	s4 =	sld [smem:$0x3FAC]  }
0x2a: {  	p0 =	seq.s32 s5, $0x0;
	s5 =	sld [smem:$0x3FAD]  }
0x2b: {  	s6 =	sld [smem:$0x3FAE]  }
0x2c: {  	s7 =	sld [smem:$0x3FAF]  }
0x2d: {  	s3 =	simm.s32 $0x108;
	s8 =	sld [smem:$0x3FB0]  }
0x2e: {  	s3 =	simm.s32 @!p0 $0x1082;
	s9 =	sld [smem:$0x3FB1]  }
0x2f: {  	lr =	sadd.s32 s0, s3;
	s0 =	sld [smem:$0x3FA8]  }
0x30: {  	s3 =	sld [smem:$0x3FAB]  }
0x31: {  	[smem:$0x3FB4] =	sst s10  }
0x32: {  	s10 =	sld [smem:$0x3FB2];
	_ =	sdelay $0x3  }
0x33: {  	p0 =	seq.s32 s10, $0x1;
	s10 =	sld [smem:$0x3FB4];
	_ =	sdelay $0x3  }
0x34: {  	[smem:$0x3FB4] =	sst s10  }
0x35: {  	s10 =	sld [smem:$0x3FB3];
	_ =	sdelay $0x3  }
0x36: {  	p1 =	seq.s32 s10, $0x1;
	s10 =	sld [smem:$0x3FB4];
	_ =	sdelay $0x3  }
0x37: {  	[smem:$0x3FB4] =	sst s10  }
0x38: {  	s10 =	sld [smem:$0x3FB5]  }
0x39: {  	_ = 	snop;
	(pc) =	sbr.ind lr, $3  }
0x3a: {  	_ = 	snop  }
0x3b: {  	_ = 	snop  }
0x3c: {  	p2 =	seq.s32 s10, $0x1;
	s10 =	sld [smem:$0x3FB4]  }
0x3d: {  	_ =	shalt  }
0x3e: {  	_ =	shalt  }
0x3f: {  	_ =	shalt  }
0x40: {  	_ =	shalt  }
0x41: {  	_ =	shalt  }
0x42: {  	_ =	shalt  }
0x43: {  	_ =	shalt  }
0x44: {  	_ =	shalt  }
0x45: {  	_ =	shalt  }
0x46: {  	_ =	shalt  }
0x47: {  	_ =	shalt  }
0x48: {  	_ =	shalt  }
0x49: {  	_ =	shalt  }
0x4a: {  	_ =	shalt  }
0x4b: {  	_ =	shalt  }
0x4c: {  	_ =	shalt  }
0x4d: {  	_ =	shalt  }
0x4e: {  	_ =	shalt  }
0x4f: {  	_ =	shalt  }
0x50: {  	_ =	shalt  }
0x51: {  	_ =	shalt  }
0x52: {  	_ =	shalt  }
0x53: {  	_ =	shalt  }
0x54: {  	_ =	shalt  }
0x55: {  	_ =	shalt  }
0x56: {  	_ =	shalt  }
0x57: {  	_ =	shalt  }
0x58: {  	_ =	shalt  }
0x59: {  	_ =	shalt  }
0x5a: {  	_ =	shalt  }
0x5b: {  	_ =	shalt  }
0x5c: {  	_ =	shalt  }
0x5d: {  	_ =	shalt  }
0x5e: {  	_ =	shalt  }
0x5f: {  	_ =	shalt  }
0x60: {  	_ =	shalt  }
0x61: {  	_ =	shalt  }
0x62: {  	_ =	shalt  }
0x63: {  	_ =	shalt  }
0x64: {  	_ =	shalt  }
0x65: {  	_ =	shalt  }
0x66: {  	_ =	shalt  }
0x67: {  	_ =	shalt  }
0x68: {  	_ =	shalt  }
0x69: {  	_ =	shalt  }
0x6a: {  	_ =	shalt  }
0x6b: {  	_ =	shalt  }
0x6c: {  	_ =	shalt  }
0x6d: {  	_ =	shalt  }
0x6e: {  	_ =	shalt  }
0x6f: {  	_ =	shalt  }
0x70: {  	_ =	shalt  }
0x71: {  	_ =	shalt  }
0x72: {  	_ =	shalt  }
0x73: {  	_ =	shalt  }
0x74: {  	_ =	shalt  }
0x75: {  	_ =	shalt  }
0x76: {  	_ =	shalt  }
0x77: {  	_ =	shalt  }
0x78: {  	_ =	shalt  }
0x79: {  	_ =	shalt  }
0x7a: {  	_ =	shalt  }
0x7b: {  	_ =	shalt  }
0x7c: {  	_ =	shalt  }
0x7d: {  	_ =	shalt  }
0x7e: {  	_ =	shalt  }
0x7f: {  	_ =	shalt  }
0x80: {  	_ =	shalt  }
0x81: {  	_ =	shalt  }
0x82: {  	_ =	shalt  }
0x83: {  	_ =	shalt  }
0x84: {  	_ =	shalt  }
0x85: {  	_ =	shalt  }
0x86: {  	_ =	shalt  }
0x87: {  	_ =	shalt  }
.Lfunc_end0:
.L_simem_size_0:
called_computation_lowered:
.L_overlay_start_0:
0x88: {  	s2 =	sld [smem:$0x3FD9]  }
0x89: {  	s3 =	sld [smem:$0x3FFE];
	_ =	sdelay $0x1  }
0x8a: {  	s1 =	srdreg.scid  }
0x8b: {  	s0 =	sand.u32 $0x1, s1  }
0x8c: {  	s17 =	sshll.u32 s0, $0xA;
	s2 =	sadd.s32 s3, s2  }
0x8d: {  	s2 =	sadd.s32 s2, s17  }
0x8e: {  	[smem:$0x3FC0] =	sst s2  }
0x8f: {  	_ = 	snop  }
0x90: {  	s2 =	sld [smem:$0x3FD0];
	(tm) =	ssettm $0x1  }
0x91: {  	s18 =	sld [smem:$0x3FFB];
	_ =	sdelay $0x3  }
0x92: {  	_ =	strace s18  }
0x93: {  	s3 =	sld [smem:$0x3FFC];
	_ =	sdelay $0x3  }
0x94: {  	_ =	strace s3  }
0x95: {  	s3 =	sld [smem:$0x3FFD];
	_ =	sdelay $0x3  }
0x96: {  	_ =	strace s3  }
0x97: {  	_ =	strace $0x8FFFFFFF  }
0x98: {  	s19 =	sld [smem:$0x3FDB];
	_ =	sdelay $0x1  }
0x99: {  	s4 =	simm.s32 $_scs_section_size  }
0x9a: {  	s5 =	simm.s32 $_size__tile_overlayer_lowered;
	s6 =	simm.s32 $_tile_overlayer_lowered  }
0x9b: {  	s22 =	simm.s32 $0x1BFF;
	s21 =	sshll.u32 s6, $0x1;
	s3 =	sadd.s32 s4, s19  }
0x9c: {  	s7 =	simm.s32 $0x0;
	s20 =	sshll.u32 s5, $0x1;
	s5 =	sadd.s32 s21, s3  }
0x9d: {  	[timem:s7], [sflag:s22] =	dma.local [hbm:s5], s20  }
0x9e: {  	_ =	swait.ge [sflag:s22], s20  }
0x9f: {  	s4 =	ssub.s32 $0x0, s20;
	[sflag:s22] =	ssyncset.done $0x0  }
0xa0: {  	[sflag:s22] =	ssyncadd.s32 s4;
	_ =	sdelay $0x1  }
0xa1: {  	s23 =	simm.s32 $0x1B8B  }
0xa2: {  	_ =	swait.ge [sflag:s23], $0x1  }
0xa3: {  	[sflag:s23] =	ssyncset.done $0x0  }
0xa4: {  	s25 =	simm.s32 $0x1B8E;
	s24 =	sld [smem:$0x3FFE];
	[sflag:s23] =	ssyncadd.s32 $0xFFFFFFFF  }
0xa5: {  	s26 =	simm.s32 $execute0_lowered;
	[smem:$0x3FD2] =	sst s25  }
0xa6: {  	s5 =	sshll.u32 s26, $0x1;
	_ =	strace $0x80000046;
	[dreg:$0x1] =	wrdreg $0xFFFFFFFF  }
0xa7: {  	s28 =	simm.s32 $_size_execute0_lowered;
	s3 =	sadd.s32 s3, s5;
	[dreg:$0x0] =	wrdreg $0x0  }
0xa8: {  	s5 =	sshll.u32 s28, $0x1;
	[dreg:$0x2] =	wrdreg s3  }
0xa9: {  	[dreg:$0x3] =	wrdreg s5  }
0xaa: {  	[dreg:$0x4] =	wrdreg $0xC0  }
0xab: {  	_ =	task [dreg:s7], $0x5FFFF  }
0xac: {  	[dreg:$0x1] =	wrdreg $0xFFFFFFFF  }
0xad: {  	[dreg:$0x0] =	wrdreg $0x60  }
0xae: {  	[dreg:$0x2] =	wrdreg s2  }
0xaf: {  	[dreg:$0x3] =	wrdreg s24  }
0xb0: {  	[dreg:$0x4] =	wrdreg $0xAE800  }
0xb1: {  	[dreg:$0x5] =	wrdreg $0x9  }
0xb2: {  	_ =	task.clear_ibuf [dreg:s7], $0x6FFFF;
	_ =	strace $0x90000046  }
0xb3: {  	s29 =	simm.s32 $0x9;
	_ =	strace $0x80000048  }
0xb4: {  	_ =	swait.ge [sflag:s29], $0x1  }
0xb5: {  	[sflag:s29] =	ssyncadd.s32 $0xFFFFFFFF  }
0xb6: {  	_ =	strace $0x90000048  }
0xb7: {  	_ =	sfence  }
0xb8: {  	s30 =	sld [smem:$0x0];
	_ =	sdelay $0x2  }
0xb9: {  	s31 =	sshll.u32 s1, $0xD;
	s1 =	sshrl.u32 s1, $0x2  }
0xba: {  	s3 =	sand.u32 $0x4000, s31;
	s1 =	sadd.s32 s1, s30  }
0xbb: {  	s0 =	sor.u32 s3, s0;
	s1 =	sshll.u32 s1, $0x11  }
0xbc: {  	s0 =	sor.u32 s1, s0  }
0xbd: {  	s0 =	sadd.s32 $0x8F2B, s0  }
0xbe: {  	[sflag:s0] =	ssyncadd.remote.s32 $0x1  }
0xbf: {  	_ =	sfence.sel $0xFFFF  }
0xc0: {  	[dreg:$0x0] =	wrdreg $0xFFFFFFFF;
	(pc) =	sbr.abs _section_cstart, $3  }
0xc1: {  	[dreg:$0x1] =	wrdreg $0xFFFFFFFF  }
0xc2: {  	_ =	task.clear_ibuf [dreg:s7], $0x2FFFF;
	_ =	strace $0x9FFFFFFF  }
0xc3: {  	(tm) =	ssettm $0x7FFFFFFF  }
tec
execute0_lowered:
.L_overlay_start_1:
0x0: {  	(tag) =	ssettag $0x1  }
0x1: {  	s0 =	rddreg [dreg:$0x0]  }
0x2: {  	s1 =	rddreg [dreg:$0x1]  }
0x3: {  	s7 =	rddreg [dreg:$0x2]  }
0x4: {  	s2 =	srdreg.scid;
	s9 =	stileid.u32  }
0x5: {  	s28 =	simm.s32 $0x80;
	s29 =	simm.s32 $0x400;
	s30 =	simm.s32 $0xA700  }
0x6: {  	s3 =	sand.u32 $0x1, s2;
	s4 =	smul.u32 $0xF00, s9;
	s2 =	simm.s32 $0x0  }
0x7: {  	s21 =	sshrl.u32 s9, $0x3;
	s23 =	smul.u32 $0xF000, s9;
	s25 =	sshll.u32 s9, $0x7  }
0x8: {  	s5 =	sshll.u32 s3, $0x7;
	s6 =	sshll.u32 s3, $0x4;
	[smem:$0x7FF] =	sst s2  }
0x9: {  	s3 =	ssub.s32 $0x2, s3;
	s8 =	smul.u32 $0xF0000, s21;
	s31 =	sand.u32 $0x380, s25  }
0xa: {  	s25 =	simm.s32 $0x1;
	s4 =	sor.u32 s5, s4;
	s20 =	sor.u32 s9, s6  }
0xb: {  	_ =	strace $0x80000047;
	s22 =	sshrl.u32 s3, $0x1;
	s4 =	sshrl.u32 s4, $0x3  }
0xc: {  	s5 =	smul.u32 $0x2780, s20;
	s24 =	ssub.s32 s3, s22;
	s26 =	sshrl.u32 s8, $0x2  }
0xd: {  	s1 =	sadd.s32 s4, s1;
	s6 =	sadd.s32 s26, s7;
	s24 =	smax.u32 s24, $0x1  }
0xe: {  	s26 =	simm.s32 $0x2780;
	s5 =	sshrl.u32 s5, $0x3;
	s6 =	sadd.s32 s31, s6  }
0xf: {  	s3 =	sadd.s32 s0, s5;
	s0 =	sshrl.u32 s23, $0x2;
	s23 =	sadd.s32 $0x2C00, s1  }
0x10: {  	s4 =	sadd.s32 $0x9E00, s3;
	s5 =	sadd.s32 $0x13C00, s3;
	s7 =	sadd.s32 s0, s7  }
0x11: {  	s8 =	sadd.s32 $0x80, s7;
	s9 =	sadd.s32 $0x100, s7;
	s10 =	sadd.s32 $0x180, s7  }
0x12: {  	s11 =	sadd.s32 $0x200, s7;
	s12 =	sadd.s32 $0x280, s7;
	s13 =	sadd.s32 $0x300, s7  }
0x13: {  	s14 =	sadd.s32 $0x380, s7;
	s15 =	sadd.s32 $0x3C000, s7;
	s16 =	sadd.s32 $0x3C080, s7  }
0x14: {  	s17 =	sadd.s32 $0x3C100, s7;
	s18 =	sadd.s32 $0x3C180, s7;
	s19 =	sadd.s32 $0x3C200, s7  }
0x15: {  	v0 =	vimm.f32 $0.0e+00;
	v1 =	vimm.f32 $1.000000000e+00;
	s20 =	sadd.s32 $0x3C280, s7;
	s21 =	sadd.s32 $0x3C300, s7;
	s22 =	sadd.s32 $0x3C380, s7  }
.LBB2_1:
0x16: {  	s1 =	simm.s32 $0x40;
	s31 =	simm.s32 $0x0  }
.LBB2_2:
0x17: {  	p0 =	sne.s32 s1, $0x1DFC0;
	[tilespmem:s31+$0x2780] =	vst v0;
	s31 =	smov.u32 s1;
	s1 =	sadd.s32 $0x40, s1  }
.Ltmp0:
0x18: {  	(pc) =	sbr.rel @p0 .LBB2_2-.Ltmp0, $2  }
0x19: {  	_ =	sdelay $0x2  }
0x1a: {  	s31 =	sshra.s32 s31, $0x2  }
0x1b: {  	[tilespmem:s31+$0x2780] =	vst v0;
	s1 =	simm.s32 $0x0  }
0x1c: {  	[tilespmem:s1], [sflag:$0x1] =	stream.linear.gather [hbm4b:s3+s1], $0x2780, $0x38;
	[tilespmem:$0x12680] =	vst v63  }
0x1d: {  	_ =	swait.ge [sflag:s25], $0x2780  }
0x1e: {  	[sflag:s25] =	ssyncset.done $0x0  }
0x1f: {  	s31 =	simm.s32 $0x0;
	s1 =	simm.s32 $0x40;
	[sflag:s25] =	ssyncadd.s32 $0xFFFFD880  }
.LBB2_4:
0x20: {  	p0 =	sne.s32 s1, $0x9C00;
	v2 =	vld [tilespmem:s31+$0x0];
	_ =	sdelay $0x3  }
.Ltmp1:
0x21: {  	(pc) =	sbr.rel @p0 .LBB2_4-.Ltmp1, $2  }
0x22: {  	_ =	sdelay $0x2  }
0x23: {  	s31 =	sshra.s32 s1, $0x2;
	s1 =	sadd.s32 $0x40, s1;
	[tilespmem:v2+s26+$0x0] =	vst.idx.add.f32.msk $0xffff, v1  }
0x24: {  	v2 =	vld [tilespmem:s31+$0x0];
	_ =	sdelay $0x7  }
0x25: {  	s1 =	simm.s32 $0x0;
	[tilespmem:v2+s26+$0x0] =	vst.idx.add.f32.msk $0xffff, v1  }
0x26: {  	[tilespmem:s1], [sflag:$0x1] =	stream.linear.gather [hbm4b:s4+s1], $0x2780, $0x38;
	[tilespmem:$0x12680] =	vst v63  }
0x27: {  	_ =	swait.ge [sflag:s25], $0x2780  }
0x28: {  	[sflag:s25] =	ssyncset.done $0x0  }
0x29: {  	s31 =	simm.s32 $0x0;
	s1 =	simm.s32 $0x40;
	[sflag:s25] =	ssyncadd.s32 $0xFFFFD880  }
.LBB2_6:
0x2a: {  	p0 =	sne.s32 s1, $0x9C00;
	v2 =	vld [tilespmem:s31+$0x0];
	_ =	sdelay $0x4  }
0x2b: {  	v2 =	vadd.s32 $0x2800, v2  }
.Ltmp2:
0x2c: {  	(pc) =	sbr.rel @p0 .LBB2_6-.Ltmp2, $2  }
0x2d: {  	_ =	sdelay $0x2  }
0x2e: {  	s31 =	sshra.s32 s1, $0x2;
	s1 =	sadd.s32 $0x40, s1;
	[tilespmem:v2+s26+$0x0] =	vst.idx.add.f32.msk $0xffff, v1  }
0x2f: {  	v2 =	vld [tilespmem:s31+$0x0];
	_ =	sdelay $0x4  }
0x30: {  	v2 =	vadd.s32 $0x2800, v2;
	_ =	sdelay $0x4  }
0x31: {  	s1 =	simm.s32 $0x0;
	[tilespmem:v2+s26+$0x0] =	vst.idx.add.f32.msk $0xffff, v1  }
0x32: {  	[tilespmem:s1], [sflag:$0x1] =	stream.linear.gather [hbm4b:s5+s1], $0x2780, $0x38;
	[tilespmem:$0x12680] =	vst v63  }
0x33: {  	_ =	swait.ge [sflag:s25], $0x2780  }
0x34: {  	[sflag:s25] =	ssyncset.done $0x0  }
0x35: {  	s31 =	simm.s32 $0x0;
	s1 =	simm.s32 $0x40;
	[sflag:s25] =	ssyncadd.s32 $0xFFFFD880  }
.LBB2_8:
0x36: {  	p0 =	sne.s32 s1, $0x9C00;
	v2 =	vld [tilespmem:s31+$0x0];
	_ =	sdelay $0x4  }
0x37: {  	v2 =	vadd.s32 $0x5000, v2  }
.Ltmp3:
0x38: {  	(pc) =	sbr.rel @p0 .LBB2_8-.Ltmp3, $2  }
0x39: {  	_ =	sdelay $0x2  }
0x3a: {  	s31 =	sshra.s32 s1, $0x2;
	s1 =	sadd.s32 $0x40, s1;
	[tilespmem:v2+s26+$0x0] =	vst.idx.add.f32.msk $0xffff, v1  }
0x3b: {  	v2 =	vld [tilespmem:s31+$0x0];
	_ =	sdelay $0x4  }
0x3c: {  	v2 =	vadd.s32 $0x5000, v2;
	_ =	sdelay $0x4  }
0x3d: {  	[tilespmem:v2+s26+$0x0] =	vst.idx.add.f32.msk $0xffff, v1  }
0x3e: {  	[spmem:s6] =	stream.strided.scatter [tilespmem:s26], [sflag:$0x1], $0x7800, s29, s28, $0x38;
	[tilespmem:$0x12680] =	vst v63  }
0x3f: {  	_ =	swait.ge [sflag:s25], $0x7800  }
0x40: {  	[sflag:s25] =	ssyncset.done $0x0  }
0x41: {  	[sflag:s25] =	ssyncadd.s32 $0xFFFF8800  }
0x42: {  	s1 =	simm.s32 $0x40;
	s31 =	simm.s32 $0x0;
	[bflag:$0x0] =	sbarrier.arrive $0xFFFF  }
.LBB2_10:
0x43: {  	p0 =	sne.s32 s1, $0x1DC0;
	[tilespmem:s31+$0x9F80] =	vst v0;
	s31 =	smov.u32 s1;
	s1 =	sadd.s32 $0x40, s1  }
.Ltmp4:
0x44: {  	(pc) =	sbr.rel @p0 .LBB2_10-.Ltmp4, $2  }
0x45: {  	_ =	sdelay $0x2  }
0x46: {  	s31 =	sshra.s32 s31, $0x2  }
0x47: {  	[tilespmem:s31+$0x9F80] =	vst v0  }
0x48: {  	[tilespmem:s30], [sflag:$0x1] =	stream.strided.gather [spmem:s7], $0x780, s29, s28, $0x38;
	[tilespmem:$0x12680] =	vst v63  }
0x49: {  	_ =	swait.ge [sflag:s25], $0x780  }
0x4a: {  	[sflag:s25] =	ssyncset.done $0x0  }
0x4b: {  	s1 =	simm.s32 $0x0;
	[sflag:s25] =	ssyncadd.s32 $0xFFFFF880  }
0x4c: {  	s31 =	simm.s32 $0x40;
	v2 =	vld [tilespmem:s1+$0xA700]  }
.LBB2_12:
0x4d: {  	p0 =	sne.s32 s31, $0x1DC0;
	v3 =	vld [tilespmem:s1+$0x9F80];
	_ =	sdelay $0x2  }
.Ltmp5:
0x4e: {  	(pc) =	sbr.rel @p0 .LBB2_12-.Ltmp5, $4  }
0x4f: {  	_ = 	snop  }
0x50: {  	v3 =	vadd.f32 v2, v3  }
0x51: {  	s0 =	sshra.s32 s31, $0x2  }
0x52: {  	s31 =	sadd.s32 $0x40, s31;
	v2 =	vld [tilespmem:s0+$0xA700];
	[tilespmem:s1+$0x9F80] =	vst v3;
	s1 =	smov.u32 s0  }
0x53: {  	v3 =	vld [tilespmem:s1+$0x9F80];
	_ =	sdelay $0x4  }
0x54: {  	v2 =	vadd.f32 v2, v3;
	_ =	sdelay $0x1  }
0x55: {  	[tilespmem:s1+$0x9F80] =	vst v2  }
0x56: {  	[tilespmem:s30], [sflag:$0x1] =	stream.strided.gather [spmem:s8], $0x780, s29, s28, $0x38;
	[tilespmem:$0x12680] =	vst v63  }
0x57: {  	_ =	swait.ge [sflag:s25], $0x780  }
0x58: {  	[sflag:s25] =	ssyncset.done $0x0  }
0x59: {  	s1 =	simm.s32 $0x0;
	[sflag:s25] =	ssyncadd.s32 $0xFFFFF880  }
0x5a: {  	s31 =	simm.s32 $0x40;
	v2 =	vld [tilespmem:s1+$0xA700]  }
.LBB2_14:
0x5b: {  	p0 =	sne.s32 s31, $0x1DC0;
	v3 =	vld [tilespmem:s1+$0x9F80];
	_ =	sdelay $0x2  }
.Ltmp6:
0x5c: {  	(pc) =	sbr.rel @p0 .LBB2_14-.Ltmp6, $4  }
0x5d: {  	_ = 	snop  }
0x5e: {  	v3 =	vadd.f32 v2, v3  }
0x5f: {  	s0 =	sshra.s32 s31, $0x2  }
0x60: {  	s31 =	sadd.s32 $0x40, s31;
	v2 =	vld [tilespmem:s0+$0xA700];
	[tilespmem:s1+$0x9F80] =	vst v3;
	s1 =	smov.u32 s0  }
0x61: {  	v3 =	vld [tilespmem:s1+$0x9F80];
	_ =	sdelay $0x4  }
0x62: {  	v2 =	vadd.f32 v2, v3;
	_ =	sdelay $0x1  }
0x63: {  	[tilespmem:s1+$0x9F80] =	vst v2  }
0x64: {  	[tilespmem:s30], [sflag:$0x1] =	stream.strided.gather [spmem:s9], $0x780, s29, s28, $0x38;
	[tilespmem:$0x12680] =	vst v63  }
0x65: {  	_ =	swait.ge [sflag:s25], $0x780  }
0x66: {  	[sflag:s25] =	ssyncset.done $0x0  }
0x67: {  	s1 =	simm.s32 $0x0;
	[sflag:s25] =	ssyncadd.s32 $0xFFFFF880  }
0x68: {  	s31 =	simm.s32 $0x40;
	v2 =	vld [tilespmem:s1+$0xA700]  }
.LBB2_16:
0x69: {  	p0 =	sne.s32 s31, $0x1DC0;
	v3 =	vld [tilespmem:s1+$0x9F80];
	_ =	sdelay $0x2  }
.Ltmp7:
0x6a: {  	(pc) =	sbr.rel @p0 .LBB2_16-.Ltmp7, $4  }
0x6b: {  	_ = 	snop  }
0x6c: {  	v3 =	vadd.f32 v2, v3  }
0x6d: {  	s0 =	sshra.s32 s31, $0x2  }
0x6e: {  	s31 =	sadd.s32 $0x40, s31;
	v2 =	vld [tilespmem:s0+$0xA700];
	[tilespmem:s1+$0x9F80] =	vst v3;
	s1 =	smov.u32 s0  }
0x6f: {  	v3 =	vld [tilespmem:s1+$0x9F80];
	_ =	sdelay $0x4  }
0x70: {  	v2 =	vadd.f32 v2, v3;
	_ =	sdelay $0x1  }
0x71: {  	[tilespmem:s1+$0x9F80] =	vst v2  }
0x72: {  	[tilespmem:s30], [sflag:$0x1] =	stream.strided.gather [spmem:s10], $0x780, s29, s28, $0x38;
	[tilespmem:$0x12680] =	vst v63  }
0x73: {  	_ =	swait.ge [sflag:s25], $0x780  }
0x74: {  	[sflag:s25] =	ssyncset.done $0x0  }
0x75: {  	s1 =	simm.s32 $0x0;
	[sflag:s25] =	ssyncadd.s32 $0xFFFFF880  }
0x76: {  	s31 =	simm.s32 $0x40;
	v2 =	vld [tilespmem:s1+$0xA700]  }
.LBB2_18:
0x77: {  	p0 =	sne.s32 s31, $0x1DC0;
	v3 =	vld [tilespmem:s1+$0x9F80];
	_ =	sdelay $0x2  }
.Ltmp8:
0x78: {  	(pc) =	sbr.rel @p0 .LBB2_18-.Ltmp8, $4  }
0x79: {  	_ = 	snop  }
0x7a: {  	v3 =	vadd.f32 v2, v3  }
0x7b: {  	s0 =	sshra.s32 s31, $0x2  }
0x7c: {  	s31 =	sadd.s32 $0x40, s31;
	v2 =	vld [tilespmem:s0+$0xA700];
	[tilespmem:s1+$0x9F80] =	vst v3;
	s1 =	smov.u32 s0  }
0x7d: {  	v3 =	vld [tilespmem:s1+$0x9F80];
	_ =	sdelay $0x4  }
0x7e: {  	v2 =	vadd.f32 v2, v3;
	_ =	sdelay $0x1  }
0x7f: {  	[tilespmem:s1+$0x9F80] =	vst v2  }
0x80: {  	[tilespmem:s30], [sflag:$0x1] =	stream.strided.gather [spmem:s11], $0x780, s29, s28, $0x38;
	[tilespmem:$0x12680] =	vst v63  }
0x81: {  	_ =	swait.ge [sflag:s25], $0x780  }
0x82: {  	[sflag:s25] =	ssyncset.done $0x0  }
0x83: {  	s1 =	simm.s32 $0x0;
	[sflag:s25] =	ssyncadd.s32 $0xFFFFF880  }
0x84: {  	s31 =	simm.s32 $0x40;
	v2 =	vld [tilespmem:s1+$0xA700]  }
.LBB2_20:
0x85: {  	p0 =	sne.s32 s31, $0x1DC0;
	v3 =	vld [tilespmem:s1+$0x9F80];
	_ =	sdelay $0x2  }
.Ltmp9:
0x86: {  	(pc) =	sbr.rel @p0 .LBB2_20-.Ltmp9, $4  }
0x87: {  	_ = 	snop  }
0x88: {  	v3 =	vadd.f32 v2, v3  }
0x89: {  	s0 =	sshra.s32 s31, $0x2  }
0x8a: {  	s31 =	sadd.s32 $0x40, s31;
	v2 =	vld [tilespmem:s0+$0xA700];
	[tilespmem:s1+$0x9F80] =	vst v3;
	s1 =	smov.u32 s0  }
0x8b: {  	v3 =	vld [tilespmem:s1+$0x9F80];
	_ =	sdelay $0x4  }
0x8c: {  	v2 =	vadd.f32 v2, v3;
	_ =	sdelay $0x1  }
0x8d: {  	[tilespmem:s1+$0x9F80] =	vst v2  }
0x8e: {  	[tilespmem:s30], [sflag:$0x1] =	stream.strided.gather [spmem:s12], $0x780, s29, s28, $0x38;
	[tilespmem:$0x12680] =	vst v63  }
0x8f: {  	_ =	swait.ge [sflag:s25], $0x780  }
0x90: {  	[sflag:s25] =	ssyncset.done $0x0  }
0x91: {  	s1 =	simm.s32 $0x0;
	[sflag:s25] =	ssyncadd.s32 $0xFFFFF880  }
0x92: {  	s31 =	simm.s32 $0x40;
	v2 =	vld [tilespmem:s1+$0xA700]  }
.LBB2_22:
0x93: {  	p0 =	sne.s32 s31, $0x1DC0;
	v3 =	vld [tilespmem:s1+$0x9F80];
	_ =	sdelay $0x2  }
.Ltmp10:
0x94: {  	(pc) =	sbr.rel @p0 .LBB2_22-.Ltmp10, $4  }
0x95: {  	_ = 	snop  }
0x96: {  	v3 =	vadd.f32 v2, v3  }
0x97: {  	s0 =	sshra.s32 s31, $0x2  }
0x98: {  	s31 =	sadd.s32 $0x40, s31;
	v2 =	vld [tilespmem:s0+$0xA700];
	[tilespmem:s1+$0x9F80] =	vst v3;
	s1 =	smov.u32 s0  }
0x99: {  	v3 =	vld [tilespmem:s1+$0x9F80];
	_ =	sdelay $0x4  }
0x9a: {  	v2 =	vadd.f32 v2, v3;
	_ =	sdelay $0x1  }
0x9b: {  	[tilespmem:s1+$0x9F80] =	vst v2  }
0x9c: {  	[tilespmem:s30], [sflag:$0x1] =	stream.strided.gather [spmem:s13], $0x780, s29, s28, $0x38;
	[tilespmem:$0x12680] =	vst v63  }
0x9d: {  	_ =	swait.ge [sflag:s25], $0x780  }
0x9e: {  	[sflag:s25] =	ssyncset.done $0x0  }
0x9f: {  	s1 =	simm.s32 $0x0;
	[sflag:s25] =	ssyncadd.s32 $0xFFFFF880  }
0xa0: {  	s31 =	simm.s32 $0x40;
	v2 =	vld [tilespmem:s1+$0xA700]  }
.LBB2_24:
0xa1: {  	p0 =	sne.s32 s31, $0x1DC0;
	v3 =	vld [tilespmem:s1+$0x9F80];
	_ =	sdelay $0x2  }
.Ltmp11:
0xa2: {  	(pc) =	sbr.rel @p0 .LBB2_24-.Ltmp11, $4  }
0xa3: {  	_ = 	snop  }
0xa4: {  	v3 =	vadd.f32 v2, v3  }
0xa5: {  	s0 =	sshra.s32 s31, $0x2  }
0xa6: {  	s31 =	sadd.s32 $0x40, s31;
	v2 =	vld [tilespmem:s0+$0xA700];
	[tilespmem:s1+$0x9F80] =	vst v3;
	s1 =	smov.u32 s0  }
0xa7: {  	v3 =	vld [tilespmem:s1+$0x9F80];
	_ =	sdelay $0x4  }
0xa8: {  	v2 =	vadd.f32 v2, v3;
	_ =	sdelay $0x1  }
0xa9: {  	[tilespmem:s1+$0x9F80] =	vst v2  }
0xaa: {  	[tilespmem:s30], [sflag:$0x1] =	stream.strided.gather [spmem:s14], $0x780, s29, s28, $0x38;
	[tilespmem:$0x12680] =	vst v63  }
0xab: {  	_ =	swait.ge [sflag:s25], $0x780  }
0xac: {  	[sflag:s25] =	ssyncset.done $0x0  }
0xad: {  	s1 =	simm.s32 $0x0;
	[sflag:s25] =	ssyncadd.s32 $0xFFFFF880  }
0xae: {  	s31 =	simm.s32 $0x40;
	v2 =	vld [tilespmem:s1+$0xA700]  }
.LBB2_26:
0xaf: {  	p0 =	sne.s32 s31, $0x1DC0;
	v3 =	vld [tilespmem:s1+$0x9F80];
	_ =	sdelay $0x2  }
.Ltmp12:
0xb0: {  	(pc) =	sbr.rel @p0 .LBB2_26-.Ltmp12, $4  }
0xb1: {  	_ = 	snop  }
0xb2: {  	v3 =	vadd.f32 v2, v3  }
0xb3: {  	s0 =	sshra.s32 s31, $0x2  }
0xb4: {  	s31 =	sadd.s32 $0x40, s31;
	v2 =	vld [tilespmem:s0+$0xA700];
	[tilespmem:s1+$0x9F80] =	vst v3;
	s1 =	smov.u32 s0  }
0xb5: {  	v3 =	vld [tilespmem:s1+$0x9F80];
	_ =	sdelay $0x4  }
0xb6: {  	v2 =	vadd.f32 v2, v3;
	_ =	sdelay $0x1  }
0xb7: {  	[tilespmem:s1+$0x9F80] =	vst v2  }
0xb8: {  	[tilespmem:s30], [sflag:$0x1] =	stream.strided.gather [spmem:s15], $0x780, s29, s28, $0x38;
	[tilespmem:$0x12680] =	vst v63  }
0xb9: {  	_ =	swait.ge [sflag:s25], $0x780  }
0xba: {  	[sflag:s25] =	ssyncset.done $0x0  }
0xbb: {  	s1 =	simm.s32 $0x0;
	[sflag:s25] =	ssyncadd.s32 $0xFFFFF880  }
0xbc: {  	s31 =	simm.s32 $0x40;
	v2 =	vld [tilespmem:s1+$0xA700]  }
.LBB2_28:
0xbd: {  	p0 =	sne.s32 s31, $0x1DC0;
	v3 =	vld [tilespmem:s1+$0x9F80];
	_ =	sdelay $0x2  }
.Ltmp13:
0xbe: {  	(pc) =	sbr.rel @p0 .LBB2_28-.Ltmp13, $4  }
0xbf: {  	_ = 	snop  }
0xc0: {  	v3 =	vadd.f32 v2, v3  }
0xc1: {  	s0 =	sshra.s32 s31, $0x2  }
0xc2: {  	s31 =	sadd.s32 $0x40, s31;
	v2 =	vld [tilespmem:s0+$0xA700];
	[tilespmem:s1+$0x9F80] =	vst v3;
	s1 =	smov.u32 s0  }
0xc3: {  	v3 =	vld [tilespmem:s1+$0x9F80];
	_ =	sdelay $0x4  }
0xc4: {  	v2 =	vadd.f32 v2, v3;
	_ =	sdelay $0x1  }
0xc5: {  	[tilespmem:s1+$0x9F80] =	vst v2  }
0xc6: {  	[tilespmem:s30], [sflag:$0x1] =	stream.strided.gather [spmem:s16], $0x780, s29, s28, $0x38;
	[tilespmem:$0x12680] =	vst v63  }
0xc7: {  	_ =	swait.ge [sflag:s25], $0x780  }
0xc8: {  	[sflag:s25] =	ssyncset.done $0x0  }
0xc9: {  	s1 =	simm.s32 $0x0;
	[sflag:s25] =	ssyncadd.s32 $0xFFFFF880  }
0xca: {  	s31 =	simm.s32 $0x40;
	v2 =	vld [tilespmem:s1+$0xA700]  }
.LBB2_30:
0xcb: {  	p0 =	sne.s32 s31, $0x1DC0;
	v3 =	vld [tilespmem:s1+$0x9F80];
	_ =	sdelay $0x2  }
.Ltmp14:
0xcc: {  	(pc) =	sbr.rel @p0 .LBB2_30-.Ltmp14, $4  }
0xcd: {  	_ = 	snop  }
0xce: {  	v3 =	vadd.f32 v2, v3  }
0xcf: {  	s0 =	sshra.s32 s31, $0x2  }
0xd0: {  	s31 =	sadd.s32 $0x40, s31;
	v2 =	vld [tilespmem:s0+$0xA700];
	[tilespmem:s1+$0x9F80] =	vst v3;
	s1 =	smov.u32 s0  }
0xd1: {  	v3 =	vld [tilespmem:s1+$0x9F80];
	_ =	sdelay $0x4  }
0xd2: {  	v2 =	vadd.f32 v2, v3;
	_ =	sdelay $0x1  }
0xd3: {  	[tilespmem:s1+$0x9F80] =	vst v2  }
0xd4: {  	[tilespmem:s30], [sflag:$0x1] =	stream.strided.gather [spmem:s17], $0x780, s29, s28, $0x38;
	[tilespmem:$0x12680] =	vst v63  }
0xd5: {  	_ =	swait.ge [sflag:s25], $0x780  }
0xd6: {  	[sflag:s25] =	ssyncset.done $0x0  }
0xd7: {  	s1 =	simm.s32 $0x0;
	[sflag:s25] =	ssyncadd.s32 $0xFFFFF880  }
0xd8: {  	s31 =	simm.s32 $0x40;
	v2 =	vld [tilespmem:s1+$0xA700]  }
.LBB2_32:
0xd9: {  	p0 =	sne.s32 s31, $0x1DC0;
	v3 =	vld [tilespmem:s1+$0x9F80];
	_ =	sdelay $0x2  }
.Ltmp15:
0xda: {  	(pc) =	sbr.rel @p0 .LBB2_32-.Ltmp15, $4  }
0xdb: {  	_ = 	snop  }
0xdc: {  	v3 =	vadd.f32 v2, v3  }
0xdd: {  	s0 =	sshra.s32 s31, $0x2  }
0xde: {  	s31 =	sadd.s32 $0x40, s31;
	v2 =	vld [tilespmem:s0+$0xA700];
	[tilespmem:s1+$0x9F80] =	vst v3;
	s1 =	smov.u32 s0  }
0xdf: {  	v3 =	vld [tilespmem:s1+$0x9F80];
	_ =	sdelay $0x4  }
0xe0: {  	v2 =	vadd.f32 v2, v3;
	_ =	sdelay $0x1  }
0xe1: {  	[tilespmem:s1+$0x9F80] =	vst v2  }
0xe2: {  	[tilespmem:s30], [sflag:$0x1] =	stream.strided.gather [spmem:s18], $0x780, s29, s28, $0x38;
	[tilespmem:$0x12680] =	vst v63  }
0xe3: {  	_ =	swait.ge [sflag:s25], $0x780  }
0xe4: {  	[sflag:s25] =	ssyncset.done $0x0  }
0xe5: {  	s1 =	simm.s32 $0x0;
	[sflag:s25] =	ssyncadd.s32 $0xFFFFF880  }
0xe6: {  	s31 =	simm.s32 $0x40;
	v2 =	vld [tilespmem:s1+$0xA700]  }
.LBB2_34:
0xe7: {  	p0 =	sne.s32 s31, $0x1DC0;
	v3 =	vld [tilespmem:s1+$0x9F80];
	_ =	sdelay $0x2  }
.Ltmp16:
0xe8: {  	(pc) =	sbr.rel @p0 .LBB2_34-.Ltmp16, $4  }
0xe9: {  	_ = 	snop  }
0xea: {  	v3 =	vadd.f32 v2, v3  }
0xeb: {  	s0 =	sshra.s32 s31, $0x2  }
0xec: {  	s31 =	sadd.s32 $0x40, s31;
	v2 =	vld [tilespmem:s0+$0xA700];
	[tilespmem:s1+$0x9F80] =	vst v3;
	s1 =	smov.u32 s0  }
0xed: {  	v3 =	vld [tilespmem:s1+$0x9F80];
	_ =	sdelay $0x4  }
0xee: {  	v2 =	vadd.f32 v2, v3;
	_ =	sdelay $0x1  }
0xef: {  	[tilespmem:s1+$0x9F80] =	vst v2  }
0xf0: {  	[tilespmem:s30], [sflag:$0x1] =	stream.strided.gather [spmem:s19], $0x780, s29, s28, $0x38;
	[tilespmem:$0x12680] =	vst v63  }
0xf1: {  	_ =	swait.ge [sflag:s25], $0x780  }
0xf2: {  	[sflag:s25] =	ssyncset.done $0x0  }
0xf3: {  	s1 =	simm.s32 $0x0;
	[sflag:s25] =	ssyncadd.s32 $0xFFFFF880  }
0xf4: {  	s31 =	simm.s32 $0x40;
	v2 =	vld [tilespmem:s1+$0xA700]  }
.LBB2_36:
0xf5: {  	p0 =	sne.s32 s31, $0x1DC0;
	v3 =	vld [tilespmem:s1+$0x9F80];
	_ =	sdelay $0x2  }
.Ltmp17:
0xf6: {  	(pc) =	sbr.rel @p0 .LBB2_36-.Ltmp17, $4  }
0xf7: {  	_ = 	snop  }
0xf8: {  	v3 =	vadd.f32 v2, v3  }
0xf9: {  	s0 =	sshra.s32 s31, $0x2  }
0xfa: {  	s31 =	sadd.s32 $0x40, s31;
	v2 =	vld [tilespmem:s0+$0xA700];
	[tilespmem:s1+$0x9F80] =	vst v3;
	s1 =	smov.u32 s0  }
0xfb: {  	v3 =	vld [tilespmem:s1+$0x9F80];
	_ =	sdelay $0x4  }
0xfc: {  	v2 =	vadd.f32 v2, v3;
	_ =	sdelay $0x1  }
0xfd: {  	[tilespmem:s1+$0x9F80] =	vst v2  }
0xfe: {  	[tilespmem:s30], [sflag:$0x1] =	stream.strided.gather [spmem:s20], $0x780, s29, s28, $0x38;
	[tilespmem:$0x12680] =	vst v63  }
0xff: {  	_ =	swait.ge [sflag:s25], $0x780  }
0x100: {  	[sflag:s25] =	ssyncset.done $0x0  }
0x101: {  	s1 =	simm.s32 $0x0;
	[sflag:s25] =	ssyncadd.s32 $0xFFFFF880  }
0x102: {  	s31 =	simm.s32 $0x40;
	v2 =	vld [tilespmem:s1+$0xA700]  }
.LBB2_38:
0x103: {  	p0 =	sne.s32 s31, $0x1DC0;
	v3 =	vld [tilespmem:s1+$0x9F80];
	_ =	sdelay $0x2  }
.Ltmp18:
0x104: {  	(pc) =	sbr.rel @p0 .LBB2_38-.Ltmp18, $4  }
0x105: {  	_ = 	snop  }
0x106: {  	v3 =	vadd.f32 v2, v3  }
0x107: {  	s0 =	sshra.s32 s31, $0x2  }
0x108: {  	s31 =	sadd.s32 $0x40, s31;
	v2 =	vld [tilespmem:s0+$0xA700];
	[tilespmem:s1+$0x9F80] =	vst v3;
	s1 =	smov.u32 s0  }
0x109: {  	v3 =	vld [tilespmem:s1+$0x9F80];
	_ =	sdelay $0x4  }
0x10a: {  	v2 =	vadd.f32 v2, v3;
	_ =	sdelay $0x1  }
0x10b: {  	[tilespmem:s1+$0x9F80] =	vst v2  }
0x10c: {  	[tilespmem:s30], [sflag:$0x1] =	stream.strided.gather [spmem:s21], $0x780, s29, s28, $0x38;
	[tilespmem:$0x12680] =	vst v63  }
0x10d: {  	_ =	swait.ge [sflag:s25], $0x780  }
0x10e: {  	[sflag:s25] =	ssyncset.done $0x0  }
0x10f: {  	s1 =	simm.s32 $0x0;
	[sflag:s25] =	ssyncadd.s32 $0xFFFFF880  }
0x110: {  	s31 =	simm.s32 $0x40;
	v2 =	vld [tilespmem:s1+$0xA700]  }
.LBB2_40:
0x111: {  	p0 =	sne.s32 s31, $0x1DC0;
	v3 =	vld [tilespmem:s1+$0x9F80];
	_ =	sdelay $0x2  }
.Ltmp19:
0x112: {  	(pc) =	sbr.rel @p0 .LBB2_40-.Ltmp19, $4  }
0x113: {  	_ = 	snop  }
0x114: {  	v3 =	vadd.f32 v2, v3  }
0x115: {  	s0 =	sshra.s32 s31, $0x2  }
0x116: {  	s31 =	sadd.s32 $0x40, s31;
	v2 =	vld [tilespmem:s0+$0xA700];
	[tilespmem:s1+$0x9F80] =	vst v3;
	s1 =	smov.u32 s0  }
0x117: {  	v3 =	vld [tilespmem:s1+$0x9F80];
	_ =	sdelay $0x4  }
0x118: {  	v2 =	vadd.f32 v2, v3;
	_ =	sdelay $0x1  }
0x119: {  	[tilespmem:s1+$0x9F80] =	vst v2  }
0x11a: {  	[tilespmem:s30], [sflag:$0x1] =	stream.strided.gather [spmem:s22], $0x780, s29, s28, $0x38;
	[tilespmem:$0x12680] =	vst v63  }
0x11b: {  	_ =	swait.ge [sflag:s25], $0x780  }
0x11c: {  	[sflag:s25] =	ssyncset.done $0x0  }
0x11d: {  	s1 =	simm.s32 $0x0;
	[sflag:s25] =	ssyncadd.s32 $0xFFFFF880  }
0x11e: {  	s31 =	simm.s32 $0x40;
	v2 =	vld [tilespmem:s1+$0xA700]  }
.LBB2_42:
0x11f: {  	p0 =	sne.s32 s31, $0x1DC0;
	v3 =	vld [tilespmem:s1+$0x9F80];
	_ =	sdelay $0x2  }
.Ltmp20:
0x120: {  	(pc) =	sbr.rel @p0 .LBB2_42-.Ltmp20, $4  }
0x121: {  	_ = 	snop  }
0x122: {  	v3 =	vadd.f32 v2, v3  }
0x123: {  	s0 =	sshra.s32 s31, $0x2  }
0x124: {  	s31 =	sadd.s32 $0x40, s31;
	v2 =	vld [tilespmem:s0+$0xA700];
	[tilespmem:s1+$0x9F80] =	vst v3;
	s1 =	smov.u32 s0  }
0x125: {  	v3 =	vld [tilespmem:s1+$0x9F80];
	_ =	sdelay $0x4  }
0x126: {  	s2 =	sadd.s32 $0x1, s2;
	v2 =	vadd.f32 v2, v3  }
0x127: {  	p0 =	sne.s32 s2, s24  }
.Ltmp21:
0x128: {  	s0 =	simm.s32 $0x100;
	s31 =	simm.s32 $0x9F80;
	[tilespmem:s1+$0x9F80] =	vst v2;
	(pc) =	sbr.rel @p0 .LBB2_1-.Ltmp21, $4  }
0x129: {  	[hbm4b:s23+s28] =	stream.strided.scatter [tilespmem:s31], [sflag:$0x1], $0x780, s0, s28, $0x38;
	[tilespmem:$0x12680] =	vst v63  }
0x12a: {  	_ =	swait.ge [sflag:s25], $0x780  }
0x12b: {  	[sflag:s25] =	ssyncset.done $0x0  }
0x12c: {  	[sflag:s25] =	ssyncadd.s32 $0xFFFFF880  }
0x12d: {  	_ =	sfence.sel $0x180000  }
0x12e: {  	[bflag:$0x0] =	sbarrier.arrive $0xFFFF  }
0x12f: {  	_ =	strace $0x90000047  }
0x130: {  	s0 =	stileid.u32;
	[bflag:$0x2] =	sbarrier.arrive $0xFFFF  }
0x131: {  	p0 =	sne.s32 s0, $0x0;
	s0 =	rddreg [dreg:$0x3]  }
0x132: {  	s0 =	sadd.s32 @!p0 $0x100000, s0  }
0x133: {  	[sflag:s0] =	ssyncadd.tile.s32 @!p0 $0x1;
	_ =	shalt  }
.Lfunc_end2:
_tile_overlayer_lowered:
.L_overlay_start_2:
0x134: {  	(tag) =	ssettag $0x2  }
0x135: {  	s0 =	rddreg [dreg:$0x0];
	s2 =	stileid.u32  }
0x136: {  	s1 =	rddreg [dreg:$0x1];
	p0 =	sne.s32 s2, $0x0  }
0x137: {  	s3 =	rddreg [dreg:$0x2];
	[bflag:$0x3] =	sbarrier.arrive $0xFFFF;
	s2 =	simm.s32 @!p0 $0x1C01  }
0x138: {  	[timem:s3], [sflag:s2] =	dma.local @!p0 [hbm:s0], s1  }
0x139: {  	s0 =	simm.s32 @!p0 $0x1  }
0x13a: {  	_ =	swait.ge @!p0 [sflag:s0], s1  }
0x13b: {  	s1 =	ssub.s32 @!p0 $0x0, s1;
	[sflag:s0] =	ssyncset.done @!p0 $0x0  }
0x13c: {  	[sflag:s0] =	ssyncadd.s32 @!p0 s1  }
0x13d: {  	[bflag:$0x3] =	sbarrier.arrive $0xFFFF  }
0x13e: {  	_ =	shalt  }

// kernel: gcn_scatter_sc.3.cloned.1.call-start
scs
__scs_entry_jumppad:
0x0: {  	(pc) =	sbr.rel $0x88, $3  }
0x1: {  	(tag) =	ssettag $0x0;
	lr =	simm.s32 $0x1  }
0x2: {  	[smem:$0x3F99] =	sst lr;
	_ =	strace $0xD0000000  }
0x3: {  	_ = 	snop  }
0x4: {  	_ = 	snop  }
0x5: {  	_ = 	snop  }
0x6: {  	_ = 	snop  }
0x7: {  	_ = 	snop  }
__scs_overlays_trampoline_lowered:
0x8: {  	[smem:$0x3FA8] =	sst s0  }
0x9: {  	[smem:$0x3FA9] =	sst s1  }
0xa: {  	[smem:$0x3FAA] =	sst s2  }
0xb: {  	[smem:$0x3FAB] =	sst s3  }
0xc: {  	[smem:$0x3FAC] =	sst s4  }
0xd: {  	[smem:$0x3FAD] =	sst s5  }
0xe: {  	[smem:$0x3FAE] =	sst s6  }
0xf: {  	[smem:$0x3FAF] =	sst s7  }
0x10: {  	[smem:$0x3FB0] =	sst s8  }
0x11: {  	[smem:$0x3FB1] =	sst s9;
	s0 =	simm.s32 @!p0 $0x0  }
0x12: {  	s1 =	sld [smem:$0x3F97];
	s0 =	simm.s32 @p0 $0x1  }
0x13: {  	[smem:$0x3FB2] =	sst s0;
	s0 =	simm.s32 @!p1 $0x0  }
0x14: {  	s2 =	sld [smem:$0x3F96];
	s0 =	simm.s32 @p1 $0x1  }
0x15: {  	[smem:$0x3FB3] =	sst s0;
	s0 =	simm.s32 @!p2 $0x0  }
0x16: {  	s3 =	sld [smem:$0x3FDB];
	s0 =	simm.s32 @p2 $0x1  }
0x17: {  	s4 =	simm.s32 $0x1BF5;
	[smem:$0x3FB5] =	sst s0  }
0x18: {  	s0 =	sld [smem:$0x3F98];
	_ =	swait.ge [sflag:s4], $0x0  }
0x19: {  	s7 =	sld [smem:$0x3F99]  }
0x1a: {  	s8 =	sadd.s32 $0xFFFFE003, lr  }
0x1b: {  	s9 =	sadd.s32 $0xFFFFFEF7, lr;
	s5 =	simm.s32 $0xFFFFFFFF;
	p2 =	slt.u32 s8, $0xFFFFF086  }
0x1c: {  	p1 =	slt.u32 s9, $0xF7A;
	s5 =	simm.s32 @!p2 $0x0  }
0x1d: {  	s5 =	simm.s32 @p1 $0x1;
	p0 =	seq.s32 s7, s2  }
0x1e: {  	s7 =	smul.u32 @!p0 $0xF7A, s2;
	p2 =	seq.s32 @!p0 s5, $0x0  }
0x1f: {  	s9 =	smul.u32 $0xF7A, s1;
	s8 =	simm.s32 @!p0 $0x1BF5;
	p2 =	por !p2, p0  }
0x20: {  	[sflag:s8] =	ssyncset.s32 @!p0 $0xFFFFF086;
	s6 =	sadd.s32 @!p0 s3, s7;
	s7 =	simm.s32 @!p0 $0x108  }
0x21: {  	s3 =	sadd.s32 s3, s9;
	s6 =	sadd.s32 @!p0 $0x88, s6;
	s7 =	simm.s32 @p2 $0x1082  }
0x22: {  	[simem:s7], [sflag:s8] =	dma.local @!p0 [hbm:s6], $0xF7A  }
0x23: {  	s9 =	sor.u32 $0xD0000000, s2;
	s6 =	simm.s32 $0x108;
	_ =	swait.ge @!p0 [sflag:s8], $0x0  }
0x24: {  	s3 =	sadd.s32 $0x88, s3;
	s6 =	simm.s32 @!p1 $0x1082;
	[sflag:s4] =	ssyncset.s32 $0xFFFFF086  }
0x25: {  	[simem:s6], [sflag:s4] =	dma.local [hbm:s3], $0xF7A  }
0x26: {  	[smem:$0x3F99] =	sst s1;
	(tag) =	ssettag s2;
	_ =	strace s9  }
0x27: {  	s1 =	sld [smem:$0x3FA9]  }
0x28: {  	s2 =	sld [smem:$0x3FAA]  }
0x29: {  	s4 =	sld [smem:$0x3FAC]  }
0x2a: {  	p0 =	seq.s32 s5, $0x0;
	s5 =	sld [smem:$0x3FAD]  }
0x2b: {  	s6 =	sld [smem:$0x3FAE]  }
0x2c: {  	s7 =	sld [smem:$0x3FAF]  }
0x2d: {  	s3 =	simm.s32 $0x108;
	s8 =	sld [smem:$0x3FB0]  }
0x2e: {  	s3 =	simm.s32 @!p0 $0x1082;
	s9 =	sld [smem:$0x3FB1]  }
0x2f: {  	lr =	sadd.s32 s0, s3;
	s0 =	sld [smem:$0x3FA8]  }
0x30: {  	s3 =	sld [smem:$0x3FAB]  }
0x31: {  	[smem:$0x3FB4] =	sst s10  }
0x32: {  	s10 =	sld [smem:$0x3FB2];
	_ =	sdelay $0x3  }
0x33: {  	p0 =	seq.s32 s10, $0x1;
	s10 =	sld [smem:$0x3FB4];
	_ =	sdelay $0x3  }
0x34: {  	[smem:$0x3FB4] =	sst s10  }
0x35: {  	s10 =	sld [smem:$0x3FB3];
	_ =	sdelay $0x3  }
0x36: {  	p1 =	seq.s32 s10, $0x1;
	s10 =	sld [smem:$0x3FB4];
	_ =	sdelay $0x3  }
0x37: {  	[smem:$0x3FB4] =	sst s10  }
0x38: {  	s10 =	sld [smem:$0x3FB5]  }
0x39: {  	_ = 	snop;
	(pc) =	sbr.ind lr, $3  }
0x3a: {  	_ = 	snop  }
0x3b: {  	_ = 	snop  }
0x3c: {  	p2 =	seq.s32 s10, $0x1;
	s10 =	sld [smem:$0x3FB4]  }
0x3d: {  	_ =	shalt  }
0x3e: {  	_ =	shalt  }
0x3f: {  	_ =	shalt  }
0x40: {  	_ =	shalt  }
0x41: {  	_ =	shalt  }
0x42: {  	_ =	shalt  }
0x43: {  	_ =	shalt  }
0x44: {  	_ =	shalt  }
0x45: {  	_ =	shalt  }
0x46: {  	_ =	shalt  }
0x47: {  	_ =	shalt  }
0x48: {  	_ =	shalt  }
0x49: {  	_ =	shalt  }
0x4a: {  	_ =	shalt  }
0x4b: {  	_ =	shalt  }
0x4c: {  	_ =	shalt  }
0x4d: {  	_ =	shalt  }
0x4e: {  	_ =	shalt  }
0x4f: {  	_ =	shalt  }
0x50: {  	_ =	shalt  }
0x51: {  	_ =	shalt  }
0x52: {  	_ =	shalt  }
0x53: {  	_ =	shalt  }
0x54: {  	_ =	shalt  }
0x55: {  	_ =	shalt  }
0x56: {  	_ =	shalt  }
0x57: {  	_ =	shalt  }
0x58: {  	_ =	shalt  }
0x59: {  	_ =	shalt  }
0x5a: {  	_ =	shalt  }
0x5b: {  	_ =	shalt  }
0x5c: {  	_ =	shalt  }
0x5d: {  	_ =	shalt  }
0x5e: {  	_ =	shalt  }
0x5f: {  	_ =	shalt  }
0x60: {  	_ =	shalt  }
0x61: {  	_ =	shalt  }
0x62: {  	_ =	shalt  }
0x63: {  	_ =	shalt  }
0x64: {  	_ =	shalt  }
0x65: {  	_ =	shalt  }
0x66: {  	_ =	shalt  }
0x67: {  	_ =	shalt  }
0x68: {  	_ =	shalt  }
0x69: {  	_ =	shalt  }
0x6a: {  	_ =	shalt  }
0x6b: {  	_ =	shalt  }
0x6c: {  	_ =	shalt  }
0x6d: {  	_ =	shalt  }
0x6e: {  	_ =	shalt  }
0x6f: {  	_ =	shalt  }
0x70: {  	_ =	shalt  }
0x71: {  	_ =	shalt  }
0x72: {  	_ =	shalt  }
0x73: {  	_ =	shalt  }
0x74: {  	_ =	shalt  }
0x75: {  	_ =	shalt  }
0x76: {  	_ =	shalt  }
0x77: {  	_ =	shalt  }
0x78: {  	_ =	shalt  }
0x79: {  	_ =	shalt  }
0x7a: {  	_ =	shalt  }
0x7b: {  	_ =	shalt  }
0x7c: {  	_ =	shalt  }
0x7d: {  	_ =	shalt  }
0x7e: {  	_ =	shalt  }
0x7f: {  	_ =	shalt  }
0x80: {  	_ =	shalt  }
0x81: {  	_ =	shalt  }
0x82: {  	_ =	shalt  }
0x83: {  	_ =	shalt  }
0x84: {  	_ =	shalt  }
0x85: {  	_ =	shalt  }
0x86: {  	_ =	shalt  }
0x87: {  	_ =	shalt  }
.Lfunc_end0:
.L_simem_size_0:
called_computation.1_lowered:
.L_overlay_start_0:
0x88: {  	s2 =	sld [smem:$0x3FD9]  }
0x89: {  	s3 =	sld [smem:$0x3FFE];
	_ =	sdelay $0x1  }
0x8a: {  	s1 =	srdreg.scid  }
0x8b: {  	s0 =	sand.u32 $0x1, s1  }
0x8c: {  	s17 =	sshll.u32 s0, $0xA;
	s2 =	sadd.s32 s3, s2  }
0x8d: {  	s2 =	sadd.s32 s2, s17  }
0x8e: {  	[smem:$0x3FC0] =	sst s2  }
0x8f: {  	_ = 	snop  }
0x90: {  	s2 =	sld [smem:$0x3FD0];
	(tm) =	ssettm $0x1  }
0x91: {  	s18 =	sld [smem:$0x3FFB];
	_ =	sdelay $0x3  }
0x92: {  	_ =	strace s18  }
0x93: {  	s3 =	sld [smem:$0x3FFC];
	_ =	sdelay $0x3  }
0x94: {  	_ =	strace s3  }
0x95: {  	s3 =	sld [smem:$0x3FFD];
	_ =	sdelay $0x3  }
0x96: {  	_ =	strace s3  }
0x97: {  	_ =	strace $0x8FFFFFFF  }
0x98: {  	s19 =	sld [smem:$0x3FDB];
	_ =	sdelay $0x1  }
0x99: {  	s4 =	simm.s32 $_scs_section_size  }
0x9a: {  	s5 =	simm.s32 $_size__tile_overlayer_lowered;
	s6 =	simm.s32 $_tile_overlayer_lowered  }
0x9b: {  	s22 =	simm.s32 $0x1BFF;
	s21 =	sshll.u32 s6, $0x1;
	s3 =	sadd.s32 s4, s19  }
0x9c: {  	s7 =	simm.s32 $0x0;
	s20 =	sshll.u32 s5, $0x1;
	s5 =	sadd.s32 s21, s3  }
0x9d: {  	[timem:s7], [sflag:s22] =	dma.local [hbm:s5], s20  }
0x9e: {  	_ =	swait.ge [sflag:s22], s20  }
0x9f: {  	s4 =	ssub.s32 $0x0, s20;
	[sflag:s22] =	ssyncset.done $0x0  }
0xa0: {  	[sflag:s22] =	ssyncadd.s32 s4;
	_ =	sdelay $0x1  }
0xa1: {  	s23 =	simm.s32 $0x1B8B  }
0xa2: {  	_ =	swait.ge [sflag:s23], $0x1  }
0xa3: {  	[sflag:s23] =	ssyncset.done $0x0  }
0xa4: {  	s25 =	simm.s32 $0x1B8E;
	s24 =	sld [smem:$0x3FFE];
	[sflag:s23] =	ssyncadd.s32 $0xFFFFFFFF  }
0xa5: {  	s26 =	simm.s32 $execute0_lowered;
	[smem:$0x3FD2] =	sst s25  }
0xa6: {  	s5 =	sshll.u32 s26, $0x1;
	_ =	strace $0x80000049;
	[dreg:$0x1] =	wrdreg $0xFFFFFFFF  }
0xa7: {  	s28 =	simm.s32 $_size_execute0_lowered;
	s3 =	sadd.s32 s3, s5;
	[dreg:$0x0] =	wrdreg $0x0  }
0xa8: {  	s5 =	sshll.u32 s28, $0x1;
	[dreg:$0x2] =	wrdreg s3  }
0xa9: {  	[dreg:$0x3] =	wrdreg s5  }
0xaa: {  	[dreg:$0x4] =	wrdreg $0xC0  }
0xab: {  	_ =	task [dreg:s7], $0x5FFFF  }
0xac: {  	[dreg:$0x1] =	wrdreg $0xFFFFFFFF  }
0xad: {  	[dreg:$0x0] =	wrdreg $0x60  }
0xae: {  	[dreg:$0x2] =	wrdreg s24  }
0xaf: {  	[dreg:$0x3] =	wrdreg s2  }
0xb0: {  	[dreg:$0x4] =	wrdreg $0x84000  }
0xb1: {  	[dreg:$0x5] =	wrdreg $0x9  }
0xb2: {  	_ =	task.clear_ibuf [dreg:s7], $0x6FFFF;
	_ =	strace $0x90000049  }
0xb3: {  	s29 =	simm.s32 $0x9;
	_ =	strace $0x8000004B  }
0xb4: {  	_ =	swait.ge [sflag:s29], $0x1  }
0xb5: {  	[sflag:s29] =	ssyncadd.s32 $0xFFFFFFFF  }
0xb6: {  	_ =	strace $0x9000004B  }
0xb7: {  	_ =	sfence  }
0xb8: {  	s30 =	sld [smem:$0x0];
	_ =	sdelay $0x2  }
0xb9: {  	s31 =	sshll.u32 s1, $0xD;
	s1 =	sshrl.u32 s1, $0x2  }
0xba: {  	s3 =	sand.u32 $0x4000, s31;
	s1 =	sadd.s32 s1, s30  }
0xbb: {  	s0 =	sor.u32 s3, s0;
	s1 =	sshll.u32 s1, $0x11  }
0xbc: {  	s0 =	sor.u32 s1, s0  }
0xbd: {  	s0 =	sadd.s32 $0x8F2B, s0  }
0xbe: {  	[sflag:s0] =	ssyncadd.remote.s32 $0x1  }
0xbf: {  	_ =	sfence.sel $0xFFFF  }
0xc0: {  	[dreg:$0x0] =	wrdreg $0xFFFFFFFF;
	(pc) =	sbr.abs _section_cstart, $3  }
0xc1: {  	[dreg:$0x1] =	wrdreg $0xFFFFFFFF  }
0xc2: {  	_ =	task.clear_ibuf [dreg:s7], $0x2FFFF;
	_ =	strace $0x9FFFFFFF  }
0xc3: {  	(tm) =	ssettm $0x7FFFFFFF  }
tec
execute0_lowered:
.L_overlay_start_1:
0x0: {  	(tag) =	ssettag $0x1  }
0x1: {  	s0 =	rddreg [dreg:$0x0]  }
0x2: {  	s1 =	rddreg [dreg:$0x1]  }
0x3: {  	s2 =	rddreg [dreg:$0x2];
	s3 =	simm.s32 $0x0  }
0x4: {  	s6 =	srdreg.scid;
	[smem:$0x7FF] =	sst s3;
	s4 =	sadd.s32 $0x4A00, s0  }
0x5: {  	s12 =	stileid.u32;
	s7 =	sadd.s32 $0x19EE00, s0;
	s8 =	sadd.s32 $0x150A00, s0  }
0x6: {  	s5 =	sadd.s32 $0x82A00, s0;
	s9 =	sadd.s32 $0x177C00, s0;
	s11 =	smul.u32 $0x50000, s12  }
0x7: {  	s6 =	sand.u32 $0x1, s6;
	s0 =	sadd.s32 $0x1A1600, s0;
	s13 =	smul.u32 $0x14000, s12  }
0x8: {  	_ =	strace $0x8000004A;
	[dreg:$0x4] =	wrdreg s7;
	s19 =	ssub.s32 $0x2, s6  }
0x9: {  	s20 =	sshll.u32 s6, $0x4;
	s6 =	smul.u32 $0x140000, s6;
	s10 =	sshrl.u32 s19, $0x1  }
0xa: {  	s11 =	sshrl.u32 s11, $0x2;
	s14 =	sadd.s32 $0x4000, s13;
	s7 =	ssub.s32 s19, s10  }
0xb: {  	s10 =	sor.u32 s12, s20;
	s11 =	sadd.s32 s11, s2;
	s21 =	sadd.s32 s13, s6  }
0xc: {  	s16 =	sadd.s32 s6, s14;
	s28 =	sadd.s32 s14, s2;
	[dreg:$0x5] =	wrdreg s11  }
0xd: {  	s11 =	smul.u32 $0xA800, s10;
	s10 =	sshrl.u32 s21, $0x3;
	s22 =	sshrl.u32 s16, $0x3  }
0xe: {  	s16 =	sadd.s32 $0xC000, s13;
	[dreg:$0xf] =	wrdreg s28;
	s20 =	sadd.s32 s0, s10  }
0xf: {  	s21 =	sadd.s32 s0, s22;
	s10 =	sadd.s32 $0x8000, s13;
	s19 =	sadd.s32 s6, s16  }
0x10: {  	s13 =	sadd.s32 $0x10000, s13;
	s15 =	sshrl.u32 s11, $0x3;
	s18 =	sadd.s32 s6, s10  }
0x11: {  	s19 =	sshrl.u32 s19, $0x3;
	s6 =	sadd.s32 s6, s13;
	[dreg:$0x6] =	wrdreg s20  }
0x12: {  	s14 =	sadd.s32 s13, s2;
	[dreg:$0x7] =	wrdreg s21;
	s17 =	sor.u32 $0x40, s15  }
0x13: {  	s18 =	sshrl.u32 s18, $0x3;
	s19 =	sadd.s32 s0, s19;
	[dreg:$0x12] =	wrdreg s14  }
0x14: {  	s6 =	sshrl.u32 s6, $0x3;
	s23 =	sadd.s32 s4, s17;
	[dreg:$0x9] =	wrdreg s19  }
0x15: {  	s24 =	sor.u32 $0x80, s15;
	s25 =	sadd.s32 s5, s17;
	[dreg:$0xb] =	wrdreg s23  }
0x16: {  	s18 =	sadd.s32 s0, s18;
	s26 =	sadd.s32 s4, s24;
	[dreg:$0xc] =	wrdreg s25  }
0x17: {  	s22 =	sadd.s32 s0, s6;
	s0 =	sadd.s32 s5, s24;
	[dreg:$0xd] =	wrdreg s26  }
0x18: {  	s6 =	sadd.s32 s10, s2;
	[dreg:$0xe] =	wrdreg s0  }
0x19: {  	s10 =	sadd.s32 s16, s2;
	[dreg:$0x10] =	wrdreg s6  }
0x1a: {  	s24 =	sadd.s32 $0x150000, s11;
	[dreg:$0x11] =	wrdreg s10  }
0x1b: {  	s16 =	sshrl.u32 s24, $0x3;
	[dreg:$0x8] =	wrdreg s18  }
0x1c: {  	[dreg:$0xa] =	wrdreg s22;
	s17 =	sadd.s32 s4, s16  }
0x1d: {  	s23 =	sadd.s32 $0x2A040, s15;
	s0 =	sadd.s32 s5, s16;
	[dreg:$0x13] =	wrdreg s17  }
0x1e: {  	s26 =	sadd.s32 $0x2A080, s15;
	s25 =	sadd.s32 s4, s23;
	[dreg:$0x14] =	wrdreg s0  }
0x1f: {  	s31 =	sadd.s32 $0x2A0000, s11;
	s28 =	sadd.s32 s4, s26;
	[dreg:$0x15] =	wrdreg s25  }
0x20: {  	s10 =	sshrl.u32 s31, $0x3;
	s6 =	sadd.s32 s5, s26;
	[dreg:$0x17] =	wrdreg s28  }
0x21: {  	s14 =	sadd.s32 $0x54040, s15;
	s13 =	sadd.s32 s4, s10;
	[dreg:$0x18] =	wrdreg s6  }
0x22: {  	s16 =	sadd.s32 s4, s14;
	[dreg:$0x19] =	wrdreg s13  }
0x23: {  	s0 =	sadd.s32 s5, s23;
	[dreg:$0x1b] =	wrdreg s16  }
0x24: {  	s17 =	sadd.s32 s5, s14;
	[dreg:$0x16] =	wrdreg s0  }
0x25: {  	s23 =	sadd.s32 s4, s15;
	[dreg:$0x1c] =	wrdreg s17  }
0x26: {  	s26 =	sadd.s32 $0x54080, s15;
	s25 =	sadd.s32 s5, s15;
	[dreg:$0x1d] =	wrdreg s23  }
0x27: {  	s28 =	sadd.s32 s4, s26;
	[dreg:$0x1e] =	wrdreg s25  }
0x28: {  	s13 =	sadd.s32 $0x50000, s20;
	[dreg:$0x1f] =	wrdreg s28  }
0x29: {  	s14 =	sadd.s32 $0x50000, s21;
	[smem:$0x7F4] =	sst s13  }
0x2a: {  	s15 =	sadd.s32 $0x50000, s18;
	[smem:$0x7F5] =	sst s14  }
0x2b: {  	s16 =	sadd.s32 $0x50000, s19;
	[smem:$0x7F6] =	sst s15  }
0x2c: {  	s20 =	sadd.s32 $0xA0000, s20;
	[smem:$0x7F7] =	sst s16  }
0x2d: {  	s0 =	sadd.s32 s5, s10;
	[smem:$0x7F9] =	sst s20  }
0x2e: {  	s10 =	smax.u32 s7, $0x1;
	[dreg:$0x1a] =	wrdreg s0  }
0x2f: {  	s29 =	simm.s32 $0x1;
	s17 =	sadd.s32 $0x50000, s22;
	[smem:$0x7F3] =	sst s10  }
0x30: {  	s30 =	simm.s32 $0x28;
	s23 =	sadd.s32 $0xA0000, s21;
	[smem:$0x7F8] =	sst s17  }
0x31: {  	s12 =	sshll.u32 s12, $0x6;
	s25 =	sadd.s32 $0xA0000, s18;
	[smem:$0x7FA] =	sst s23  }
0x32: {  	s12 =	sor.u32 $0x1C04, s12;
	s28 =	sadd.s32 $0xA0000, s22;
	[smem:$0x7FB] =	sst s25  }
0x33: {  	s18 =	simm.s32 $0x3;
	s0 =	sadd.s32 s5, s26;
	[smem:$0x7FD] =	sst s28  }
0x34: {  	s20 =	simm.s32 $0x0;
	s26 =	sadd.s32 $0xA0000, s19;
	[smem:$0x7F2] =	sst s0  }
0x35: {  	s23 =	simm.s32 $0x4;
	s17 =	simm.s32 $0x2;
	[smem:$0x7FC] =	sst s26  }
.LBB2_1:
0x36: {  	s0 =	rddreg [dreg:$0x5]  }
0x37: {  	s28 =	rddreg [dreg:$0x4];
	s21 =	sshrl.u32 s0, $0x3  }
0x38: {  	[spmem:s21], [sflag:s12] =	dma.local [hbm:s28], $0x2800  }
0x39: {  	_ =	swait.ge [sflag:s23], $0x2800  }
0x3a: {  	[sflag:s23] =	ssyncset.done $0x0  }
0x3b: {  	[sflag:s23] =	ssyncadd.s32 $0xFFFFD800  }
0x3c: {  	[bflag:$0x0] =	sbarrier.arrive $0xFFFF  }
0x3d: {  	s6 =	rddreg [dreg:$0x1d]  }
0x3e: {  	[tilespmem:s3], [sflag:$0x1] =	stream.linear.gather [hbm4b:s6+s3], $0x180, $0x38;
	[tilespmem:$0x1C400] =	vst v63  }
0x3f: {  	s7 =	rddreg [dreg:$0x1e];
	s6 =	simm.s32 $0x600  }
0x40: {  	[tilespmem:s6], [sflag:$0x1] =	stream.linear.gather [hbm4b:s7+s3], $0x180, $0x38;
	[tilespmem:$0x1C400] =	vst v63  }
0x41: {  	s10 =	rddreg [dreg:$0xb];
	s7 =	simm.s32 $0x200  }
0x42: {  	[tilespmem:s7], [sflag:$0x1] =	stream.linear.gather [hbm4b:s10+s3], $0x180, $0x38;
	[tilespmem:$0x1C400] =	vst v63  }
0x43: {  	s13 =	rddreg [dreg:$0xc];
	s10 =	simm.s32 $0x800  }
0x44: {  	[tilespmem:s10], [sflag:$0x1] =	stream.linear.gather [hbm4b:s13+s3], $0x180, $0x38;
	[tilespmem:$0x1C400] =	vst v63  }
0x45: {  	_ =	swait.ge [sflag:s29], $0x180  }
0x46: {  	[sflag:s29] =	ssyncset.done $0x0  }
0x47: {  	[sflag:s29] =	ssyncadd.s32 $0xFFFFFE80  }
0x48: {  	_ =	swait.ge [sflag:s29], $0x180  }
0x49: {  	[sflag:s29] =	ssyncset.done $0x0  }
0x4a: {  	s10 =	simm.s32 $0xC00;
	[sflag:s29] =	ssyncadd.s32 $0xFFFFFE80  }
0x4b: {  	[tilespmem:s10], [sflag:$0x2] =	stream.indirect.gather [hbm4b:s1+s30], $0x80, s3, s30, $0xb8;
	[tilespmem:$0x1C400] =	vst v63  }
0x4c: {  	s14 =	simm.s32 $0x80;
	s13 =	simm.s32 $0x2000  }
0x4d: {  	[tilespmem:s13], [sflag:$0x2] =	stream.indirect.gather [hbm4b:s1+s30], $0x80, s14, s30, $0xb8;
	[tilespmem:$0x1C400] =	vst v63  }
0x4e: {  	s15 =	simm.s32 $0x100;
	s14 =	simm.s32 $0x3400  }
0x4f: {  	[tilespmem:s14], [sflag:$0x2] =	stream.indirect.gather [hbm4b:s1+s30], $0x80, s15, s30, $0xb8;
	[tilespmem:$0x1C400] =	vst v63  }
0x50: {  	s16 =	rddreg [dreg:$0xd];
	s15 =	simm.s32 $0x400  }
0x51: {  	[tilespmem:s15], [sflag:$0x1] =	stream.linear.gather [hbm4b:s16+s3], $0x180, $0x38;
	[tilespmem:$0x1C400] =	vst v63  }
0x52: {  	s22 =	simm.s32 $0xA00;
	s19 =	rddreg [dreg:$0xe]  }
0x53: {  	[tilespmem:s22], [sflag:$0x1] =	stream.linear.gather [hbm4b:s19+s3], $0x180, $0x38;
	[tilespmem:$0x1C400] =	vst v63  }
0x54: {  	_ =	swait.ge [sflag:s29], $0x180  }
0x55: {  	[sflag:s29] =	ssyncset.done $0x0  }
0x56: {  	[sflag:s29] =	ssyncadd.s32 $0xFFFFFE80  }
0x57: {  	_ =	swait.ge [sflag:s29], $0x180  }
0x58: {  	[sflag:s29] =	ssyncset.done $0x0  }
0x59: {  	s25 =	simm.s32 $0x4800;
	[sflag:s29] =	ssyncadd.s32 $0xFFFFFE80  }
0x5a: {  	[tilespmem:s25], [sflag:$0x2] =	stream.indirect.gather [hbm4b:s1+s30], $0x80, s7, s30, $0xb8;
	[tilespmem:$0x1C400] =	vst v63  }
0x5b: {  	s26 =	simm.s32 $0x280;
	s28 =	simm.s32 $0x5C00  }
0x5c: {  	[tilespmem:s28], [sflag:$0x2] =	stream.indirect.gather [hbm4b:s1+s30], $0x80, s26, s30, $0xb8;
	[tilespmem:$0x1C400] =	vst v63  }
0x5d: {  	s15 =	simm.s32 $0x7000;
	s7 =	simm.s32 $0x300  }
0x5e: {  	[tilespmem:s15], [sflag:$0x2] =	stream.indirect.gather [hbm4b:s1+s30], $0x80, s7, s30, $0xb8;
	[tilespmem:$0x1C400] =	vst v63  }
0x5f: {  	_ =	swait.ge [sflag:s17], $0x1400  }
0x60: {  	[sflag:s17] =	ssyncset.done $0x0  }
0x61: {  	[sflag:s17] =	ssyncadd.s32 $0xFFFFEC00  }
0x62: {  	_ =	swait.ge [sflag:s17], $0x1400  }
0x63: {  	s19 =	sand.u32 $0xFF, s18;
	[sflag:s17] =	ssyncset.done $0x0  }
0x64: {  	s0 =	smul.u32 $0xAB, s19;
	[sflag:s17] =	ssyncadd.s32 $0xFFFFEC00  }
0x65: {  	_ =	swait.ge [sflag:s17], $0x1400  }
0x66: {  	s0 =	sshrl.u32 s0, $0x9;
	[sflag:s17] =	ssyncset.done $0x0  }
0x67: {  	s0 =	smul.u32 $0x3, s0;
	s25 =	smin.u32 s18, $0x53;
	[sflag:s17] =	ssyncadd.s32 $0xFFFFEC00  }
0x68: {  	[spmem:s2] =	stream.indirect.scatter.add.f32 [tilespmem:s10], [sflag:$0x3], $0x80, s6, s30, $0xb8;
	[tilespmem:$0x1C400] =	vst v63  }
0x69: {  	s6 =	sshll.u32 s25, $0x9  }
0x6a: {  	s16 =	simm.s32 $0x680;
	s0 =	ssub.s32 $0x3, s0;
	s6 =	sadd.s32 s11, s6  }
0x6b: {  	[spmem:s2] =	stream.indirect.scatter.add.f32 [tilespmem:s13], [sflag:$0x3], $0x80, s16, s30, $0xb8;
	[tilespmem:$0x1C400] =	vst v63  }
0x6c: {  	s22 =	simm.s32 $0x700;
	s0 =	sand.u32 $0xFF, s0;
	s6 =	sshrl.u32 s6, $0x3  }
0x6d: {  	[spmem:s2] =	stream.indirect.scatter.add.f32 [tilespmem:s14], [sflag:$0x3], $0x80, s22, s30, $0xb8;
	[tilespmem:$0x1C400] =	vst v63  }
0x6e: {  	s0 =	sshll.u32 s0, $0x9;
	s26 =	sadd.s32 s4, s6  }
0x6f: {  	[tilespmem:s0], [sflag:$0x1] =	stream.linear.gather [hbm4b:s26+s3], $0x180, $0x38;
	[tilespmem:$0x1C400] =	vst v63  }
0x70: {  	s6 =	sadd.s32 s5, s6;
	s0 =	sadd.s32 $0x600, s0  }
0x71: {  	[tilespmem:s0], [sflag:$0x1] =	stream.linear.gather [hbm4b:s6+s3], $0x180, $0x38;
	[tilespmem:$0x1C400] =	vst v63  }
0x72: {  	_ =	swait.ge [sflag:s29], $0x180  }
0x73: {  	[sflag:s29] =	ssyncset.done $0x0  }
0x74: {  	[sflag:s29] =	ssyncadd.s32 $0xFFFFFE80  }
0x75: {  	_ =	swait.ge [sflag:s29], $0x180  }
0x76: {  	s28 =	smul.u32 $0xAB, s18;
	[sflag:s29] =	ssyncset.done $0x0  }
0x77: {  	[sflag:s29] =	ssyncadd.s32 $0xFFFFFE80  }
0x78: {  	s10 =	sadd.s32 $0xFFFFFF55, s28;
	_ =	swait.ge [sflag:s18], $0x1400  }
0x79: {  	s6 =	sshrl.u32 s10, $0x9;
	[sflag:s18] =	ssyncset.done $0x0  }
0x7a: {  	s13 =	simm.s32 $0x1;
	s6 =	sand.u32 $0x7F, s6;
	[sflag:s18] =	ssyncadd.s32 $0xFFFFEC00  }
0x7b: {  	s7 =	sand.u32 $0x1, s13;
	s6 =	smul.u32 $0x3, s6;
	_ =	swait.ge [sflag:s18], $0x1400  }
0x7c: {  	s14 =	sxor.u32 $0x1, s7;
	[sflag:s18] =	ssyncset.done $0x0  }
0x7d: {  	s10 =	smul.u32 $0xF000, s14;
	s6 =	sxor.u32 $0xFFFFFFFF, s6;
	[sflag:s18] =	ssyncadd.s32 $0xFFFFEC00  }
0x7e: {  	s6 =	sadd.s32 $0x3, s6;
	_ =	swait.ge [sflag:s18], $0x1400  }
0x7f: {  	s10 =	sshrl.u32 s10, $0x2;
	s6 =	sand.u32 $0xFF, s6;
	[sflag:s18] =	ssyncset.done $0x0  }
0x80: {  	s15 =	sadd.s32 $0xC00, s10;
	s6 =	sshll.u32 s6, $0x9;
	[sflag:s18] =	ssyncadd.s32 $0xFFFFEC00  }
0x81: {  	[tilespmem:s15], [sflag:$0x2] =	stream.indirect.gather [hbm4b:s1+s30], $0x80, s6, s30, $0xb8;
	[tilespmem:$0x1C400] =	vst v63  }
0x82: {  	s13 =	simm.s32 $0x4;
	s16 =	sadd.s32 $0x2000, s10;
	s19 =	sor.u32 $0x80, s6  }
0x83: {  	[tilespmem:s16], [sflag:$0x2] =	stream.indirect.gather [hbm4b:s1+s30], $0x80, s19, s30, $0xb8;
	[tilespmem:$0x1C400] =	vst v63  }
0x84: {  	s0 =	sadd.s32 $0xFFFFFEAA, s28;
	s10 =	sadd.s32 $0x3400, s10;
	s6 =	sor.u32 $0x100, s6  }
0x85: {  	[tilespmem:s10], [sflag:$0x2] =	stream.indirect.gather [hbm4b:s1+s30], $0x80, s6, s30, $0xb8;
	[tilespmem:$0x1C400] =	vst v63  }
0x86: {  	s22 =	smul.u32 $0xF000, s7;
	s0 =	sshrl.u32 s0, $0x9;
	_ =	swait.ge [sflag:s17], $0x1400  }
0x87: {  	s25 =	sand.u32 $0xFF, s13;
	s0 =	sand.u32 $0x7F, s0;
	[sflag:s17] =	ssyncset.done $0x0  }
0x88: {  	s26 =	sshrl.u32 s22, $0x2;
	s0 =	smul.u32 $0x3, s0;
	[sflag:s17] =	ssyncadd.s32 $0xFFFFEC00  }
0x89: {  	s7 =	sadd.s32 $0x2000, s26;
	s28 =	smul.u32 $0xAB, s25;
	_ =	swait.ge [sflag:s17], $0x1400  }
0x8a: {  	s25 =	smin.u32 s13, $0x53;
	s0 =	ssub.s32 $0x1, s0;
	[sflag:s17] =	ssyncset.done $0x0  }
0x8b: {  	s14 =	sshrl.u32 s28, $0x9;
	s0 =	sand.u32 $0xFF, s0;
	[sflag:s17] =	ssyncadd.s32 $0xFFFFEC00  }
0x8c: {  	s22 =	sshll.u32 s0, $0x9;
	s0 =	sadd.s32 $0xC00, s26;
	_ =	swait.ge [sflag:s17], $0x1400  }
0x8d: {  	s16 =	simm.s32 $0x5;
	s6 =	sadd.s32 $0x3400, s26;
	[sflag:s17] =	ssyncset.done $0x0  }
0x8e: {  	s10 =	sadd.s32 $0x600, s22;
	s26 =	smul.u32 $0x3, s14;
	[sflag:s17] =	ssyncadd.s32 $0xFFFFEC00  }
.LBB2_2:
0x8f: {  	[spmem:s2] =	stream.indirect.scatter.add.f32 [tilespmem:s0], [sflag:$0x3], $0x80, s10, s30, $0xb8;
	[tilespmem:$0x1C400] =	vst v63  }
0x90: {  	s15 =	smov.u32 s16  }
0x91: {  	s0 =	sshll.u32 s25, $0x9;
	s14 =	sadd.s32 $0x680, s22;
	s10 =	ssub.s32 s13, s26  }
0x92: {  	s19 =	sadd.s32 $0x700, s22;
	s0 =	sadd.s32 s11, s0;
	s10 =	sand.u32 $0xFF, s10  }
0x93: {  	[spmem:s2] =	stream.indirect.scatter.add.f32 [tilespmem:s7], [sflag:$0x3], $0x80, s14, s30, $0xb8;
	[tilespmem:$0x1C400] =	vst v63  }
0x94: {  	s0 =	sshrl.u32 s0, $0x3;
	s14 =	sadd.s32 $0x1, s16;
	s7 =	sshll.u32 s10, $0x9  }
0x95: {  	[spmem:s2] =	stream.indirect.scatter.add.f32 [tilespmem:s6], [sflag:$0x3], $0x80, s19, s30, $0xb8;
	[tilespmem:$0x1C400] =	vst v63  }
0x96: {  	p0 =	sne.s32 s16, $0x55;
	s10 =	sadd.s32 $0x600, s7;
	s6 =	sadd.s32 s4, s0  }
0x97: {  	[tilespmem:s7], [sflag:$0x1] =	stream.linear.gather [hbm4b:s6+s3], $0x180, $0x38;
	[tilespmem:$0x1C400] =	vst v63  }
0x98: {  	s0 =	sadd.s32 s5, s0  }
0x99: {  	[tilespmem:s10], [sflag:$0x1] =	stream.linear.gather [hbm4b:s0+s3], $0x180, $0x38;
	[tilespmem:$0x1C400] =	vst v63  }
0x9a: {  	_ =	swait.ge [sflag:s29], $0x180  }
0x9b: {  	[sflag:s29] =	ssyncset.done $0x0  }
0x9c: {  	[sflag:s29] =	ssyncadd.s32 $0xFFFFFE80  }
0x9d: {  	_ =	swait.ge [sflag:s29], $0x180  }
0x9e: {  	s0 =	smul.u32 $0xAB, s13;
	[sflag:s29] =	ssyncset.done $0x0  }
0x9f: {  	s6 =	sadd.s32 $0xFFFFFFFE, s13;
	[sflag:s29] =	ssyncadd.s32 $0xFFFFFE80  }
0xa0: {  	s7 =	sadd.s32 $0xFFFFFF55, s0;
	s0 =	sadd.s32 $0xFFFFFEAA, s0;
	_ =	swait.ge [sflag:s18], $0x1400  }
0xa1: {  	s7 =	sshrl.u32 s7, $0x9;
	s0 =	sshrl.u32 s0, $0x9;
	[sflag:s18] =	ssyncset.done $0x0  }
0xa2: {  	s7 =	sand.u32 $0x7F, s7;
	s0 =	sand.u32 $0x7F, s0;
	[sflag:s18] =	ssyncadd.s32 $0xFFFFEC00  }
0xa3: {  	s10 =	sand.u32 $0x1, s6;
	s7 =	smul.u32 $0x3, s7;
	_ =	swait.ge [sflag:s18], $0x1400  }
0xa4: {  	s16 =	sxor.u32 $0x1, s10;
	s0 =	smul.u32 $0x3, s0;
	[sflag:s18] =	ssyncset.done $0x0  }
0xa5: {  	s16 =	smul.u32 $0xF000, s16;
	s7 =	sxor.u32 $0xFFFFFFFF, s7;
	[sflag:s18] =	ssyncadd.s32 $0xFFFFEC00  }
0xa6: {  	s0 =	ssub.s32 s6, s0;
	s7 =	sadd.s32 s13, s7;
	_ =	swait.ge [sflag:s18], $0x1400  }
0xa7: {  	s6 =	sand.u32 $0xFF, s7;
	s7 =	sshrl.u32 s16, $0x2;
	[sflag:s18] =	ssyncset.done $0x0  }
0xa8: {  	s13 =	sadd.s32 $0xC00, s7;
	s6 =	sshll.u32 s6, $0x9;
	[sflag:s18] =	ssyncadd.s32 $0xFFFFEC00  }
0xa9: {  	[tilespmem:s13], [sflag:$0x2] =	stream.indirect.gather [hbm4b:s1+s30], $0x80, s6, s30, $0xb8;
	[tilespmem:$0x1C400] =	vst v63  }
0xaa: {  	s0 =	sand.u32 $0xFF, s0;
	s16 =	sor.u32 $0x80, s6;
	s13 =	sadd.s32 $0x2000, s7  }
0xab: {  	[tilespmem:s13], [sflag:$0x2] =	stream.indirect.gather [hbm4b:s1+s30], $0x80, s16, s30, $0xb8;
	[tilespmem:$0x1C400] =	vst v63  }
0xac: {  	s10 =	smul.u32 $0xF000, s10;
	s7 =	sadd.s32 $0x3400, s7;
	s6 =	sor.u32 $0x100, s6  }
0xad: {  	[tilespmem:s7], [sflag:$0x2] =	stream.indirect.gather [hbm4b:s1+s30], $0x80, s6, s30, $0xb8;
	[tilespmem:$0x1C400] =	vst v63  }
0xae: {  	s10 =	sshrl.u32 s10, $0x2;
	s13 =	smov.u32 s15;
	_ =	swait.ge [sflag:s17], $0x1400  }
0xaf: {  	[sflag:s17] =	ssyncset.done $0x0  }
0xb0: {  	s6 =	sand.u32 $0xFF, s13;
	[sflag:s17] =	ssyncadd.s32 $0xFFFFEC00  }
0xb1: {  	s15 =	smul.u32 $0xAB, s6;
	_ =	swait.ge [sflag:s17], $0x1400  }
.Ltmp0:
0xb2: {  	s22 =	sshll.u32 s0, $0x9;
	[sflag:s17] =	ssyncset.done $0x0;
	(pc) =	sbr.rel @p0 .LBB2_2-.Ltmp0, $4  }
0xb3: {  	s7 =	sadd.s32 $0x2000, s10;
	s6 =	sadd.s32 $0x3400, s10;
	[sflag:s17] =	ssyncadd.s32 $0xFFFFEC00  }
0xb4: {  	s0 =	sadd.s32 $0xC00, s10;
	s15 =	sshrl.u32 s15, $0x9;
	_ =	swait.ge [sflag:s17], $0x1400  }
0xb5: {  	s16 =	smov.u32 s14;
	s10 =	sadd.s32 $0x600, s22;
	[sflag:s17] =	ssyncset.done $0x0  }
0xb6: {  	s25 =	smin.u32 s13, $0x53;
	s26 =	smul.u32 $0x3, s15;
	[sflag:s17] =	ssyncadd.s32 $0xFFFFEC00  }
0xb7: {  	[spmem:s2] =	stream.indirect.scatter.add.f32 [tilespmem:s0], [sflag:$0x3], $0x80, s10, s30, $0xb8;
	[tilespmem:$0x1C400] =	vst v63  }
0xb8: {  	s15 =	sshll.u32 s25, $0x9  }
0xb9: {  	s14 =	sadd.s32 $0x680, s22;
	s16 =	ssub.s32 s13, s26;
	s0 =	sadd.s32 s11, s15  }
0xba: {  	[spmem:s2] =	stream.indirect.scatter.add.f32 [tilespmem:s7], [sflag:$0x3], $0x80, s14, s30, $0xb8;
	[tilespmem:$0x1C400] =	vst v63  }
0xbb: {  	s22 =	sadd.s32 $0x700, s22;
	s19 =	sand.u32 $0xFF, s16;
	s0 =	sshrl.u32 s0, $0x3  }
0xbc: {  	[spmem:s2] =	stream.indirect.scatter.add.f32 [tilespmem:s6], [sflag:$0x3], $0x80, s22, s30, $0xb8;
	[tilespmem:$0x1C400] =	vst v63  }
0xbd: {  	s25 =	sshll.u32 s19, $0x9;
	s26 =	sadd.s32 s4, s0  }
0xbe: {  	[tilespmem:s25], [sflag:$0x1] =	stream.linear.gather [hbm4b:s26+s3], $0x180, $0x38;
	[tilespmem:$0x1C400] =	vst v63  }
0xbf: {  	s0 =	sadd.s32 s5, s0;
	s6 =	sadd.s32 $0x600, s25  }
0xc0: {  	[tilespmem:s6], [sflag:$0x1] =	stream.linear.gather [hbm4b:s0+s3], $0x180, $0x38;
	[tilespmem:$0x1C400] =	vst v63  }
0xc1: {  	_ =	swait.ge [sflag:s29], $0x180  }
0xc2: {  	[sflag:s29] =	ssyncset.done $0x0  }
0xc3: {  	[sflag:s29] =	ssyncadd.s32 $0xFFFFFE80  }
0xc4: {  	_ =	swait.ge [sflag:s29], $0x180  }
0xc5: {  	s10 =	smul.u32 $0xAB, s13;
	[sflag:s29] =	ssyncset.done $0x0  }
0xc6: {  	[sflag:s29] =	ssyncadd.s32 $0xFFFFFE80  }
0xc7: {  	s15 =	sadd.s32 $0xFFFFFF55, s10;
	_ =	swait.ge [sflag:s18], $0x1400  }
0xc8: {  	s6 =	sshrl.u32 s15, $0x9;
	[sflag:s18] =	ssyncset.done $0x0  }
0xc9: {  	s16 =	sadd.s32 $0xFFFFFFFE, s13;
	s6 =	sand.u32 $0x7F, s6;
	[sflag:s18] =	ssyncadd.s32 $0xFFFFEC00  }
0xca: {  	s19 =	sand.u32 $0x1, s16;
	s6 =	smul.u32 $0x3, s6;
	_ =	swait.ge [sflag:s18], $0x1400  }
0xcb: {  	s22 =	sxor.u32 $0x1, s19;
	[sflag:s18] =	ssyncset.done $0x0  }
0xcc: {  	s14 =	smul.u32 $0xF000, s22;
	s6 =	sxor.u32 $0xFFFFFFFF, s6;
	[sflag:s18] =	ssyncadd.s32 $0xFFFFEC00  }
0xcd: {  	s6 =	sadd.s32 s13, s6;
	_ =	swait.ge [sflag:s18], $0x1400  }
0xce: {  	s25 =	sshrl.u32 s14, $0x2;
	s6 =	sand.u32 $0xFF, s6;
	[sflag:s18] =	ssyncset.done $0x0  }
0xcf: {  	s14 =	sadd.s32 $0xC00, s25;
	s6 =	sshll.u32 s6, $0x9;
	[sflag:s18] =	ssyncadd.s32 $0xFFFFEC00  }
0xd0: {  	[tilespmem:s14], [sflag:$0x2] =	stream.indirect.gather [hbm4b:s1+s30], $0x80, s6, s30, $0xb8;
	[tilespmem:$0x1C400] =	vst v63  }
0xd1: {  	s26 =	sadd.s32 $0x2000, s25;
	s15 =	sor.u32 $0x80, s6  }
0xd2: {  	[tilespmem:s26], [sflag:$0x2] =	stream.indirect.gather [hbm4b:s1+s30], $0x80, s15, s30, $0xb8;
	[tilespmem:$0x1C400] =	vst v63  }
0xd3: {  	s13 =	sadd.s32 $0x3400, s25;
	s6 =	sor.u32 $0x100, s6  }
0xd4: {  	[tilespmem:s13], [sflag:$0x2] =	stream.indirect.gather [hbm4b:s1+s30], $0x80, s6, s30, $0xb8;
	[tilespmem:$0x1C400] =	vst v63  }
0xd5: {  	s0 =	sadd.s32 $0xFFFFFEAA, s10;
	_ =	swait.ge [sflag:s17], $0x1400  }
0xd6: {  	s0 =	sshrl.u32 s0, $0x9;
	[sflag:s17] =	ssyncset.done $0x0  }
0xd7: {  	s0 =	sand.u32 $0x7F, s0;
	[sflag:s17] =	ssyncadd.s32 $0xFFFFEC00  }
0xd8: {  	s0 =	smul.u32 $0x3, s0;
	_ =	swait.ge [sflag:s17], $0x1400  }
0xd9: {  	[sflag:s17] =	ssyncset.done $0x0  }
0xda: {  	s0 =	ssub.s32 s16, s0;
	s15 =	smul.u32 $0xF000, s19;
	[sflag:s17] =	ssyncadd.s32 $0xFFFFEC00  }
0xdb: {  	s0 =	sand.u32 $0xFF, s0;
	_ =	swait.ge [sflag:s17], $0x1400  }
0xdc: {  	s0 =	sshll.u32 s0, $0x9;
	s6 =	sshrl.u32 s15, $0x2;
	[sflag:s17] =	ssyncset.done $0x0  }
0xdd: {  	s19 =	sadd.s32 $0x600, s0;
	s16 =	sadd.s32 $0xC00, s6;
	[sflag:s17] =	ssyncadd.s32 $0xFFFFEC00  }
0xde: {  	[spmem:s2] =	stream.indirect.scatter.add.f32 [tilespmem:s16], [sflag:$0x3], $0x80, s19, s30, $0xb8;
	[tilespmem:$0x1C400] =	vst v63  }
0xdf: {  	s25 =	sadd.s32 $0x680, s0;
	s22 =	sadd.s32 $0x2000, s6  }
0xe0: {  	[spmem:s2] =	stream.indirect.scatter.add.f32 [tilespmem:s22], [sflag:$0x3], $0x80, s25, s30, $0xb8;
	[tilespmem:$0x1C400] =	vst v63  }
0xe1: {  	s0 =	sadd.s32 $0x700, s0;
	s6 =	sadd.s32 $0x3400, s6  }
0xe2: {  	[spmem:s2] =	stream.indirect.scatter.add.f32 [tilespmem:s6], [sflag:$0x3], $0x80, s0, s30, $0xb8;
	[tilespmem:$0x1C400] =	vst v63  }
0xe3: {  	_ =	swait.ge [sflag:s17], $0x1400  }
0xe4: {  	[sflag:s17] =	ssyncset.done $0x0  }
0xe5: {  	[sflag:s17] =	ssyncadd.s32 $0xFFFFEC00  }
0xe6: {  	_ =	swait.ge [sflag:s17], $0x1400  }
0xe7: {  	[sflag:s17] =	ssyncset.done $0x0  }
0xe8: {  	[sflag:s17] =	ssyncadd.s32 $0xFFFFEC00  }
0xe9: {  	_ =	swait.ge [sflag:s17], $0x1400  }
0xea: {  	[sflag:s17] =	ssyncset.done $0x0  }
0xeb: {  	s16 =	simm.s32 $0x3;
	[sflag:s17] =	ssyncadd.s32 $0xFFFFEC00  }
0xec: {  	_ =	swait.ge [sflag:s16], $0x1400  }
0xed: {  	[sflag:s16] =	ssyncset.done $0x0  }
0xee: {  	[sflag:s16] =	ssyncadd.s32 $0xFFFFEC00  }
0xef: {  	_ =	swait.ge [sflag:s16], $0x1400  }
0xf0: {  	[sflag:s16] =	ssyncset.done $0x0  }
0xf1: {  	[sflag:s16] =	ssyncadd.s32 $0xFFFFEC00  }
0xf2: {  	_ =	swait.ge [sflag:s16], $0x1400  }
0xf3: {  	[sflag:s16] =	ssyncset.done $0x0  }
0xf4: {  	[sflag:s16] =	ssyncadd.s32 $0xFFFFEC00  }
0xf5: {  	_ =	swait.ge [sflag:s29], $0x180  }
0xf6: {  	[sflag:s29] =	ssyncset.done $0x0  }
0xf7: {  	[sflag:s29] =	ssyncadd.s32 $0xFFFFFE80  }
0xf8: {  	_ =	swait.ge [sflag:s29], $0x180  }
0xf9: {  	[sflag:s29] =	ssyncset.done $0x0  }
0xfa: {  	[sflag:s29] =	ssyncadd.s32 $0xFFFFFE80  }
0xfb: {  	[bflag:$0x0] =	sbarrier.arrive $0xFFFF  }
0xfc: {  	s26 =	rddreg [dreg:$0x6]  }
0xfd: {  	[hbm:s26], [sflag:s12] =	dma.local [spmem:s21], $0x800  }
0xfe: {  	_ =	swait.ge [sflag:s23], $0x800  }
0xff: {  	s6 =	rddreg [dreg:$0xf]  }
0x100: {  	[sflag:s23] =	ssyncset.done $0x0;
	s10 =	rddreg [dreg:$0x7];
	s7 =	sshrl.u32 s6, $0x3  }
0x101: {  	[sflag:s23] =	ssyncadd.s32 $0xFFFFF800;
	[smem:$0x7F1] =	sst s7  }
0x102: {  	[hbm:s10], [sflag:s12] =	dma.local [spmem:s7], $0x800  }
0x103: {  	_ =	swait.ge [sflag:s23], $0x800  }
0x104: {  	[sflag:s23] =	ssyncset.done $0x0;
	s13 =	rddreg [dreg:$0x10]  }
0x105: {  	s14 =	rddreg [dreg:$0x8];
	[sflag:s23] =	ssyncadd.s32 $0xFFFFF800;
	s13 =	sshrl.u32 s13, $0x3  }
0x106: {  	[hbm:s14], [sflag:s12] =	dma.local [spmem:s13], $0x800  }
0x107: {  	_ =	swait.ge [sflag:s23], $0x800  }
0x108: {  	[sflag:s23] =	ssyncset.done $0x0;
	s15 =	rddreg [dreg:$0x11]  }
0x109: {  	s19 =	rddreg [dreg:$0x9];
	[sflag:s23] =	ssyncadd.s32 $0xFFFFF800;
	s14 =	sshrl.u32 s15, $0x3  }
0x10a: {  	[hbm:s19], [sflag:s12] =	dma.local [spmem:s14], $0x800  }
0x10b: {  	_ =	swait.ge [sflag:s23], $0x800  }
0x10c: {  	[sflag:s23] =	ssyncset.done $0x0;
	s22 =	rddreg [dreg:$0x12]  }
0x10d: {  	s25 =	rddreg [dreg:$0xa];
	[sflag:s23] =	ssyncadd.s32 $0xFFFFF800;
	s15 =	sshrl.u32 s22, $0x3  }
0x10e: {  	[hbm:s25], [sflag:s12] =	dma.local [spmem:s15], $0x800  }
0x10f: {  	_ =	swait.ge [sflag:s23], $0x800  }
0x110: {  	[sflag:s23] =	ssyncset.done $0x0  }
0x111: {  	[sflag:s23] =	ssyncadd.s32 $0xFFFFF800  }
0x112: {  	[bflag:$0x0] =	sbarrier.arrive $0xFFFF  }
0x113: {  	s26 =	rddreg [dreg:$0x4]  }
0x114: {  	[spmem:s21], [sflag:s12] =	dma.local [hbm:s26], $0x2800  }
0x115: {  	_ =	swait.ge [sflag:s23], $0x2800  }
0x116: {  	[sflag:s23] =	ssyncset.done $0x0  }
0x117: {  	[sflag:s23] =	ssyncadd.s32 $0xFFFFD800  }
0x118: {  	[bflag:$0x0] =	sbarrier.arrive $0xFFFF  }
0x119: {  	s6 =	rddreg [dreg:$0x13]  }
0x11a: {  	[tilespmem:s3], [sflag:$0x1] =	stream.linear.gather [hbm4b:s6+s3], $0x180, $0x38;
	[tilespmem:$0x1C400] =	vst v63  }
0x11b: {  	s7 =	rddreg [dreg:$0x14];
	s6 =	simm.s32 $0x600  }
0x11c: {  	[tilespmem:s6], [sflag:$0x1] =	stream.linear.gather [hbm4b:s7+s3], $0x180, $0x38;
	[tilespmem:$0x1C400] =	vst v63  }
0x11d: {  	s10 =	rddreg [dreg:$0x15];
	s7 =	simm.s32 $0x200  }
0x11e: {  	[tilespmem:s7], [sflag:$0x1] =	stream.linear.gather [hbm4b:s10+s3], $0x180, $0x38;
	[tilespmem:$0x1C400] =	vst v63  }
0x11f: {  	s22 =	simm.s32 $0x800;
	s19 =	rddreg [dreg:$0x16]  }
0x120: {  	[tilespmem:s22], [sflag:$0x1] =	stream.linear.gather [hbm4b:s19+s3], $0x180, $0x38;
	[tilespmem:$0x1C400] =	vst v63  }
0x121: {  	_ =	swait.ge [sflag:s29], $0x180  }
0x122: {  	[sflag:s29] =	ssyncset.done $0x0  }
0x123: {  	[sflag:s29] =	ssyncadd.s32 $0xFFFFFE80  }
0x124: {  	_ =	swait.ge [sflag:s29], $0x180  }
0x125: {  	[sflag:s29] =	ssyncset.done $0x0  }
0x126: {  	s10 =	simm.s32 $0xC00;
	[sflag:s29] =	ssyncadd.s32 $0xFFFFFE80  }
0x127: {  	[tilespmem:s10], [sflag:$0x2] =	stream.indirect.gather [hbm4b:s8+s30], $0x80, s3, s30, $0xb8;
	[tilespmem:$0x1C400] =	vst v63  }
0x128: {  	s25 =	simm.s32 $0x80;
	s19 =	simm.s32 $0x2000  }
0x129: {  	[tilespmem:s19], [sflag:$0x2] =	stream.indirect.gather [hbm4b:s8+s30], $0x80, s25, s30, $0xb8;
	[tilespmem:$0x1C400] =	vst v63  }
0x12a: {  	s26 =	simm.s32 $0x100;
	s22 =	simm.s32 $0x3400  }
0x12b: {  	[tilespmem:s22], [sflag:$0x2] =	stream.indirect.gather [hbm4b:s8+s30], $0x80, s26, s30, $0xb8;
	[tilespmem:$0x1C400] =	vst v63  }
0x12c: {  	s25 =	rddreg [dreg:$0x17];
	s26 =	simm.s32 $0x400  }
0x12d: {  	[tilespmem:s26], [sflag:$0x1] =	stream.linear.gather [hbm4b:s25+s3], $0x180, $0x38;
	[tilespmem:$0x1C400] =	vst v63  }
0x12e: {  	s25 =	rddreg [dreg:$0x18];
	s26 =	simm.s32 $0xA00  }
0x12f: {  	[tilespmem:s26], [sflag:$0x1] =	stream.linear.gather [hbm4b:s25+s3], $0x180, $0x38;
	[tilespmem:$0x1C400] =	vst v63  }
0x130: {  	_ =	swait.ge [sflag:s29], $0x180  }
0x131: {  	[sflag:s29] =	ssyncset.done $0x0  }
0x132: {  	[sflag:s29] =	ssyncadd.s32 $0xFFFFFE80  }
0x133: {  	_ =	swait.ge [sflag:s29], $0x180  }
0x134: {  	[sflag:s29] =	ssyncset.done $0x0  }
0x135: {  	s26 =	simm.s32 $0x4800;
	[sflag:s29] =	ssyncadd.s32 $0xFFFFFE80  }
0x136: {  	[tilespmem:s26], [sflag:$0x2] =	stream.indirect.gather [hbm4b:s8+s30], $0x80, s7, s30, $0xb8;
	[tilespmem:$0x1C400] =	vst v63  }
0x137: {  	s25 =	simm.s32 $0x280;
	s26 =	simm.s32 $0x5C00  }
0x138: {  	[tilespmem:s26], [sflag:$0x2] =	stream.indirect.gather [hbm4b:s8+s30], $0x80, s25, s30, $0xb8;
	[tilespmem:$0x1C400] =	vst v63  }
0x139: {  	s25 =	simm.s32 $0x300;
	s26 =	simm.s32 $0x7000  }
0x13a: {  	[tilespmem:s26], [sflag:$0x2] =	stream.indirect.gather [hbm4b:s8+s30], $0x80, s25, s30, $0xb8;
	[tilespmem:$0x1C400] =	vst v63  }
0x13b: {  	_ =	swait.ge [sflag:s17], $0x1400  }
0x13c: {  	[sflag:s17] =	ssyncset.done $0x0  }
0x13d: {  	[sflag:s17] =	ssyncadd.s32 $0xFFFFEC00  }
0x13e: {  	_ =	swait.ge [sflag:s17], $0x1400  }
0x13f: {  	[sflag:s17] =	ssyncset.done $0x0  }
0x140: {  	[sflag:s17] =	ssyncadd.s32 $0xFFFFEC00  }
0x141: {  	_ =	swait.ge [sflag:s17], $0x1400  }
0x142: {  	[sflag:s17] =	ssyncset.done $0x0  }
0x143: {  	[sflag:s17] =	ssyncadd.s32 $0xFFFFEC00  }
0x144: {  	[spmem:s2] =	stream.indirect.scatter.add.f32 [tilespmem:s10], [sflag:$0x3], $0x80, s6, s30, $0xb8;
	[tilespmem:$0x1C400] =	vst v63  }
0x145: {  	s10 =	sand.u32 $0xFF, s16  }
0x146: {  	s7 =	simm.s32 $0x680;
	s0 =	smul.u32 $0xAB, s10  }
0x147: {  	[spmem:s2] =	stream.indirect.scatter.add.f32 [tilespmem:s19], [sflag:$0x3], $0x80, s7, s30, $0xb8;
	[tilespmem:$0x1C400] =	vst v63  }
0x148: {  	s19 =	simm.s32 $0x700;
	s0 =	sshrl.u32 s0, $0x9  }
0x149: {  	[spmem:s2] =	stream.indirect.scatter.add.f32 [tilespmem:s22], [sflag:$0x3], $0x80, s19, s30, $0xb8;
	[tilespmem:$0x1C400] =	vst v63  }
0x14a: {  	s22 =	smin.u32 s16, $0x53;
	s0 =	smul.u32 $0x3, s0  }
0x14b: {  	s6 =	sshll.u32 s22, $0x9  }
0x14c: {  	s0 =	ssub.s32 $0x3, s0;
	s6 =	sadd.s32 s6, s24  }
0x14d: {  	s0 =	sand.u32 $0xFF, s0;
	s6 =	sshrl.u32 s6, $0x3  }
0x14e: {  	s0 =	sshll.u32 s0, $0x9;
	s25 =	sadd.s32 s4, s6  }
0x14f: {  	[tilespmem:s0], [sflag:$0x1] =	stream.linear.gather [hbm4b:s25+s3], $0x180, $0x38;
	[tilespmem:$0x1C400] =	vst v63  }
0x150: {  	s6 =	sadd.s32 s5, s6;
	s0 =	sadd.s32 $0x600, s0  }
0x151: {  	[tilespmem:s0], [sflag:$0x1] =	stream.linear.gather [hbm4b:s6+s3], $0x180, $0x38;
	[tilespmem:$0x1C400] =	vst v63  }
0x152: {  	_ =	swait.ge [sflag:s29], $0x180  }
0x153: {  	[sflag:s29] =	ssyncset.done $0x0  }
0x154: {  	[sflag:s29] =	ssyncadd.s32 $0xFFFFFE80  }
0x155: {  	_ =	swait.ge [sflag:s29], $0x180  }
0x156: {  	s26 =	smul.u32 $0xAB, s16;
	[sflag:s29] =	ssyncset.done $0x0  }
0x157: {  	[sflag:s29] =	ssyncadd.s32 $0xFFFFFE80  }
0x158: {  	s10 =	sadd.s32 $0xFFFFFF55, s26;
	_ =	swait.ge [sflag:s18], $0x1400  }
0x159: {  	s6 =	sshrl.u32 s10, $0x9;
	[sflag:s18] =	ssyncset.done $0x0  }
0x15a: {  	s16 =	simm.s32 $0x1;
	s6 =	sand.u32 $0x7F, s6;
	[sflag:s18] =	ssyncadd.s32 $0xFFFFEC00  }
0x15b: {  	s7 =	sand.u32 $0x1, s16;
	s6 =	smul.u32 $0x3, s6;
	_ =	swait.ge [sflag:s18], $0x1400  }
0x15c: {  	s19 =	sxor.u32 $0x1, s7;
	[sflag:s18] =	ssyncset.done $0x0  }
0x15d: {  	s10 =	smul.u32 $0xF000, s19;
	s6 =	sxor.u32 $0xFFFFFFFF, s6;
	[sflag:s18] =	ssyncadd.s32 $0xFFFFEC00  }
0x15e: {  	s0 =	sadd.s32 $0xFFFFFEAA, s26;
	s6 =	sadd.s32 $0x3, s6;
	_ =	swait.ge [sflag:s18], $0x1400  }
0x15f: {  	s10 =	sshrl.u32 s10, $0x2;
	s6 =	sand.u32 $0xFF, s6;
	[sflag:s18] =	ssyncset.done $0x0  }
0x160: {  	s22 =	sadd.s32 $0xC00, s10;
	s6 =	sshll.u32 s6, $0x9;
	[sflag:s18] =	ssyncadd.s32 $0xFFFFEC00  }
0x161: {  	[tilespmem:s22], [sflag:$0x2] =	stream.indirect.gather [hbm4b:s8+s30], $0x80, s6, s30, $0xb8;
	[tilespmem:$0x1C400] =	vst v63  }
0x162: {  	s0 =	sshrl.u32 s0, $0x9;
	s25 =	sadd.s32 $0x2000, s10;
	s26 =	sor.u32 $0x80, s6  }
0x163: {  	[tilespmem:s25], [sflag:$0x2] =	stream.indirect.gather [hbm4b:s8+s30], $0x80, s26, s30, $0xb8;
	[tilespmem:$0x1C400] =	vst v63  }
0x164: {  	s0 =	sand.u32 $0x7F, s0;
	s10 =	sadd.s32 $0x3400, s10;
	s6 =	sor.u32 $0x100, s6  }
0x165: {  	[tilespmem:s10], [sflag:$0x2] =	stream.indirect.gather [hbm4b:s8+s30], $0x80, s6, s30, $0xb8;
	[tilespmem:$0x1C400] =	vst v63  }
0x166: {  	s0 =	smul.u32 $0x3, s0;
	_ =	swait.ge [sflag:s17], $0x1400  }
0x167: {  	s28 =	simm.s32 $0x5;
	s16 =	simm.s32 $0x4;
	[sflag:s17] =	ssyncset.done $0x0  }
0x168: {  	s19 =	sand.u32 $0xFF, s16;
	s0 =	ssub.s32 $0x1, s0;
	[sflag:s17] =	ssyncadd.s32 $0xFFFFEC00  }
0x169: {  	s0 =	sand.u32 $0xFF, s0;
	s22 =	smul.u32 $0xAB, s19;
	_ =	swait.ge [sflag:s17], $0x1400  }
0x16a: {  	s0 =	sshll.u32 s0, $0x9;
	s10 =	smul.u32 $0xF000, s7;
	[sflag:s17] =	ssyncset.done $0x0  }
0x16b: {  	s26 =	sshrl.u32 s22, $0x9;
	s22 =	sadd.s32 $0x600, s0;
	[sflag:s17] =	ssyncadd.s32 $0xFFFFEC00  }
0x16c: {  	s19 =	smul.u32 $0x3, s26;
	s6 =	sshrl.u32 s10, $0x2;
	_ =	swait.ge [sflag:s17], $0x1400  }
0x16d: {  	s10 =	smin.u32 s16, $0x53;
	s25 =	sadd.s32 $0x2000, s6;
	[sflag:s17] =	ssyncset.done $0x0  }
0x16e: {  	s7 =	sadd.s32 $0x3400, s6;
	s6 =	sadd.s32 $0xC00, s6;
	[sflag:s17] =	ssyncadd.s32 $0xFFFFEC00  }
.LBB2_4:
0x16f: {  	[spmem:s2] =	stream.indirect.scatter.add.f32 [tilespmem:s6], [sflag:$0x3], $0x80, s22, s30, $0xb8;
	[tilespmem:$0x1C400] =	vst v63  }
0x170: {  	s6 =	smov.u32 s28  }
0x171: {  	s10 =	sshll.u32 s10, $0x9;
	s22 =	sadd.s32 $0x680, s0;
	s19 =	ssub.s32 s16, s19  }
0x172: {  	s0 =	sadd.s32 $0x700, s0;
	s10 =	sadd.s32 s10, s24;
	s19 =	sand.u32 $0xFF, s19  }
0x173: {  	[spmem:s2] =	stream.indirect.scatter.add.f32 [tilespmem:s25], [sflag:$0x3], $0x80, s22, s30, $0xb8;
	[tilespmem:$0x1C400] =	vst v63  }
0x174: {  	s26 =	sadd.s32 $0x1, s28;
	s10 =	sshrl.u32 s10, $0x3;
	s19 =	sshll.u32 s19, $0x9  }
0x175: {  	[spmem:s2] =	stream.indirect.scatter.add.f32 [tilespmem:s7], [sflag:$0x3], $0x80, s0, s30, $0xb8;
	[tilespmem:$0x1C400] =	vst v63  }
0x176: {  	p0 =	sne.s32 s28, $0x55;
	s0 =	sadd.s32 s4, s10;
	s7 =	sadd.s32 $0x600, s19  }
0x177: {  	[tilespmem:s19], [sflag:$0x1] =	stream.linear.gather [hbm4b:s0+s3], $0x180, $0x38;
	[tilespmem:$0x1C400] =	vst v63  }
0x178: {  	s0 =	sadd.s32 s5, s10  }
0x179: {  	[tilespmem:s7], [sflag:$0x1] =	stream.linear.gather [hbm4b:s0+s3], $0x180, $0x38;
	[tilespmem:$0x1C400] =	vst v63  }
0x17a: {  	_ =	swait.ge [sflag:s29], $0x180  }
0x17b: {  	[sflag:s29] =	ssyncset.done $0x0  }
0x17c: {  	[sflag:s29] =	ssyncadd.s32 $0xFFFFFE80  }
0x17d: {  	_ =	swait.ge [sflag:s29], $0x180  }
0x17e: {  	s0 =	smul.u32 $0xAB, s16;
	[sflag:s29] =	ssyncset.done $0x0  }
0x17f: {  	s7 =	sadd.s32 $0xFFFFFFFE, s16;
	[sflag:s29] =	ssyncadd.s32 $0xFFFFFE80  }
0x180: {  	s10 =	sadd.s32 $0xFFFFFF55, s0;
	s0 =	sadd.s32 $0xFFFFFEAA, s0;
	_ =	swait.ge [sflag:s18], $0x1400  }
0x181: {  	s10 =	sshrl.u32 s10, $0x9;
	s0 =	sshrl.u32 s0, $0x9;
	[sflag:s18] =	ssyncset.done $0x0  }
0x182: {  	s10 =	sand.u32 $0x7F, s10;
	s0 =	sand.u32 $0x7F, s0;
	[sflag:s18] =	ssyncadd.s32 $0xFFFFEC00  }
0x183: {  	s19 =	sand.u32 $0x1, s7;
	s10 =	smul.u32 $0x3, s10;
	_ =	swait.ge [sflag:s18], $0x1400  }
0x184: {  	s22 =	sxor.u32 $0x1, s19;
	s0 =	smul.u32 $0x3, s0;
	[sflag:s18] =	ssyncset.done $0x0  }
0x185: {  	s22 =	smul.u32 $0xF000, s22;
	s10 =	sxor.u32 $0xFFFFFFFF, s10;
	[sflag:s18] =	ssyncadd.s32 $0xFFFFEC00  }
0x186: {  	s0 =	ssub.s32 s7, s0;
	s10 =	sadd.s32 s16, s10;
	_ =	swait.ge [sflag:s18], $0x1400  }
0x187: {  	s7 =	sand.u32 $0xFF, s10;
	s10 =	sshrl.u32 s22, $0x2;
	[sflag:s18] =	ssyncset.done $0x0  }
0x188: {  	s16 =	sadd.s32 $0xC00, s10;
	s7 =	sshll.u32 s7, $0x9;
	[sflag:s18] =	ssyncadd.s32 $0xFFFFEC00  }
0x189: {  	[tilespmem:s16], [sflag:$0x2] =	stream.indirect.gather [hbm4b:s8+s30], $0x80, s7, s30, $0xb8;
	[tilespmem:$0x1C400] =	vst v63  }
0x18a: {  	s0 =	sand.u32 $0xFF, s0;
	s22 =	sor.u32 $0x80, s7;
	s16 =	sadd.s32 $0x2000, s10  }
0x18b: {  	[tilespmem:s16], [sflag:$0x2] =	stream.indirect.gather [hbm4b:s8+s30], $0x80, s22, s30, $0xb8;
	[tilespmem:$0x1C400] =	vst v63  }
0x18c: {  	s10 =	sadd.s32 $0x3400, s10;
	s7 =	sor.u32 $0x100, s7;
	s16 =	smul.u32 $0xF000, s19  }
0x18d: {  	[tilespmem:s10], [sflag:$0x2] =	stream.indirect.gather [hbm4b:s8+s30], $0x80, s7, s30, $0xb8;
	[tilespmem:$0x1C400] =	vst v63  }
0x18e: {  	s10 =	sshrl.u32 s16, $0x2;
	s16 =	smov.u32 s6;
	_ =	swait.ge [sflag:s17], $0x1400  }
0x18f: {  	[sflag:s17] =	ssyncset.done $0x0  }
0x190: {  	s6 =	sand.u32 $0xFF, s16;
	[sflag:s17] =	ssyncadd.s32 $0xFFFFEC00  }
0x191: {  	s6 =	smul.u32 $0xAB, s6;
	_ =	swait.ge [sflag:s17], $0x1400  }
.Ltmp1:
0x192: {  	s28 =	smov.u32 s26;
	[sflag:s17] =	ssyncset.done $0x0;
	(pc) =	sbr.rel @p0 .LBB2_4-.Ltmp1, $4  }
0x193: {  	s25 =	sadd.s32 $0x2000, s10;
	s7 =	sadd.s32 $0x3400, s10;
	[sflag:s17] =	ssyncadd.s32 $0xFFFFEC00  }
0x194: {  	s0 =	sshll.u32 s0, $0x9;
	s19 =	sshrl.u32 s6, $0x9;
	_ =	swait.ge [sflag:s17], $0x1400  }
0x195: {  	s22 =	sadd.s32 $0x600, s0;
	s6 =	sadd.s32 $0xC00, s10;
	[sflag:s17] =	ssyncset.done $0x0  }
0x196: {  	s10 =	smin.u32 s16, $0x53;
	s19 =	smul.u32 $0x3, s19;
	[sflag:s17] =	ssyncadd.s32 $0xFFFFEC00  }
0x197: {  	[spmem:s2] =	stream.indirect.scatter.add.f32 [tilespmem:s6], [sflag:$0x3], $0x80, s22, s30, $0xb8;
	[tilespmem:$0x1C400] =	vst v63  }
0x198: {  	s26 =	sshll.u32 s10, $0x9  }
0x199: {  	s22 =	sadd.s32 $0x680, s0;
	s28 =	ssub.s32 s16, s19;
	s6 =	sadd.s32 s26, s24  }
0x19a: {  	[spmem:s2] =	stream.indirect.scatter.add.f32 [tilespmem:s25], [sflag:$0x3], $0x80, s22, s30, $0xb8;
	[tilespmem:$0x1C400] =	vst v63  }
0x19b: {  	s26 =	sadd.s32 $0x700, s0;
	s10 =	sand.u32 $0xFF, s28;
	s6 =	sshrl.u32 s6, $0x3  }
0x19c: {  	[spmem:s2] =	stream.indirect.scatter.add.f32 [tilespmem:s7], [sflag:$0x3], $0x80, s26, s30, $0xb8;
	[tilespmem:$0x1C400] =	vst v63  }
0x19d: {  	s28 =	sshll.u32 s10, $0x9;
	s10 =	sadd.s32 s4, s6  }
0x19e: {  	[tilespmem:s28], [sflag:$0x1] =	stream.linear.gather [hbm4b:s10+s3], $0x180, $0x38;
	[tilespmem:$0x1C400] =	vst v63  }
0x19f: {  	s6 =	sadd.s32 s5, s6;
	s0 =	sadd.s32 $0x600, s28  }
0x1a0: {  	[tilespmem:s0], [sflag:$0x1] =	stream.linear.gather [hbm4b:s6+s3], $0x180, $0x38;
	[tilespmem:$0x1C400] =	vst v63  }
0x1a1: {  	_ =	swait.ge [sflag:s29], $0x180  }
0x1a2: {  	[sflag:s29] =	ssyncset.done $0x0  }
0x1a3: {  	[sflag:s29] =	ssyncadd.s32 $0xFFFFFE80  }
0x1a4: {  	_ =	swait.ge [sflag:s29], $0x180  }
0x1a5: {  	s0 =	smul.u32 $0xAB, s16;
	[sflag:s29] =	ssyncset.done $0x0  }
0x1a6: {  	[sflag:s29] =	ssyncadd.s32 $0xFFFFFE80  }
0x1a7: {  	s19 =	sadd.s32 $0xFFFFFF55, s0;
	_ =	swait.ge [sflag:s18], $0x1400  }
0x1a8: {  	s6 =	sshrl.u32 s19, $0x9;
	[sflag:s18] =	ssyncset.done $0x0  }
0x1a9: {  	s7 =	sadd.s32 $0xFFFFFFFE, s16;
	s6 =	sand.u32 $0x7F, s6;
	[sflag:s18] =	ssyncadd.s32 $0xFFFFEC00  }
0x1aa: {  	s10 =	sand.u32 $0x1, s7;
	s6 =	smul.u32 $0x3, s6;
	_ =	swait.ge [sflag:s18], $0x1400  }
0x1ab: {  	s22 =	sxor.u32 $0x1, s10;
	[sflag:s18] =	ssyncset.done $0x0  }
0x1ac: {  	s19 =	smul.u32 $0xF000, s22;
	s6 =	sxor.u32 $0xFFFFFFFF, s6;
	[sflag:s18] =	ssyncadd.s32 $0xFFFFEC00  }
0x1ad: {  	s6 =	sadd.s32 s16, s6;
	_ =	swait.ge [sflag:s18], $0x1400  }
0x1ae: {  	s25 =	sshrl.u32 s19, $0x2;
	s6 =	sand.u32 $0xFF, s6;
	[sflag:s18] =	ssyncset.done $0x0  }
0x1af: {  	s19 =	sadd.s32 $0xC00, s25;
	s6 =	sshll.u32 s6, $0x9;
	[sflag:s18] =	ssyncadd.s32 $0xFFFFEC00  }
0x1b0: {  	[tilespmem:s19], [sflag:$0x2] =	stream.indirect.gather [hbm4b:s8+s30], $0x80, s6, s30, $0xb8;
	[tilespmem:$0x1C400] =	vst v63  }
0x1b1: {  	s26 =	sadd.s32 $0x2000, s25;
	s28 =	sor.u32 $0x80, s6  }
0x1b2: {  	[tilespmem:s26], [sflag:$0x2] =	stream.indirect.gather [hbm4b:s8+s30], $0x80, s28, s30, $0xb8;
	[tilespmem:$0x1C400] =	vst v63  }
0x1b3: {  	s16 =	sadd.s32 $0x3400, s25;
	s6 =	sor.u32 $0x100, s6  }
0x1b4: {  	[tilespmem:s16], [sflag:$0x2] =	stream.indirect.gather [hbm4b:s8+s30], $0x80, s6, s30, $0xb8;
	[tilespmem:$0x1C400] =	vst v63  }
0x1b5: {  	s0 =	sadd.s32 $0xFFFFFEAA, s0;
	_ =	swait.ge [sflag:s17], $0x1400  }
0x1b6: {  	s0 =	sshrl.u32 s0, $0x9;
	[sflag:s17] =	ssyncset.done $0x0  }
0x1b7: {  	s0 =	sand.u32 $0x7F, s0;
	[sflag:s17] =	ssyncadd.s32 $0xFFFFEC00  }
0x1b8: {  	s0 =	smul.u32 $0x3, s0;
	_ =	swait.ge [sflag:s17], $0x1400  }
0x1b9: {  	[sflag:s17] =	ssyncset.done $0x0  }
0x1ba: {  	s0 =	ssub.s32 s7, s0;
	s7 =	smul.u32 $0xF000, s10;
	[sflag:s17] =	ssyncadd.s32 $0xFFFFEC00  }
0x1bb: {  	s0 =	sand.u32 $0xFF, s0;
	_ =	swait.ge [sflag:s17], $0x1400  }
0x1bc: {  	s0 =	sshll.u32 s0, $0x9;
	s6 =	sshrl.u32 s7, $0x2;
	[sflag:s17] =	ssyncset.done $0x0  }
0x1bd: {  	s16 =	sadd.s32 $0x600, s0;
	s10 =	sadd.s32 $0xC00, s6;
	[sflag:s17] =	ssyncadd.s32 $0xFFFFEC00  }
0x1be: {  	[spmem:s2] =	stream.indirect.scatter.add.f32 [tilespmem:s10], [sflag:$0x3], $0x80, s16, s30, $0xb8;
	[tilespmem:$0x1C400] =	vst v63  }
0x1bf: {  	s22 =	sadd.s32 $0x680, s0;
	s19 =	sadd.s32 $0x2000, s6  }
0x1c0: {  	[spmem:s2] =	stream.indirect.scatter.add.f32 [tilespmem:s19], [sflag:$0x3], $0x80, s22, s30, $0xb8;
	[tilespmem:$0x1C400] =	vst v63  }
0x1c1: {  	s0 =	sadd.s32 $0x700, s0;
	s6 =	sadd.s32 $0x3400, s6  }
0x1c2: {  	[spmem:s2] =	stream.indirect.scatter.add.f32 [tilespmem:s6], [sflag:$0x3], $0x80, s0, s30, $0xb8;
	[tilespmem:$0x1C400] =	vst v63  }
0x1c3: {  	_ =	swait.ge [sflag:s17], $0x1400  }
0x1c4: {  	[sflag:s17] =	ssyncset.done $0x0  }
0x1c5: {  	[sflag:s17] =	ssyncadd.s32 $0xFFFFEC00  }
0x1c6: {  	_ =	swait.ge [sflag:s17], $0x1400  }
0x1c7: {  	[sflag:s17] =	ssyncset.done $0x0  }
0x1c8: {  	[sflag:s17] =	ssyncadd.s32 $0xFFFFEC00  }
0x1c9: {  	_ =	swait.ge [sflag:s17], $0x1400  }
0x1ca: {  	[sflag:s17] =	ssyncset.done $0x0  }
0x1cb: {  	s16 =	simm.s32 $0x3;
	[sflag:s17] =	ssyncadd.s32 $0xFFFFEC00  }
0x1cc: {  	_ =	swait.ge [sflag:s16], $0x1400  }
0x1cd: {  	[sflag:s16] =	ssyncset.done $0x0  }
0x1ce: {  	[sflag:s16] =	ssyncadd.s32 $0xFFFFEC00  }
0x1cf: {  	_ =	swait.ge [sflag:s16], $0x1400  }
0x1d0: {  	[sflag:s16] =	ssyncset.done $0x0  }
0x1d1: {  	[sflag:s16] =	ssyncadd.s32 $0xFFFFEC00  }
0x1d2: {  	_ =	swait.ge [sflag:s16], $0x1400  }
0x1d3: {  	[sflag:s16] =	ssyncset.done $0x0  }
0x1d4: {  	[sflag:s16] =	ssyncadd.s32 $0xFFFFEC00  }
0x1d5: {  	_ =	swait.ge [sflag:s29], $0x180  }
0x1d6: {  	[sflag:s29] =	ssyncset.done $0x0  }
0x1d7: {  	[sflag:s29] =	ssyncadd.s32 $0xFFFFFE80  }
0x1d8: {  	_ =	swait.ge [sflag:s29], $0x180  }
0x1d9: {  	[sflag:s29] =	ssyncset.done $0x0  }
0x1da: {  	[sflag:s29] =	ssyncadd.s32 $0xFFFFFE80  }
0x1db: {  	[bflag:$0x0] =	sbarrier.arrive $0xFFFF  }
0x1dc: {  	s25 =	sld [smem:$0x7F4];
	_ =	sdelay $0x2  }
0x1dd: {  	[hbm:s25], [sflag:s12] =	dma.local [spmem:s21], $0x800  }
0x1de: {  	_ =	swait.ge [sflag:s23], $0x800  }
0x1df: {  	s26 =	sld [smem:$0x7F5]  }
0x1e0: {  	s28 =	sld [smem:$0x7F1]  }
0x1e1: {  	[sflag:s23] =	ssyncset.done $0x0  }
0x1e2: {  	[sflag:s23] =	ssyncadd.s32 $0xFFFFF800  }
0x1e3: {  	[hbm:s26], [sflag:s12] =	dma.local [spmem:s28], $0x800  }
0x1e4: {  	_ =	swait.ge [sflag:s23], $0x800  }
0x1e5: {  	s7 =	sld [smem:$0x7F6]  }
0x1e6: {  	[sflag:s23] =	ssyncset.done $0x0  }
0x1e7: {  	[sflag:s23] =	ssyncadd.s32 $0xFFFFF800  }
0x1e8: {  	[hbm:s7], [sflag:s12] =	dma.local [spmem:s13], $0x800  }
0x1e9: {  	_ =	swait.ge [sflag:s23], $0x800  }
0x1ea: {  	s10 =	sld [smem:$0x7F7]  }
0x1eb: {  	[sflag:s23] =	ssyncset.done $0x0  }
0x1ec: {  	[sflag:s23] =	ssyncadd.s32 $0xFFFFF800  }
0x1ed: {  	[hbm:s10], [sflag:s12] =	dma.local [spmem:s14], $0x800  }
0x1ee: {  	_ =	swait.ge [sflag:s23], $0x800  }
0x1ef: {  	s19 =	sld [smem:$0x7F8]  }
0x1f0: {  	[sflag:s23] =	ssyncset.done $0x0  }
0x1f1: {  	[sflag:s23] =	ssyncadd.s32 $0xFFFFF800  }
0x1f2: {  	[hbm:s19], [sflag:s12] =	dma.local [spmem:s15], $0x800  }
0x1f3: {  	_ =	swait.ge [sflag:s23], $0x800  }
0x1f4: {  	[sflag:s23] =	ssyncset.done $0x0  }
0x1f5: {  	[sflag:s23] =	ssyncadd.s32 $0xFFFFF800  }
0x1f6: {  	[bflag:$0x0] =	sbarrier.arrive $0xFFFF  }
0x1f7: {  	s22 =	rddreg [dreg:$0x4]  }
0x1f8: {  	[spmem:s21], [sflag:s12] =	dma.local [hbm:s22], $0x2800  }
0x1f9: {  	_ =	swait.ge [sflag:s23], $0x2800  }
0x1fa: {  	[sflag:s23] =	ssyncset.done $0x0  }
0x1fb: {  	[sflag:s23] =	ssyncadd.s32 $0xFFFFD800  }
0x1fc: {  	[bflag:$0x0] =	sbarrier.arrive $0xFFFF  }
0x1fd: {  	s25 =	rddreg [dreg:$0x19]  }
0x1fe: {  	[tilespmem:s3], [sflag:$0x1] =	stream.linear.gather [hbm4b:s25+s3], $0x180, $0x38;
	[tilespmem:$0x1C400] =	vst v63  }
0x1ff: {  	s6 =	simm.s32 $0x600;
	s26 =	rddreg [dreg:$0x1a]  }
0x200: {  	[tilespmem:s6], [sflag:$0x1] =	stream.linear.gather [hbm4b:s26+s3], $0x180, $0x38;
	[tilespmem:$0x1C400] =	vst v63  }
0x201: {  	s7 =	simm.s32 $0x200;
	s28 =	rddreg [dreg:$0x1b]  }
0x202: {  	[tilespmem:s7], [sflag:$0x1] =	stream.linear.gather [hbm4b:s28+s3], $0x180, $0x38;
	[tilespmem:$0x1C400] =	vst v63  }
0x203: {  	s19 =	simm.s32 $0x800;
	s10 =	rddreg [dreg:$0x1c]  }
0x204: {  	[tilespmem:s19], [sflag:$0x1] =	stream.linear.gather [hbm4b:s10+s3], $0x180, $0x38;
	[tilespmem:$0x1C400] =	vst v63  }
0x205: {  	_ =	swait.ge [sflag:s29], $0x180  }
0x206: {  	[sflag:s29] =	ssyncset.done $0x0  }
0x207: {  	[sflag:s29] =	ssyncadd.s32 $0xFFFFFE80  }
0x208: {  	_ =	swait.ge [sflag:s29], $0x180  }
0x209: {  	[sflag:s29] =	ssyncset.done $0x0  }
0x20a: {  	s10 =	simm.s32 $0xC00;
	[sflag:s29] =	ssyncadd.s32 $0xFFFFFE80  }
0x20b: {  	[tilespmem:s10], [sflag:$0x2] =	stream.indirect.gather [hbm4b:s9+s30], $0x80, s3, s30, $0xb8;
	[tilespmem:$0x1C400] =	vst v63  }
0x20c: {  	s22 =	simm.s32 $0x80;
	s19 =	simm.s32 $0x2000  }
0x20d: {  	[tilespmem:s19], [sflag:$0x2] =	stream.indirect.gather [hbm4b:s9+s30], $0x80, s22, s30, $0xb8;
	[tilespmem:$0x1C400] =	vst v63  }
0x20e: {  	s25 =	simm.s32 $0x100;
	s26 =	rddreg [dreg:$0x1f];
	s22 =	simm.s32 $0x3400  }
0x20f: {  	[tilespmem:s22], [sflag:$0x2] =	stream.indirect.gather [hbm4b:s9+s30], $0x80, s25, s30, $0xb8;
	[tilespmem:$0x1C400] =	vst v63  }
0x210: {  	s28 =	simm.s32 $0x400;
	s25 =	sld [smem:$0x7F2]  }
0x211: {  	[tilespmem:s28], [sflag:$0x1] =	stream.linear.gather [hbm4b:s26+s3], $0x180, $0x38;
	[tilespmem:$0x1C400] =	vst v63  }
0x212: {  	s26 =	simm.s32 $0xA00  }
0x213: {  	[tilespmem:s26], [sflag:$0x1] =	stream.linear.gather [hbm4b:s25+s3], $0x180, $0x38;
	[tilespmem:$0x1C400] =	vst v63  }
0x214: {  	_ =	swait.ge [sflag:s29], $0x180  }
0x215: {  	[sflag:s29] =	ssyncset.done $0x0  }
0x216: {  	[sflag:s29] =	ssyncadd.s32 $0xFFFFFE80  }
0x217: {  	_ =	swait.ge [sflag:s29], $0x180  }
0x218: {  	[sflag:s29] =	ssyncset.done $0x0  }
0x219: {  	s28 =	simm.s32 $0x4800;
	[sflag:s29] =	ssyncadd.s32 $0xFFFFFE80  }
0x21a: {  	[tilespmem:s28], [sflag:$0x2] =	stream.indirect.gather [hbm4b:s9+s30], $0x80, s7, s30, $0xb8;
	[tilespmem:$0x1C400] =	vst v63  }
0x21b: {  	s25 =	simm.s32 $0x5C00;
	s7 =	simm.s32 $0x280  }
0x21c: {  	[tilespmem:s25], [sflag:$0x2] =	stream.indirect.gather [hbm4b:s9+s30], $0x80, s7, s30, $0xb8;
	[tilespmem:$0x1C400] =	vst v63  }
0x21d: {  	s26 =	simm.s32 $0x300;
	s28 =	simm.s32 $0x7000  }
0x21e: {  	[tilespmem:s28], [sflag:$0x2] =	stream.indirect.gather [hbm4b:s9+s30], $0x80, s26, s30, $0xb8;
	[tilespmem:$0x1C400] =	vst v63  }
0x21f: {  	_ =	swait.ge [sflag:s17], $0x1400  }
0x220: {  	[sflag:s17] =	ssyncset.done $0x0  }
0x221: {  	[sflag:s17] =	ssyncadd.s32 $0xFFFFEC00  }
0x222: {  	_ =	swait.ge [sflag:s17], $0x1400  }
0x223: {  	[sflag:s17] =	ssyncset.done $0x0  }
0x224: {  	[sflag:s17] =	ssyncadd.s32 $0xFFFFEC00  }
0x225: {  	_ =	swait.ge [sflag:s17], $0x1400  }
0x226: {  	[sflag:s17] =	ssyncset.done $0x0  }
0x227: {  	[sflag:s17] =	ssyncadd.s32 $0xFFFFEC00  }
0x228: {  	[spmem:s2] =	stream.indirect.scatter.add.f32 [tilespmem:s10], [sflag:$0x3], $0x80, s6, s30, $0xb8;
	[tilespmem:$0x1C400] =	vst v63  }
0x229: {  	s10 =	sand.u32 $0xFF, s16  }
0x22a: {  	s7 =	simm.s32 $0x680;
	s0 =	smul.u32 $0xAB, s10  }
0x22b: {  	[spmem:s2] =	stream.indirect.scatter.add.f32 [tilespmem:s19], [sflag:$0x3], $0x80, s7, s30, $0xb8;
	[tilespmem:$0x1C400] =	vst v63  }
0x22c: {  	s25 =	smin.u32 s16, $0x53;
	s0 =	sshrl.u32 s0, $0x9  }
0x22d: {  	s6 =	sshll.u32 s25, $0x9;
	s19 =	simm.s32 $0x700;
	s0 =	smul.u32 $0x3, s0  }
0x22e: {  	[spmem:s2] =	stream.indirect.scatter.add.f32 [tilespmem:s22], [sflag:$0x3], $0x80, s19, s30, $0xb8;
	[tilespmem:$0x1C400] =	vst v63  }
0x22f: {  	s6 =	sadd.s32 s6, s31;
	s0 =	ssub.s32 $0x3, s0  }
0x230: {  	s6 =	sshrl.u32 s6, $0x3;
	s0 =	sand.u32 $0xFF, s0  }
0x231: {  	s26 =	sadd.s32 s4, s6;
	s0 =	sshll.u32 s0, $0x9  }
0x232: {  	[tilespmem:s0], [sflag:$0x1] =	stream.linear.gather [hbm4b:s26+s3], $0x180, $0x38;
	[tilespmem:$0x1C400] =	vst v63  }
0x233: {  	s6 =	sadd.s32 s5, s6;
	s0 =	sadd.s32 $0x600, s0  }
0x234: {  	[tilespmem:s0], [sflag:$0x1] =	stream.linear.gather [hbm4b:s6+s3], $0x180, $0x38;
	[tilespmem:$0x1C400] =	vst v63  }
0x235: {  	_ =	swait.ge [sflag:s29], $0x180  }
0x236: {  	[sflag:s29] =	ssyncset.done $0x0  }
0x237: {  	[sflag:s29] =	ssyncadd.s32 $0xFFFFFE80  }
0x238: {  	_ =	swait.ge [sflag:s29], $0x180  }
0x239: {  	s28 =	smul.u32 $0xAB, s16;
	[sflag:s29] =	ssyncset.done $0x0  }
0x23a: {  	s19 =	simm.s32 $0x1;
	[sflag:s29] =	ssyncadd.s32 $0xFFFFFE80  }
0x23b: {  	s16 =	sadd.s32 $0xFFFFFF55, s28;
	s7 =	sand.u32 $0x1, s19;
	_ =	swait.ge [sflag:s18], $0x1400  }
0x23c: {  	s22 =	sxor.u32 $0x1, s7;
	s6 =	sshrl.u32 s16, $0x9;
	[sflag:s18] =	ssyncset.done $0x0  }
0x23d: {  	s10 =	smul.u32 $0xF000, s22;
	s6 =	sand.u32 $0x7F, s6;
	[sflag:s18] =	ssyncadd.s32 $0xFFFFEC00  }
0x23e: {  	s6 =	smul.u32 $0x3, s6;
	_ =	swait.ge [sflag:s18], $0x1400  }
0x23f: {  	[sflag:s18] =	ssyncset.done $0x0  }
0x240: {  	s10 =	sshrl.u32 s10, $0x2;
	s6 =	sxor.u32 $0xFFFFFFFF, s6;
	[sflag:s18] =	ssyncadd.s32 $0xFFFFEC00  }
0x241: {  	s25 =	sadd.s32 $0xC00, s10;
	s6 =	sadd.s32 $0x3, s6;
	_ =	swait.ge [sflag:s18], $0x1400  }
0x242: {  	s0 =	sadd.s32 $0xFFFFFEAA, s28;
	s6 =	sand.u32 $0xFF, s6;
	[sflag:s18] =	ssyncset.done $0x0  }
0x243: {  	s0 =	sshrl.u32 s0, $0x9;
	s6 =	sshll.u32 s6, $0x9;
	[sflag:s18] =	ssyncadd.s32 $0xFFFFEC00  }
0x244: {  	[tilespmem:s25], [sflag:$0x2] =	stream.indirect.gather [hbm4b:s9+s30], $0x80, s6, s30, $0xb8;
	[tilespmem:$0x1C400] =	vst v63  }
0x245: {  	s26 =	sadd.s32 $0x2000, s10;
	s0 =	sand.u32 $0x7F, s0;
	s28 =	sor.u32 $0x80, s6  }
0x246: {  	[tilespmem:s26], [sflag:$0x2] =	stream.indirect.gather [hbm4b:s9+s30], $0x80, s28, s30, $0xb8;
	[tilespmem:$0x1C400] =	vst v63  }
0x247: {  	s10 =	sadd.s32 $0x3400, s10;
	s0 =	smul.u32 $0x3, s0;
	s6 =	sor.u32 $0x100, s6  }
0x248: {  	[tilespmem:s10], [sflag:$0x2] =	stream.indirect.gather [hbm4b:s9+s30], $0x80, s6, s30, $0xb8;
	[tilespmem:$0x1C400] =	vst v63  }
0x249: {  	_ =	swait.ge [sflag:s17], $0x1400  }
0x24a: {  	s16 =	simm.s32 $0x4;
	s0 =	ssub.s32 $0x1, s0;
	[sflag:s17] =	ssyncset.done $0x0  }
0x24b: {  	s19 =	sand.u32 $0xFF, s16;
	s0 =	sand.u32 $0xFF, s0;
	[sflag:s17] =	ssyncadd.s32 $0xFFFFEC00  }
0x24c: {  	s22 =	smul.u32 $0xAB, s19;
	s0 =	sshll.u32 s0, $0x9;
	_ =	swait.ge [sflag:s17], $0x1400  }
0x24d: {  	s26 =	simm.s32 $0x5;
	s10 =	smul.u32 $0xF000, s7;
	[sflag:s17] =	ssyncset.done $0x0  }
0x24e: {  	s28 =	sshrl.u32 s22, $0x9;
	s22 =	sadd.s32 $0x600, s0;
	[sflag:s17] =	ssyncadd.s32 $0xFFFFEC00  }
0x24f: {  	s19 =	smul.u32 $0x3, s28;
	s6 =	sshrl.u32 s10, $0x2;
	_ =	swait.ge [sflag:s17], $0x1400  }
0x250: {  	s10 =	smin.u32 s16, $0x53;
	s25 =	sadd.s32 $0x2000, s6;
	[sflag:s17] =	ssyncset.done $0x0  }
0x251: {  	s7 =	sadd.s32 $0x3400, s6;
	s6 =	sadd.s32 $0xC00, s6;
	[sflag:s17] =	ssyncadd.s32 $0xFFFFEC00  }
.LBB2_6:
0x252: {  	[spmem:s2] =	stream.indirect.scatter.add.f32 [tilespmem:s6], [sflag:$0x3], $0x80, s22, s30, $0xb8;
	[tilespmem:$0x1C400] =	vst v63  }
0x253: {  	s6 =	smov.u32 s26  }
0x254: {  	s10 =	sshll.u32 s10, $0x9;
	s22 =	sadd.s32 $0x680, s0;
	s19 =	ssub.s32 s16, s19  }
0x255: {  	s0 =	sadd.s32 $0x700, s0;
	s10 =	sadd.s32 s10, s31;
	s19 =	sand.u32 $0xFF, s19  }
0x256: {  	[spmem:s2] =	stream.indirect.scatter.add.f32 [tilespmem:s25], [sflag:$0x3], $0x80, s22, s30, $0xb8;
	[tilespmem:$0x1C400] =	vst v63  }
0x257: {  	s28 =	sadd.s32 $0x1, s26;
	s10 =	sshrl.u32 s10, $0x3;
	s19 =	sshll.u32 s19, $0x9  }
0x258: {  	[spmem:s2] =	stream.indirect.scatter.add.f32 [tilespmem:s7], [sflag:$0x3], $0x80, s0, s30, $0xb8;
	[tilespmem:$0x1C400] =	vst v63  }
0x259: {  	p0 =	sne.s32 s26, $0x55;
	s0 =	sadd.s32 s4, s10;
	s7 =	sadd.s32 $0x600, s19  }
0x25a: {  	[tilespmem:s19], [sflag:$0x1] =	stream.linear.gather [hbm4b:s0+s3], $0x180, $0x38;
	[tilespmem:$0x1C400] =	vst v63  }
0x25b: {  	s0 =	sadd.s32 s5, s10  }
0x25c: {  	[tilespmem:s7], [sflag:$0x1] =	stream.linear.gather [hbm4b:s0+s3], $0x180, $0x38;
	[tilespmem:$0x1C400] =	vst v63  }
0x25d: {  	_ =	swait.ge [sflag:s29], $0x180  }
0x25e: {  	[sflag:s29] =	ssyncset.done $0x0  }
0x25f: {  	[sflag:s29] =	ssyncadd.s32 $0xFFFFFE80  }
0x260: {  	_ =	swait.ge [sflag:s29], $0x180  }
0x261: {  	s0 =	smul.u32 $0xAB, s16;
	[sflag:s29] =	ssyncset.done $0x0  }
0x262: {  	s7 =	sadd.s32 $0xFFFFFFFE, s16;
	[sflag:s29] =	ssyncadd.s32 $0xFFFFFE80  }
0x263: {  	s10 =	sadd.s32 $0xFFFFFF55, s0;
	s0 =	sadd.s32 $0xFFFFFEAA, s0;
	_ =	swait.ge [sflag:s18], $0x1400  }
0x264: {  	s10 =	sshrl.u32 s10, $0x9;
	s0 =	sshrl.u32 s0, $0x9;
	[sflag:s18] =	ssyncset.done $0x0  }
0x265: {  	s10 =	sand.u32 $0x7F, s10;
	s0 =	sand.u32 $0x7F, s0;
	[sflag:s18] =	ssyncadd.s32 $0xFFFFEC00  }
0x266: {  	s19 =	sand.u32 $0x1, s7;
	s10 =	smul.u32 $0x3, s10;
	_ =	swait.ge [sflag:s18], $0x1400  }
0x267: {  	s22 =	sxor.u32 $0x1, s19;
	s0 =	smul.u32 $0x3, s0;
	[sflag:s18] =	ssyncset.done $0x0  }
0x268: {  	s22 =	smul.u32 $0xF000, s22;
	s10 =	sxor.u32 $0xFFFFFFFF, s10;
	[sflag:s18] =	ssyncadd.s32 $0xFFFFEC00  }
0x269: {  	s0 =	ssub.s32 s7, s0;
	s10 =	sadd.s32 s16, s10;
	_ =	swait.ge [sflag:s18], $0x1400  }
0x26a: {  	s7 =	sand.u32 $0xFF, s10;
	s10 =	sshrl.u32 s22, $0x2;
	[sflag:s18] =	ssyncset.done $0x0  }
0x26b: {  	s16 =	sadd.s32 $0xC00, s10;
	s7 =	sshll.u32 s7, $0x9;
	[sflag:s18] =	ssyncadd.s32 $0xFFFFEC00  }
0x26c: {  	[tilespmem:s16], [sflag:$0x2] =	stream.indirect.gather [hbm4b:s9+s30], $0x80, s7, s30, $0xb8;
	[tilespmem:$0x1C400] =	vst v63  }
0x26d: {  	s0 =	sand.u32 $0xFF, s0;
	s22 =	sor.u32 $0x80, s7;
	s16 =	sadd.s32 $0x2000, s10  }
0x26e: {  	[tilespmem:s16], [sflag:$0x2] =	stream.indirect.gather [hbm4b:s9+s30], $0x80, s22, s30, $0xb8;
	[tilespmem:$0x1C400] =	vst v63  }
0x26f: {  	s10 =	sadd.s32 $0x3400, s10;
	s7 =	sor.u32 $0x100, s7;
	s16 =	smul.u32 $0xF000, s19  }
0x270: {  	[tilespmem:s10], [sflag:$0x2] =	stream.indirect.gather [hbm4b:s9+s30], $0x80, s7, s30, $0xb8;
	[tilespmem:$0x1C400] =	vst v63  }
0x271: {  	s10 =	sshrl.u32 s16, $0x2;
	s16 =	smov.u32 s6;
	_ =	swait.ge [sflag:s17], $0x1400  }
0x272: {  	[sflag:s17] =	ssyncset.done $0x0  }
0x273: {  	s6 =	sand.u32 $0xFF, s16;
	[sflag:s17] =	ssyncadd.s32 $0xFFFFEC00  }
0x274: {  	s6 =	smul.u32 $0xAB, s6;
	_ =	swait.ge [sflag:s17], $0x1400  }
.Ltmp2:
0x275: {  	s26 =	smov.u32 s28;
	[sflag:s17] =	ssyncset.done $0x0;
	(pc) =	sbr.rel @p0 .LBB2_6-.Ltmp2, $4  }
0x276: {  	s25 =	sadd.s32 $0x2000, s10;
	s7 =	sadd.s32 $0x3400, s10;
	[sflag:s17] =	ssyncadd.s32 $0xFFFFEC00  }
0x277: {  	s0 =	sshll.u32 s0, $0x9;
	s19 =	sshrl.u32 s6, $0x9;
	_ =	swait.ge [sflag:s17], $0x1400  }
0x278: {  	s22 =	sadd.s32 $0x600, s0;
	s6 =	sadd.s32 $0xC00, s10;
	[sflag:s17] =	ssyncset.done $0x0  }
0x279: {  	s10 =	smin.u32 s16, $0x53;
	s19 =	smul.u32 $0x3, s19;
	[sflag:s17] =	ssyncadd.s32 $0xFFFFEC00  }
0x27a: {  	[spmem:s2] =	stream.indirect.scatter.add.f32 [tilespmem:s6], [sflag:$0x3], $0x80, s22, s30, $0xb8;
	[tilespmem:$0x1C400] =	vst v63  }
0x27b: {  	s26 =	sshll.u32 s10, $0x9  }
0x27c: {  	s22 =	sadd.s32 $0x680, s0;
	s28 =	ssub.s32 s16, s19;
	s6 =	sadd.s32 s26, s31  }
0x27d: {  	[spmem:s2] =	stream.indirect.scatter.add.f32 [tilespmem:s25], [sflag:$0x3], $0x80, s22, s30, $0xb8;
	[tilespmem:$0x1C400] =	vst v63  }
0x27e: {  	s26 =	sadd.s32 $0x700, s0;
	s10 =	sand.u32 $0xFF, s28;
	s6 =	sshrl.u32 s6, $0x3  }
0x27f: {  	[spmem:s2] =	stream.indirect.scatter.add.f32 [tilespmem:s7], [sflag:$0x3], $0x80, s26, s30, $0xb8;
	[tilespmem:$0x1C400] =	vst v63  }
0x280: {  	s28 =	sshll.u32 s10, $0x9;
	s10 =	sadd.s32 s4, s6  }
0x281: {  	[tilespmem:s28], [sflag:$0x1] =	stream.linear.gather [hbm4b:s10+s3], $0x180, $0x38;
	[tilespmem:$0x1C400] =	vst v63  }
0x282: {  	s6 =	sadd.s32 s5, s6;
	s0 =	sadd.s32 $0x600, s28  }
0x283: {  	[tilespmem:s0], [sflag:$0x1] =	stream.linear.gather [hbm4b:s6+s3], $0x180, $0x38;
	[tilespmem:$0x1C400] =	vst v63  }
0x284: {  	_ =	swait.ge [sflag:s29], $0x180  }
0x285: {  	[sflag:s29] =	ssyncset.done $0x0  }
0x286: {  	[sflag:s29] =	ssyncadd.s32 $0xFFFFFE80  }
0x287: {  	_ =	swait.ge [sflag:s29], $0x180  }
0x288: {  	s0 =	smul.u32 $0xAB, s16;
	[sflag:s29] =	ssyncset.done $0x0  }
0x289: {  	[sflag:s29] =	ssyncadd.s32 $0xFFFFFE80  }
0x28a: {  	s19 =	sadd.s32 $0xFFFFFF55, s0;
	_ =	swait.ge [sflag:s18], $0x1400  }
0x28b: {  	s6 =	sshrl.u32 s19, $0x9;
	[sflag:s18] =	ssyncset.done $0x0  }
0x28c: {  	s7 =	sadd.s32 $0xFFFFFFFE, s16;
	s6 =	sand.u32 $0x7F, s6;
	[sflag:s18] =	ssyncadd.s32 $0xFFFFEC00  }
0x28d: {  	s10 =	sand.u32 $0x1, s7;
	s6 =	smul.u32 $0x3, s6;
	_ =	swait.ge [sflag:s18], $0x1400  }
0x28e: {  	s22 =	sxor.u32 $0x1, s10;
	[sflag:s18] =	ssyncset.done $0x0  }
0x28f: {  	s19 =	smul.u32 $0xF000, s22;
	s6 =	sxor.u32 $0xFFFFFFFF, s6;
	[sflag:s18] =	ssyncadd.s32 $0xFFFFEC00  }
0x290: {  	s6 =	sadd.s32 s16, s6;
	_ =	swait.ge [sflag:s18], $0x1400  }
0x291: {  	s25 =	sshrl.u32 s19, $0x2;
	s6 =	sand.u32 $0xFF, s6;
	[sflag:s18] =	ssyncset.done $0x0  }
0x292: {  	s19 =	sadd.s32 $0xC00, s25;
	s6 =	sshll.u32 s6, $0x9;
	[sflag:s18] =	ssyncadd.s32 $0xFFFFEC00  }
0x293: {  	[tilespmem:s19], [sflag:$0x2] =	stream.indirect.gather [hbm4b:s9+s30], $0x80, s6, s30, $0xb8;
	[tilespmem:$0x1C400] =	vst v63  }
0x294: {  	s26 =	sadd.s32 $0x2000, s25;
	s28 =	sor.u32 $0x80, s6  }
0x295: {  	[tilespmem:s26], [sflag:$0x2] =	stream.indirect.gather [hbm4b:s9+s30], $0x80, s28, s30, $0xb8;
	[tilespmem:$0x1C400] =	vst v63  }
0x296: {  	s16 =	sadd.s32 $0x3400, s25;
	s6 =	sor.u32 $0x100, s6  }
0x297: {  	[tilespmem:s16], [sflag:$0x2] =	stream.indirect.gather [hbm4b:s9+s30], $0x80, s6, s30, $0xb8;
	[tilespmem:$0x1C400] =	vst v63  }
0x298: {  	s0 =	sadd.s32 $0xFFFFFEAA, s0;
	_ =	swait.ge [sflag:s17], $0x1400  }
0x299: {  	s0 =	sshrl.u32 s0, $0x9;
	[sflag:s17] =	ssyncset.done $0x0  }
0x29a: {  	s0 =	sand.u32 $0x7F, s0;
	[sflag:s17] =	ssyncadd.s32 $0xFFFFEC00  }
0x29b: {  	s0 =	smul.u32 $0x3, s0;
	_ =	swait.ge [sflag:s17], $0x1400  }
0x29c: {  	[sflag:s17] =	ssyncset.done $0x0  }
0x29d: {  	s0 =	ssub.s32 s7, s0;
	s19 =	smul.u32 $0xF000, s10;
	[sflag:s17] =	ssyncadd.s32 $0xFFFFEC00  }
0x29e: {  	s0 =	sand.u32 $0xFF, s0;
	_ =	swait.ge [sflag:s17], $0x1400  }
0x29f: {  	s0 =	sshll.u32 s0, $0x9;
	s6 =	sshrl.u32 s19, $0x2;
	[sflag:s17] =	ssyncset.done $0x0  }
0x2a0: {  	s25 =	sadd.s32 $0x600, s0;
	s22 =	sadd.s32 $0xC00, s6;
	[sflag:s17] =	ssyncadd.s32 $0xFFFFEC00  }
0x2a1: {  	[spmem:s2] =	stream.indirect.scatter.add.f32 [tilespmem:s22], [sflag:$0x3], $0x80, s25, s30, $0xb8;
	[tilespmem:$0x1C400] =	vst v63  }
0x2a2: {  	s28 =	sadd.s32 $0x680, s0;
	s26 =	sadd.s32 $0x2000, s6  }
0x2a3: {  	[spmem:s2] =	stream.indirect.scatter.add.f32 [tilespmem:s26], [sflag:$0x3], $0x80, s28, s30, $0xb8;
	[tilespmem:$0x1C400] =	vst v63  }
0x2a4: {  	s0 =	sadd.s32 $0x700, s0;
	s6 =	sadd.s32 $0x3400, s6  }
0x2a5: {  	[spmem:s2] =	stream.indirect.scatter.add.f32 [tilespmem:s6], [sflag:$0x3], $0x80, s0, s30, $0xb8;
	[tilespmem:$0x1C400] =	vst v63  }
0x2a6: {  	_ =	swait.ge [sflag:s17], $0x1400  }
0x2a7: {  	[sflag:s17] =	ssyncset.done $0x0  }
0x2a8: {  	[sflag:s17] =	ssyncadd.s32 $0xFFFFEC00  }
0x2a9: {  	_ =	swait.ge [sflag:s17], $0x1400  }
0x2aa: {  	[sflag:s17] =	ssyncset.done $0x0  }
0x2ab: {  	[sflag:s17] =	ssyncadd.s32 $0xFFFFEC00  }
0x2ac: {  	_ =	swait.ge [sflag:s17], $0x1400  }
0x2ad: {  	[sflag:s17] =	ssyncset.done $0x0  }
0x2ae: {  	[sflag:s17] =	ssyncadd.s32 $0xFFFFEC00  }
0x2af: {  	_ =	swait.ge [sflag:s18], $0x1400  }
0x2b0: {  	[sflag:s18] =	ssyncset.done $0x0  }
0x2b1: {  	[sflag:s18] =	ssyncadd.s32 $0xFFFFEC00  }
0x2b2: {  	_ =	swait.ge [sflag:s18], $0x1400  }
0x2b3: {  	[sflag:s18] =	ssyncset.done $0x0  }
0x2b4: {  	[sflag:s18] =	ssyncadd.s32 $0xFFFFEC00  }
0x2b5: {  	_ =	swait.ge [sflag:s18], $0x1400  }
0x2b6: {  	[sflag:s18] =	ssyncset.done $0x0  }
0x2b7: {  	[sflag:s18] =	ssyncadd.s32 $0xFFFFEC00  }
0x2b8: {  	_ =	swait.ge [sflag:s29], $0x180  }
0x2b9: {  	[sflag:s29] =	ssyncset.done $0x0  }
0x2ba: {  	[sflag:s29] =	ssyncadd.s32 $0xFFFFFE80  }
0x2bb: {  	_ =	swait.ge [sflag:s29], $0x180  }
0x2bc: {  	[sflag:s29] =	ssyncset.done $0x0  }
0x2bd: {  	[sflag:s29] =	ssyncadd.s32 $0xFFFFFE80  }
0x2be: {  	[bflag:$0x0] =	sbarrier.arrive $0xFFFF  }
0x2bf: {  	s16 =	sld [smem:$0x7F9];
	_ =	sdelay $0x2  }
0x2c0: {  	[hbm:s16], [sflag:s12] =	dma.local [spmem:s21], $0x800  }
0x2c1: {  	_ =	swait.ge [sflag:s23], $0x800  }
0x2c2: {  	s19 =	sld [smem:$0x7FA]  }
0x2c3: {  	s21 =	sld [smem:$0x7F1]  }
0x2c4: {  	[sflag:s23] =	ssyncset.done $0x0  }
0x2c5: {  	[sflag:s23] =	ssyncadd.s32 $0xFFFFF800  }
0x2c6: {  	[hbm:s19], [sflag:s12] =	dma.local [spmem:s21], $0x800  }
0x2c7: {  	_ =	swait.ge [sflag:s23], $0x800  }
0x2c8: {  	s22 =	sld [smem:$0x7FB]  }
0x2c9: {  	[sflag:s23] =	ssyncset.done $0x0  }
0x2ca: {  	[sflag:s23] =	ssyncadd.s32 $0xFFFFF800  }
0x2cb: {  	[hbm:s22], [sflag:s12] =	dma.local [spmem:s13], $0x800  }
0x2cc: {  	_ =	swait.ge [sflag:s23], $0x800  }
0x2cd: {  	s25 =	sld [smem:$0x7FC]  }
0x2ce: {  	[sflag:s23] =	ssyncset.done $0x0  }
0x2cf: {  	[sflag:s23] =	ssyncadd.s32 $0xFFFFF800  }
0x2d0: {  	[hbm:s25], [sflag:s12] =	dma.local [spmem:s14], $0x800  }
0x2d1: {  	_ =	swait.ge [sflag:s23], $0x800  }
0x2d2: {  	s26 =	sld [smem:$0x7FD]  }
0x2d3: {  	[sflag:s23] =	ssyncset.done $0x0  }
0x2d4: {  	[sflag:s23] =	ssyncadd.s32 $0xFFFFF800  }
0x2d5: {  	[hbm:s26], [sflag:s12] =	dma.local [spmem:s15], $0x800  }
0x2d6: {  	_ =	swait.ge [sflag:s23], $0x800  }
0x2d7: {  	s28 =	sld [smem:$0x7F3];
	_ =	sdelay $0x1  }
0x2d8: {  	s20 =	sadd.s32 $0x1, s20  }
0x2d9: {  	p0 =	sne.s32 s20, s28  }
.Ltmp3:
0x2da: {  	_ = 	snop;
	(pc) =	sbr.rel @p0 .LBB2_1-.Ltmp3, $3  }
0x2db: {  	[sflag:s23] =	ssyncset.done $0x0  }
0x2dc: {  	[sflag:s23] =	ssyncadd.s32 $0xFFFFF800  }
0x2dd: {  	[bflag:$0x0] =	sbarrier.arrive $0xFFFF;
	_ =	sdelay $0x1  }
0x2de: {  	_ =	sfence.sel $0x180000  }
0x2df: {  	[bflag:$0x0] =	sbarrier.arrive $0xFFFF  }
0x2e0: {  	_ =	strace $0x9000004A  }
0x2e1: {  	s0 =	stileid.u32;
	[bflag:$0x2] =	sbarrier.arrive $0xFFFF  }
0x2e2: {  	p0 =	sne.s32 s0, $0x0;
	s0 =	rddreg [dreg:$0x3]  }
0x2e3: {  	s0 =	sadd.s32 @!p0 $0x100000, s0  }
0x2e4: {  	[sflag:s0] =	ssyncadd.tile.s32 @!p0 $0x1;
	_ =	shalt  }
.Lfunc_end2:
_tile_overlayer_lowered:
.L_overlay_start_2:
0x2e5: {  	(tag) =	ssettag $0x2  }
0x2e6: {  	s0 =	rddreg [dreg:$0x0];
	s2 =	stileid.u32  }
0x2e7: {  	s1 =	rddreg [dreg:$0x1];
	p0 =	sne.s32 s2, $0x0  }
0x2e8: {  	s3 =	rddreg [dreg:$0x2];
	[bflag:$0x3] =	sbarrier.arrive $0xFFFF;
	s2 =	simm.s32 @!p0 $0x1C04  }
0x2e9: {  	[timem:s3], [sflag:s2] =	dma.local @!p0 [hbm:s0], s1  }
0x2ea: {  	s0 =	simm.s32 @!p0 $0x4  }
0x2eb: {  	_ =	swait.ge @!p0 [sflag:s0], s1  }
0x2ec: {  	s1 =	ssub.s32 @!p0 $0x0, s1;
	[sflag:s0] =	ssyncset.done @!p0 $0x0  }
0x2ed: {  	[sflag:s0] =	ssyncadd.s32 @!p0 s1  }
0x2ee: {  	[bflag:$0x3] =	sbarrier.arrive $0xFFFF  }
0x2ef: {  	_ =	shalt  }

</sc_bundles>
